<compile_context>
chip_gen: v7x
topology: tpu7x:2x2x1
jax: 0.10.2.dev20260603
libtpu: 0.0.44.dev20260713+nightly
codegen_flags: <defaults>
</compile_context>

<pallas_src>
import dataclasses
import functools

import jax
import jax.numpy as jnp
from jax import lax
from jax.experimental import pallas as pl
from jax.experimental.pallas import tpu as pltpu
from jax.experimental.pallas import tpu_sc as plsc

OBS = 1000
COND = 100
LAT = 128
BATCH = 16384

_NC, _NS = 2, 16
_NW = _NC * _NS
_BPW = BATCH // _NW
_GCH = 128
_NCH = _BPW // _GCH
_L = 16
_NLC = LAT // _L
_CP = 104
_NPAIR = OBS // 2

_SC_PARAMS = pltpu.CompilerParams()
if "needs_layout_passes" in pltpu.CompilerParams.__dataclass_fields__:
    _SC_PARAMS = dataclasses.replace(_SC_PARAMS, needs_layout_passes=False)



def _k1_body(mat3, table, psum, sin0, sin1, eout0, eout1, acc, shared,
             idx104, semi0, semi1, semo0, semo1):
    cid = lax.axis_index("c")
    sid = lax.axis_index("s")
    wid = sid * _NC + cid
    iota16 = lax.broadcasted_iota(jnp.int32, (_L,), 0)
    sins = (sin0, sin1)
    eouts = (eout0, eout1)
    semis = (semi0, semi1)
    semos = (semo0, semo1)
    for k in range(7):
        off = min(k * _L, _CP - _L)
        idx104[pl.ds(off, _L)] = iota16 + off
    npair = jnp.where(wid < 20, 16, 15).astype(jnp.int32)

    def zero_acc(c, carry):
        for j in range(_NLC):
            acc[c, pl.ds(j * _L, _L)] = jnp.zeros((_L,), jnp.float32)
        return carry

    lax.fori_loop(0, _CP, zero_acc, 0)

    def start_in(i, par):
        p = wid + i * _NW
        pltpu.async_copy(mat3.at[2 * p], sins[par].at[pl.ds(0, COND)],
                         semis[par])
        pltpu.async_copy(mat3.at[2 * p + 1],
                         sins[par].at[pl.ds(COND, COND)], semis[par])

    def wait_in(par):
        pltpu.make_async_copy(mat3.at[0], sins[par].at[pl.ds(0, COND)],
                              semis[par]).wait()
        pltpu.make_async_copy(mat3.at[0], sins[par].at[pl.ds(COND, COND)],
                              semis[par]).wait()

    def wait_out(par):
        pltpu.make_async_copy(eouts[par], table.at[pl.ds(0, 2 * COND)],
                              semos[par]).wait()

    @pl.when(0 < npair)
    def _():
        start_in(0, 0)

    @pl.when(1 < npair)
    def _():
        start_in(1, 1)

    def compute(i, par):
        p = wid + i * _NW
        wait_in(par)

        @pl.when(i >= 2)
        def _():
            wait_out(par)

        sin_v = sins[par]
        eout_v = eouts[par]

        def cbody(c, carry):
            for j in range(_NLC):
                s = pl.ds(j * _L, _L)
                e0 = jnp.exp(sin_v[c, s])
                e1 = jnp.exp(sin_v[c + COND, s])
                acc[c, s] += e0 + e1
                eout_v[c, s] = e0
                eout_v[c + COND, s] = e1
            return carry

        lax.fori_loop(0, COND, cbody, 0)

        @pl.when(i + 2 < npair)
        def _():
            start_in(i + 2, par)

        pltpu.async_copy(eout_v, table.at[pl.ds(p * 2 * COND, 2 * COND)],
                         semos[par])

    def outer(t, carry):
        for par in range(2):
            i = 2 * t + par

            @pl.when(i < npair)
            def _():
                compute(i, par)
        return carry

    lax.fori_loop(0, 8, outer, 0)
    wait_out(0)
    wait_out(1)

    @pl.when(sid == 0)
    def _():
        pltpu.sync_copy(acc, shared)

    plsc.subcore_barrier()

    @pl.when(sid != 0)
    def _():
        pltpu.sync_copy(acc, shared.at[idx104], add=True)

    plsc.subcore_barrier()

    @pl.when(sid == 0)
    def _():
        pltpu.sync_copy(shared, psum.at[cid])


_k1 = functools.partial(
    pl.kernel,
    out_type=(
        jax.ShapeDtypeStruct((OBS * COND, LAT), jnp.float32),
        jax.ShapeDtypeStruct((_NC, _CP, LAT), jnp.float32),
    ),
    mesh=plsc.VectorSubcoreMesh(core_axis_name="c", subcore_axis_name="s"),
    compiler_params=_SC_PARAMS,
    scratch_types=[
        pltpu.VMEM((2 * COND, LAT), jnp.float32),
        pltpu.VMEM((2 * COND, LAT), jnp.float32),
        pltpu.VMEM((2 * COND, LAT), jnp.float32),
        pltpu.VMEM((2 * COND, LAT), jnp.float32),
        pltpu.VMEM((_CP, LAT), jnp.float32),
        pltpu.VMEM_SHARED((_CP, LAT), jnp.float32),
        pltpu.VMEM((_CP,), jnp.int32),
        pltpu.SemaphoreType.DMA,
        pltpu.SemaphoreType.DMA,
        pltpu.SemaphoreType.DMA,
        pltpu.SemaphoreType.DMA,
    ],
)(_k1_body)



def _k2_body(table, obs, cond, psum, out, obs1, cond1, cond2, idx_v,
             idxb_v, rin0, rin1, rout0, rout1, pach, pbch, semm0, semm1,
             sema, semb, semo0, semo1):
    wid = lax.axis_index("s") * _NC + lax.axis_index("c")
    base = wid * _BPW
    psum2 = psum.reshape(_NC * _CP, LAT)
    rins = (rin0, rin1)
    routs = (rout0, rout1)
    semms = (semm0, semm1)
    semos = (semo0, semo1)
    pltpu.sync_copy(obs.at[pl.ds(base, _BPW)], obs1)
    pltpu.sync_copy(cond.at[pl.ds(base, _BPW)], cond1)

    for k in range(_NCH):
        for i in range(_GCH // _L):
            s = pl.ds(i * _L, _L)
            s1 = pl.ds(k * _GCH + i * _L, _L)
            cv = cond1[s1]
            cond2[k, s] = cv
            idx_v[k, s] = obs1[s1] * COND + cv
            idxb_v[k, s] = cv + _CP

    def fire_mat(k, par):
        pltpu.async_copy(table.at[idx_v.at[k]], rins[par], semms[par])

    def wait_mat(par):
        pltpu.make_async_copy(table.at[idx_v.at[0]], rins[par],
                              semms[par]).wait()

    def fire_p(k):
        pltpu.async_copy(psum2.at[cond2.at[k]], pach, sema)
        pltpu.async_copy(psum2.at[idxb_v.at[k]], pbch, semb)

    def wait_p():
        pltpu.make_async_copy(psum2.at[cond2.at[0]], pach, sema).wait()
        pltpu.make_async_copy(psum2.at[cond2.at[0]], pbch, semb).wait()

    def wait_out(par):
        pltpu.make_async_copy(routs[par], out.at[pl.ds(0, _GCH)],
                              semos[par]).wait()

    fire_mat(0, 0)
    fire_mat(1, 1)
    fire_p(0)

    for k in range(_NCH):
        par = k % 2
        wait_mat(par)
        wait_p()

        if k >= 2:
            wait_out(par)

        rin_v = rins[par]
        rout_v = routs[par]

        def rowb(r, carry, rin_v=rin_v, rout_v=rout_v):
            for j in range(_NLC):
                s = pl.ds(j * _L, _L)
                rout_v[r, s] = rin_v[r, s] * (
                    1.0 / (pach[r, s] + pbch[r, s]))
            return carry

        lax.fori_loop(0, _GCH, rowb, 0)

        pltpu.async_copy(rout_v, out.at[pl.ds(base + k * _GCH, _GCH)],
                         semos[par])
        if k + 2 < _NCH:
            fire_mat(k + 2, par)
        if k + 1 < _NCH:
            fire_p(k + 1)

    wait_out(0)
    wait_out(1)


_k2 = functools.partial(
    pl.kernel,
    out_type=jax.ShapeDtypeStruct((BATCH, LAT), jnp.float32),
    mesh=plsc.VectorSubcoreMesh(core_axis_name="c", subcore_axis_name="s"),
    compiler_params=_SC_PARAMS,
    scratch_types=[
        pltpu.VMEM((_BPW,), jnp.int32),
        pltpu.VMEM((_BPW,), jnp.int32),
        pltpu.VMEM((_NCH, _GCH), jnp.int32),
        pltpu.VMEM((_NCH, _GCH), jnp.int32),
        pltpu.VMEM((_NCH, _GCH), jnp.int32),
        pltpu.VMEM((_GCH, LAT), jnp.float32),
        pltpu.VMEM((_GCH, LAT), jnp.float32),
        pltpu.VMEM((_GCH, LAT), jnp.float32),
        pltpu.VMEM((_GCH, LAT), jnp.float32),
        pltpu.VMEM((_GCH, LAT), jnp.float32),
        pltpu.VMEM((_GCH, LAT), jnp.float32),
        pltpu.SemaphoreType.DMA,
        pltpu.SemaphoreType.DMA,
        pltpu.SemaphoreType.DMA,
        pltpu.SemaphoreType.DMA,
        pltpu.SemaphoreType.DMA,
        pltpu.SemaphoreType.DMA,
    ],
)(_k2_body)


def kernel(obs, cond_obs, mat):
    table, psum = _k1(mat)
    return _k2(table, obs, cond_obs, psum)

# --- scband reference (transcript-rebuilt; emitter-appended) ---
"""Pipeline reference for scband-generated-matrix-69526930588112 (READ-ONLY COPY).

The authoritative reference and input builder live on the scoring server;
editing this copy changes nothing except your own understanding.
"""

import jax, jax.numpy as jnp
import numpy as np

OBS_DIM = 1000
COND_DIM = 100
LATENT_DIM = 128
B = 16384


def setup_inputs(seed: int = 0) -> dict:
    key = jax.random.key(seed)
    k1, k2, k3 = jax.random.split(key, 3)
    # Learned parameter: mat = log of a column-normalized random matrix
    rand_mat = (jax.random.uniform(k1, (OBS_DIM, COND_DIM, LATENT_DIM), dtype=jnp.float32) - 0.5) * 0.1 + 0.5
    rand_mat = rand_mat / jnp.sum(rand_mat, axis=0, keepdims=True)
    mat = jnp.log(rand_mat)
    obs = jax.random.randint(k2, (B,), 0, OBS_DIM, dtype=jnp.int32)
    cond_obs = jax.random.randint(k3, (B,), 0, COND_DIM, dtype=jnp.int32)
    return {"obs": obs, "cond_obs": cond_obs, "mat": mat}


def reference(obs, cond_obs, mat):
    # prob_mat = exp(mat) normalized over obs dimension (dim 0)
    prob_mat = jnp.exp(mat)
    prob_mat = prob_mat / jnp.sum(prob_mat, axis=0, keepdims=True)
    # obs and cond_obs are 1-D integer index vectors (no one-hot argmax path)
    # gather rows: result shape [B, LATENT_DIM]
    return prob_mat[obs, cond_obs]

if __name__ == "__main__":
    import jax
    _d = setup_inputs()
    print(jax.jit(kernel)(*tuple(_d.values())))

</pallas_src>

<mosaic_0001>
#map = affine_map<(d0, d1) -> (0, 0, 0)>
#map1 = affine_map<(d0, d1) -> (0, 0)>
module attributes {stable_mosaic.version = 14 : i64} {
  func.func @_k1_body(%arg0: i32, %arg1: i32, %arg2: memref<1000x100x128xf32, #tpu.memory_space<hbm>>, %arg3: memref<100000x128xf32, #tpu.memory_space<hbm>>, %arg4: memref<2x104x128xf32, #tpu.memory_space<hbm>>, %arg5: memref<200x128xf32, #tpu.memory_space<vmem>>, %arg6: memref<200x128xf32, #tpu.memory_space<vmem>>, %arg7: memref<200x128xf32, #tpu.memory_space<vmem>>, %arg8: memref<200x128xf32, #tpu.memory_space<vmem>>, %arg9: memref<104x128xf32, #tpu.memory_space<vmem>>, %arg10: memref<104x128xf32, #tpu.memory_space<vmem_shared>>, %arg11: memref<104xi32, #tpu.memory_space<vmem>>, %arg12: memref<!tpu.dma_semaphore, #tpu.memory_space<semaphore_mem>>, %arg13: memref<!tpu.dma_semaphore, #tpu.memory_space<semaphore_mem>>, %arg14: memref<!tpu.dma_semaphore, #tpu.memory_space<semaphore_mem>>, %arg15: memref<!tpu.dma_semaphore, #tpu.memory_space<semaphore_mem>>) attributes {dimension_semantics = [#tpu.dimension_semantics<core_parallel>, #tpu.dimension_semantics<subcore_parallel>], iteration_bounds = array<i64: 2, 16>, scalar_prefetch = 0 : i64, scratch_operands = 11 : i64, tpu.core_type = #tpu.core_type<sc_vector_subcore>, window_params = [{transform_indices = #map}, {transform_indices = #map1}, {transform_indices = #map}]} {
    %mul3A = arith.constant 2 : i32
    %mul3A_0 = arith.muli %arg1, %mul3A : i32
    %add3A = arith.addi %mul3A_0, %arg0 : i32
    %iota3A = tpu.iota {dimensions = array<i32: 0>} : vector<16xi32>
    %add3A_1 = arith.constant 0 : i32
    %add3A_2 = vector.broadcast %add3A_1 : i32 to vector<16xi32>
    %add3A_3 = arith.addi %iota3A, %add3A_2 : vector<16xi32>
    %swap3A = arith.constant 0 : index
    %swap3A_4 = tpu.vector_load %arg11[%swap3A] {strides = array<i32>} : memref<104xi32, #tpu.memory_space<vmem>>, vector<16xi32>,
    tpu.vector_store %arg11[%swap3A], %add3A_3 {strides = array<i32>} : memref<104xi32, #tpu.memory_space<vmem>>, vector<16xi32>,
    %add3A_5 = arith.constant 16 : i32
    %add3A_6 = vector.broadcast %add3A_5 : i32 to vector<16xi32>
    %add3A_7 = arith.addi %iota3A, %add3A_6 : vector<16xi32>
    %swap3A_8 = arith.constant 16 : index
    %swap3A_9 = tpu.vector_load %arg11[%swap3A_8] {strides = array<i32>} : memref<104xi32, #tpu.memory_space<vmem>>, vector<16xi32>,
    tpu.vector_store %arg11[%swap3A_8], %add3A_7 {strides = array<i32>} : memref<104xi32, #tpu.memory_space<vmem>>, vector<16xi32>,
    %add3A_10 = arith.constant 32 : i32
    %add3A_11 = vector.broadcast %add3A_10 : i32 to vector<16xi32>
    %add3A_12 = arith.addi %iota3A, %add3A_11 : vector<16xi32>
    %swap3A_13 = arith.constant 32 : index
    %swap3A_14 = tpu.vector_load %arg11[%swap3A_13] {strides = array<i32>} : memref<104xi32, #tpu.memory_space<vmem>>, vector<16xi32>,
    tpu.vector_store %arg11[%swap3A_13], %add3A_12 {strides = array<i32>} : memref<104xi32, #tpu.memory_space<vmem>>, vector<16xi32>,
    %add3A_15 = arith.constant 48 : i32
    %add3A_16 = vector.broadcast %add3A_15 : i32 to vector<16xi32>
    %add3A_17 = arith.addi %iota3A, %add3A_16 : vector<16xi32>
    %swap3A_18 = arith.constant 48 : index
    %swap3A_19 = tpu.vector_load %arg11[%swap3A_18] {strides = array<i32>} : memref<104xi32, #tpu.memory_space<vmem>>, vector<16xi32>,
    tpu.vector_store %arg11[%swap3A_18], %add3A_17 {strides = array<i32>} : memref<104xi32, #tpu.memory_space<vmem>>, vector<16xi32>,
    %add3A_20 = arith.constant 64 : i32
    %add3A_21 = vector.broadcast %add3A_20 : i32 to vector<16xi32>
    %add3A_22 = arith.addi %iota3A, %add3A_21 : vector<16xi32>
    %swap3A_23 = arith.constant 64 : index
    %swap3A_24 = tpu.vector_load %arg11[%swap3A_23] {strides = array<i32>} : memref<104xi32, #tpu.memory_space<vmem>>, vector<16xi32>,
    tpu.vector_store %arg11[%swap3A_23], %add3A_22 {strides = array<i32>} : memref<104xi32, #tpu.memory_space<vmem>>, vector<16xi32>,
    %add3A_25 = arith.constant 80 : i32
    %add3A_26 = vector.broadcast %add3A_25 : i32 to vector<16xi32>
    %add3A_27 = arith.addi %iota3A, %add3A_26 : vector<16xi32>
    %swap3A_28 = arith.constant 80 : index
    %swap3A_29 = tpu.vector_load %arg11[%swap3A_28] {strides = array<i32>} : memref<104xi32, #tpu.memory_space<vmem>>, vector<16xi32>,
    tpu.vector_store %arg11[%swap3A_28], %add3A_27 {strides = array<i32>} : memref<104xi32, #tpu.memory_space<vmem>>, vector<16xi32>,
    %add3A_30 = arith.constant 88 : i32
    %add3A_31 = vector.broadcast %add3A_30 : i32 to vector<16xi32>
    %add3A_32 = arith.addi %iota3A, %add3A_31 : vector<16xi32>
    %swap3A_33 = arith.constant 88 : index
    %swap3A_34 = tpu.vector_load %arg11[%swap3A_33] {strides = array<i32>} : memref<104xi32, #tpu.memory_space<vmem>>, vector<16xi32>,
    tpu.vector_store %arg11[%swap3A_33], %add3A_32 {strides = array<i32>} : memref<104xi32, #tpu.memory_space<vmem>>, vector<16xi32>,
    %lt3A = arith.constant 20 : i32
    %lt3A_35 = arith.cmpi slt, %add3A, %lt3A : i32
    %jit3A = arith.constant 16 : i32
    %jit3A_36 = arith.constant 15 : i32
    %select_n3A = arith.select %lt3A_35, %jit3A, %jit3A_36 : i32
    %scan3A = arith.constant 0 : i32
    %scan3A_37 = arith.constant 0 : i32
    %scan3A_38 = arith.constant 104 : i32
    %scan3A_39 = arith.addi %scan3A_37, %scan3A_38 : i32
    %scan3A_40 = arith.constant 1 : i32
    scf.for %scan3A_80 = %scan3A_37 to %scan3A_39 step %scan3A_40  : i32 {
      %broadcast_in_dim3A = arith.constant 0.000000e+00 : f32
      %broadcast_in_dim3A_81 = vector.broadcast %broadcast_in_dim3A : f32 to vector<16xf32>
      %swap3A_82 = arith.index_cast %scan3A_80 : i32 to index
      %swap3A_83 = arith.constant 0 : index
      %swap3A_84 = tpu.vector_load %arg9[%swap3A_82, %swap3A_83] {strides = array<i32>} : memref<104x128xf32, #tpu.memory_space<vmem>>, vector<16xf32>,
      tpu.vector_store %arg9[%swap3A_82, %swap3A_83], %broadcast_in_dim3A_81 {strides = array<i32>} : memref<104x128xf32, #tpu.memory_space<vmem>>, vector<16xf32>,
      %broadcast_in_dim3A_85 = arith.constant 0.000000e+00 : f32
      %broadcast_in_dim3A_86 = vector.broadcast %broadcast_in_dim3A_85 : f32 to vector<16xf32>
      %swap3A_87 = arith.index_cast %scan3A_80 : i32 to index
      %swap3A_88 = arith.constant 16 : index
      %swap3A_89 = tpu.vector_load %arg9[%swap3A_87, %swap3A_88] {strides = array<i32>} : memref<104x128xf32, #tpu.memory_space<vmem>>, vector<16xf32>,
      tpu.vector_store %arg9[%swap3A_87, %swap3A_88], %broadcast_in_dim3A_86 {strides = array<i32>} : memref<104x128xf32, #tpu.memory_space<vmem>>, vector<16xf32>,
      %broadcast_in_dim3A_90 = arith.constant 0.000000e+00 : f32
      %broadcast_in_dim3A_91 = vector.broadcast %broadcast_in_dim3A_90 : f32 to vector<16xf32>
      %swap3A_92 = arith.index_cast %scan3A_80 : i32 to index
      %swap3A_93 = arith.constant 32 : index
      %swap3A_94 = tpu.vector_load %arg9[%swap3A_92, %swap3A_93] {strides = array<i32>} : memref<104x128xf32, #tpu.memory_space<vmem>>, vector<16xf32>,
      tpu.vector_store %arg9[%swap3A_92, %swap3A_93], %broadcast_in_dim3A_91 {strides = array<i32>} : memref<104x128xf32, #tpu.memory_space<vmem>>, vector<16xf32>,
      %broadcast_in_dim3A_95 = arith.constant 0.000000e+00 : f32
      %broadcast_in_dim3A_96 = vector.broadcast %broadcast_in_dim3A_95 : f32 to vector<16xf32>
      %swap3A_97 = arith.index_cast %scan3A_80 : i32 to index
      %swap3A_98 = arith.constant 48 : index
      %swap3A_99 = tpu.vector_load %arg9[%swap3A_97, %swap3A_98] {strides = array<i32>} : memref<104x128xf32, #tpu.memory_space<vmem>>, vector<16xf32>,
      tpu.vector_store %arg9[%swap3A_97, %swap3A_98], %broadcast_in_dim3A_96 {strides = array<i32>} : memref<104x128xf32, #tpu.memory_space<vmem>>, vector<16xf32>,
      %broadcast_in_dim3A_100 = arith.constant 0.000000e+00 : f32
      %broadcast_in_dim3A_101 = vector.broadcast %broadcast_in_dim3A_100 : f32 to vector<16xf32>
      %swap3A_102 = arith.index_cast %scan3A_80 : i32 to index
      %swap3A_103 = arith.constant 64 : index
      %swap3A_104 = tpu.vector_load %arg9[%swap3A_102, %swap3A_103] {strides = array<i32>} : memref<104x128xf32, #tpu.memory_space<vmem>>, vector<16xf32>,
      tpu.vector_store %arg9[%swap3A_102, %swap3A_103], %broadcast_in_dim3A_101 {strides = array<i32>} : memref<104x128xf32, #tpu.memory_space<vmem>>, vector<16xf32>,
      %broadcast_in_dim3A_105 = arith.constant 0.000000e+00 : f32
      %broadcast_in_dim3A_106 = vector.broadcast %broadcast_in_dim3A_105 : f32 to vector<16xf32>
      %swap3A_107 = arith.index_cast %scan3A_80 : i32 to index
      %swap3A_108 = arith.constant 80 : index
      %swap3A_109 = tpu.vector_load %arg9[%swap3A_107, %swap3A_108] {strides = array<i32>} : memref<104x128xf32, #tpu.memory_space<vmem>>, vector<16xf32>,
      tpu.vector_store %arg9[%swap3A_107, %swap3A_108], %broadcast_in_dim3A_106 {strides = array<i32>} : memref<104x128xf32, #tpu.memory_space<vmem>>, vector<16xf32>,
      %broadcast_in_dim3A_110 = arith.constant 0.000000e+00 : f32
      %broadcast_in_dim3A_111 = vector.broadcast %broadcast_in_dim3A_110 : f32 to vector<16xf32>
      %swap3A_112 = arith.index_cast %scan3A_80 : i32 to index
      %swap3A_113 = arith.constant 96 : index
      %swap3A_114 = tpu.vector_load %arg9[%swap3A_112, %swap3A_113] {strides = array<i32>} : memref<104x128xf32, #tpu.memory_space<vmem>>, vector<16xf32>,
      tpu.vector_store %arg9[%swap3A_112, %swap3A_113], %broadcast_in_dim3A_111 {strides = array<i32>} : memref<104x128xf32, #tpu.memory_space<vmem>>, vector<16xf32>,
      %broadcast_in_dim3A_115 = arith.constant 0.000000e+00 : f32
      %broadcast_in_dim3A_116 = vector.broadcast %broadcast_in_dim3A_115 : f32 to vector<16xf32>
      %swap3A_117 = arith.index_cast %scan3A_80 : i32 to index
      %swap3A_118 = arith.constant 112 : index
      %swap3A_119 = tpu.vector_load %arg9[%swap3A_117, %swap3A_118] {strides = array<i32>} : memref<104x128xf32, #tpu.memory_space<vmem>>, vector<16xf32>,
      tpu.vector_store %arg9[%swap3A_117, %swap3A_118], %broadcast_in_dim3A_116 {strides = array<i32>} : memref<104x128xf32, #tpu.memory_space<vmem>>, vector<16xf32>,
    }
    %scan3A_41 = arith.constant 104 : i32
    %gt3A = arith.constant 0 : i32
    %gt3A_42 = arith.cmpi sgt, %select_n3A, %gt3A : i32
    %convert_element_type3A = arith.extui %gt3A_42 : i1 to i32
    %cond3A = arith.constant 0 : i32
    %cond3A_43 = arith.cmpi ne, %convert_element_type3A, %cond3A : i32
    scf.if %cond3A_43 {
      %add3A_80 = arith.constant 0 : i32
      %add3A_81 = arith.addi %add3A, %add3A_80 : i32
      %mul3A_82 = arith.constant 2 : i32
      %mul3A_83 = arith.muli %mul3A_82, %add3A_81 : i32
      %dma_start3A = arith.constant 0 : i32
      %dma_start3A_84 = arith.constant 0 : i32
      %dma_start3A_85 = tpu.memref_slice %arg5[%dma_start3A, %dma_start3A_84] : memref<200x128xf32, #tpu.memory_space<vmem>> -> memref<100x128xf32, #tpu.memory_space<vmem>>
      %dma_start3A_86 = arith.constant 0 : i32
      %dma_start3A_87 = arith.constant 0 : i32
      %dma_start3A_88 = tpu.memref_slice %arg2[%mul3A_83, %dma_start3A_86, %dma_start3A_87] : memref<1000x100x128xf32, #tpu.memory_space<hbm>> -> memref<1x100x128xf32, #tpu.memory_space<hbm>>
      %dma_start3A_89 = tpu.memref_squeeze %dma_start3A_88 : memref<1x100x128xf32, #tpu.memory_space<hbm>> -> memref<100x128xf32, #tpu.memory_space<hbm>>
      %dma_start3A_90 = arith.constant 0 : i32
      %dma_start3A_91 = arith.constant 0 : i32
      %dma_start3A_92 = tpu.memref_slice %arg5[%dma_start3A_90, %dma_start3A_91] : memref<200x128xf32, #tpu.memory_space<vmem>> -> memref<100x128xf32, #tpu.memory_space<vmem>>
      %dma_start3A_93 = arith.constant 0 : i32
      %dma_start3A_94 = arith.constant 0 : i32
      %dma_start3A_95 = tpu.memref_slice %arg2[%mul3A_83, %dma_start3A_93, %dma_start3A_94] : memref<1000x100x128xf32, #tpu.memory_space<hbm>> -> memref<1x100x128xf32, #tpu.memory_space<hbm>>
      %dma_start3A_96 = tpu.memref_squeeze %dma_start3A_95 : memref<1x100x128xf32, #tpu.memory_space<hbm>> -> memref<100x128xf32, #tpu.memory_space<hbm>>
      tpu.enqueue_dma source(%dma_start3A_96 : memref<100x128xf32, #tpu.memory_space<hbm>>) target(%dma_start3A_92 : memref<100x128xf32, #tpu.memory_space<vmem>>) target_semaphore(%arg12 : memref<!tpu.dma_semaphore, #tpu.memory_space<semaphore_mem>>)
      %mul3A_97 = arith.constant 2 : i32
      %mul3A_98 = arith.muli %mul3A_97, %add3A_81 : i32
      %add3A_99 = arith.constant 1 : i32
      %add3A_100 = arith.addi %mul3A_98, %add3A_99 : i32
      %dma_start3A_101 = arith.constant 100 : i32
      %dma_start3A_102 = arith.constant 0 : i32
      %dma_start3A_103 = tpu.memref_slice %arg5[%dma_start3A_101, %dma_start3A_102] : memref<200x128xf32, #tpu.memory_space<vmem>> -> memref<100x128xf32, #tpu.memory_space<vmem>>
      %dma_start3A_104 = arith.constant 0 : i32
      %dma_start3A_105 = arith.constant 0 : i32
      %dma_start3A_106 = tpu.memref_slice %arg2[%add3A_100, %dma_start3A_104, %dma_start3A_105] : memref<1000x100x128xf32, #tpu.memory_space<hbm>> -> memref<1x100x128xf32, #tpu.memory_space<hbm>>
      %dma_start3A_107 = tpu.memref_squeeze %dma_start3A_106 : memref<1x100x128xf32, #tpu.memory_space<hbm>> -> memref<100x128xf32, #tpu.memory_space<hbm>>
      %dma_start3A_108 = arith.constant 100 : i32
      %dma_start3A_109 = arith.constant 0 : i32
      %dma_start3A_110 = tpu.memref_slice %arg5[%dma_start3A_108, %dma_start3A_109] : memref<200x128xf32, #tpu.memory_space<vmem>> -> memref<100x128xf32, #tpu.memory_space<vmem>>
      %dma_start3A_111 = arith.constant 0 : i32
      %dma_start3A_112 = arith.constant 0 : i32
      %dma_start3A_113 = tpu.memref_slice %arg2[%add3A_100, %dma_start3A_111, %dma_start3A_112] : memref<1000x100x128xf32, #tpu.memory_space<hbm>> -> memref<1x100x128xf32, #tpu.memory_space<hbm>>
      %dma_start3A_114 = tpu.memref_squeeze %dma_start3A_113 : memref<1x100x128xf32, #tpu.memory_space<hbm>> -> memref<100x128xf32, #tpu.memory_space<hbm>>
      tpu.enqueue_dma source(%dma_start3A_114 : memref<100x128xf32, #tpu.memory_space<hbm>>) target(%dma_start3A_110 : memref<100x128xf32, #tpu.memory_space<vmem>>) target_semaphore(%arg12 : memref<!tpu.dma_semaphore, #tpu.memory_space<semaphore_mem>>)
    } else {
    }
    %gt3A_44 = arith.constant 1 : i32
    %gt3A_45 = arith.cmpi sgt, %select_n3A, %gt3A_44 : i32
    %convert_element_type3A_46 = arith.extui %gt3A_45 : i1 to i32
    %cond3A_47 = arith.constant 0 : i32
    %cond3A_48 = arith.cmpi ne, %convert_element_type3A_46, %cond3A_47 : i32
    scf.if %cond3A_48 {
      %add3A_80 = arith.constant 32 : i32
      %add3A_81 = arith.addi %add3A, %add3A_80 : i32
      %mul3A_82 = arith.constant 2 : i32
      %mul3A_83 = arith.muli %mul3A_82, %add3A_81 : i32
      %dma_start3A = arith.constant 0 : i32
      %dma_start3A_84 = arith.constant 0 : i32
      %dma_start3A_85 = tpu.memref_slice %arg6[%dma_start3A, %dma_start3A_84] : memref<200x128xf32, #tpu.memory_space<vmem>> -> memref<100x128xf32, #tpu.memory_space<vmem>>
      %dma_start3A_86 = arith.constant 0 : i32
      %dma_start3A_87 = arith.constant 0 : i32
      %dma_start3A_88 = tpu.memref_slice %arg2[%mul3A_83, %dma_start3A_86, %dma_start3A_87] : memref<1000x100x128xf32, #tpu.memory_space<hbm>> -> memref<1x100x128xf32, #tpu.memory_space<hbm>>
      %dma_start3A_89 = tpu.memref_squeeze %dma_start3A_88 : memref<1x100x128xf32, #tpu.memory_space<hbm>> -> memref<100x128xf32, #tpu.memory_space<hbm>>
      %dma_start3A_90 = arith.constant 0 : i32
      %dma_start3A_91 = arith.constant 0 : i32
      %dma_start3A_92 = tpu.memref_slice %arg6[%dma_start3A_90, %dma_start3A_91] : memref<200x128xf32, #tpu.memory_space<vmem>> -> memref<100x128xf32, #tpu.memory_space<vmem>>
      %dma_start3A_93 = arith.constant 0 : i32
      %dma_start3A_94 = arith.constant 0 : i32
      %dma_start3A_95 = tpu.memref_slice %arg2[%mul3A_83, %dma_start3A_93, %dma_start3A_94] : memref<1000x100x128xf32, #tpu.memory_space<hbm>> -> memref<1x100x128xf32, #tpu.memory_space<hbm>>
      %dma_start3A_96 = tpu.memref_squeeze %dma_start3A_95 : memref<1x100x128xf32, #tpu.memory_space<hbm>> -> memref<100x128xf32, #tpu.memory_space<hbm>>
      tpu.enqueue_dma source(%dma_start3A_96 : memref<100x128xf32, #tpu.memory_space<hbm>>) target(%dma_start3A_92 : memref<100x128xf32, #tpu.memory_space<vmem>>) target_semaphore(%arg13 : memref<!tpu.dma_semaphore, #tpu.memory_space<semaphore_mem>>)
      %mul3A_97 = arith.constant 2 : i32
      %mul3A_98 = arith.muli %mul3A_97, %add3A_81 : i32
      %add3A_99 = arith.constant 1 : i32
      %add3A_100 = arith.addi %mul3A_98, %add3A_99 : i32
      %dma_start3A_101 = arith.constant 100 : i32
      %dma_start3A_102 = arith.constant 0 : i32
      %dma_start3A_103 = tpu.memref_slice %arg6[%dma_start3A_101, %dma_start3A_102] : memref<200x128xf32, #tpu.memory_space<vmem>> -> memref<100x128xf32, #tpu.memory_space<vmem>>
      %dma_start3A_104 = arith.constant 0 : i32
      %dma_start3A_105 = arith.constant 0 : i32
      %dma_start3A_106 = tpu.memref_slice %arg2[%add3A_100, %dma_start3A_104, %dma_start3A_105] : memref<1000x100x128xf32, #tpu.memory_space<hbm>> -> memref<1x100x128xf32, #tpu.memory_space<hbm>>
      %dma_start3A_107 = tpu.memref_squeeze %dma_start3A_106 : memref<1x100x128xf32, #tpu.memory_space<hbm>> -> memref<100x128xf32, #tpu.memory_space<hbm>>
      %dma_start3A_108 = arith.constant 100 : i32
      %dma_start3A_109 = arith.constant 0 : i32
      %dma_start3A_110 = tpu.memref_slice %arg6[%dma_start3A_108, %dma_start3A_109] : memref<200x128xf32, #tpu.memory_space<vmem>> -> memref<100x128xf32, #tpu.memory_space<vmem>>
      %dma_start3A_111 = arith.constant 0 : i32
      %dma_start3A_112 = arith.constant 0 : i32
      %dma_start3A_113 = tpu.memref_slice %arg2[%add3A_100, %dma_start3A_111, %dma_start3A_112] : memref<1000x100x128xf32, #tpu.memory_space<hbm>> -> memref<1x100x128xf32, #tpu.memory_space<hbm>>
      %dma_start3A_114 = tpu.memref_squeeze %dma_start3A_113 : memref<1x100x128xf32, #tpu.memory_space<hbm>> -> memref<100x128xf32, #tpu.memory_space<hbm>>
      tpu.enqueue_dma source(%dma_start3A_114 : memref<100x128xf32, #tpu.memory_space<hbm>>) target(%dma_start3A_110 : memref<100x128xf32, #tpu.memory_space<vmem>>) target_semaphore(%arg13 : memref<!tpu.dma_semaphore, #tpu.memory_space<semaphore_mem>>)
    } else {
    }
    %scan3A_49 = arith.constant 0 : i32
    %scan3A_50 = arith.constant 0 : i32
    %scan3A_51 = arith.constant 8 : i32
    %scan3A_52 = arith.addi %scan3A_50, %scan3A_51 : i32
    %scan3A_53 = arith.constant 1 : i32
    scf.for %scan3A_80 = %scan3A_50 to %scan3A_52 step %scan3A_53  : i32 {
      %mul3A_81 = arith.constant 2 : i32
      %mul3A_82 = arith.muli %mul3A_81, %scan3A_80 : i32
      %add3A_83 = arith.constant 0 : i32
      %add3A_84 = arith.addi %mul3A_82, %add3A_83 : i32
      %lt3A_85 = arith.cmpi slt, %add3A_84, %select_n3A : i32
      %convert_element_type3A_86 = arith.extui %lt3A_85 : i1 to i32
      %cond3A_87 = arith.constant 0 : i32
      %cond3A_88 = arith.cmpi ne, %convert_element_type3A_86, %cond3A_87 : i32
      scf.if %cond3A_88 {
        %mul3A_97 = arith.constant 32 : i32
        %mul3A_98 = arith.muli %add3A_84, %mul3A_97 : i32
        %add3A_99 = arith.addi %add3A, %mul3A_98 : i32
        %dma_wait3A_100 = arith.constant 0 : i32
        %dma_wait3A_101 = arith.constant 0 : i32
        %dma_wait3A_102 = arith.constant 0 : i32
        %dma_wait3A_103 = tpu.memref_slice %arg5[%dma_wait3A_101, %dma_wait3A_102] : memref<200x128xf32, #tpu.memory_space<vmem>> -> memref<100x128xf32, #tpu.memory_space<vmem>>
        %dma_wait3A_104 = arith.constant 0 : i32
        %dma_wait3A_105 = arith.constant 0 : i32
        %dma_wait3A_106 = tpu.memref_slice %arg2[%dma_wait3A_100, %dma_wait3A_104, %dma_wait3A_105] : memref<1000x100x128xf32, #tpu.memory_space<hbm>> -> memref<1x100x128xf32, #tpu.memory_space<hbm>>
        %dma_wait3A_107 = tpu.memref_squeeze %dma_wait3A_106 : memref<1x100x128xf32, #tpu.memory_space<hbm>> -> memref<100x128xf32, #tpu.memory_space<hbm>>
        %dma_wait3A_108 = arith.constant 0 : i32
        %dma_wait3A_109 = arith.constant 0 : i32
        %dma_wait3A_110 = tpu.memref_slice %arg5[%dma_wait3A_108, %dma_wait3A_109] : memref<200x128xf32, #tpu.memory_space<vmem>> -> memref<100x128xf32, #tpu.memory_space<vmem>>
        %dma_wait3A_111 = arith.constant 0 : i32
        %dma_wait3A_112 = arith.constant 0 : i32
        %dma_wait3A_113 = tpu.memref_slice %arg2[%dma_wait3A_100, %dma_wait3A_111, %dma_wait3A_112] : memref<1000x100x128xf32, #tpu.memory_space<hbm>> -> memref<1x100x128xf32, #tpu.memory_space<hbm>>
        %dma_wait3A_114 = tpu.memref_squeeze %dma_wait3A_113 : memref<1x100x128xf32, #tpu.memory_space<hbm>> -> memref<100x128xf32, #tpu.memory_space<hbm>>
        tpu.wait_dma2 semaphore(%arg12 : memref<!tpu.dma_semaphore, #tpu.memory_space<semaphore_mem>>) src(%dma_wait3A_114 : memref<100x128xf32, #tpu.memory_space<hbm>>) dst(%dma_wait3A_110 : memref<100x128xf32, #tpu.memory_space<vmem>>)
        %dma_wait3A_115 = arith.constant 0 : i32
        %dma_wait3A_116 = arith.constant 100 : i32
        %dma_wait3A_117 = arith.constant 0 : i32
        %dma_wait3A_118 = tpu.memref_slice %arg5[%dma_wait3A_116, %dma_wait3A_117] : memref<200x128xf32, #tpu.memory_space<vmem>> -> memref<100x128xf32, #tpu.memory_space<vmem>>
        %dma_wait3A_119 = arith.constant 0 : i32
        %dma_wait3A_120 = arith.constant 0 : i32
        %dma_wait3A_121 = tpu.memref_slice %arg2[%dma_wait3A_115, %dma_wait3A_119, %dma_wait3A_120] : memref<1000x100x128xf32, #tpu.memory_space<hbm>> -> memref<1x100x128xf32, #tpu.memory_space<hbm>>
        %dma_wait3A_122 = tpu.memref_squeeze %dma_wait3A_121 : memref<1x100x128xf32, #tpu.memory_space<hbm>> -> memref<100x128xf32, #tpu.memory_space<hbm>>
        %dma_wait3A_123 = arith.constant 100 : i32
        %dma_wait3A_124 = arith.constant 0 : i32
        %dma_wait3A_125 = tpu.memref_slice %arg5[%dma_wait3A_123, %dma_wait3A_124] : memref<200x128xf32, #tpu.memory_space<vmem>> -> memref<100x128xf32, #tpu.memory_space<vmem>>
        %dma_wait3A_126 = arith.constant 0 : i32
        %dma_wait3A_127 = arith.constant 0 : i32
        %dma_wait3A_128 = tpu.memref_slice %arg2[%dma_wait3A_115, %dma_wait3A_126, %dma_wait3A_127] : memref<1000x100x128xf32, #tpu.memory_space<hbm>> -> memref<1x100x128xf32, #tpu.memory_space<hbm>>
        %dma_wait3A_129 = tpu.memref_squeeze %dma_wait3A_128 : memref<1x100x128xf32, #tpu.memory_space<hbm>> -> memref<100x128xf32, #tpu.memory_space<hbm>>
        tpu.wait_dma2 semaphore(%arg12 : memref<!tpu.dma_semaphore, #tpu.memory_space<semaphore_mem>>) src(%dma_wait3A_129 : memref<100x128xf32, #tpu.memory_space<hbm>>) dst(%dma_wait3A_125 : memref<100x128xf32, #tpu.memory_space<vmem>>)
        %ge3A = arith.constant 2 : i32
        %ge3A_130 = arith.cmpi sge, %add3A_84, %ge3A : i32
        %convert_element_type3A_131 = arith.extui %ge3A_130 : i1 to i32
        %cond3A_132 = arith.constant 0 : i32
        %cond3A_133 = arith.cmpi ne, %convert_element_type3A_131, %cond3A_132 : i32
        scf.if %cond3A_133 {
          %dma_wait3A_153 = arith.constant 0 : i32
          %dma_wait3A_154 = arith.constant 0 : i32
          %dma_wait3A_155 = tpu.memref_slice %arg3[%dma_wait3A_153, %dma_wait3A_154] : memref<100000x128xf32, #tpu.memory_space<hbm>> -> memref<200x128xf32, #tpu.memory_space<hbm>>
          %dma_wait3A_156 = arith.constant 0 : i32
          %dma_wait3A_157 = arith.constant 0 : i32
          %dma_wait3A_158 = tpu.memref_slice %arg3[%dma_wait3A_156, %dma_wait3A_157] : memref<100000x128xf32, #tpu.memory_space<hbm>> -> memref<200x128xf32, #tpu.memory_space<hbm>>
          tpu.wait_dma2 semaphore(%arg14 : memref<!tpu.dma_semaphore, #tpu.memory_space<semaphore_mem>>) src(%arg7 : memref<200x128xf32, #tpu.memory_space<vmem>>) dst(%dma_wait3A_158 : memref<200x128xf32, #tpu.memory_space<hbm>>)
        } else {
        }
        %scan3A_134 = arith.constant 0 : i32
        %scan3A_135 = arith.constant 0 : i32
        %scan3A_136 = arith.constant 100 : i32
        %scan3A_137 = arith.addi %scan3A_135, %scan3A_136 : i32
        %scan3A_138 = arith.constant 1 : i32
        scf.for %scan3A_153 = %scan3A_135 to %scan3A_137 step %scan3A_138  : i32 {
          %get3A = arith.index_cast %scan3A_153 : i32 to index
          %get3A_154 = arith.constant 0 : index
          %get3A_155 = tpu.vector_load %arg5[%get3A, %get3A_154] {strides = array<i32>} : memref<200x128xf32, #tpu.memory_space<vmem>>, vector<16xf32>,
          %exp3A = math.exp %get3A_155 : vector<16xf32>
          %add3A_156 = arith.constant 100 : i32
          %add3A_157 = arith.addi %scan3A_153, %add3A_156 : i32
          %get3A_158 = arith.index_cast %add3A_157 : i32 to index
          %get3A_159 = arith.constant 0 : index
          %get3A_160 = tpu.vector_load %arg5[%get3A_158, %get3A_159] {strides = array<i32>} : memref<200x128xf32, #tpu.memory_space<vmem>>, vector<16xf32>,
          %exp3A_161 = math.exp %get3A_160 : vector<16xf32>
          %get3A_162 = arith.index_cast %scan3A_153 : i32 to index
          %get3A_163 = arith.constant 0 : index
          %get3A_164 = tpu.vector_load %arg9[%get3A_162, %get3A_163] {strides = array<i32>} : memref<104x128xf32, #tpu.memory_space<vmem>>, vector<16xf32>,
          %add3A_165 = arith.addf %exp3A, %exp3A_161 : vector<16xf32>
          %add3A_166 = arith.addf %get3A_164, %add3A_165 : vector<16xf32>
          %swap3A_167 = arith.index_cast %scan3A_153 : i32 to index
          %swap3A_168 = arith.constant 0 : index
          %swap3A_169 = tpu.vector_load %arg9[%swap3A_167, %swap3A_168] {strides = array<i32>} : memref<104x128xf32, #tpu.memory_space<vmem>>, vector<16xf32>,
          tpu.vector_store %arg9[%swap3A_167, %swap3A_168], %add3A_166 {strides = array<i32>} : memref<104x128xf32, #tpu.memory_space<vmem>>, vector<16xf32>,
          %swap3A_170 = arith.index_cast %scan3A_153 : i32 to index
          %swap3A_171 = arith.constant 0 : index
          %swap3A_172 = tpu.vector_load %arg7[%swap3A_170, %swap3A_171] {strides = array<i32>} : memref<200x128xf32, #tpu.memory_space<vmem>>, vector<16xf32>,
          tpu.vector_store %arg7[%swap3A_170, %swap3A_171], %exp3A {strides = array<i32>} : memref<200x128xf32, #tpu.memory_space<vmem>>, vector<16xf32>,
          %add3A_173 = arith.constant 100 : i32
          %add3A_174 = arith.addi %scan3A_153, %add3A_173 : i32
          %swap3A_175 = arith.index_cast %add3A_174 : i32 to index
          %swap3A_176 = arith.constant 0 : index
          %swap3A_177 = tpu.vector_load %arg7[%swap3A_175, %swap3A_176] {strides = array<i32>} : memref<200x128xf32, #tpu.memory_space<vmem>>, vector<16xf32>,
          tpu.vector_store %arg7[%swap3A_175, %swap3A_176], %exp3A_161 {strides = array<i32>} : memref<200x128xf32, #tpu.memory_space<vmem>>, vector<16xf32>,
          %get3A_178 = arith.index_cast %scan3A_153 : i32 to index
          %get3A_179 = arith.constant 16 : index
          %get3A_180 = tpu.vector_load %arg5[%get3A_178, %get3A_179] {strides = array<i32>} : memref<200x128xf32, #tpu.memory_space<vmem>>, vector<16xf32>,
          %exp3A_181 = math.exp %get3A_180 : vector<16xf32>
          %add3A_182 = arith.constant 100 : i32
          %add3A_183 = arith.addi %scan3A_153, %add3A_182 : i32
          %get3A_184 = arith.index_cast %add3A_183 : i32 to index
          %get3A_185 = arith.constant 16 : index
          %get3A_186 = tpu.vector_load %arg5[%get3A_184, %get3A_185] {strides = array<i32>} : memref<200x128xf32, #tpu.memory_space<vmem>>, vector<16xf32>,
          %exp3A_187 = math.exp %get3A_186 : vector<16xf32>
          %get3A_188 = arith.index_cast %scan3A_153 : i32 to index
          %get3A_189 = arith.constant 16 : index
          %get3A_190 = tpu.vector_load %arg9[%get3A_188, %get3A_189] {strides = array<i32>} : memref<104x128xf32, #tpu.memory_space<vmem>>, vector<16xf32>,
          %add3A_191 = arith.addf %exp3A_181, %exp3A_187 : vector<16xf32>
          %add3A_192 = arith.addf %get3A_190, %add3A_191 : vector<16xf32>
          %swap3A_193 = arith.index_cast %scan3A_153 : i32 to index
          %swap3A_194 = arith.constant 16 : index
          %swap3A_195 = tpu.vector_load %arg9[%swap3A_193, %swap3A_194] {strides = array<i32>} : memref<104x128xf32, #tpu.memory_space<vmem>>, vector<16xf32>,
          tpu.vector_store %arg9[%swap3A_193, %swap3A_194], %add3A_192 {strides = array<i32>} : memref<104x128xf32, #tpu.memory_space<vmem>>, vector<16xf32>,
          %swap3A_196 = arith.index_cast %scan3A_153 : i32 to index
          %swap3A_197 = arith.constant 16 : index
          %swap3A_198 = tpu.vector_load %arg7[%swap3A_196, %swap3A_197] {strides = array<i32>} : memref<200x128xf32, #tpu.memory_space<vmem>>, vector<16xf32>,
          tpu.vector_store %arg7[%swap3A_196, %swap3A_197], %exp3A_181 {strides = array<i32>} : memref<200x128xf32, #tpu.memory_space<vmem>>, vector<16xf32>,
          %add3A_199 = arith.constant 100 : i32
          %add3A_200 = arith.addi %scan3A_153, %add3A_199 : i32
          %swap3A_201 = arith.index_cast %add3A_200 : i32 to index
          %swap3A_202 = arith.constant 16 : index
          %swap3A_203 = tpu.vector_load %arg7[%swap3A_201, %swap3A_202] {strides = array<i32>} : memref<200x128xf32, #tpu.memory_space<vmem>>, vector<16xf32>,
          tpu.vector_store %arg7[%swap3A_201, %swap3A_202], %exp3A_187 {strides = array<i32>} : memref<200x128xf32, #tpu.memory_space<vmem>>, vector<16xf32>,
          %get3A_204 = arith.index_cast %scan3A_153 : i32 to index
          %get3A_205 = arith.constant 32 : index
          %get3A_206 = tpu.vector_load %arg5[%get3A_204, %get3A_205] {strides = array<i32>} : memref<200x128xf32, #tpu.memory_space<vmem>>, vector<16xf32>,
          %exp3A_207 = math.exp %get3A_206 : vector<16xf32>
          %add3A_208 = arith.constant 100 : i32
          %add3A_209 = arith.addi %scan3A_153, %add3A_208 : i32
          %get3A_210 = arith.index_cast %add3A_209 : i32 to index
          %get3A_211 = arith.constant 32 : index
          %get3A_212 = tpu.vector_load %arg5[%get3A_210, %get3A_211] {strides = array<i32>} : memref<200x128xf32, #tpu.memory_space<vmem>>, vector<16xf32>,
          %exp3A_213 = math.exp %get3A_212 : vector<16xf32>
          %get3A_214 = arith.index_cast %scan3A_153 : i32 to index
          %get3A_215 = arith.constant 32 : index
          %get3A_216 = tpu.vector_load %arg9[%get3A_214, %get3A_215] {strides = array<i32>} : memref<104x128xf32, #tpu.memory_space<vmem>>, vector<16xf32>,
          %add3A_217 = arith.addf %exp3A_207, %exp3A_213 : vector<16xf32>
          %add3A_218 = arith.addf %get3A_216, %add3A_217 : vector<16xf32>
          %swap3A_219 = arith.index_cast %scan3A_153 : i32 to index
          %swap3A_220 = arith.constant 32 : index
          %swap3A_221 = tpu.vector_load %arg9[%swap3A_219, %swap3A_220] {strides = array<i32>} : memref<104x128xf32, #tpu.memory_space<vmem>>, vector<16xf32>,
          tpu.vector_store %arg9[%swap3A_219, %swap3A_220], %add3A_218 {strides = array<i32>} : memref<104x128xf32, #tpu.memory_space<vmem>>, vector<16xf32>,
          %swap3A_222 = arith.index_cast %scan3A_153 : i32 to index
          %swap3A_223 = arith.constant 32 : index
          %swap3A_224 = tpu.vector_load %arg7[%swap3A_222, %swap3A_223] {strides = array<i32>} : memref<200x128xf32, #tpu.memory_space<vmem>>, vector<16xf32>,
          tpu.vector_store %arg7[%swap3A_222, %swap3A_223], %exp3A_207 {strides = array<i32>} : memref<200x128xf32, #tpu.memory_space<vmem>>, vector<16xf32>,
          %add3A_225 = arith.constant 100 : i32
          %add3A_226 = arith.addi %scan3A_153, %add3A_225 : i32
          %swap3A_227 = arith.index_cast %add3A_226 : i32 to index
          %swap3A_228 = arith.constant 32 : index
          %swap3A_229 = tpu.vector_load %arg7[%swap3A_227, %swap3A_228] {strides = array<i32>} : memref<200x128xf32, #tpu.memory_space<vmem>>, vector<16xf32>,
          tpu.vector_store %arg7[%swap3A_227, %swap3A_228], %exp3A_213 {strides = array<i32>} : memref<200x128xf32, #tpu.memory_space<vmem>>, vector<16xf32>,
          %get3A_230 = arith.index_cast %scan3A_153 : i32 to index
          %get3A_231 = arith.constant 48 : index
          %get3A_232 = tpu.vector_load %arg5[%get3A_230, %get3A_231] {strides = array<i32>} : memref<200x128xf32, #tpu.memory_space<vmem>>, vector<16xf32>,
          %exp3A_233 = math.exp %get3A_232 : vector<16xf32>
          %add3A_234 = arith.constant 100 : i32
          %add3A_235 = arith.addi %scan3A_153, %add3A_234 : i32
          %get3A_236 = arith.index_cast %add3A_235 : i32 to index
          %get3A_237 = arith.constant 48 : index
          %get3A_238 = tpu.vector_load %arg5[%get3A_236, %get3A_237] {strides = array<i32>} : memref<200x128xf32, #tpu.memory_space<vmem>>, vector<16xf32>,
          %exp3A_239 = math.exp %get3A_238 : vector<16xf32>
          %get3A_240 = arith.index_cast %scan3A_153 : i32 to index
          %get3A_241 = arith.constant 48 : index
          %get3A_242 = tpu.vector_load %arg9[%get3A_240, %get3A_241] {strides = array<i32>} : memref<104x128xf32, #tpu.memory_space<vmem>>, vector<16xf32>,
          %add3A_243 = arith.addf %exp3A_233, %exp3A_239 : vector<16xf32>
          %add3A_244 = arith.addf %get3A_242, %add3A_243 : vector<16xf32>
          %swap3A_245 = arith.index_cast %scan3A_153 : i32 to index
          %swap3A_246 = arith.constant 48 : index
          %swap3A_247 = tpu.vector_load %arg9[%swap3A_245, %swap3A_246] {strides = array<i32>} : memref<104x128xf32, #tpu.memory_space<vmem>>, vector<16xf32>,
          tpu.vector_store %arg9[%swap3A_245, %swap3A_246], %add3A_244 {strides = array<i32>} : memref<104x128xf32, #tpu.memory_space<vmem>>, vector<16xf32>,
          %swap3A_248 = arith.index_cast %scan3A_153 : i32 to index
          %swap3A_249 = arith.constant 48 : index
          %swap3A_250 = tpu.vector_load %arg7[%swap3A_248, %swap3A_249] {strides = array<i32>} : memref<200x128xf32, #tpu.memory_space<vmem>>, vector<16xf32>,
          tpu.vector_store %arg7[%swap3A_248, %swap3A_249], %exp3A_233 {strides = array<i32>} : memref<200x128xf32, #tpu.memory_space<vmem>>, vector<16xf32>,
          %add3A_251 = arith.constant 100 : i32
          %add3A_252 = arith.addi %scan3A_153, %add3A_251 : i32
          %swap3A_253 = arith.index_cast %add3A_252 : i32 to index
          %swap3A_254 = arith.constant 48 : index
          %swap3A_255 = tpu.vector_load %arg7[%swap3A_253, %swap3A_254] {strides = array<i32>} : memref<200x128xf32, #tpu.memory_space<vmem>>, vector<16xf32>,
          tpu.vector_store %arg7[%swap3A_253, %swap3A_254], %exp3A_239 {strides = array<i32>} : memref<200x128xf32, #tpu.memory_space<vmem>>, vector<16xf32>,
          %get3A_256 = arith.index_cast %scan3A_153 : i32 to index
          %get3A_257 = arith.constant 64 : index
          %get3A_258 = tpu.vector_load %arg5[%get3A_256, %get3A_257] {strides = array<i32>} : memref<200x128xf32, #tpu.memory_space<vmem>>, vector<16xf32>,
          %exp3A_259 = math.exp %get3A_258 : vector<16xf32>
          %add3A_260 = arith.constant 100 : i32
          %add3A_261 = arith.addi %scan3A_153, %add3A_260 : i32
          %get3A_262 = arith.index_cast %add3A_261 : i32 to index
          %get3A_263 = arith.constant 64 : index
          %get3A_264 = tpu.vector_load %arg5[%get3A_262, %get3A_263] {strides = array<i32>} : memref<200x128xf32, #tpu.memory_space<vmem>>, vector<16xf32>,
          %exp3A_265 = math.exp %get3A_264 : vector<16xf32>
          %get3A_266 = arith.index_cast %scan3A_153 : i32 to index
          %get3A_267 = arith.constant 64 : index
          %get3A_268 = tpu.vector_load %arg9[%get3A_266, %get3A_267] {strides = array<i32>} : memref<104x128xf32, #tpu.memory_space<vmem>>, vector<16xf32>,
          %add3A_269 = arith.addf %exp3A_259, %exp3A_265 : vector<16xf32>
          %add3A_270 = arith.addf %get3A_268, %add3A_269 : vector<16xf32>
          %swap3A_271 = arith.index_cast %scan3A_153 : i32 to index
          %swap3A_272 = arith.constant 64 : index
          %swap3A_273 = tpu.vector_load %arg9[%swap3A_271, %swap3A_272] {strides = array<i32>} : memref<104x128xf32, #tpu.memory_space<vmem>>, vector<16xf32>,
          tpu.vector_store %arg9[%swap3A_271, %swap3A_272], %add3A_270 {strides = array<i32>} : memref<104x128xf32, #tpu.memory_space<vmem>>, vector<16xf32>,
          %swap3A_274 = arith.index_cast %scan3A_153 : i32 to index
          %swap3A_275 = arith.constant 64 : index
          %swap3A_276 = tpu.vector_load %arg7[%swap3A_274, %swap3A_275] {strides = array<i32>} : memref<200x128xf32, #tpu.memory_space<vmem>>, vector<16xf32>,
          tpu.vector_store %arg7[%swap3A_274, %swap3A_275], %exp3A_259 {strides = array<i32>} : memref<200x128xf32, #tpu.memory_space<vmem>>, vector<16xf32>,
          %add3A_277 = arith.constant 100 : i32
          %add3A_278 = arith.addi %scan3A_153, %add3A_277 : i32
          %swap3A_279 = arith.index_cast %add3A_278 : i32 to index
          %swap3A_280 = arith.constant 64 : index
          %swap3A_281 = tpu.vector_load %arg7[%swap3A_279, %swap3A_280] {strides = array<i32>} : memref<200x128xf32, #tpu.memory_space<vmem>>, vector<16xf32>,
          tpu.vector_store %arg7[%swap3A_279, %swap3A_280], %exp3A_265 {strides = array<i32>} : memref<200x128xf32, #tpu.memory_space<vmem>>, vector<16xf32>,
          %get3A_282 = arith.index_cast %scan3A_153 : i32 to index
          %get3A_283 = arith.constant 80 : index
          %get3A_284 = tpu.vector_load %arg5[%get3A_282, %get3A_283] {strides = array<i32>} : memref<200x128xf32, #tpu.memory_space<vmem>>, vector<16xf32>,
          %exp3A_285 = math.exp %get3A_284 : vector<16xf32>
          %add3A_286 = arith.constant 100 : i32
          %add3A_287 = arith.addi %scan3A_153, %add3A_286 : i32
          %get3A_288 = arith.index_cast %add3A_287 : i32 to index
          %get3A_289 = arith.constant 80 : index
          %get3A_290 = tpu.vector_load %arg5[%get3A_288, %get3A_289] {strides = array<i32>} : memref<200x128xf32, #tpu.memory_space<vmem>>, vector<16xf32>,
          %exp3A_291 = math.exp %get3A_290 : vector<16xf32>
          %get3A_292 = arith.index_cast %scan3A_153 : i32 to index
          %get3A_293 = arith.constant 80 : index
          %get3A_294 = tpu.vector_load %arg9[%get3A_292, %get3A_293] {strides = array<i32>} : memref<104x128xf32, #tpu.memory_space<vmem>>, vector<16xf32>,
          %add3A_295 = arith.addf %exp3A_285, %exp3A_291 : vector<16xf32>
          %add3A_296 = arith.addf %get3A_294, %add3A_295 : vector<16xf32>
          %swap3A_297 = arith.index_cast %scan3A_153 : i32 to index
          %swap3A_298 = arith.constant 80 : index
          %swap3A_299 = tpu.vector_load %arg9[%swap3A_297, %swap3A_298] {strides = array<i32>} : memref<104x128xf32, #tpu.memory_space<vmem>>, vector<16xf32>,
          tpu.vector_store %arg9[%swap3A_297, %swap3A_298], %add3A_296 {strides = array<i32>} : memref<104x128xf32, #tpu.memory_space<vmem>>, vector<16xf32>,
          %swap3A_300 = arith.index_cast %scan3A_153 : i32 to index
          %swap3A_301 = arith.constant 80 : index
          %swap3A_302 = tpu.vector_load %arg7[%swap3A_300, %swap3A_301] {strides = array<i32>} : memref<200x128xf32, #tpu.memory_space<vmem>>, vector<16xf32>,
          tpu.vector_store %arg7[%swap3A_300, %swap3A_301], %exp3A_285 {strides = array<i32>} : memref<200x128xf32, #tpu.memory_space<vmem>>, vector<16xf32>,
          %add3A_303 = arith.constant 100 : i32
          %add3A_304 = arith.addi %scan3A_153, %add3A_303 : i32
          %swap3A_305 = arith.index_cast %add3A_304 : i32 to index
          %swap3A_306 = arith.constant 80 : index
          %swap3A_307 = tpu.vector_load %arg7[%swap3A_305, %swap3A_306] {strides = array<i32>} : memref<200x128xf32, #tpu.memory_space<vmem>>, vector<16xf32>,
          tpu.vector_store %arg7[%swap3A_305, %swap3A_306], %exp3A_291 {strides = array<i32>} : memref<200x128xf32, #tpu.memory_space<vmem>>, vector<16xf32>,
          %get3A_308 = arith.index_cast %scan3A_153 : i32 to index
          %get3A_309 = arith.constant 96 : index
          %get3A_310 = tpu.vector_load %arg5[%get3A_308, %get3A_309] {strides = array<i32>} : memref<200x128xf32, #tpu.memory_space<vmem>>, vector<16xf32>,
          %exp3A_311 = math.exp %get3A_310 : vector<16xf32>
          %add3A_312 = arith.constant 100 : i32
          %add3A_313 = arith.addi %scan3A_153, %add3A_312 : i32
          %get3A_314 = arith.index_cast %add3A_313 : i32 to index
          %get3A_315 = arith.constant 96 : index
          %get3A_316 = tpu.vector_load %arg5[%get3A_314, %get3A_315] {strides = array<i32>} : memref<200x128xf32, #tpu.memory_space<vmem>>, vector<16xf32>,
          %exp3A_317 = math.exp %get3A_316 : vector<16xf32>
          %get3A_318 = arith.index_cast %scan3A_153 : i32 to index
          %get3A_319 = arith.constant 96 : index
          %get3A_320 = tpu.vector_load %arg9[%get3A_318, %get3A_319] {strides = array<i32>} : memref<104x128xf32, #tpu.memory_space<vmem>>, vector<16xf32>,
          %add3A_321 = arith.addf %exp3A_311, %exp3A_317 : vector<16xf32>
          %add3A_322 = arith.addf %get3A_320, %add3A_321 : vector<16xf32>
          %swap3A_323 = arith.index_cast %scan3A_153 : i32 to index
          %swap3A_324 = arith.constant 96 : index
          %swap3A_325 = tpu.vector_load %arg9[%swap3A_323, %swap3A_324] {strides = array<i32>} : memref<104x128xf32, #tpu.memory_space<vmem>>, vector<16xf32>,
          tpu.vector_store %arg9[%swap3A_323, %swap3A_324], %add3A_322 {strides = array<i32>} : memref<104x128xf32, #tpu.memory_space<vmem>>, vector<16xf32>,
          %swap3A_326 = arith.index_cast %scan3A_153 : i32 to index
          %swap3A_327 = arith.constant 96 : index
          %swap3A_328 = tpu.vector_load %arg7[%swap3A_326, %swap3A_327] {strides = array<i32>} : memref<200x128xf32, #tpu.memory_space<vmem>>, vector<16xf32>,
          tpu.vector_store %arg7[%swap3A_326, %swap3A_327], %exp3A_311 {strides = array<i32>} : memref<200x128xf32, #tpu.memory_space<vmem>>, vector<16xf32>,
          %add3A_329 = arith.constant 100 : i32
          %add3A_330 = arith.addi %scan3A_153, %add3A_329 : i32
          %swap3A_331 = arith.index_cast %add3A_330 : i32 to index
          %swap3A_332 = arith.constant 96 : index
          %swap3A_333 = tpu.vector_load %arg7[%swap3A_331, %swap3A_332] {strides = array<i32>} : memref<200x128xf32, #tpu.memory_space<vmem>>, vector<16xf32>,
          tpu.vector_store %arg7[%swap3A_331, %swap3A_332], %exp3A_317 {strides = array<i32>} : memref<200x128xf32, #tpu.memory_space<vmem>>, vector<16xf32>,
          %get3A_334 = arith.index_cast %scan3A_153 : i32 to index
          %get3A_335 = arith.constant 112 : index
          %get3A_336 = tpu.vector_load %arg5[%get3A_334, %get3A_335] {strides = array<i32>} : memref<200x128xf32, #tpu.memory_space<vmem>>, vector<16xf32>,
          %exp3A_337 = math.exp %get3A_336 : vector<16xf32>
          %add3A_338 = arith.constant 100 : i32
          %add3A_339 = arith.addi %scan3A_153, %add3A_338 : i32
          %get3A_340 = arith.index_cast %add3A_339 : i32 to index
          %get3A_341 = arith.constant 112 : index
          %get3A_342 = tpu.vector_load %arg5[%get3A_340, %get3A_341] {strides = array<i32>} : memref<200x128xf32, #tpu.memory_space<vmem>>, vector<16xf32>,
          %exp3A_343 = math.exp %get3A_342 : vector<16xf32>
          %get3A_344 = arith.index_cast %scan3A_153 : i32 to index
          %get3A_345 = arith.constant 112 : index
          %get3A_346 = tpu.vector_load %arg9[%get3A_344, %get3A_345] {strides = array<i32>} : memref<104x128xf32, #tpu.memory_space<vmem>>, vector<16xf32>,
          %add3A_347 = arith.addf %exp3A_337, %exp3A_343 : vector<16xf32>
          %add3A_348 = arith.addf %get3A_346, %add3A_347 : vector<16xf32>
          %swap3A_349 = arith.index_cast %scan3A_153 : i32 to index
          %swap3A_350 = arith.constant 112 : index
          %swap3A_351 = tpu.vector_load %arg9[%swap3A_349, %swap3A_350] {strides = array<i32>} : memref<104x128xf32, #tpu.memory_space<vmem>>, vector<16xf32>,
          tpu.vector_store %arg9[%swap3A_349, %swap3A_350], %add3A_348 {strides = array<i32>} : memref<104x128xf32, #tpu.memory_space<vmem>>, vector<16xf32>,
          %swap3A_352 = arith.index_cast %scan3A_153 : i32 to index
          %swap3A_353 = arith.constant 112 : index
          %swap3A_354 = tpu.vector_load %arg7[%swap3A_352, %swap3A_353] {strides = array<i32>} : memref<200x128xf32, #tpu.memory_space<vmem>>, vector<16xf32>,
          tpu.vector_store %arg7[%swap3A_352, %swap3A_353], %exp3A_337 {strides = array<i32>} : memref<200x128xf32, #tpu.memory_space<vmem>>, vector<16xf32>,
          %add3A_355 = arith.constant 100 : i32
          %add3A_356 = arith.addi %scan3A_153, %add3A_355 : i32
          %swap3A_357 = arith.index_cast %add3A_356 : i32 to index
          %swap3A_358 = arith.constant 112 : index
          %swap3A_359 = tpu.vector_load %arg7[%swap3A_357, %swap3A_358] {strides = array<i32>} : memref<200x128xf32, #tpu.memory_space<vmem>>, vector<16xf32>,
          tpu.vector_store %arg7[%swap3A_357, %swap3A_358], %exp3A_343 {strides = array<i32>} : memref<200x128xf32, #tpu.memory_space<vmem>>, vector<16xf32>,
        }
        %scan3A_139 = arith.constant 100 : i32
        %add3A_140 = arith.constant 2 : i32
        %add3A_141 = arith.addi %add3A_84, %add3A_140 : i32
        %lt3A_142 = arith.cmpi slt, %add3A_141, %select_n3A : i32
        %convert_element_type3A_143 = arith.extui %lt3A_142 : i1 to i32
        %cond3A_144 = arith.constant 0 : i32
        %cond3A_145 = arith.cmpi ne, %convert_element_type3A_143, %cond3A_144 : i32
        scf.if %cond3A_145 {
          %add3A_153 = arith.constant 2 : i32
          %add3A_154 = arith.addi %add3A_84, %add3A_153 : i32
          %mul3A_155 = arith.constant 32 : i32
          %mul3A_156 = arith.muli %add3A_154, %mul3A_155 : i32
          %add3A_157 = arith.addi %add3A, %mul3A_156 : i32
          %mul3A_158 = arith.constant 2 : i32
          %mul3A_159 = arith.muli %mul3A_158, %add3A_157 : i32
          %dma_start3A_160 = arith.constant 0 : i32
          %dma_start3A_161 = arith.constant 0 : i32
          %dma_start3A_162 = tpu.memref_slice %arg5[%dma_start3A_160, %dma_start3A_161] : memref<200x128xf32, #tpu.memory_space<vmem>> -> memref<100x128xf32, #tpu.memory_space<vmem>>
          %dma_start3A_163 = arith.constant 0 : i32
          %dma_start3A_164 = arith.constant 0 : i32
          %dma_start3A_165 = tpu.memref_slice %arg2[%mul3A_159, %dma_start3A_163, %dma_start3A_164] : memref<1000x100x128xf32, #tpu.memory_space<hbm>> -> memref<1x100x128xf32, #tpu.memory_space<hbm>>
          %dma_start3A_166 = tpu.memref_squeeze %dma_start3A_165 : memref<1x100x128xf32, #tpu.memory_space<hbm>> -> memref<100x128xf32, #tpu.memory_space<hbm>>
          %dma_start3A_167 = arith.constant 0 : i32
          %dma_start3A_168 = arith.constant 0 : i32
          %dma_start3A_169 = tpu.memref_slice %arg5[%dma_start3A_167, %dma_start3A_168] : memref<200x128xf32, #tpu.memory_space<vmem>> -> memref<100x128xf32, #tpu.memory_space<vmem>>
          %dma_start3A_170 = arith.constant 0 : i32
          %dma_start3A_171 = arith.constant 0 : i32
          %dma_start3A_172 = tpu.memref_slice %arg2[%mul3A_159, %dma_start3A_170, %dma_start3A_171] : memref<1000x100x128xf32, #tpu.memory_space<hbm>> -> memref<1x100x128xf32, #tpu.memory_space<hbm>>
          %dma_start3A_173 = tpu.memref_squeeze %dma_start3A_172 : memref<1x100x128xf32, #tpu.memory_space<hbm>> -> memref<100x128xf32, #tpu.memory_space<hbm>>
          tpu.enqueue_dma source(%dma_start3A_173 : memref<100x128xf32, #tpu.memory_space<hbm>>) target(%dma_start3A_169 : memref<100x128xf32, #tpu.memory_space<vmem>>) target_semaphore(%arg12 : memref<!tpu.dma_semaphore, #tpu.memory_space<semaphore_mem>>)
          %mul3A_174 = arith.constant 2 : i32
          %mul3A_175 = arith.muli %mul3A_174, %add3A_157 : i32
          %add3A_176 = arith.constant 1 : i32
          %add3A_177 = arith.addi %mul3A_175, %add3A_176 : i32
          %dma_start3A_178 = arith.constant 100 : i32
          %dma_start3A_179 = arith.constant 0 : i32
          %dma_start3A_180 = tpu.memref_slice %arg5[%dma_start3A_178, %dma_start3A_179] : memref<200x128xf32, #tpu.memory_space<vmem>> -> memref<100x128xf32, #tpu.memory_space<vmem>>
          %dma_start3A_181 = arith.constant 0 : i32
          %dma_start3A_182 = arith.constant 0 : i32
          %dma_start3A_183 = tpu.memref_slice %arg2[%add3A_177, %dma_start3A_181, %dma_start3A_182] : memref<1000x100x128xf32, #tpu.memory_space<hbm>> -> memref<1x100x128xf32, #tpu.memory_space<hbm>>
          %dma_start3A_184 = tpu.memref_squeeze %dma_start3A_183 : memref<1x100x128xf32, #tpu.memory_space<hbm>> -> memref<100x128xf32, #tpu.memory_space<hbm>>
          %dma_start3A_185 = arith.constant 100 : i32
          %dma_start3A_186 = arith.constant 0 : i32
          %dma_start3A_187 = tpu.memref_slice %arg5[%dma_start3A_185, %dma_start3A_186] : memref<200x128xf32, #tpu.memory_space<vmem>> -> memref<100x128xf32, #tpu.memory_space<vmem>>
          %dma_start3A_188 = arith.constant 0 : i32
          %dma_start3A_189 = arith.constant 0 : i32
          %dma_start3A_190 = tpu.memref_slice %arg2[%add3A_177, %dma_start3A_188, %dma_start3A_189] : memref<1000x100x128xf32, #tpu.memory_space<hbm>> -> memref<1x100x128xf32, #tpu.memory_space<hbm>>
          %dma_start3A_191 = tpu.memref_squeeze %dma_start3A_190 : memref<1x100x128xf32, #tpu.memory_space<hbm>> -> memref<100x128xf32, #tpu.memory_space<hbm>>
          tpu.enqueue_dma source(%dma_start3A_191 : memref<100x128xf32, #tpu.memory_space<hbm>>) target(%dma_start3A_187 : memref<100x128xf32, #tpu.memory_space<vmem>>) target_semaphore(%arg12 : memref<!tpu.dma_semaphore, #tpu.memory_space<semaphore_mem>>)
        } else {
        }
        %mul3A_146 = arith.constant 2 : i32
        %mul3A_147 = arith.muli %add3A_99, %mul3A_146 : i32
        %mul3A_148 = arith.constant 100 : i32
        %mul3A_149 = arith.muli %mul3A_147, %mul3A_148 : i32
        %dma_start3A = arith.constant 0 : i32
        %dma_start3A_150 = tpu.memref_slice %arg3[%mul3A_149, %dma_start3A] : memref<100000x128xf32, #tpu.memory_space<hbm>> -> memref<200x128xf32, #tpu.memory_space<hbm>>
        %dma_start3A_151 = arith.constant 0 : i32
        %dma_start3A_152 = tpu.memref_slice %arg3[%mul3A_149, %dma_start3A_151] : memref<100000x128xf32, #tpu.memory_space<hbm>> -> memref<200x128xf32, #tpu.memory_space<hbm>>
        tpu.enqueue_dma source(%arg7 : memref<200x128xf32, #tpu.memory_space<vmem>>) target(%dma_start3A_152 : memref<200x128xf32, #tpu.memory_space<hbm>>) target_semaphore(%arg14 : memref<!tpu.dma_semaphore, #tpu.memory_space<semaphore_mem>>)
      } else {
      }
      %mul3A_89 = arith.constant 2 : i32
      %mul3A_90 = arith.muli %mul3A_89, %scan3A_80 : i32
      %add3A_91 = arith.constant 1 : i32
      %add3A_92 = arith.addi %mul3A_90, %add3A_91 : i32
      %lt3A_93 = arith.cmpi slt, %add3A_92, %select_n3A : i32
      %convert_element_type3A_94 = arith.extui %lt3A_93 : i1 to i32
      %cond3A_95 = arith.constant 0 : i32
      %cond3A_96 = arith.cmpi ne, %convert_element_type3A_94, %cond3A_95 : i32
      scf.if %cond3A_96 {
        %mul3A_97 = arith.constant 32 : i32
        %mul3A_98 = arith.muli %add3A_92, %mul3A_97 : i32
        %add3A_99 = arith.addi %add3A, %mul3A_98 : i32
        %dma_wait3A_100 = arith.constant 0 : i32
        %dma_wait3A_101 = arith.constant 0 : i32
        %dma_wait3A_102 = arith.constant 0 : i32
        %dma_wait3A_103 = tpu.memref_slice %arg6[%dma_wait3A_101, %dma_wait3A_102] : memref<200x128xf32, #tpu.memory_space<vmem>> -> memref<100x128xf32, #tpu.memory_space<vmem>>
        %dma_wait3A_104 = arith.constant 0 : i32
        %dma_wait3A_105 = arith.constant 0 : i32
        %dma_wait3A_106 = tpu.memref_slice %arg2[%dma_wait3A_100, %dma_wait3A_104, %dma_wait3A_105] : memref<1000x100x128xf32, #tpu.memory_space<hbm>> -> memref<1x100x128xf32, #tpu.memory_space<hbm>>
        %dma_wait3A_107 = tpu.memref_squeeze %dma_wait3A_106 : memref<1x100x128xf32, #tpu.memory_space<hbm>> -> memref<100x128xf32, #tpu.memory_space<hbm>>
        %dma_wait3A_108 = arith.constant 0 : i32
        %dma_wait3A_109 = arith.constant 0 : i32
        %dma_wait3A_110 = tpu.memref_slice %arg6[%dma_wait3A_108, %dma_wait3A_109] : memref<200x128xf32, #tpu.memory_space<vmem>> -> memref<100x128xf32, #tpu.memory_space<vmem>>
        %dma_wait3A_111 = arith.constant 0 : i32
        %dma_wait3A_112 = arith.constant 0 : i32
        %dma_wait3A_113 = tpu.memref_slice %arg2[%dma_wait3A_100, %dma_wait3A_111, %dma_wait3A_112] : memref<1000x100x128xf32, #tpu.memory_space<hbm>> -> memref<1x100x128xf32, #tpu.memory_space<hbm>>
        %dma_wait3A_114 = tpu.memref_squeeze %dma_wait3A_113 : memref<1x100x128xf32, #tpu.memory_space<hbm>> -> memref<100x128xf32, #tpu.memory_space<hbm>>
        tpu.wait_dma2 semaphore(%arg13 : memref<!tpu.dma_semaphore, #tpu.memory_space<semaphore_mem>>) src(%dma_wait3A_114 : memref<100x128xf32, #tpu.memory_space<hbm>>) dst(%dma_wait3A_110 : memref<100x128xf32, #tpu.memory_space<vmem>>)
        %dma_wait3A_115 = arith.constant 0 : i32
        %dma_wait3A_116 = arith.constant 100 : i32
        %dma_wait3A_117 = arith.constant 0 : i32
        %dma_wait3A_118 = tpu.memref_slice %arg6[%dma_wait3A_116, %dma_wait3A_117] : memref<200x128xf32, #tpu.memory_space<vmem>> -> memref<100x128xf32, #tpu.memory_space<vmem>>
        %dma_wait3A_119 = arith.constant 0 : i32
        %dma_wait3A_120 = arith.constant 0 : i32
        %dma_wait3A_121 = tpu.memref_slice %arg2[%dma_wait3A_115, %dma_wait3A_119, %dma_wait3A_120] : memref<1000x100x128xf32, #tpu.memory_space<hbm>> -> memref<1x100x128xf32, #tpu.memory_space<hbm>>
        %dma_wait3A_122 = tpu.memref_squeeze %dma_wait3A_121 : memref<1x100x128xf32, #tpu.memory_space<hbm>> -> memref<100x128xf32, #tpu.memory_space<hbm>>
        %dma_wait3A_123 = arith.constant 100 : i32
        %dma_wait3A_124 = arith.constant 0 : i32
        %dma_wait3A_125 = tpu.memref_slice %arg6[%dma_wait3A_123, %dma_wait3A_124] : memref<200x128xf32, #tpu.memory_space<vmem>> -> memref<100x128xf32, #tpu.memory_space<vmem>>
        %dma_wait3A_126 = arith.constant 0 : i32
        %dma_wait3A_127 = arith.constant 0 : i32
        %dma_wait3A_128 = tpu.memref_slice %arg2[%dma_wait3A_115, %dma_wait3A_126, %dma_wait3A_127] : memref<1000x100x128xf32, #tpu.memory_space<hbm>> -> memref<1x100x128xf32, #tpu.memory_space<hbm>>
        %dma_wait3A_129 = tpu.memref_squeeze %dma_wait3A_128 : memref<1x100x128xf32, #tpu.memory_space<hbm>> -> memref<100x128xf32, #tpu.memory_space<hbm>>
        tpu.wait_dma2 semaphore(%arg13 : memref<!tpu.dma_semaphore, #tpu.memory_space<semaphore_mem>>) src(%dma_wait3A_129 : memref<100x128xf32, #tpu.memory_space<hbm>>) dst(%dma_wait3A_125 : memref<100x128xf32, #tpu.memory_space<vmem>>)
        %ge3A = arith.constant 2 : i32
        %ge3A_130 = arith.cmpi sge, %add3A_92, %ge3A : i32
        %convert_element_type3A_131 = arith.extui %ge3A_130 : i1 to i32
        %cond3A_132 = arith.constant 0 : i32
        %cond3A_133 = arith.cmpi ne, %convert_element_type3A_131, %cond3A_132 : i32
        scf.if %cond3A_133 {
          %dma_wait3A_153 = arith.constant 0 : i32
          %dma_wait3A_154 = arith.constant 0 : i32
          %dma_wait3A_155 = tpu.memref_slice %arg3[%dma_wait3A_153, %dma_wait3A_154] : memref<100000x128xf32, #tpu.memory_space<hbm>> -> memref<200x128xf32, #tpu.memory_space<hbm>>
          %dma_wait3A_156 = arith.constant 0 : i32
          %dma_wait3A_157 = arith.constant 0 : i32
          %dma_wait3A_158 = tpu.memref_slice %arg3[%dma_wait3A_156, %dma_wait3A_157] : memref<100000x128xf32, #tpu.memory_space<hbm>> -> memref<200x128xf32, #tpu.memory_space<hbm>>
          tpu.wait_dma2 semaphore(%arg15 : memref<!tpu.dma_semaphore, #tpu.memory_space<semaphore_mem>>) src(%arg8 : memref<200x128xf32, #tpu.memory_space<vmem>>) dst(%dma_wait3A_158 : memref<200x128xf32, #tpu.memory_space<hbm>>)
        } else {
        }
        %scan3A_134 = arith.constant 0 : i32
        %scan3A_135 = arith.constant 0 : i32
        %scan3A_136 = arith.constant 100 : i32
        %scan3A_137 = arith.addi %scan3A_135, %scan3A_136 : i32
        %scan3A_138 = arith.constant 1 : i32
        scf.for %scan3A_153 = %scan3A_135 to %scan3A_137 step %scan3A_138  : i32 {
          %get3A = arith.index_cast %scan3A_153 : i32 to index
          %get3A_154 = arith.constant 0 : index
          %get3A_155 = tpu.vector_load %arg6[%get3A, %get3A_154] {strides = array<i32>} : memref<200x128xf32, #tpu.memory_space<vmem>>, vector<16xf32>,
          %exp3A = math.exp %get3A_155 : vector<16xf32>
          %add3A_156 = arith.constant 100 : i32
          %add3A_157 = arith.addi %scan3A_153, %add3A_156 : i32
          %get3A_158 = arith.index_cast %add3A_157 : i32 to index
          %get3A_159 = arith.constant 0 : index
          %get3A_160 = tpu.vector_load %arg6[%get3A_158, %get3A_159] {strides = array<i32>} : memref<200x128xf32, #tpu.memory_space<vmem>>, vector<16xf32>,
          %exp3A_161 = math.exp %get3A_160 : vector<16xf32>
          %get3A_162 = arith.index_cast %scan3A_153 : i32 to index
          %get3A_163 = arith.constant 0 : index
          %get3A_164 = tpu.vector_load %arg9[%get3A_162, %get3A_163] {strides = array<i32>} : memref<104x128xf32, #tpu.memory_space<vmem>>, vector<16xf32>,
          %add3A_165 = arith.addf %exp3A, %exp3A_161 : vector<16xf32>
          %add3A_166 = arith.addf %get3A_164, %add3A_165 : vector<16xf32>
          %swap3A_167 = arith.index_cast %scan3A_153 : i32 to index
          %swap3A_168 = arith.constant 0 : index
          %swap3A_169 = tpu.vector_load %arg9[%swap3A_167, %swap3A_168] {strides = array<i32>} : memref<104x128xf32, #tpu.memory_space<vmem>>, vector<16xf32>,
          tpu.vector_store %arg9[%swap3A_167, %swap3A_168], %add3A_166 {strides = array<i32>} : memref<104x128xf32, #tpu.memory_space<vmem>>, vector<16xf32>,
          %swap3A_170 = arith.index_cast %scan3A_153 : i32 to index
          %swap3A_171 = arith.constant 0 : index
          %swap3A_172 = tpu.vector_load %arg8[%swap3A_170, %swap3A_171] {strides = array<i32>} : memref<200x128xf32, #tpu.memory_space<vmem>>, vector<16xf32>,
          tpu.vector_store %arg8[%swap3A_170, %swap3A_171], %exp3A {strides = array<i32>} : memref<200x128xf32, #tpu.memory_space<vmem>>, vector<16xf32>,
          %add3A_173 = arith.constant 100 : i32
          %add3A_174 = arith.addi %scan3A_153, %add3A_173 : i32
          %swap3A_175 = arith.index_cast %add3A_174 : i32 to index
          %swap3A_176 = arith.constant 0 : index
          %swap3A_177 = tpu.vector_load %arg8[%swap3A_175, %swap3A_176] {strides = array<i32>} : memref<200x128xf32, #tpu.memory_space<vmem>>, vector<16xf32>,
          tpu.vector_store %arg8[%swap3A_175, %swap3A_176], %exp3A_161 {strides = array<i32>} : memref<200x128xf32, #tpu.memory_space<vmem>>, vector<16xf32>,
          %get3A_178 = arith.index_cast %scan3A_153 : i32 to index
          %get3A_179 = arith.constant 16 : index
          %get3A_180 = tpu.vector_load %arg6[%get3A_178, %get3A_179] {strides = array<i32>} : memref<200x128xf32, #tpu.memory_space<vmem>>, vector<16xf32>,
          %exp3A_181 = math.exp %get3A_180 : vector<16xf32>
          %add3A_182 = arith.constant 100 : i32
          %add3A_183 = arith.addi %scan3A_153, %add3A_182 : i32
          %get3A_184 = arith.index_cast %add3A_183 : i32 to index
          %get3A_185 = arith.constant 16 : index
          %get3A_186 = tpu.vector_load %arg6[%get3A_184, %get3A_185] {strides = array<i32>} : memref<200x128xf32, #tpu.memory_space<vmem>>, vector<16xf32>,
          %exp3A_187 = math.exp %get3A_186 : vector<16xf32>
          %get3A_188 = arith.index_cast %scan3A_153 : i32 to index
          %get3A_189 = arith.constant 16 : index
          %get3A_190 = tpu.vector_load %arg9[%get3A_188, %get3A_189] {strides = array<i32>} : memref<104x128xf32, #tpu.memory_space<vmem>>, vector<16xf32>,
          %add3A_191 = arith.addf %exp3A_181, %exp3A_187 : vector<16xf32>
          %add3A_192 = arith.addf %get3A_190, %add3A_191 : vector<16xf32>
          %swap3A_193 = arith.index_cast %scan3A_153 : i32 to index
          %swap3A_194 = arith.constant 16 : index
          %swap3A_195 = tpu.vector_load %arg9[%swap3A_193, %swap3A_194] {strides = array<i32>} : memref<104x128xf32, #tpu.memory_space<vmem>>, vector<16xf32>,
          tpu.vector_store %arg9[%swap3A_193, %swap3A_194], %add3A_192 {strides = array<i32>} : memref<104x128xf32, #tpu.memory_space<vmem>>, vector<16xf32>,
          %swap3A_196 = arith.index_cast %scan3A_153 : i32 to index
          %swap3A_197 = arith.constant 16 : index
          %swap3A_198 = tpu.vector_load %arg8[%swap3A_196, %swap3A_197] {strides = array<i32>} : memref<200x128xf32, #tpu.memory_space<vmem>>, vector<16xf32>,
          tpu.vector_store %arg8[%swap3A_196, %swap3A_197], %exp3A_181 {strides = array<i32>} : memref<200x128xf32, #tpu.memory_space<vmem>>, vector<16xf32>,
          %add3A_199 = arith.constant 100 : i32
          %add3A_200 = arith.addi %scan3A_153, %add3A_199 : i32
          %swap3A_201 = arith.index_cast %add3A_200 : i32 to index
          %swap3A_202 = arith.constant 16 : index
          %swap3A_203 = tpu.vector_load %arg8[%swap3A_201, %swap3A_202] {strides = array<i32>} : memref<200x128xf32, #tpu.memory_space<vmem>>, vector<16xf32>,
          tpu.vector_store %arg8[%swap3A_201, %swap3A_202], %exp3A_187 {strides = array<i32>} : memref<200x128xf32, #tpu.memory_space<vmem>>, vector<16xf32>,
          %get3A_204 = arith.index_cast %scan3A_153 : i32 to index
          %get3A_205 = arith.constant 32 : index
          %get3A_206 = tpu.vector_load %arg6[%get3A_204, %get3A_205] {strides = array<i32>} : memref<200x128xf32, #tpu.memory_space<vmem>>, vector<16xf32>,
          %exp3A_207 = math.exp %get3A_206 : vector<16xf32>
          %add3A_208 = arith.constant 100 : i32
          %add3A_209 = arith.addi %scan3A_153, %add3A_208 : i32
          %get3A_210 = arith.index_cast %add3A_209 : i32 to index
          %get3A_211 = arith.constant 32 : index
          %get3A_212 = tpu.vector_load %arg6[%get3A_210, %get3A_211] {strides = array<i32>} : memref<200x128xf32, #tpu.memory_space<vmem>>, vector<16xf32>,
          %exp3A_213 = math.exp %get3A_212 : vector<16xf32>
          %get3A_214 = arith.index_cast %scan3A_153 : i32 to index
          %get3A_215 = arith.constant 32 : index
          %get3A_216 = tpu.vector_load %arg9[%get3A_214, %get3A_215] {strides = array<i32>} : memref<104x128xf32, #tpu.memory_space<vmem>>, vector<16xf32>,
          %add3A_217 = arith.addf %exp3A_207, %exp3A_213 : vector<16xf32>
          %add3A_218 = arith.addf %get3A_216, %add3A_217 : vector<16xf32>
          %swap3A_219 = arith.index_cast %scan3A_153 : i32 to index
          %swap3A_220 = arith.constant 32 : index
          %swap3A_221 = tpu.vector_load %arg9[%swap3A_219, %swap3A_220] {strides = array<i32>} : memref<104x128xf32, #tpu.memory_space<vmem>>, vector<16xf32>,
          tpu.vector_store %arg9[%swap3A_219, %swap3A_220], %add3A_218 {strides = array<i32>} : memref<104x128xf32, #tpu.memory_space<vmem>>, vector<16xf32>,
          %swap3A_222 = arith.index_cast %scan3A_153 : i32 to index
          %swap3A_223 = arith.constant 32 : index
          %swap3A_224 = tpu.vector_load %arg8[%swap3A_222, %swap3A_223] {strides = array<i32>} : memref<200x128xf32, #tpu.memory_space<vmem>>, vector<16xf32>,
          tpu.vector_store %arg8[%swap3A_222, %swap3A_223], %exp3A_207 {strides = array<i32>} : memref<200x128xf32, #tpu.memory_space<vmem>>, vector<16xf32>,
          %add3A_225 = arith.constant 100 : i32
          %add3A_226 = arith.addi %scan3A_153, %add3A_225 : i32
          %swap3A_227 = arith.index_cast %add3A_226 : i32 to index
          %swap3A_228 = arith.constant 32 : index
          %swap3A_229 = tpu.vector_load %arg8[%swap3A_227, %swap3A_228] {strides = array<i32>} : memref<200x128xf32, #tpu.memory_space<vmem>>, vector<16xf32>,
          tpu.vector_store %arg8[%swap3A_227, %swap3A_228], %exp3A_213 {strides = array<i32>} : memref<200x128xf32, #tpu.memory_space<vmem>>, vector<16xf32>,
          %get3A_230 = arith.index_cast %scan3A_153 : i32 to index
          %get3A_231 = arith.constant 48 : index
          %get3A_232 = tpu.vector_load %arg6[%get3A_230, %get3A_231] {strides = array<i32>} : memref<200x128xf32, #tpu.memory_space<vmem>>, vector<16xf32>,
          %exp3A_233 = math.exp %get3A_232 : vector<16xf32>
          %add3A_234 = arith.constant 100 : i32
          %add3A_235 = arith.addi %scan3A_153, %add3A_234 : i32
          %get3A_236 = arith.index_cast %add3A_235 : i32 to index
          %get3A_237 = arith.constant 48 : index
          %get3A_238 = tpu.vector_load %arg6[%get3A_236, %get3A_237] {strides = array<i32>} : memref<200x128xf32, #tpu.memory_space<vmem>>, vector<16xf32>,
          %exp3A_239 = math.exp %get3A_238 : vector<16xf32>
          %get3A_240 = arith.index_cast %scan3A_153 : i32 to index
          %get3A_241 = arith.constant 48 : index
          %get3A_242 = tpu.vector_load %arg9[%get3A_240, %get3A_241] {strides = array<i32>} : memref<104x128xf32, #tpu.memory_space<vmem>>, vector<16xf32>,
          %add3A_243 = arith.addf %exp3A_233, %exp3A_239 : vector<16xf32>
          %add3A_244 = arith.addf %get3A_242, %add3A_243 : vector<16xf32>
          %swap3A_245 = arith.index_cast %scan3A_153 : i32 to index
          %swap3A_246 = arith.constant 48 : index
          %swap3A_247 = tpu.vector_load %arg9[%swap3A_245, %swap3A_246] {strides = array<i32>} : memref<104x128xf32, #tpu.memory_space<vmem>>, vector<16xf32>,
          tpu.vector_store %arg9[%swap3A_245, %swap3A_246], %add3A_244 {strides = array<i32>} : memref<104x128xf32, #tpu.memory_space<vmem>>, vector<16xf32>,
          %swap3A_248 = arith.index_cast %scan3A_153 : i32 to index
          %swap3A_249 = arith.constant 48 : index
          %swap3A_250 = tpu.vector_load %arg8[%swap3A_248, %swap3A_249] {strides = array<i32>} : memref<200x128xf32, #tpu.memory_space<vmem>>, vector<16xf32>,
          tpu.vector_store %arg8[%swap3A_248, %swap3A_249], %exp3A_233 {strides = array<i32>} : memref<200x128xf32, #tpu.memory_space<vmem>>, vector<16xf32>,
          %add3A_251 = arith.constant 100 : i32
          %add3A_252 = arith.addi %scan3A_153, %add3A_251 : i32
          %swap3A_253 = arith.index_cast %add3A_252 : i32 to index
          %swap3A_254 = arith.constant 48 : index
          %swap3A_255 = tpu.vector_load %arg8[%swap3A_253, %swap3A_254] {strides = array<i32>} : memref<200x128xf32, #tpu.memory_space<vmem>>, vector<16xf32>,
          tpu.vector_store %arg8[%swap3A_253, %swap3A_254], %exp3A_239 {strides = array<i32>} : memref<200x128xf32, #tpu.memory_space<vmem>>, vector<16xf32>,
          %get3A_256 = arith.index_cast %scan3A_153 : i32 to index
          %get3A_257 = arith.constant 64 : index
          %get3A_258 = tpu.vector_load %arg6[%get3A_256, %get3A_257] {strides = array<i32>} : memref<200x128xf32, #tpu.memory_space<vmem>>, vector<16xf32>,
          %exp3A_259 = math.exp %get3A_258 : vector<16xf32>
          %add3A_260 = arith.constant 100 : i32
          %add3A_261 = arith.addi %scan3A_153, %add3A_260 : i32
          %get3A_262 = arith.index_cast %add3A_261 : i32 to index
          %get3A_263 = arith.constant 64 : index
          %get3A_264 = tpu.vector_load %arg6[%get3A_262, %get3A_263] {strides = array<i32>} : memref<200x128xf32, #tpu.memory_space<vmem>>, vector<16xf32>,
          %exp3A_265 = math.exp %get3A_264 : vector<16xf32>
          %get3A_266 = arith.index_cast %scan3A_153 : i32 to index
          %get3A_267 = arith.constant 64 : index
          %get3A_268 = tpu.vector_load %arg9[%get3A_266, %get3A_267] {strides = array<i32>} : memref<104x128xf32, #tpu.memory_space<vmem>>, vector<16xf32>,
          %add3A_269 = arith.addf %exp3A_259, %exp3A_265 : vector<16xf32>
          %add3A_270 = arith.addf %get3A_268, %add3A_269 : vector<16xf32>
          %swap3A_271 = arith.index_cast %scan3A_153 : i32 to index
          %swap3A_272 = arith.constant 64 : index
          %swap3A_273 = tpu.vector_load %arg9[%swap3A_271, %swap3A_272] {strides = array<i32>} : memref<104x128xf32, #tpu.memory_space<vmem>>, vector<16xf32>,
          tpu.vector_store %arg9[%swap3A_271, %swap3A_272], %add3A_270 {strides = array<i32>} : memref<104x128xf32, #tpu.memory_space<vmem>>, vector<16xf32>,
          %swap3A_274 = arith.index_cast %scan3A_153 : i32 to index
          %swap3A_275 = arith.constant 64 : index
          %swap3A_276 = tpu.vector_load %arg8[%swap3A_274, %swap3A_275] {strides = array<i32>} : memref<200x128xf32, #tpu.memory_space<vmem>>, vector<16xf32>,
          tpu.vector_store %arg8[%swap3A_274, %swap3A_275], %exp3A_259 {strides = array<i32>} : memref<200x128xf32, #tpu.memory_space<vmem>>, vector<16xf32>,
          %add3A_277 = arith.constant 100 : i32
          %add3A_278 = arith.addi %scan3A_153, %add3A_277 : i32
          %swap3A_279 = arith.index_cast %add3A_278 : i32 to index
          %swap3A_280 = arith.constant 64 : index
          %swap3A_281 = tpu.vector_load %arg8[%swap3A_279, %swap3A_280] {strides = array<i32>} : memref<200x128xf32, #tpu.memory_space<vmem>>, vector<16xf32>,
          tpu.vector_store %arg8[%swap3A_279, %swap3A_280], %exp3A_265 {strides = array<i32>} : memref<200x128xf32, #tpu.memory_space<vmem>>, vector<16xf32>,
          %get3A_282 = arith.index_cast %scan3A_153 : i32 to index
          %get3A_283 = arith.constant 80 : index
          %get3A_284 = tpu.vector_load %arg6[%get3A_282, %get3A_283] {strides = array<i32>} : memref<200x128xf32, #tpu.memory_space<vmem>>, vector<16xf32>,
          %exp3A_285 = math.exp %get3A_284 : vector<16xf32>
          %add3A_286 = arith.constant 100 : i32
          %add3A_287 = arith.addi %scan3A_153, %add3A_286 : i32
          %get3A_288 = arith.index_cast %add3A_287 : i32 to index
          %get3A_289 = arith.constant 80 : index
          %get3A_290 = tpu.vector_load %arg6[%get3A_288, %get3A_289] {strides = array<i32>} : memref<200x128xf32, #tpu.memory_space<vmem>>, vector<16xf32>,
          %exp3A_291 = math.exp %get3A_290 : vector<16xf32>
          %get3A_292 = arith.index_cast %scan3A_153 : i32 to index
          %get3A_293 = arith.constant 80 : index
          %get3A_294 = tpu.vector_load %arg9[%get3A_292, %get3A_293] {strides = array<i32>} : memref<104x128xf32, #tpu.memory_space<vmem>>, vector<16xf32>,
          %add3A_295 = arith.addf %exp3A_285, %exp3A_291 : vector<16xf32>
          %add3A_296 = arith.addf %get3A_294, %add3A_295 : vector<16xf32>
          %swap3A_297 = arith.index_cast %scan3A_153 : i32 to index
          %swap3A_298 = arith.constant 80 : index
          %swap3A_299 = tpu.vector_load %arg9[%swap3A_297, %swap3A_298] {strides = array<i32>} : memref<104x128xf32, #tpu.memory_space<vmem>>, vector<16xf32>,
          tpu.vector_store %arg9[%swap3A_297, %swap3A_298], %add3A_296 {strides = array<i32>} : memref<104x128xf32, #tpu.memory_space<vmem>>, vector<16xf32>,
          %swap3A_300 = arith.index_cast %scan3A_153 : i32 to index
          %swap3A_301 = arith.constant 80 : index
          %swap3A_302 = tpu.vector_load %arg8[%swap3A_300, %swap3A_301] {strides = array<i32>} : memref<200x128xf32, #tpu.memory_space<vmem>>, vector<16xf32>,
          tpu.vector_store %arg8[%swap3A_300, %swap3A_301], %exp3A_285 {strides = array<i32>} : memref<200x128xf32, #tpu.memory_space<vmem>>, vector<16xf32>,
          %add3A_303 = arith.constant 100 : i32
          %add3A_304 = arith.addi %scan3A_153, %add3A_303 : i32
          %swap3A_305 = arith.index_cast %add3A_304 : i32 to index
          %swap3A_306 = arith.constant 80 : index
          %swap3A_307 = tpu.vector_load %arg8[%swap3A_305, %swap3A_306] {strides = array<i32>} : memref<200x128xf32, #tpu.memory_space<vmem>>, vector<16xf32>,
          tpu.vector_store %arg8[%swap3A_305, %swap3A_306], %exp3A_291 {strides = array<i32>} : memref<200x128xf32, #tpu.memory_space<vmem>>, vector<16xf32>,
          %get3A_308 = arith.index_cast %scan3A_153 : i32 to index
          %get3A_309 = arith.constant 96 : index
          %get3A_310 = tpu.vector_load %arg6[%get3A_308, %get3A_309] {strides = array<i32>} : memref<200x128xf32, #tpu.memory_space<vmem>>, vector<16xf32>,
          %exp3A_311 = math.exp %get3A_310 : vector<16xf32>
          %add3A_312 = arith.constant 100 : i32
          %add3A_313 = arith.addi %scan3A_153, %add3A_312 : i32
          %get3A_314 = arith.index_cast %add3A_313 : i32 to index
          %get3A_315 = arith.constant 96 : index
          %get3A_316 = tpu.vector_load %arg6[%get3A_314, %get3A_315] {strides = array<i32>} : memref<200x128xf32, #tpu.memory_space<vmem>>, vector<16xf32>,
          %exp3A_317 = math.exp %get3A_316 : vector<16xf32>
          %get3A_318 = arith.index_cast %scan3A_153 : i32 to index
          %get3A_319 = arith.constant 96 : index
          %get3A_320 = tpu.vector_load %arg9[%get3A_318, %get3A_319] {strides = array<i32>} : memref<104x128xf32, #tpu.memory_space<vmem>>, vector<16xf32>,
          %add3A_321 = arith.addf %exp3A_311, %exp3A_317 : vector<16xf32>
          %add3A_322 = arith.addf %get3A_320, %add3A_321 : vector<16xf32>
          %swap3A_323 = arith.index_cast %scan3A_153 : i32 to index
          %swap3A_324 = arith.constant 96 : index
          %swap3A_325 = tpu.vector_load %arg9[%swap3A_323, %swap3A_324] {strides = array<i32>} : memref<104x128xf32, #tpu.memory_space<vmem>>, vector<16xf32>,
          tpu.vector_store %arg9[%swap3A_323, %swap3A_324], %add3A_322 {strides = array<i32>} : memref<104x128xf32, #tpu.memory_space<vmem>>, vector<16xf32>,
          %swap3A_326 = arith.index_cast %scan3A_153 : i32 to index
          %swap3A_327 = arith.constant 96 : index
          %swap3A_328 = tpu.vector_load %arg8[%swap3A_326, %swap3A_327] {strides = array<i32>} : memref<200x128xf32, #tpu.memory_space<vmem>>, vector<16xf32>,
          tpu.vector_store %arg8[%swap3A_326, %swap3A_327], %exp3A_311 {strides = array<i32>} : memref<200x128xf32, #tpu.memory_space<vmem>>, vector<16xf32>,
          %add3A_329 = arith.constant 100 : i32
          %add3A_330 = arith.addi %scan3A_153, %add3A_329 : i32
          %swap3A_331 = arith.index_cast %add3A_330 : i32 to index
          %swap3A_332 = arith.constant 96 : index
          %swap3A_333 = tpu.vector_load %arg8[%swap3A_331, %swap3A_332] {strides = array<i32>} : memref<200x128xf32, #tpu.memory_space<vmem>>, vector<16xf32>,
          tpu.vector_store %arg8[%swap3A_331, %swap3A_332], %exp3A_317 {strides = array<i32>} : memref<200x128xf32, #tpu.memory_space<vmem>>, vector<16xf32>,
          %get3A_334 = arith.index_cast %scan3A_153 : i32 to index
          %get3A_335 = arith.constant 112 : index
          %get3A_336 = tpu.vector_load %arg6[%get3A_334, %get3A_335] {strides = array<i32>} : memref<200x128xf32, #tpu.memory_space<vmem>>, vector<16xf32>,
          %exp3A_337 = math.exp %get3A_336 : vector<16xf32>
          %add3A_338 = arith.constant 100 : i32
          %add3A_339 = arith.addi %scan3A_153, %add3A_338 : i32
          %get3A_340 = arith.index_cast %add3A_339 : i32 to index
          %get3A_341 = arith.constant 112 : index
          %get3A_342 = tpu.vector_load %arg6[%get3A_340, %get3A_341] {strides = array<i32>} : memref<200x128xf32, #tpu.memory_space<vmem>>, vector<16xf32>,
          %exp3A_343 = math.exp %get3A_342 : vector<16xf32>
          %get3A_344 = arith.index_cast %scan3A_153 : i32 to index
          %get3A_345 = arith.constant 112 : index
          %get3A_346 = tpu.vector_load %arg9[%get3A_344, %get3A_345] {strides = array<i32>} : memref<104x128xf32, #tpu.memory_space<vmem>>, vector<16xf32>,
          %add3A_347 = arith.addf %exp3A_337, %exp3A_343 : vector<16xf32>
          %add3A_348 = arith.addf %get3A_346, %add3A_347 : vector<16xf32>
          %swap3A_349 = arith.index_cast %scan3A_153 : i32 to index
          %swap3A_350 = arith.constant 112 : index
          %swap3A_351 = tpu.vector_load %arg9[%swap3A_349, %swap3A_350] {strides = array<i32>} : memref<104x128xf32, #tpu.memory_space<vmem>>, vector<16xf32>,
          tpu.vector_store %arg9[%swap3A_349, %swap3A_350], %add3A_348 {strides = array<i32>} : memref<104x128xf32, #tpu.memory_space<vmem>>, vector<16xf32>,
          %swap3A_352 = arith.index_cast %scan3A_153 : i32 to index
          %swap3A_353 = arith.constant 112 : index
          %swap3A_354 = tpu.vector_load %arg8[%swap3A_352, %swap3A_353] {strides = array<i32>} : memref<200x128xf32, #tpu.memory_space<vmem>>, vector<16xf32>,
          tpu.vector_store %arg8[%swap3A_352, %swap3A_353], %exp3A_337 {strides = array<i32>} : memref<200x128xf32, #tpu.memory_space<vmem>>, vector<16xf32>,
          %add3A_355 = arith.constant 100 : i32
          %add3A_356 = arith.addi %scan3A_153, %add3A_355 : i32
          %swap3A_357 = arith.index_cast %add3A_356 : i32 to index
          %swap3A_358 = arith.constant 112 : index
          %swap3A_359 = tpu.vector_load %arg8[%swap3A_357, %swap3A_358] {strides = array<i32>} : memref<200x128xf32, #tpu.memory_space<vmem>>, vector<16xf32>,
          tpu.vector_store %arg8[%swap3A_357, %swap3A_358], %exp3A_343 {strides = array<i32>} : memref<200x128xf32, #tpu.memory_space<vmem>>, vector<16xf32>,
        }
        %scan3A_139 = arith.constant 100 : i32
        %add3A_140 = arith.constant 2 : i32
        %add3A_141 = arith.addi %add3A_92, %add3A_140 : i32
        %lt3A_142 = arith.cmpi slt, %add3A_141, %select_n3A : i32
        %convert_element_type3A_143 = arith.extui %lt3A_142 : i1 to i32
        %cond3A_144 = arith.constant 0 : i32
        %cond3A_145 = arith.cmpi ne, %convert_element_type3A_143, %cond3A_144 : i32
        scf.if %cond3A_145 {
          %add3A_153 = arith.constant 2 : i32
          %add3A_154 = arith.addi %add3A_92, %add3A_153 : i32
          %mul3A_155 = arith.constant 32 : i32
          %mul3A_156 = arith.muli %add3A_154, %mul3A_155 : i32
          %add3A_157 = arith.addi %add3A, %mul3A_156 : i32
          %mul3A_158 = arith.constant 2 : i32
          %mul3A_159 = arith.muli %mul3A_158, %add3A_157 : i32
          %dma_start3A_160 = arith.constant 0 : i32
          %dma_start3A_161 = arith.constant 0 : i32
          %dma_start3A_162 = tpu.memref_slice %arg6[%dma_start3A_160, %dma_start3A_161] : memref<200x128xf32, #tpu.memory_space<vmem>> -> memref<100x128xf32, #tpu.memory_space<vmem>>
          %dma_start3A_163 = arith.constant 0 : i32
          %dma_start3A_164 = arith.constant 0 : i32
          %dma_start3A_165 = tpu.memref_slice %arg2[%mul3A_159, %dma_start3A_163, %dma_start3A_164] : memref<1000x100x128xf32, #tpu.memory_space<hbm>> -> memref<1x100x128xf32, #tpu.memory_space<hbm>>
          %dma_start3A_166 = tpu.memref_squeeze %dma_start3A_165 : memref<1x100x128xf32, #tpu.memory_space<hbm>> -> memref<100x128xf32, #tpu.memory_space<hbm>>
          %dma_start3A_167 = arith.constant 0 : i32
          %dma_start3A_168 = arith.constant 0 : i32
          %dma_start3A_169 = tpu.memref_slice %arg6[%dma_start3A_167, %dma_start3A_168] : memref<200x128xf32, #tpu.memory_space<vmem>> -> memref<100x128xf32, #tpu.memory_space<vmem>>
          %dma_start3A_170 = arith.constant 0 : i32
          %dma_start3A_171 = arith.constant 0 : i32
          %dma_start3A_172 = tpu.memref_slice %arg2[%mul3A_159, %dma_start3A_170, %dma_start3A_171] : memref<1000x100x128xf32, #tpu.memory_space<hbm>> -> memref<1x100x128xf32, #tpu.memory_space<hbm>>
          %dma_start3A_173 = tpu.memref_squeeze %dma_start3A_172 : memref<1x100x128xf32, #tpu.memory_space<hbm>> -> memref<100x128xf32, #tpu.memory_space<hbm>>
          tpu.enqueue_dma source(%dma_start3A_173 : memref<100x128xf32, #tpu.memory_space<hbm>>) target(%dma_start3A_169 : memref<100x128xf32, #tpu.memory_space<vmem>>) target_semaphore(%arg13 : memref<!tpu.dma_semaphore, #tpu.memory_space<semaphore_mem>>)
          %mul3A_174 = arith.constant 2 : i32
          %mul3A_175 = arith.muli %mul3A_174, %add3A_157 : i32
          %add3A_176 = arith.constant 1 : i32
          %add3A_177 = arith.addi %mul3A_175, %add3A_176 : i32
          %dma_start3A_178 = arith.constant 100 : i32
          %dma_start3A_179 = arith.constant 0 : i32
          %dma_start3A_180 = tpu.memref_slice %arg6[%dma_start3A_178, %dma_start3A_179] : memref<200x128xf32, #tpu.memory_space<vmem>> -> memref<100x128xf32, #tpu.memory_space<vmem>>
          %dma_start3A_181 = arith.constant 0 : i32
          %dma_start3A_182 = arith.constant 0 : i32
          %dma_start3A_183 = tpu.memref_slice %arg2[%add3A_177, %dma_start3A_181, %dma_start3A_182] : memref<1000x100x128xf32, #tpu.memory_space<hbm>> -> memref<1x100x128xf32, #tpu.memory_space<hbm>>
          %dma_start3A_184 = tpu.memref_squeeze %dma_start3A_183 : memref<1x100x128xf32, #tpu.memory_space<hbm>> -> memref<100x128xf32, #tpu.memory_space<hbm>>
          %dma_start3A_185 = arith.constant 100 : i32
          %dma_start3A_186 = arith.constant 0 : i32
          %dma_start3A_187 = tpu.memref_slice %arg6[%dma_start3A_185, %dma_start3A_186] : memref<200x128xf32, #tpu.memory_space<vmem>> -> memref<100x128xf32, #tpu.memory_space<vmem>>
          %dma_start3A_188 = arith.constant 0 : i32
          %dma_start3A_189 = arith.constant 0 : i32
          %dma_start3A_190 = tpu.memref_slice %arg2[%add3A_177, %dma_start3A_188, %dma_start3A_189] : memref<1000x100x128xf32, #tpu.memory_space<hbm>> -> memref<1x100x128xf32, #tpu.memory_space<hbm>>
          %dma_start3A_191 = tpu.memref_squeeze %dma_start3A_190 : memref<1x100x128xf32, #tpu.memory_space<hbm>> -> memref<100x128xf32, #tpu.memory_space<hbm>>
          tpu.enqueue_dma source(%dma_start3A_191 : memref<100x128xf32, #tpu.memory_space<hbm>>) target(%dma_start3A_187 : memref<100x128xf32, #tpu.memory_space<vmem>>) target_semaphore(%arg13 : memref<!tpu.dma_semaphore, #tpu.memory_space<semaphore_mem>>)
        } else {
        }
        %mul3A_146 = arith.constant 2 : i32
        %mul3A_147 = arith.muli %add3A_99, %mul3A_146 : i32
        %mul3A_148 = arith.constant 100 : i32
        %mul3A_149 = arith.muli %mul3A_147, %mul3A_148 : i32
        %dma_start3A = arith.constant 0 : i32
        %dma_start3A_150 = tpu.memref_slice %arg3[%mul3A_149, %dma_start3A] : memref<100000x128xf32, #tpu.memory_space<hbm>> -> memref<200x128xf32, #tpu.memory_space<hbm>>
        %dma_start3A_151 = arith.constant 0 : i32
        %dma_start3A_152 = tpu.memref_slice %arg3[%mul3A_149, %dma_start3A_151] : memref<100000x128xf32, #tpu.memory_space<hbm>> -> memref<200x128xf32, #tpu.memory_space<hbm>>
        tpu.enqueue_dma source(%arg8 : memref<200x128xf32, #tpu.memory_space<vmem>>) target(%dma_start3A_152 : memref<200x128xf32, #tpu.memory_space<hbm>>) target_semaphore(%arg15 : memref<!tpu.dma_semaphore, #tpu.memory_space<semaphore_mem>>)
      } else {
      }
    }
    %scan3A_54 = arith.constant 8 : i32
    %dma_wait3A = arith.constant 0 : i32
    %dma_wait3A_55 = arith.constant 0 : i32
    %dma_wait3A_56 = tpu.memref_slice %arg3[%dma_wait3A, %dma_wait3A_55] : memref<100000x128xf32, #tpu.memory_space<hbm>> -> memref<200x128xf32, #tpu.memory_space<hbm>>
    %dma_wait3A_57 = arith.constant 0 : i32
    %dma_wait3A_58 = arith.constant 0 : i32
    %dma_wait3A_59 = tpu.memref_slice %arg3[%dma_wait3A_57, %dma_wait3A_58] : memref<100000x128xf32, #tpu.memory_space<hbm>> -> memref<200x128xf32, #tpu.memory_space<hbm>>
    tpu.wait_dma2 semaphore(%arg14 : memref<!tpu.dma_semaphore, #tpu.memory_space<semaphore_mem>>) src(%arg7 : memref<200x128xf32, #tpu.memory_space<vmem>>) dst(%dma_wait3A_59 : memref<200x128xf32, #tpu.memory_space<hbm>>)
    %dma_wait3A_60 = arith.constant 0 : i32
    %dma_wait3A_61 = arith.constant 0 : i32
    %dma_wait3A_62 = tpu.memref_slice %arg3[%dma_wait3A_60, %dma_wait3A_61] : memref<100000x128xf32, #tpu.memory_space<hbm>> -> memref<200x128xf32, #tpu.memory_space<hbm>>
    %dma_wait3A_63 = arith.constant 0 : i32
    %dma_wait3A_64 = arith.constant 0 : i32
    %dma_wait3A_65 = tpu.memref_slice %arg3[%dma_wait3A_63, %dma_wait3A_64] : memref<100000x128xf32, #tpu.memory_space<hbm>> -> memref<200x128xf32, #tpu.memory_space<hbm>>
    tpu.wait_dma2 semaphore(%arg15 : memref<!tpu.dma_semaphore, #tpu.memory_space<semaphore_mem>>) src(%arg8 : memref<200x128xf32, #tpu.memory_space<vmem>>) dst(%dma_wait3A_65 : memref<200x128xf32, #tpu.memory_space<hbm>>)
    %eq3A = arith.constant 0 : i32
    %eq3A_66 = arith.cmpi eq, %arg1, %eq3A : i32
    %convert_element_type3A_67 = arith.extui %eq3A_66 : i1 to i32
    %cond3A_68 = arith.constant 0 : i32
    %cond3A_69 = arith.cmpi ne, %convert_element_type3A_67, %cond3A_68 : i32
    scf.if %cond3A_69 {
      "tpu.region"() ({
        %run_scoped3A = tpu.sem_alloc : memref<!tpu.dma_semaphore, #tpu.memory_space<semaphore_mem>>
        tpu.enqueue_dma source(%arg9 : memref<104x128xf32, #tpu.memory_space<vmem>>) target(%arg10 : memref<104x128xf32, #tpu.memory_space<vmem_shared>>) target_semaphore(%run_scoped3A : memref<!tpu.dma_semaphore, #tpu.memory_space<semaphore_mem>>)
        tpu.wait_dma2 semaphore(%run_scoped3A : memref<!tpu.dma_semaphore, #tpu.memory_space<semaphore_mem>>) src(%arg9 : memref<104x128xf32, #tpu.memory_space<vmem>>) dst(%arg10 : memref<104x128xf32, #tpu.memory_space<vmem_shared>>)
        tpu.yield
      }) : () -> ()
    } else {
    }
    %barrier3A = arith.constant 0 : index
    tpu.barrier barrier_id(%barrier3A)
    %ne3A = arith.constant 0 : i32
    %ne3A_70 = arith.cmpi ne, %arg1, %ne3A : i32
    %convert_element_type3A_71 = arith.extui %ne3A_70 : i1 to i32
    %cond3A_72 = arith.constant 0 : i32
    %cond3A_73 = arith.cmpi ne, %convert_element_type3A_71, %cond3A_72 : i32
    scf.if %cond3A_73 {
      "tpu.region"() ({
        %run_scoped3A = tpu.sem_alloc : memref<!tpu.dma_semaphore, #tpu.memory_space<semaphore_mem>>
        %dma_start3A = arith.constant 0 : i32
        %dma_start3A_80 = arith.constant 0 : i32
        %dma_start3A_81 = tpu.memref_slice %arg10[%dma_start3A, %dma_start3A_80] : memref<104x128xf32, #tpu.memory_space<vmem_shared>> -> memref<104x128xf32, #tpu.memory_space<vmem_shared>>
        tpu.enqueue_indirect_dma source(%arg9 : memref<104x128xf32, #tpu.memory_space<vmem>>) target(%dma_start3A_81 : memref<104x128xf32, #tpu.memory_space<vmem_shared>>) offsets(%arg11 : memref<104xi32, #tpu.memory_space<vmem>>) semaphore(%run_scoped3A : memref<!tpu.dma_semaphore, #tpu.memory_space<semaphore_mem>>) {add = true}
        %dma_wait3A_82 = arith.constant 0 : i32
        %dma_wait3A_83 = arith.constant 0 : i32
        %dma_wait3A_84 = tpu.memref_slice %arg10[%dma_wait3A_82, %dma_wait3A_83] : memref<104x128xf32, #tpu.memory_space<vmem_shared>> -> memref<104x128xf32, #tpu.memory_space<vmem_shared>>
        tpu.wait_indirect_dma semaphore(%run_scoped3A : memref<!tpu.dma_semaphore, #tpu.memory_space<semaphore_mem>>) src(%arg9 : memref<104x128xf32, #tpu.memory_space<vmem>>) dst(%dma_wait3A_84 : memref<104x128xf32, #tpu.memory_space<vmem_shared>>)
        tpu.yield
      }) : () -> ()
    } else {
    }
    %barrier3A_74 = arith.constant 0 : index
    tpu.barrier barrier_id(%barrier3A_74)
    %eq3A_75 = arith.constant 0 : i32
    %eq3A_76 = arith.cmpi eq, %arg1, %eq3A_75 : i32
    %convert_element_type3A_77 = arith.extui %eq3A_76 : i1 to i32
    %cond3A_78 = arith.constant 0 : i32
    %cond3A_79 = arith.cmpi ne, %convert_element_type3A_77, %cond3A_78 : i32
    scf.if %cond3A_79 {
      "tpu.region"() ({
        %run_scoped3A = tpu.sem_alloc : memref<!tpu.dma_semaphore, #tpu.memory_space<semaphore_mem>>
        %dma_start3A = arith.constant 0 : i32
        %dma_start3A_80 = arith.constant 0 : i32
        %dma_start3A_81 = tpu.memref_slice %arg4[%arg0, %dma_start3A, %dma_start3A_80] : memref<2x104x128xf32, #tpu.memory_space<hbm>> -> memref<1x104x128xf32, #tpu.memory_space<hbm>>
        %dma_start3A_82 = tpu.memref_squeeze %dma_start3A_81 : memref<1x104x128xf32, #tpu.memory_space<hbm>> -> memref<104x128xf32, #tpu.memory_space<hbm>>
        tpu.enqueue_dma source(%arg10 : memref<104x128xf32, #tpu.memory_space<vmem_shared>>) target(%dma_start3A_82 : memref<104x128xf32, #tpu.memory_space<hbm>>) target_semaphore(%run_scoped3A : memref<!tpu.dma_semaphore, #tpu.memory_space<semaphore_mem>>)
        %dma_wait3A_83 = arith.constant 0 : i32
        %dma_wait3A_84 = arith.constant 0 : i32
        %dma_wait3A_85 = tpu.memref_slice %arg4[%arg0, %dma_wait3A_83, %dma_wait3A_84] : memref<2x104x128xf32, #tpu.memory_space<hbm>> -> memref<1x104x128xf32, #tpu.memory_space<hbm>>
        %dma_wait3A_86 = tpu.memref_squeeze %dma_wait3A_85 : memref<1x104x128xf32, #tpu.memory_space<hbm>> -> memref<104x128xf32, #tpu.memory_space<hbm>>
        tpu.wait_dma2 semaphore(%run_scoped3A : memref<!tpu.dma_semaphore, #tpu.memory_space<semaphore_mem>>) src(%arg10 : memref<104x128xf32, #tpu.memory_space<vmem_shared>>) dst(%dma_wait3A_86 : memref<104x128xf32, #tpu.memory_space<hbm>>)
        tpu.yield
      }) : () -> ()
    } else {
    }
    return
  }
}

#map = affine_map<(d0, d1) -> (0, 0)>
#map1 = affine_map<(d0, d1) -> (0)>
#map2 = affine_map<(d0, d1) -> (0, 0, 0)>
module attributes {stable_mosaic.version = 14 : i64} {
  func.func @_k2_body(%arg0: i32, %arg1: i32, %arg2: memref<100000x128xf32, #tpu.memory_space<hbm>>, %arg3: memref<16384xi32, #tpu.memory_space<hbm>>, %arg4: memref<16384xi32, #tpu.memory_space<hbm>>, %arg5: memref<2x104x128xf32, #tpu.memory_space<hbm>>, %arg6: memref<16384x128xf32, #tpu.memory_space<hbm>>, %arg7: memref<512xi32, #tpu.memory_space<vmem>>, %arg8: memref<512xi32, #tpu.memory_space<vmem>>, %arg9: memref<4x128xi32, #tpu.memory_space<vmem>>, %arg10: memref<4x128xi32, #tpu.memory_space<vmem>>, %arg11: memref<4x128xi32, #tpu.memory_space<vmem>>, %arg12: memref<128x128xf32, #tpu.memory_space<vmem>>, %arg13: memref<128x128xf32, #tpu.memory_space<vmem>>, %arg14: memref<128x128xf32, #tpu.memory_space<vmem>>, %arg15: memref<128x128xf32, #tpu.memory_space<vmem>>, %arg16: memref<128x128xf32, #tpu.memory_space<vmem>>, %arg17: memref<128x128xf32, #tpu.memory_space<vmem>>, %arg18: memref<!tpu.dma_semaphore, #tpu.memory_space<semaphore_mem>>, %arg19: memref<!tpu.dma_semaphore, #tpu.memory_space<semaphore_mem>>, %arg20: memref<!tpu.dma_semaphore, #tpu.memory_space<semaphore_mem>>, %arg21: memref<!tpu.dma_semaphore, #tpu.memory_space<semaphore_mem>>, %arg22: memref<!tpu.dma_semaphore, #tpu.memory_space<semaphore_mem>>, %arg23: memref<!tpu.dma_semaphore, #tpu.memory_space<semaphore_mem>>) attributes {dimension_semantics = [#tpu.dimension_semantics<core_parallel>, #tpu.dimension_semantics<subcore_parallel>], iteration_bounds = array<i64: 2, 16>, scalar_prefetch = 0 : i64, scratch_operands = 17 : i64, tpu.core_type = #tpu.core_type<sc_vector_subcore>, window_params = [{transform_indices = #map}, {transform_indices = #map1}, {transform_indices = #map1}, {transform_indices = #map2}, {transform_indices = #map}]} {
    %mul3A = arith.constant 2 : i32
    %mul3A_0 = arith.muli %arg1, %mul3A : i32
    %add3A = arith.addi %mul3A_0, %arg0 : i32
    %mul3A_1 = arith.constant 512 : i32
    %mul3A_2 = arith.muli %add3A, %mul3A_1 : i32
    "tpu.region"() ({
      %run_scoped3A = tpu.sem_alloc : memref<!tpu.dma_semaphore, #tpu.memory_space<semaphore_mem>>
      %dma_start3A_990 = tpu.memref_slice %arg3[%mul3A_2] : memref<16384xi32, #tpu.memory_space<hbm>> -> memref<512xi32, #tpu.memory_space<hbm>>
      %dma_start3A_991 = tpu.memref_slice %arg3[%mul3A_2] : memref<16384xi32, #tpu.memory_space<hbm>> -> memref<512xi32, #tpu.memory_space<hbm>>
      tpu.enqueue_dma source(%dma_start3A_991 : memref<512xi32, #tpu.memory_space<hbm>>) target(%arg7 : memref<512xi32, #tpu.memory_space<vmem>>) target_semaphore(%run_scoped3A : memref<!tpu.dma_semaphore, #tpu.memory_space<semaphore_mem>>)
      %dma_wait3A_992 = tpu.memref_slice %arg3[%mul3A_2] : memref<16384xi32, #tpu.memory_space<hbm>> -> memref<512xi32, #tpu.memory_space<hbm>>
      %dma_wait3A_993 = tpu.memref_slice %arg3[%mul3A_2] : memref<16384xi32, #tpu.memory_space<hbm>> -> memref<512xi32, #tpu.memory_space<hbm>>
      tpu.wait_dma2 semaphore(%run_scoped3A : memref<!tpu.dma_semaphore, #tpu.memory_space<semaphore_mem>>) src(%dma_wait3A_993 : memref<512xi32, #tpu.memory_space<hbm>>) dst(%arg7 : memref<512xi32, #tpu.memory_space<vmem>>)
      tpu.yield
    }) : () -> ()
    "tpu.region"() ({
      %run_scoped3A = tpu.sem_alloc : memref<!tpu.dma_semaphore, #tpu.memory_space<semaphore_mem>>
      %dma_start3A_990 = tpu.memref_slice %arg4[%mul3A_2] : memref<16384xi32, #tpu.memory_space<hbm>> -> memref<512xi32, #tpu.memory_space<hbm>>
      %dma_start3A_991 = tpu.memref_slice %arg4[%mul3A_2] : memref<16384xi32, #tpu.memory_space<hbm>> -> memref<512xi32, #tpu.memory_space<hbm>>
      tpu.enqueue_dma source(%dma_start3A_991 : memref<512xi32, #tpu.memory_space<hbm>>) target(%arg8 : memref<512xi32, #tpu.memory_space<vmem>>) target_semaphore(%run_scoped3A : memref<!tpu.dma_semaphore, #tpu.memory_space<semaphore_mem>>)
      %dma_wait3A_992 = tpu.memref_slice %arg4[%mul3A_2] : memref<16384xi32, #tpu.memory_space<hbm>> -> memref<512xi32, #tpu.memory_space<hbm>>
      %dma_wait3A_993 = tpu.memref_slice %arg4[%mul3A_2] : memref<16384xi32, #tpu.memory_space<hbm>> -> memref<512xi32, #tpu.memory_space<hbm>>
      tpu.wait_dma2 semaphore(%run_scoped3A : memref<!tpu.dma_semaphore, #tpu.memory_space<semaphore_mem>>) src(%dma_wait3A_993 : memref<512xi32, #tpu.memory_space<hbm>>) dst(%arg8 : memref<512xi32, #tpu.memory_space<vmem>>)
      tpu.yield
    }) : () -> ()
    %get3A = arith.constant 0 : index
    %get3A_3 = tpu.vector_load %arg8[%get3A] {strides = array<i32>} : memref<512xi32, #tpu.memory_space<vmem>>, vector<16xi32>,
    %swap3A = arith.constant 0 : i32
    %swap3A_4 = arith.index_cast %swap3A : i32 to index
    %swap3A_5 = arith.constant 0 : index
    %swap3A_6 = tpu.vector_load %arg9[%swap3A_4, %swap3A_5] {strides = array<i32>} : memref<4x128xi32, #tpu.memory_space<vmem>>, vector<16xi32>,
    tpu.vector_store %arg9[%swap3A_4, %swap3A_5], %get3A_3 {strides = array<i32>} : memref<4x128xi32, #tpu.memory_space<vmem>>, vector<16xi32>,
    %get3A_7 = arith.constant 0 : index
    %get3A_8 = tpu.vector_load %arg7[%get3A_7] {strides = array<i32>} : memref<512xi32, #tpu.memory_space<vmem>>, vector<16xi32>,
    %mul3A_9 = arith.constant 100 : i32
    %mul3A_10 = vector.broadcast %mul3A_9 : i32 to vector<16xi32>
    %mul3A_11 = arith.muli %get3A_8, %mul3A_10 : vector<16xi32>
    %add3A_12 = arith.addi %mul3A_11, %get3A_3 : vector<16xi32>
    %swap3A_13 = arith.constant 0 : i32
    %swap3A_14 = arith.index_cast %swap3A_13 : i32 to index
    %swap3A_15 = arith.constant 0 : index
    %swap3A_16 = tpu.vector_load %arg10[%swap3A_14, %swap3A_15] {strides = array<i32>} : memref<4x128xi32, #tpu.memory_space<vmem>>, vector<16xi32>,
    tpu.vector_store %arg10[%swap3A_14, %swap3A_15], %add3A_12 {strides = array<i32>} : memref<4x128xi32, #tpu.memory_space<vmem>>, vector<16xi32>,
    %add3A_17 = arith.constant 104 : i32
    %add3A_18 = vector.broadcast %add3A_17 : i32 to vector<16xi32>
    %add3A_19 = arith.addi %get3A_3, %add3A_18 : vector<16xi32>
    %swap3A_20 = arith.constant 0 : i32
    %swap3A_21 = arith.index_cast %swap3A_20 : i32 to index
    %swap3A_22 = arith.constant 0 : index
    %swap3A_23 = tpu.vector_load %arg11[%swap3A_21, %swap3A_22] {strides = array<i32>} : memref<4x128xi32, #tpu.memory_space<vmem>>, vector<16xi32>,
    tpu.vector_store %arg11[%swap3A_21, %swap3A_22], %add3A_19 {strides = array<i32>} : memref<4x128xi32, #tpu.memory_space<vmem>>, vector<16xi32>,
    %get3A_24 = arith.constant 16 : index
    %get3A_25 = tpu.vector_load %arg8[%get3A_24] {strides = array<i32>} : memref<512xi32, #tpu.memory_space<vmem>>, vector<16xi32>,
    %swap3A_26 = arith.constant 0 : i32
    %swap3A_27 = arith.index_cast %swap3A_26 : i32 to index
    %swap3A_28 = arith.constant 16 : index
    %swap3A_29 = tpu.vector_load %arg9[%swap3A_27, %swap3A_28] {strides = array<i32>} : memref<4x128xi32, #tpu.memory_space<vmem>>, vector<16xi32>,
    tpu.vector_store %arg9[%swap3A_27, %swap3A_28], %get3A_25 {strides = array<i32>} : memref<4x128xi32, #tpu.memory_space<vmem>>, vector<16xi32>,
    %get3A_30 = arith.constant 16 : index
    %get3A_31 = tpu.vector_load %arg7[%get3A_30] {strides = array<i32>} : memref<512xi32, #tpu.memory_space<vmem>>, vector<16xi32>,
    %mul3A_32 = arith.constant 100 : i32
    %mul3A_33 = vector.broadcast %mul3A_32 : i32 to vector<16xi32>
    %mul3A_34 = arith.muli %get3A_31, %mul3A_33 : vector<16xi32>
    %add3A_35 = arith.addi %mul3A_34, %get3A_25 : vector<16xi32>
    %swap3A_36 = arith.constant 0 : i32
    %swap3A_37 = arith.index_cast %swap3A_36 : i32 to index
    %swap3A_38 = arith.constant 16 : index
    %swap3A_39 = tpu.vector_load %arg10[%swap3A_37, %swap3A_38] {strides = array<i32>} : memref<4x128xi32, #tpu.memory_space<vmem>>, vector<16xi32>,
    tpu.vector_store %arg10[%swap3A_37, %swap3A_38], %add3A_35 {strides = array<i32>} : memref<4x128xi32, #tpu.memory_space<vmem>>, vector<16xi32>,
    %add3A_40 = arith.constant 104 : i32
    %add3A_41 = vector.broadcast %add3A_40 : i32 to vector<16xi32>
    %add3A_42 = arith.addi %get3A_25, %add3A_41 : vector<16xi32>
    %swap3A_43 = arith.constant 0 : i32
    %swap3A_44 = arith.index_cast %swap3A_43 : i32 to index
    %swap3A_45 = arith.constant 16 : index
    %swap3A_46 = tpu.vector_load %arg11[%swap3A_44, %swap3A_45] {strides = array<i32>} : memref<4x128xi32, #tpu.memory_space<vmem>>, vector<16xi32>,
    tpu.vector_store %arg11[%swap3A_44, %swap3A_45], %add3A_42 {strides = array<i32>} : memref<4x128xi32, #tpu.memory_space<vmem>>, vector<16xi32>,
    %get3A_47 = arith.constant 32 : index
    %get3A_48 = tpu.vector_load %arg8[%get3A_47] {strides = array<i32>} : memref<512xi32, #tpu.memory_space<vmem>>, vector<16xi32>,
    %swap3A_49 = arith.constant 0 : i32
    %swap3A_50 = arith.index_cast %swap3A_49 : i32 to index
    %swap3A_51 = arith.constant 32 : index
    %swap3A_52 = tpu.vector_load %arg9[%swap3A_50, %swap3A_51] {strides = array<i32>} : memref<4x128xi32, #tpu.memory_space<vmem>>, vector<16xi32>,
    tpu.vector_store %arg9[%swap3A_50, %swap3A_51], %get3A_48 {strides = array<i32>} : memref<4x128xi32, #tpu.memory_space<vmem>>, vector<16xi32>,
    %get3A_53 = arith.constant 32 : index
    %get3A_54 = tpu.vector_load %arg7[%get3A_53] {strides = array<i32>} : memref<512xi32, #tpu.memory_space<vmem>>, vector<16xi32>,
    %mul3A_55 = arith.constant 100 : i32
    %mul3A_56 = vector.broadcast %mul3A_55 : i32 to vector<16xi32>
    %mul3A_57 = arith.muli %get3A_54, %mul3A_56 : vector<16xi32>
    %add3A_58 = arith.addi %mul3A_57, %get3A_48 : vector<16xi32>
    %swap3A_59 = arith.constant 0 : i32
    %swap3A_60 = arith.index_cast %swap3A_59 : i32 to index
    %swap3A_61 = arith.constant 32 : index
    %swap3A_62 = tpu.vector_load %arg10[%swap3A_60, %swap3A_61] {strides = array<i32>} : memref<4x128xi32, #tpu.memory_space<vmem>>, vector<16xi32>,
    tpu.vector_store %arg10[%swap3A_60, %swap3A_61], %add3A_58 {strides = array<i32>} : memref<4x128xi32, #tpu.memory_space<vmem>>, vector<16xi32>,
    %add3A_63 = arith.constant 104 : i32
    %add3A_64 = vector.broadcast %add3A_63 : i32 to vector<16xi32>
    %add3A_65 = arith.addi %get3A_48, %add3A_64 : vector<16xi32>
    %swap3A_66 = arith.constant 0 : i32
    %swap3A_67 = arith.index_cast %swap3A_66 : i32 to index
    %swap3A_68 = arith.constant 32 : index
    %swap3A_69 = tpu.vector_load %arg11[%swap3A_67, %swap3A_68] {strides = array<i32>} : memref<4x128xi32, #tpu.memory_space<vmem>>, vector<16xi32>,
    tpu.vector_store %arg11[%swap3A_67, %swap3A_68], %add3A_65 {strides = array<i32>} : memref<4x128xi32, #tpu.memory_space<vmem>>, vector<16xi32>,
    %get3A_70 = arith.constant 48 : index
    %get3A_71 = tpu.vector_load %arg8[%get3A_70] {strides = array<i32>} : memref<512xi32, #tpu.memory_space<vmem>>, vector<16xi32>,
    %swap3A_72 = arith.constant 0 : i32
    %swap3A_73 = arith.index_cast %swap3A_72 : i32 to index
    %swap3A_74 = arith.constant 48 : index
    %swap3A_75 = tpu.vector_load %arg9[%swap3A_73, %swap3A_74] {strides = array<i32>} : memref<4x128xi32, #tpu.memory_space<vmem>>, vector<16xi32>,
    tpu.vector_store %arg9[%swap3A_73, %swap3A_74], %get3A_71 {strides = array<i32>} : memref<4x128xi32, #tpu.memory_space<vmem>>, vector<16xi32>,
    %get3A_76 = arith.constant 48 : index
    %get3A_77 = tpu.vector_load %arg7[%get3A_76] {strides = array<i32>} : memref<512xi32, #tpu.memory_space<vmem>>, vector<16xi32>,
    %mul3A_78 = arith.constant 100 : i32
    %mul3A_79 = vector.broadcast %mul3A_78 : i32 to vector<16xi32>
    %mul3A_80 = arith.muli %get3A_77, %mul3A_79 : vector<16xi32>
    %add3A_81 = arith.addi %mul3A_80, %get3A_71 : vector<16xi32>
    %swap3A_82 = arith.constant 0 : i32
    %swap3A_83 = arith.index_cast %swap3A_82 : i32 to index
    %swap3A_84 = arith.constant 48 : index
    %swap3A_85 = tpu.vector_load %arg10[%swap3A_83, %swap3A_84] {strides = array<i32>} : memref<4x128xi32, #tpu.memory_space<vmem>>, vector<16xi32>,
    tpu.vector_store %arg10[%swap3A_83, %swap3A_84], %add3A_81 {strides = array<i32>} : memref<4x128xi32, #tpu.memory_space<vmem>>, vector<16xi32>,
    %add3A_86 = arith.constant 104 : i32
    %add3A_87 = vector.broadcast %add3A_86 : i32 to vector<16xi32>
    %add3A_88 = arith.addi %get3A_71, %add3A_87 : vector<16xi32>
    %swap3A_89 = arith.constant 0 : i32
    %swap3A_90 = arith.index_cast %swap3A_89 : i32 to index
    %swap3A_91 = arith.constant 48 : index
    %swap3A_92 = tpu.vector_load %arg11[%swap3A_90, %swap3A_91] {strides = array<i32>} : memref<4x128xi32, #tpu.memory_space<vmem>>, vector<16xi32>,
    tpu.vector_store %arg11[%swap3A_90, %swap3A_91], %add3A_88 {strides = array<i32>} : memref<4x128xi32, #tpu.memory_space<vmem>>, vector<16xi32>,
    %get3A_93 = arith.constant 64 : index
    %get3A_94 = tpu.vector_load %arg8[%get3A_93] {strides = array<i32>} : memref<512xi32, #tpu.memory_space<vmem>>, vector<16xi32>,
    %swap3A_95 = arith.constant 0 : i32
    %swap3A_96 = arith.index_cast %swap3A_95 : i32 to index
    %swap3A_97 = arith.constant 64 : index
    %swap3A_98 = tpu.vector_load %arg9[%swap3A_96, %swap3A_97] {strides = array<i32>} : memref<4x128xi32, #tpu.memory_space<vmem>>, vector<16xi32>,
    tpu.vector_store %arg9[%swap3A_96, %swap3A_97], %get3A_94 {strides = array<i32>} : memref<4x128xi32, #tpu.memory_space<vmem>>, vector<16xi32>,
    %get3A_99 = arith.constant 64 : index
    %get3A_100 = tpu.vector_load %arg7[%get3A_99] {strides = array<i32>} : memref<512xi32, #tpu.memory_space<vmem>>, vector<16xi32>,
    %mul3A_101 = arith.constant 100 : i32
    %mul3A_102 = vector.broadcast %mul3A_101 : i32 to vector<16xi32>
    %mul3A_103 = arith.muli %get3A_100, %mul3A_102 : vector<16xi32>
    %add3A_104 = arith.addi %mul3A_103, %get3A_94 : vector<16xi32>
    %swap3A_105 = arith.constant 0 : i32
    %swap3A_106 = arith.index_cast %swap3A_105 : i32 to index
    %swap3A_107 = arith.constant 64 : index
    %swap3A_108 = tpu.vector_load %arg10[%swap3A_106, %swap3A_107] {strides = array<i32>} : memref<4x128xi32, #tpu.memory_space<vmem>>, vector<16xi32>,
    tpu.vector_store %arg10[%swap3A_106, %swap3A_107], %add3A_104 {strides = array<i32>} : memref<4x128xi32, #tpu.memory_space<vmem>>, vector<16xi32>,
    %add3A_109 = arith.constant 104 : i32
    %add3A_110 = vector.broadcast %add3A_109 : i32 to vector<16xi32>
    %add3A_111 = arith.addi %get3A_94, %add3A_110 : vector<16xi32>
    %swap3A_112 = arith.constant 0 : i32
    %swap3A_113 = arith.index_cast %swap3A_112 : i32 to index
    %swap3A_114 = arith.constant 64 : index
    %swap3A_115 = tpu.vector_load %arg11[%swap3A_113, %swap3A_114] {strides = array<i32>} : memref<4x128xi32, #tpu.memory_space<vmem>>, vector<16xi32>,
    tpu.vector_store %arg11[%swap3A_113, %swap3A_114], %add3A_111 {strides = array<i32>} : memref<4x128xi32, #tpu.memory_space<vmem>>, vector<16xi32>,
    %get3A_116 = arith.constant 80 : index
    %get3A_117 = tpu.vector_load %arg8[%get3A_116] {strides = array<i32>} : memref<512xi32, #tpu.memory_space<vmem>>, vector<16xi32>,
    %swap3A_118 = arith.constant 0 : i32
    %swap3A_119 = arith.index_cast %swap3A_118 : i32 to index
    %swap3A_120 = arith.constant 80 : index
    %swap3A_121 = tpu.vector_load %arg9[%swap3A_119, %swap3A_120] {strides = array<i32>} : memref<4x128xi32, #tpu.memory_space<vmem>>, vector<16xi32>,
    tpu.vector_store %arg9[%swap3A_119, %swap3A_120], %get3A_117 {strides = array<i32>} : memref<4x128xi32, #tpu.memory_space<vmem>>, vector<16xi32>,
    %get3A_122 = arith.constant 80 : index
    %get3A_123 = tpu.vector_load %arg7[%get3A_122] {strides = array<i32>} : memref<512xi32, #tpu.memory_space<vmem>>, vector<16xi32>,
    %mul3A_124 = arith.constant 100 : i32
    %mul3A_125 = vector.broadcast %mul3A_124 : i32 to vector<16xi32>
    %mul3A_126 = arith.muli %get3A_123, %mul3A_125 : vector<16xi32>
    %add3A_127 = arith.addi %mul3A_126, %get3A_117 : vector<16xi32>
    %swap3A_128 = arith.constant 0 : i32
    %swap3A_129 = arith.index_cast %swap3A_128 : i32 to index
    %swap3A_130 = arith.constant 80 : index
    %swap3A_131 = tpu.vector_load %arg10[%swap3A_129, %swap3A_130] {strides = array<i32>} : memref<4x128xi32, #tpu.memory_space<vmem>>, vector<16xi32>,
    tpu.vector_store %arg10[%swap3A_129, %swap3A_130], %add3A_127 {strides = array<i32>} : memref<4x128xi32, #tpu.memory_space<vmem>>, vector<16xi32>,
    %add3A_132 = arith.constant 104 : i32
    %add3A_133 = vector.broadcast %add3A_132 : i32 to vector<16xi32>
    %add3A_134 = arith.addi %get3A_117, %add3A_133 : vector<16xi32>
    %swap3A_135 = arith.constant 0 : i32
    %swap3A_136 = arith.index_cast %swap3A_135 : i32 to index
    %swap3A_137 = arith.constant 80 : index
    %swap3A_138 = tpu.vector_load %arg11[%swap3A_136, %swap3A_137] {strides = array<i32>} : memref<4x128xi32, #tpu.memory_space<vmem>>, vector<16xi32>,
    tpu.vector_store %arg11[%swap3A_136, %swap3A_137], %add3A_134 {strides = array<i32>} : memref<4x128xi32, #tpu.memory_space<vmem>>, vector<16xi32>,
    %get3A_139 = arith.constant 96 : index
    %get3A_140 = tpu.vector_load %arg8[%get3A_139] {strides = array<i32>} : memref<512xi32, #tpu.memory_space<vmem>>, vector<16xi32>,
    %swap3A_141 = arith.constant 0 : i32
    %swap3A_142 = arith.index_cast %swap3A_141 : i32 to index
    %swap3A_143 = arith.constant 96 : index
    %swap3A_144 = tpu.vector_load %arg9[%swap3A_142, %swap3A_143] {strides = array<i32>} : memref<4x128xi32, #tpu.memory_space<vmem>>, vector<16xi32>,
    tpu.vector_store %arg9[%swap3A_142, %swap3A_143], %get3A_140 {strides = array<i32>} : memref<4x128xi32, #tpu.memory_space<vmem>>, vector<16xi32>,
    %get3A_145 = arith.constant 96 : index
    %get3A_146 = tpu.vector_load %arg7[%get3A_145] {strides = array<i32>} : memref<512xi32, #tpu.memory_space<vmem>>, vector<16xi32>,
    %mul3A_147 = arith.constant 100 : i32
    %mul3A_148 = vector.broadcast %mul3A_147 : i32 to vector<16xi32>
    %mul3A_149 = arith.muli %get3A_146, %mul3A_148 : vector<16xi32>
    %add3A_150 = arith.addi %mul3A_149, %get3A_140 : vector<16xi32>
    %swap3A_151 = arith.constant 0 : i32
    %swap3A_152 = arith.index_cast %swap3A_151 : i32 to index
    %swap3A_153 = arith.constant 96 : index
    %swap3A_154 = tpu.vector_load %arg10[%swap3A_152, %swap3A_153] {strides = array<i32>} : memref<4x128xi32, #tpu.memory_space<vmem>>, vector<16xi32>,
    tpu.vector_store %arg10[%swap3A_152, %swap3A_153], %add3A_150 {strides = array<i32>} : memref<4x128xi32, #tpu.memory_space<vmem>>, vector<16xi32>,
    %add3A_155 = arith.constant 104 : i32
    %add3A_156 = vector.broadcast %add3A_155 : i32 to vector<16xi32>
    %add3A_157 = arith.addi %get3A_140, %add3A_156 : vector<16xi32>
    %swap3A_158 = arith.constant 0 : i32
    %swap3A_159 = arith.index_cast %swap3A_158 : i32 to index
    %swap3A_160 = arith.constant 96 : index
    %swap3A_161 = tpu.vector_load %arg11[%swap3A_159, %swap3A_160] {strides = array<i32>} : memref<4x128xi32, #tpu.memory_space<vmem>>, vector<16xi32>,
    tpu.vector_store %arg11[%swap3A_159, %swap3A_160], %add3A_157 {strides = array<i32>} : memref<4x128xi32, #tpu.memory_space<vmem>>, vector<16xi32>,
    %get3A_162 = arith.constant 112 : index
    %get3A_163 = tpu.vector_load %arg8[%get3A_162] {strides = array<i32>} : memref<512xi32, #tpu.memory_space<vmem>>, vector<16xi32>,
    %swap3A_164 = arith.constant 0 : i32
    %swap3A_165 = arith.index_cast %swap3A_164 : i32 to index
    %swap3A_166 = arith.constant 112 : index
    %swap3A_167 = tpu.vector_load %arg9[%swap3A_165, %swap3A_166] {strides = array<i32>} : memref<4x128xi32, #tpu.memory_space<vmem>>, vector<16xi32>,
    tpu.vector_store %arg9[%swap3A_165, %swap3A_166], %get3A_163 {strides = array<i32>} : memref<4x128xi32, #tpu.memory_space<vmem>>, vector<16xi32>,
    %get3A_168 = arith.constant 112 : index
    %get3A_169 = tpu.vector_load %arg7[%get3A_168] {strides = array<i32>} : memref<512xi32, #tpu.memory_space<vmem>>, vector<16xi32>,
    %mul3A_170 = arith.constant 100 : i32
    %mul3A_171 = vector.broadcast %mul3A_170 : i32 to vector<16xi32>
    %mul3A_172 = arith.muli %get3A_169, %mul3A_171 : vector<16xi32>
    %add3A_173 = arith.addi %mul3A_172, %get3A_163 : vector<16xi32>
    %swap3A_174 = arith.constant 0 : i32
    %swap3A_175 = arith.index_cast %swap3A_174 : i32 to index
    %swap3A_176 = arith.constant 112 : index
    %swap3A_177 = tpu.vector_load %arg10[%swap3A_175, %swap3A_176] {strides = array<i32>} : memref<4x128xi32, #tpu.memory_space<vmem>>, vector<16xi32>,
    tpu.vector_store %arg10[%swap3A_175, %swap3A_176], %add3A_173 {strides = array<i32>} : memref<4x128xi32, #tpu.memory_space<vmem>>, vector<16xi32>,
    %add3A_178 = arith.constant 104 : i32
    %add3A_179 = vector.broadcast %add3A_178 : i32 to vector<16xi32>
    %add3A_180 = arith.addi %get3A_163, %add3A_179 : vector<16xi32>
    %swap3A_181 = arith.constant 0 : i32
    %swap3A_182 = arith.index_cast %swap3A_181 : i32 to index
    %swap3A_183 = arith.constant 112 : index
    %swap3A_184 = tpu.vector_load %arg11[%swap3A_182, %swap3A_183] {strides = array<i32>} : memref<4x128xi32, #tpu.memory_space<vmem>>, vector<16xi32>,
    tpu.vector_store %arg11[%swap3A_182, %swap3A_183], %add3A_180 {strides = array<i32>} : memref<4x128xi32, #tpu.memory_space<vmem>>, vector<16xi32>,
    %get3A_185 = arith.constant 128 : index
    %get3A_186 = tpu.vector_load %arg8[%get3A_185] {strides = array<i32>} : memref<512xi32, #tpu.memory_space<vmem>>, vector<16xi32>,
    %swap3A_187 = arith.constant 1 : i32
    %swap3A_188 = arith.index_cast %swap3A_187 : i32 to index
    %swap3A_189 = arith.constant 0 : index
    %swap3A_190 = tpu.vector_load %arg9[%swap3A_188, %swap3A_189] {strides = array<i32>} : memref<4x128xi32, #tpu.memory_space<vmem>>, vector<16xi32>,
    tpu.vector_store %arg9[%swap3A_188, %swap3A_189], %get3A_186 {strides = array<i32>} : memref<4x128xi32, #tpu.memory_space<vmem>>, vector<16xi32>,
    %get3A_191 = arith.constant 128 : index
    %get3A_192 = tpu.vector_load %arg7[%get3A_191] {strides = array<i32>} : memref<512xi32, #tpu.memory_space<vmem>>, vector<16xi32>,
    %mul3A_193 = arith.constant 100 : i32
    %mul3A_194 = vector.broadcast %mul3A_193 : i32 to vector<16xi32>
    %mul3A_195 = arith.muli %get3A_192, %mul3A_194 : vector<16xi32>
    %add3A_196 = arith.addi %mul3A_195, %get3A_186 : vector<16xi32>
    %swap3A_197 = arith.constant 1 : i32
    %swap3A_198 = arith.index_cast %swap3A_197 : i32 to index
    %swap3A_199 = arith.constant 0 : index
    %swap3A_200 = tpu.vector_load %arg10[%swap3A_198, %swap3A_199] {strides = array<i32>} : memref<4x128xi32, #tpu.memory_space<vmem>>, vector<16xi32>,
    tpu.vector_store %arg10[%swap3A_198, %swap3A_199], %add3A_196 {strides = array<i32>} : memref<4x128xi32, #tpu.memory_space<vmem>>, vector<16xi32>,
    %add3A_201 = arith.constant 104 : i32
    %add3A_202 = vector.broadcast %add3A_201 : i32 to vector<16xi32>
    %add3A_203 = arith.addi %get3A_186, %add3A_202 : vector<16xi32>
    %swap3A_204 = arith.constant 1 : i32
    %swap3A_205 = arith.index_cast %swap3A_204 : i32 to index
    %swap3A_206 = arith.constant 0 : index
    %swap3A_207 = tpu.vector_load %arg11[%swap3A_205, %swap3A_206] {strides = array<i32>} : memref<4x128xi32, #tpu.memory_space<vmem>>, vector<16xi32>,
    tpu.vector_store %arg11[%swap3A_205, %swap3A_206], %add3A_203 {strides = array<i32>} : memref<4x128xi32, #tpu.memory_space<vmem>>, vector<16xi32>,
    %get3A_208 = arith.constant 144 : index
    %get3A_209 = tpu.vector_load %arg8[%get3A_208] {strides = array<i32>} : memref<512xi32, #tpu.memory_space<vmem>>, vector<16xi32>,
    %swap3A_210 = arith.constant 1 : i32
    %swap3A_211 = arith.index_cast %swap3A_210 : i32 to index
    %swap3A_212 = arith.constant 16 : index
    %swap3A_213 = tpu.vector_load %arg9[%swap3A_211, %swap3A_212] {strides = array<i32>} : memref<4x128xi32, #tpu.memory_space<vmem>>, vector<16xi32>,
    tpu.vector_store %arg9[%swap3A_211, %swap3A_212], %get3A_209 {strides = array<i32>} : memref<4x128xi32, #tpu.memory_space<vmem>>, vector<16xi32>,
    %get3A_214 = arith.constant 144 : index
    %get3A_215 = tpu.vector_load %arg7[%get3A_214] {strides = array<i32>} : memref<512xi32, #tpu.memory_space<vmem>>, vector<16xi32>,
    %mul3A_216 = arith.constant 100 : i32
    %mul3A_217 = vector.broadcast %mul3A_216 : i32 to vector<16xi32>
    %mul3A_218 = arith.muli %get3A_215, %mul3A_217 : vector<16xi32>
    %add3A_219 = arith.addi %mul3A_218, %get3A_209 : vector<16xi32>
    %swap3A_220 = arith.constant 1 : i32
    %swap3A_221 = arith.index_cast %swap3A_220 : i32 to index
    %swap3A_222 = arith.constant 16 : index
    %swap3A_223 = tpu.vector_load %arg10[%swap3A_221, %swap3A_222] {strides = array<i32>} : memref<4x128xi32, #tpu.memory_space<vmem>>, vector<16xi32>,
    tpu.vector_store %arg10[%swap3A_221, %swap3A_222], %add3A_219 {strides = array<i32>} : memref<4x128xi32, #tpu.memory_space<vmem>>, vector<16xi32>,
    %add3A_224 = arith.constant 104 : i32
    %add3A_225 = vector.broadcast %add3A_224 : i32 to vector<16xi32>
    %add3A_226 = arith.addi %get3A_209, %add3A_225 : vector<16xi32>
    %swap3A_227 = arith.constant 1 : i32
    %swap3A_228 = arith.index_cast %swap3A_227 : i32 to index
    %swap3A_229 = arith.constant 16 : index
    %swap3A_230 = tpu.vector_load %arg11[%swap3A_228, %swap3A_229] {strides = array<i32>} : memref<4x128xi32, #tpu.memory_space<vmem>>, vector<16xi32>,
    tpu.vector_store %arg11[%swap3A_228, %swap3A_229], %add3A_226 {strides = array<i32>} : memref<4x128xi32, #tpu.memory_space<vmem>>, vector<16xi32>,
    %get3A_231 = arith.constant 160 : index
    %get3A_232 = tpu.vector_load %arg8[%get3A_231] {strides = array<i32>} : memref<512xi32, #tpu.memory_space<vmem>>, vector<16xi32>,
    %swap3A_233 = arith.constant 1 : i32
    %swap3A_234 = arith.index_cast %swap3A_233 : i32 to index
    %swap3A_235 = arith.constant 32 : index
    %swap3A_236 = tpu.vector_load %arg9[%swap3A_234, %swap3A_235] {strides = array<i32>} : memref<4x128xi32, #tpu.memory_space<vmem>>, vector<16xi32>,
    tpu.vector_store %arg9[%swap3A_234, %swap3A_235], %get3A_232 {strides = array<i32>} : memref<4x128xi32, #tpu.memory_space<vmem>>, vector<16xi32>,
    %get3A_237 = arith.constant 160 : index
    %get3A_238 = tpu.vector_load %arg7[%get3A_237] {strides = array<i32>} : memref<512xi32, #tpu.memory_space<vmem>>, vector<16xi32>,
    %mul3A_239 = arith.constant 100 : i32
    %mul3A_240 = vector.broadcast %mul3A_239 : i32 to vector<16xi32>
    %mul3A_241 = arith.muli %get3A_238, %mul3A_240 : vector<16xi32>
    %add3A_242 = arith.addi %mul3A_241, %get3A_232 : vector<16xi32>
    %swap3A_243 = arith.constant 1 : i32
    %swap3A_244 = arith.index_cast %swap3A_243 : i32 to index
    %swap3A_245 = arith.constant 32 : index
    %swap3A_246 = tpu.vector_load %arg10[%swap3A_244, %swap3A_245] {strides = array<i32>} : memref<4x128xi32, #tpu.memory_space<vmem>>, vector<16xi32>,
    tpu.vector_store %arg10[%swap3A_244, %swap3A_245], %add3A_242 {strides = array<i32>} : memref<4x128xi32, #tpu.memory_space<vmem>>, vector<16xi32>,
    %add3A_247 = arith.constant 104 : i32
    %add3A_248 = vector.broadcast %add3A_247 : i32 to vector<16xi32>
    %add3A_249 = arith.addi %get3A_232, %add3A_248 : vector<16xi32>
    %swap3A_250 = arith.constant 1 : i32
    %swap3A_251 = arith.index_cast %swap3A_250 : i32 to index
    %swap3A_252 = arith.constant 32 : index
    %swap3A_253 = tpu.vector_load %arg11[%swap3A_251, %swap3A_252] {strides = array<i32>} : memref<4x128xi32, #tpu.memory_space<vmem>>, vector<16xi32>,
    tpu.vector_store %arg11[%swap3A_251, %swap3A_252], %add3A_249 {strides = array<i32>} : memref<4x128xi32, #tpu.memory_space<vmem>>, vector<16xi32>,
    %get3A_254 = arith.constant 176 : index
    %get3A_255 = tpu.vector_load %arg8[%get3A_254] {strides = array<i32>} : memref<512xi32, #tpu.memory_space<vmem>>, vector<16xi32>,
    %swap3A_256 = arith.constant 1 : i32
    %swap3A_257 = arith.index_cast %swap3A_256 : i32 to index
    %swap3A_258 = arith.constant 48 : index
    %swap3A_259 = tpu.vector_load %arg9[%swap3A_257, %swap3A_258] {strides = array<i32>} : memref<4x128xi32, #tpu.memory_space<vmem>>, vector<16xi32>,
    tpu.vector_store %arg9[%swap3A_257, %swap3A_258], %get3A_255 {strides = array<i32>} : memref<4x128xi32, #tpu.memory_space<vmem>>, vector<16xi32>,
    %get3A_260 = arith.constant 176 : index
    %get3A_261 = tpu.vector_load %arg7[%get3A_260] {strides = array<i32>} : memref<512xi32, #tpu.memory_space<vmem>>, vector<16xi32>,
    %mul3A_262 = arith.constant 100 : i32
    %mul3A_263 = vector.broadcast %mul3A_262 : i32 to vector<16xi32>
    %mul3A_264 = arith.muli %get3A_261, %mul3A_263 : vector<16xi32>
    %add3A_265 = arith.addi %mul3A_264, %get3A_255 : vector<16xi32>
    %swap3A_266 = arith.constant 1 : i32
    %swap3A_267 = arith.index_cast %swap3A_266 : i32 to index
    %swap3A_268 = arith.constant 48 : index
    %swap3A_269 = tpu.vector_load %arg10[%swap3A_267, %swap3A_268] {strides = array<i32>} : memref<4x128xi32, #tpu.memory_space<vmem>>, vector<16xi32>,
    tpu.vector_store %arg10[%swap3A_267, %swap3A_268], %add3A_265 {strides = array<i32>} : memref<4x128xi32, #tpu.memory_space<vmem>>, vector<16xi32>,
    %add3A_270 = arith.constant 104 : i32
    %add3A_271 = vector.broadcast %add3A_270 : i32 to vector<16xi32>
    %add3A_272 = arith.addi %get3A_255, %add3A_271 : vector<16xi32>
    %swap3A_273 = arith.constant 1 : i32
    %swap3A_274 = arith.index_cast %swap3A_273 : i32 to index
    %swap3A_275 = arith.constant 48 : index
    %swap3A_276 = tpu.vector_load %arg11[%swap3A_274, %swap3A_275] {strides = array<i32>} : memref<4x128xi32, #tpu.memory_space<vmem>>, vector<16xi32>,
    tpu.vector_store %arg11[%swap3A_274, %swap3A_275], %add3A_272 {strides = array<i32>} : memref<4x128xi32, #tpu.memory_space<vmem>>, vector<16xi32>,
    %get3A_277 = arith.constant 192 : index
    %get3A_278 = tpu.vector_load %arg8[%get3A_277] {strides = array<i32>} : memref<512xi32, #tpu.memory_space<vmem>>, vector<16xi32>,
    %swap3A_279 = arith.constant 1 : i32
    %swap3A_280 = arith.index_cast %swap3A_279 : i32 to index
    %swap3A_281 = arith.constant 64 : index
    %swap3A_282 = tpu.vector_load %arg9[%swap3A_280, %swap3A_281] {strides = array<i32>} : memref<4x128xi32, #tpu.memory_space<vmem>>, vector<16xi32>,
    tpu.vector_store %arg9[%swap3A_280, %swap3A_281], %get3A_278 {strides = array<i32>} : memref<4x128xi32, #tpu.memory_space<vmem>>, vector<16xi32>,
    %get3A_283 = arith.constant 192 : index
    %get3A_284 = tpu.vector_load %arg7[%get3A_283] {strides = array<i32>} : memref<512xi32, #tpu.memory_space<vmem>>, vector<16xi32>,
    %mul3A_285 = arith.constant 100 : i32
    %mul3A_286 = vector.broadcast %mul3A_285 : i32 to vector<16xi32>
    %mul3A_287 = arith.muli %get3A_284, %mul3A_286 : vector<16xi32>
    %add3A_288 = arith.addi %mul3A_287, %get3A_278 : vector<16xi32>
    %swap3A_289 = arith.constant 1 : i32
    %swap3A_290 = arith.index_cast %swap3A_289 : i32 to index
    %swap3A_291 = arith.constant 64 : index
    %swap3A_292 = tpu.vector_load %arg10[%swap3A_290, %swap3A_291] {strides = array<i32>} : memref<4x128xi32, #tpu.memory_space<vmem>>, vector<16xi32>,
    tpu.vector_store %arg10[%swap3A_290, %swap3A_291], %add3A_288 {strides = array<i32>} : memref<4x128xi32, #tpu.memory_space<vmem>>, vector<16xi32>,
    %add3A_293 = arith.constant 104 : i32
    %add3A_294 = vector.broadcast %add3A_293 : i32 to vector<16xi32>
    %add3A_295 = arith.addi %get3A_278, %add3A_294 : vector<16xi32>
    %swap3A_296 = arith.constant 1 : i32
    %swap3A_297 = arith.index_cast %swap3A_296 : i32 to index
    %swap3A_298 = arith.constant 64 : index
    %swap3A_299 = tpu.vector_load %arg11[%swap3A_297, %swap3A_298] {strides = array<i32>} : memref<4x128xi32, #tpu.memory_space<vmem>>, vector<16xi32>,
    tpu.vector_store %arg11[%swap3A_297, %swap3A_298], %add3A_295 {strides = array<i32>} : memref<4x128xi32, #tpu.memory_space<vmem>>, vector<16xi32>,
    %get3A_300 = arith.constant 208 : index
    %get3A_301 = tpu.vector_load %arg8[%get3A_300] {strides = array<i32>} : memref<512xi32, #tpu.memory_space<vmem>>, vector<16xi32>,
    %swap3A_302 = arith.constant 1 : i32
    %swap3A_303 = arith.index_cast %swap3A_302 : i32 to index
    %swap3A_304 = arith.constant 80 : index
    %swap3A_305 = tpu.vector_load %arg9[%swap3A_303, %swap3A_304] {strides = array<i32>} : memref<4x128xi32, #tpu.memory_space<vmem>>, vector<16xi32>,
    tpu.vector_store %arg9[%swap3A_303, %swap3A_304], %get3A_301 {strides = array<i32>} : memref<4x128xi32, #tpu.memory_space<vmem>>, vector<16xi32>,
    %get3A_306 = arith.constant 208 : index
    %get3A_307 = tpu.vector_load %arg7[%get3A_306] {strides = array<i32>} : memref<512xi32, #tpu.memory_space<vmem>>, vector<16xi32>,
    %mul3A_308 = arith.constant 100 : i32
    %mul3A_309 = vector.broadcast %mul3A_308 : i32 to vector<16xi32>
    %mul3A_310 = arith.muli %get3A_307, %mul3A_309 : vector<16xi32>
    %add3A_311 = arith.addi %mul3A_310, %get3A_301 : vector<16xi32>
    %swap3A_312 = arith.constant 1 : i32
    %swap3A_313 = arith.index_cast %swap3A_312 : i32 to index
    %swap3A_314 = arith.constant 80 : index
    %swap3A_315 = tpu.vector_load %arg10[%swap3A_313, %swap3A_314] {strides = array<i32>} : memref<4x128xi32, #tpu.memory_space<vmem>>, vector<16xi32>,
    tpu.vector_store %arg10[%swap3A_313, %swap3A_314], %add3A_311 {strides = array<i32>} : memref<4x128xi32, #tpu.memory_space<vmem>>, vector<16xi32>,
    %add3A_316 = arith.constant 104 : i32
    %add3A_317 = vector.broadcast %add3A_316 : i32 to vector<16xi32>
    %add3A_318 = arith.addi %get3A_301, %add3A_317 : vector<16xi32>
    %swap3A_319 = arith.constant 1 : i32
    %swap3A_320 = arith.index_cast %swap3A_319 : i32 to index
    %swap3A_321 = arith.constant 80 : index
    %swap3A_322 = tpu.vector_load %arg11[%swap3A_320, %swap3A_321] {strides = array<i32>} : memref<4x128xi32, #tpu.memory_space<vmem>>, vector<16xi32>,
    tpu.vector_store %arg11[%swap3A_320, %swap3A_321], %add3A_318 {strides = array<i32>} : memref<4x128xi32, #tpu.memory_space<vmem>>, vector<16xi32>,
    %get3A_323 = arith.constant 224 : index
    %get3A_324 = tpu.vector_load %arg8[%get3A_323] {strides = array<i32>} : memref<512xi32, #tpu.memory_space<vmem>>, vector<16xi32>,
    %swap3A_325 = arith.constant 1 : i32
    %swap3A_326 = arith.index_cast %swap3A_325 : i32 to index
    %swap3A_327 = arith.constant 96 : index
    %swap3A_328 = tpu.vector_load %arg9[%swap3A_326, %swap3A_327] {strides = array<i32>} : memref<4x128xi32, #tpu.memory_space<vmem>>, vector<16xi32>,
    tpu.vector_store %arg9[%swap3A_326, %swap3A_327], %get3A_324 {strides = array<i32>} : memref<4x128xi32, #tpu.memory_space<vmem>>, vector<16xi32>,
    %get3A_329 = arith.constant 224 : index
    %get3A_330 = tpu.vector_load %arg7[%get3A_329] {strides = array<i32>} : memref<512xi32, #tpu.memory_space<vmem>>, vector<16xi32>,
    %mul3A_331 = arith.constant 100 : i32
    %mul3A_332 = vector.broadcast %mul3A_331 : i32 to vector<16xi32>
    %mul3A_333 = arith.muli %get3A_330, %mul3A_332 : vector<16xi32>
    %add3A_334 = arith.addi %mul3A_333, %get3A_324 : vector<16xi32>
    %swap3A_335 = arith.constant 1 : i32
    %swap3A_336 = arith.index_cast %swap3A_335 : i32 to index
    %swap3A_337 = arith.constant 96 : index
    %swap3A_338 = tpu.vector_load %arg10[%swap3A_336, %swap3A_337] {strides = array<i32>} : memref<4x128xi32, #tpu.memory_space<vmem>>, vector<16xi32>,
    tpu.vector_store %arg10[%swap3A_336, %swap3A_337], %add3A_334 {strides = array<i32>} : memref<4x128xi32, #tpu.memory_space<vmem>>, vector<16xi32>,
    %add3A_339 = arith.constant 104 : i32
    %add3A_340 = vector.broadcast %add3A_339 : i32 to vector<16xi32>
    %add3A_341 = arith.addi %get3A_324, %add3A_340 : vector<16xi32>
    %swap3A_342 = arith.constant 1 : i32
    %swap3A_343 = arith.index_cast %swap3A_342 : i32 to index
    %swap3A_344 = arith.constant 96 : index
    %swap3A_345 = tpu.vector_load %arg11[%swap3A_343, %swap3A_344] {strides = array<i32>} : memref<4x128xi32, #tpu.memory_space<vmem>>, vector<16xi32>,
    tpu.vector_store %arg11[%swap3A_343, %swap3A_344], %add3A_341 {strides = array<i32>} : memref<4x128xi32, #tpu.memory_space<vmem>>, vector<16xi32>,
    %get3A_346 = arith.constant 240 : index
    %get3A_347 = tpu.vector_load %arg8[%get3A_346] {strides = array<i32>} : memref<512xi32, #tpu.memory_space<vmem>>, vector<16xi32>,
    %swap3A_348 = arith.constant 1 : i32
    %swap3A_349 = arith.index_cast %swap3A_348 : i32 to index
    %swap3A_350 = arith.constant 112 : index
    %swap3A_351 = tpu.vector_load %arg9[%swap3A_349, %swap3A_350] {strides = array<i32>} : memref<4x128xi32, #tpu.memory_space<vmem>>, vector<16xi32>,
    tpu.vector_store %arg9[%swap3A_349, %swap3A_350], %get3A_347 {strides = array<i32>} : memref<4x128xi32, #tpu.memory_space<vmem>>, vector<16xi32>,
    %get3A_352 = arith.constant 240 : index
    %get3A_353 = tpu.vector_load %arg7[%get3A_352] {strides = array<i32>} : memref<512xi32, #tpu.memory_space<vmem>>, vector<16xi32>,
    %mul3A_354 = arith.constant 100 : i32
    %mul3A_355 = vector.broadcast %mul3A_354 : i32 to vector<16xi32>
    %mul3A_356 = arith.muli %get3A_353, %mul3A_355 : vector<16xi32>
    %add3A_357 = arith.addi %mul3A_356, %get3A_347 : vector<16xi32>
    %swap3A_358 = arith.constant 1 : i32
    %swap3A_359 = arith.index_cast %swap3A_358 : i32 to index
    %swap3A_360 = arith.constant 112 : index
    %swap3A_361 = tpu.vector_load %arg10[%swap3A_359, %swap3A_360] {strides = array<i32>} : memref<4x128xi32, #tpu.memory_space<vmem>>, vector<16xi32>,
    tpu.vector_store %arg10[%swap3A_359, %swap3A_360], %add3A_357 {strides = array<i32>} : memref<4x128xi32, #tpu.memory_space<vmem>>, vector<16xi32>,
    %add3A_362 = arith.constant 104 : i32
    %add3A_363 = vector.broadcast %add3A_362 : i32 to vector<16xi32>
    %add3A_364 = arith.addi %get3A_347, %add3A_363 : vector<16xi32>
    %swap3A_365 = arith.constant 1 : i32
    %swap3A_366 = arith.index_cast %swap3A_365 : i32 to index
    %swap3A_367 = arith.constant 112 : index
    %swap3A_368 = tpu.vector_load %arg11[%swap3A_366, %swap3A_367] {strides = array<i32>} : memref<4x128xi32, #tpu.memory_space<vmem>>, vector<16xi32>,
    tpu.vector_store %arg11[%swap3A_366, %swap3A_367], %add3A_364 {strides = array<i32>} : memref<4x128xi32, #tpu.memory_space<vmem>>, vector<16xi32>,
    %get3A_369 = arith.constant 256 : index
    %get3A_370 = tpu.vector_load %arg8[%get3A_369] {strides = array<i32>} : memref<512xi32, #tpu.memory_space<vmem>>, vector<16xi32>,
    %swap3A_371 = arith.constant 2 : i32
    %swap3A_372 = arith.index_cast %swap3A_371 : i32 to index
    %swap3A_373 = arith.constant 0 : index
    %swap3A_374 = tpu.vector_load %arg9[%swap3A_372, %swap3A_373] {strides = array<i32>} : memref<4x128xi32, #tpu.memory_space<vmem>>, vector<16xi32>,
    tpu.vector_store %arg9[%swap3A_372, %swap3A_373], %get3A_370 {strides = array<i32>} : memref<4x128xi32, #tpu.memory_space<vmem>>, vector<16xi32>,
    %get3A_375 = arith.constant 256 : index
    %get3A_376 = tpu.vector_load %arg7[%get3A_375] {strides = array<i32>} : memref<512xi32, #tpu.memory_space<vmem>>, vector<16xi32>,
    %mul3A_377 = arith.constant 100 : i32
    %mul3A_378 = vector.broadcast %mul3A_377 : i32 to vector<16xi32>
    %mul3A_379 = arith.muli %get3A_376, %mul3A_378 : vector<16xi32>
    %add3A_380 = arith.addi %mul3A_379, %get3A_370 : vector<16xi32>
    %swap3A_381 = arith.constant 2 : i32
    %swap3A_382 = arith.index_cast %swap3A_381 : i32 to index
    %swap3A_383 = arith.constant 0 : index
    %swap3A_384 = tpu.vector_load %arg10[%swap3A_382, %swap3A_383] {strides = array<i32>} : memref<4x128xi32, #tpu.memory_space<vmem>>, vector<16xi32>,
    tpu.vector_store %arg10[%swap3A_382, %swap3A_383], %add3A_380 {strides = array<i32>} : memref<4x128xi32, #tpu.memory_space<vmem>>, vector<16xi32>,
    %add3A_385 = arith.constant 104 : i32
    %add3A_386 = vector.broadcast %add3A_385 : i32 to vector<16xi32>
    %add3A_387 = arith.addi %get3A_370, %add3A_386 : vector<16xi32>
    %swap3A_388 = arith.constant 2 : i32
    %swap3A_389 = arith.index_cast %swap3A_388 : i32 to index
    %swap3A_390 = arith.constant 0 : index
    %swap3A_391 = tpu.vector_load %arg11[%swap3A_389, %swap3A_390] {strides = array<i32>} : memref<4x128xi32, #tpu.memory_space<vmem>>, vector<16xi32>,
    tpu.vector_store %arg11[%swap3A_389, %swap3A_390], %add3A_387 {strides = array<i32>} : memref<4x128xi32, #tpu.memory_space<vmem>>, vector<16xi32>,
    %get3A_392 = arith.constant 272 : index
    %get3A_393 = tpu.vector_load %arg8[%get3A_392] {strides = array<i32>} : memref<512xi32, #tpu.memory_space<vmem>>, vector<16xi32>,
    %swap3A_394 = arith.constant 2 : i32
    %swap3A_395 = arith.index_cast %swap3A_394 : i32 to index
    %swap3A_396 = arith.constant 16 : index
    %swap3A_397 = tpu.vector_load %arg9[%swap3A_395, %swap3A_396] {strides = array<i32>} : memref<4x128xi32, #tpu.memory_space<vmem>>, vector<16xi32>,
    tpu.vector_store %arg9[%swap3A_395, %swap3A_396], %get3A_393 {strides = array<i32>} : memref<4x128xi32, #tpu.memory_space<vmem>>, vector<16xi32>,
    %get3A_398 = arith.constant 272 : index
    %get3A_399 = tpu.vector_load %arg7[%get3A_398] {strides = array<i32>} : memref<512xi32, #tpu.memory_space<vmem>>, vector<16xi32>,
    %mul3A_400 = arith.constant 100 : i32
    %mul3A_401 = vector.broadcast %mul3A_400 : i32 to vector<16xi32>
    %mul3A_402 = arith.muli %get3A_399, %mul3A_401 : vector<16xi32>
    %add3A_403 = arith.addi %mul3A_402, %get3A_393 : vector<16xi32>
    %swap3A_404 = arith.constant 2 : i32
    %swap3A_405 = arith.index_cast %swap3A_404 : i32 to index
    %swap3A_406 = arith.constant 16 : index
    %swap3A_407 = tpu.vector_load %arg10[%swap3A_405, %swap3A_406] {strides = array<i32>} : memref<4x128xi32, #tpu.memory_space<vmem>>, vector<16xi32>,
    tpu.vector_store %arg10[%swap3A_405, %swap3A_406], %add3A_403 {strides = array<i32>} : memref<4x128xi32, #tpu.memory_space<vmem>>, vector<16xi32>,
    %add3A_408 = arith.constant 104 : i32
    %add3A_409 = vector.broadcast %add3A_408 : i32 to vector<16xi32>
    %add3A_410 = arith.addi %get3A_393, %add3A_409 : vector<16xi32>
    %swap3A_411 = arith.constant 2 : i32
    %swap3A_412 = arith.index_cast %swap3A_411 : i32 to index
    %swap3A_413 = arith.constant 16 : index
    %swap3A_414 = tpu.vector_load %arg11[%swap3A_412, %swap3A_413] {strides = array<i32>} : memref<4x128xi32, #tpu.memory_space<vmem>>, vector<16xi32>,
    tpu.vector_store %arg11[%swap3A_412, %swap3A_413], %add3A_410 {strides = array<i32>} : memref<4x128xi32, #tpu.memory_space<vmem>>, vector<16xi32>,
    %get3A_415 = arith.constant 288 : index
    %get3A_416 = tpu.vector_load %arg8[%get3A_415] {strides = array<i32>} : memref<512xi32, #tpu.memory_space<vmem>>, vector<16xi32>,
    %swap3A_417 = arith.constant 2 : i32
    %swap3A_418 = arith.index_cast %swap3A_417 : i32 to index
    %swap3A_419 = arith.constant 32 : index
    %swap3A_420 = tpu.vector_load %arg9[%swap3A_418, %swap3A_419] {strides = array<i32>} : memref<4x128xi32, #tpu.memory_space<vmem>>, vector<16xi32>,
    tpu.vector_store %arg9[%swap3A_418, %swap3A_419], %get3A_416 {strides = array<i32>} : memref<4x128xi32, #tpu.memory_space<vmem>>, vector<16xi32>,
    %get3A_421 = arith.constant 288 : index
    %get3A_422 = tpu.vector_load %arg7[%get3A_421] {strides = array<i32>} : memref<512xi32, #tpu.memory_space<vmem>>, vector<16xi32>,
    %mul3A_423 = arith.constant 100 : i32
    %mul3A_424 = vector.broadcast %mul3A_423 : i32 to vector<16xi32>
    %mul3A_425 = arith.muli %get3A_422, %mul3A_424 : vector<16xi32>
    %add3A_426 = arith.addi %mul3A_425, %get3A_416 : vector<16xi32>
    %swap3A_427 = arith.constant 2 : i32
    %swap3A_428 = arith.index_cast %swap3A_427 : i32 to index
    %swap3A_429 = arith.constant 32 : index
    %swap3A_430 = tpu.vector_load %arg10[%swap3A_428, %swap3A_429] {strides = array<i32>} : memref<4x128xi32, #tpu.memory_space<vmem>>, vector<16xi32>,
    tpu.vector_store %arg10[%swap3A_428, %swap3A_429], %add3A_426 {strides = array<i32>} : memref<4x128xi32, #tpu.memory_space<vmem>>, vector<16xi32>,
    %add3A_431 = arith.constant 104 : i32
    %add3A_432 = vector.broadcast %add3A_431 : i32 to vector<16xi32>
    %add3A_433 = arith.addi %get3A_416, %add3A_432 : vector<16xi32>
    %swap3A_434 = arith.constant 2 : i32
    %swap3A_435 = arith.index_cast %swap3A_434 : i32 to index
    %swap3A_436 = arith.constant 32 : index
    %swap3A_437 = tpu.vector_load %arg11[%swap3A_435, %swap3A_436] {strides = array<i32>} : memref<4x128xi32, #tpu.memory_space<vmem>>, vector<16xi32>,
    tpu.vector_store %arg11[%swap3A_435, %swap3A_436], %add3A_433 {strides = array<i32>} : memref<4x128xi32, #tpu.memory_space<vmem>>, vector<16xi32>,
    %get3A_438 = arith.constant 304 : index
    %get3A_439 = tpu.vector_load %arg8[%get3A_438] {strides = array<i32>} : memref<512xi32, #tpu.memory_space<vmem>>, vector<16xi32>,
    %swap3A_440 = arith.constant 2 : i32
    %swap3A_441 = arith.index_cast %swap3A_440 : i32 to index
    %swap3A_442 = arith.constant 48 : index
    %swap3A_443 = tpu.vector_load %arg9[%swap3A_441, %swap3A_442] {strides = array<i32>} : memref<4x128xi32, #tpu.memory_space<vmem>>, vector<16xi32>,
    tpu.vector_store %arg9[%swap3A_441, %swap3A_442], %get3A_439 {strides = array<i32>} : memref<4x128xi32, #tpu.memory_space<vmem>>, vector<16xi32>,
    %get3A_444 = arith.constant 304 : index
    %get3A_445 = tpu.vector_load %arg7[%get3A_444] {strides = array<i32>} : memref<512xi32, #tpu.memory_space<vmem>>, vector<16xi32>,
    %mul3A_446 = arith.constant 100 : i32
    %mul3A_447 = vector.broadcast %mul3A_446 : i32 to vector<16xi32>
    %mul3A_448 = arith.muli %get3A_445, %mul3A_447 : vector<16xi32>
    %add3A_449 = arith.addi %mul3A_448, %get3A_439 : vector<16xi32>
    %swap3A_450 = arith.constant 2 : i32
    %swap3A_451 = arith.index_cast %swap3A_450 : i32 to index
    %swap3A_452 = arith.constant 48 : index
    %swap3A_453 = tpu.vector_load %arg10[%swap3A_451, %swap3A_452] {strides = array<i32>} : memref<4x128xi32, #tpu.memory_space<vmem>>, vector<16xi32>,
    tpu.vector_store %arg10[%swap3A_451, %swap3A_452], %add3A_449 {strides = array<i32>} : memref<4x128xi32, #tpu.memory_space<vmem>>, vector<16xi32>,
    %add3A_454 = arith.constant 104 : i32
    %add3A_455 = vector.broadcast %add3A_454 : i32 to vector<16xi32>
    %add3A_456 = arith.addi %get3A_439, %add3A_455 : vector<16xi32>
    %swap3A_457 = arith.constant 2 : i32
    %swap3A_458 = arith.index_cast %swap3A_457 : i32 to index
    %swap3A_459 = arith.constant 48 : index
    %swap3A_460 = tpu.vector_load %arg11[%swap3A_458, %swap3A_459] {strides = array<i32>} : memref<4x128xi32, #tpu.memory_space<vmem>>, vector<16xi32>,
    tpu.vector_store %arg11[%swap3A_458, %swap3A_459], %add3A_456 {strides = array<i32>} : memref<4x128xi32, #tpu.memory_space<vmem>>, vector<16xi32>,
    %get3A_461 = arith.constant 320 : index
    %get3A_462 = tpu.vector_load %arg8[%get3A_461] {strides = array<i32>} : memref<512xi32, #tpu.memory_space<vmem>>, vector<16xi32>,
    %swap3A_463 = arith.constant 2 : i32
    %swap3A_464 = arith.index_cast %swap3A_463 : i32 to index
    %swap3A_465 = arith.constant 64 : index
    %swap3A_466 = tpu.vector_load %arg9[%swap3A_464, %swap3A_465] {strides = array<i32>} : memref<4x128xi32, #tpu.memory_space<vmem>>, vector<16xi32>,
    tpu.vector_store %arg9[%swap3A_464, %swap3A_465], %get3A_462 {strides = array<i32>} : memref<4x128xi32, #tpu.memory_space<vmem>>, vector<16xi32>,
    %get3A_467 = arith.constant 320 : index
    %get3A_468 = tpu.vector_load %arg7[%get3A_467] {strides = array<i32>} : memref<512xi32, #tpu.memory_space<vmem>>, vector<16xi32>,
    %mul3A_469 = arith.constant 100 : i32
    %mul3A_470 = vector.broadcast %mul3A_469 : i32 to vector<16xi32>
    %mul3A_471 = arith.muli %get3A_468, %mul3A_470 : vector<16xi32>
    %add3A_472 = arith.addi %mul3A_471, %get3A_462 : vector<16xi32>
    %swap3A_473 = arith.constant 2 : i32
    %swap3A_474 = arith.index_cast %swap3A_473 : i32 to index
    %swap3A_475 = arith.constant 64 : index
    %swap3A_476 = tpu.vector_load %arg10[%swap3A_474, %swap3A_475] {strides = array<i32>} : memref<4x128xi32, #tpu.memory_space<vmem>>, vector<16xi32>,
    tpu.vector_store %arg10[%swap3A_474, %swap3A_475], %add3A_472 {strides = array<i32>} : memref<4x128xi32, #tpu.memory_space<vmem>>, vector<16xi32>,
    %add3A_477 = arith.constant 104 : i32
    %add3A_478 = vector.broadcast %add3A_477 : i32 to vector<16xi32>
    %add3A_479 = arith.addi %get3A_462, %add3A_478 : vector<16xi32>
    %swap3A_480 = arith.constant 2 : i32
    %swap3A_481 = arith.index_cast %swap3A_480 : i32 to index
    %swap3A_482 = arith.constant 64 : index
    %swap3A_483 = tpu.vector_load %arg11[%swap3A_481, %swap3A_482] {strides = array<i32>} : memref<4x128xi32, #tpu.memory_space<vmem>>, vector<16xi32>,
    tpu.vector_store %arg11[%swap3A_481, %swap3A_482], %add3A_479 {strides = array<i32>} : memref<4x128xi32, #tpu.memory_space<vmem>>, vector<16xi32>,
    %get3A_484 = arith.constant 336 : index
    %get3A_485 = tpu.vector_load %arg8[%get3A_484] {strides = array<i32>} : memref<512xi32, #tpu.memory_space<vmem>>, vector<16xi32>,
    %swap3A_486 = arith.constant 2 : i32
    %swap3A_487 = arith.index_cast %swap3A_486 : i32 to index
    %swap3A_488 = arith.constant 80 : index
    %swap3A_489 = tpu.vector_load %arg9[%swap3A_487, %swap3A_488] {strides = array<i32>} : memref<4x128xi32, #tpu.memory_space<vmem>>, vector<16xi32>,
    tpu.vector_store %arg9[%swap3A_487, %swap3A_488], %get3A_485 {strides = array<i32>} : memref<4x128xi32, #tpu.memory_space<vmem>>, vector<16xi32>,
    %get3A_490 = arith.constant 336 : index
    %get3A_491 = tpu.vector_load %arg7[%get3A_490] {strides = array<i32>} : memref<512xi32, #tpu.memory_space<vmem>>, vector<16xi32>,
    %mul3A_492 = arith.constant 100 : i32
    %mul3A_493 = vector.broadcast %mul3A_492 : i32 to vector<16xi32>
    %mul3A_494 = arith.muli %get3A_491, %mul3A_493 : vector<16xi32>
    %add3A_495 = arith.addi %mul3A_494, %get3A_485 : vector<16xi32>
    %swap3A_496 = arith.constant 2 : i32
    %swap3A_497 = arith.index_cast %swap3A_496 : i32 to index
    %swap3A_498 = arith.constant 80 : index
    %swap3A_499 = tpu.vector_load %arg10[%swap3A_497, %swap3A_498] {strides = array<i32>} : memref<4x128xi32, #tpu.memory_space<vmem>>, vector<16xi32>,
    tpu.vector_store %arg10[%swap3A_497, %swap3A_498], %add3A_495 {strides = array<i32>} : memref<4x128xi32, #tpu.memory_space<vmem>>, vector<16xi32>,
    %add3A_500 = arith.constant 104 : i32
    %add3A_501 = vector.broadcast %add3A_500 : i32 to vector<16xi32>
    %add3A_502 = arith.addi %get3A_485, %add3A_501 : vector<16xi32>
    %swap3A_503 = arith.constant 2 : i32
    %swap3A_504 = arith.index_cast %swap3A_503 : i32 to index
    %swap3A_505 = arith.constant 80 : index
    %swap3A_506 = tpu.vector_load %arg11[%swap3A_504, %swap3A_505] {strides = array<i32>} : memref<4x128xi32, #tpu.memory_space<vmem>>, vector<16xi32>,
    tpu.vector_store %arg11[%swap3A_504, %swap3A_505], %add3A_502 {strides = array<i32>} : memref<4x128xi32, #tpu.memory_space<vmem>>, vector<16xi32>,
    %get3A_507 = arith.constant 352 : index
    %get3A_508 = tpu.vector_load %arg8[%get3A_507] {strides = array<i32>} : memref<512xi32, #tpu.memory_space<vmem>>, vector<16xi32>,
    %swap3A_509 = arith.constant 2 : i32
    %swap3A_510 = arith.index_cast %swap3A_509 : i32 to index
    %swap3A_511 = arith.constant 96 : index
    %swap3A_512 = tpu.vector_load %arg9[%swap3A_510, %swap3A_511] {strides = array<i32>} : memref<4x128xi32, #tpu.memory_space<vmem>>, vector<16xi32>,
    tpu.vector_store %arg9[%swap3A_510, %swap3A_511], %get3A_508 {strides = array<i32>} : memref<4x128xi32, #tpu.memory_space<vmem>>, vector<16xi32>,
    %get3A_513 = arith.constant 352 : index
    %get3A_514 = tpu.vector_load %arg7[%get3A_513] {strides = array<i32>} : memref<512xi32, #tpu.memory_space<vmem>>, vector<16xi32>,
    %mul3A_515 = arith.constant 100 : i32
    %mul3A_516 = vector.broadcast %mul3A_515 : i32 to vector<16xi32>
    %mul3A_517 = arith.muli %get3A_514, %mul3A_516 : vector<16xi32>
    %add3A_518 = arith.addi %mul3A_517, %get3A_508 : vector<16xi32>
    %swap3A_519 = arith.constant 2 : i32
    %swap3A_520 = arith.index_cast %swap3A_519 : i32 to index
    %swap3A_521 = arith.constant 96 : index
    %swap3A_522 = tpu.vector_load %arg10[%swap3A_520, %swap3A_521] {strides = array<i32>} : memref<4x128xi32, #tpu.memory_space<vmem>>, vector<16xi32>,
    tpu.vector_store %arg10[%swap3A_520, %swap3A_521], %add3A_518 {strides = array<i32>} : memref<4x128xi32, #tpu.memory_space<vmem>>, vector<16xi32>,
    %add3A_523 = arith.constant 104 : i32
    %add3A_524 = vector.broadcast %add3A_523 : i32 to vector<16xi32>
    %add3A_525 = arith.addi %get3A_508, %add3A_524 : vector<16xi32>
    %swap3A_526 = arith.constant 2 : i32
    %swap3A_527 = arith.index_cast %swap3A_526 : i32 to index
    %swap3A_528 = arith.constant 96 : index
    %swap3A_529 = tpu.vector_load %arg11[%swap3A_527, %swap3A_528] {strides = array<i32>} : memref<4x128xi32, #tpu.memory_space<vmem>>, vector<16xi32>,
    tpu.vector_store %arg11[%swap3A_527, %swap3A_528], %add3A_525 {strides = array<i32>} : memref<4x128xi32, #tpu.memory_space<vmem>>, vector<16xi32>,
    %get3A_530 = arith.constant 368 : index
    %get3A_531 = tpu.vector_load %arg8[%get3A_530] {strides = array<i32>} : memref<512xi32, #tpu.memory_space<vmem>>, vector<16xi32>,
    %swap3A_532 = arith.constant 2 : i32
    %swap3A_533 = arith.index_cast %swap3A_532 : i32 to index
    %swap3A_534 = arith.constant 112 : index
    %swap3A_535 = tpu.vector_load %arg9[%swap3A_533, %swap3A_534] {strides = array<i32>} : memref<4x128xi32, #tpu.memory_space<vmem>>, vector<16xi32>,
    tpu.vector_store %arg9[%swap3A_533, %swap3A_534], %get3A_531 {strides = array<i32>} : memref<4x128xi32, #tpu.memory_space<vmem>>, vector<16xi32>,
    %get3A_536 = arith.constant 368 : index
    %get3A_537 = tpu.vector_load %arg7[%get3A_536] {strides = array<i32>} : memref<512xi32, #tpu.memory_space<vmem>>, vector<16xi32>,
    %mul3A_538 = arith.constant 100 : i32
    %mul3A_539 = vector.broadcast %mul3A_538 : i32 to vector<16xi32>
    %mul3A_540 = arith.muli %get3A_537, %mul3A_539 : vector<16xi32>
    %add3A_541 = arith.addi %mul3A_540, %get3A_531 : vector<16xi32>
    %swap3A_542 = arith.constant 2 : i32
    %swap3A_543 = arith.index_cast %swap3A_542 : i32 to index
    %swap3A_544 = arith.constant 112 : index
    %swap3A_545 = tpu.vector_load %arg10[%swap3A_543, %swap3A_544] {strides = array<i32>} : memref<4x128xi32, #tpu.memory_space<vmem>>, vector<16xi32>,
    tpu.vector_store %arg10[%swap3A_543, %swap3A_544], %add3A_541 {strides = array<i32>} : memref<4x128xi32, #tpu.memory_space<vmem>>, vector<16xi32>,
    %add3A_546 = arith.constant 104 : i32
    %add3A_547 = vector.broadcast %add3A_546 : i32 to vector<16xi32>
    %add3A_548 = arith.addi %get3A_531, %add3A_547 : vector<16xi32>
    %swap3A_549 = arith.constant 2 : i32
    %swap3A_550 = arith.index_cast %swap3A_549 : i32 to index
    %swap3A_551 = arith.constant 112 : index
    %swap3A_552 = tpu.vector_load %arg11[%swap3A_550, %swap3A_551] {strides = array<i32>} : memref<4x128xi32, #tpu.memory_space<vmem>>, vector<16xi32>,
    tpu.vector_store %arg11[%swap3A_550, %swap3A_551], %add3A_548 {strides = array<i32>} : memref<4x128xi32, #tpu.memory_space<vmem>>, vector<16xi32>,
    %get3A_553 = arith.constant 384 : index
    %get3A_554 = tpu.vector_load %arg8[%get3A_553] {strides = array<i32>} : memref<512xi32, #tpu.memory_space<vmem>>, vector<16xi32>,
    %swap3A_555 = arith.constant 3 : i32
    %swap3A_556 = arith.index_cast %swap3A_555 : i32 to index
    %swap3A_557 = arith.constant 0 : index
    %swap3A_558 = tpu.vector_load %arg9[%swap3A_556, %swap3A_557] {strides = array<i32>} : memref<4x128xi32, #tpu.memory_space<vmem>>, vector<16xi32>,
    tpu.vector_store %arg9[%swap3A_556, %swap3A_557], %get3A_554 {strides = array<i32>} : memref<4x128xi32, #tpu.memory_space<vmem>>, vector<16xi32>,
    %get3A_559 = arith.constant 384 : index
    %get3A_560 = tpu.vector_load %arg7[%get3A_559] {strides = array<i32>} : memref<512xi32, #tpu.memory_space<vmem>>, vector<16xi32>,
    %mul3A_561 = arith.constant 100 : i32
    %mul3A_562 = vector.broadcast %mul3A_561 : i32 to vector<16xi32>
    %mul3A_563 = arith.muli %get3A_560, %mul3A_562 : vector<16xi32>
    %add3A_564 = arith.addi %mul3A_563, %get3A_554 : vector<16xi32>
    %swap3A_565 = arith.constant 3 : i32
    %swap3A_566 = arith.index_cast %swap3A_565 : i32 to index
    %swap3A_567 = arith.constant 0 : index
    %swap3A_568 = tpu.vector_load %arg10[%swap3A_566, %swap3A_567] {strides = array<i32>} : memref<4x128xi32, #tpu.memory_space<vmem>>, vector<16xi32>,
    tpu.vector_store %arg10[%swap3A_566, %swap3A_567], %add3A_564 {strides = array<i32>} : memref<4x128xi32, #tpu.memory_space<vmem>>, vector<16xi32>,
    %add3A_569 = arith.constant 104 : i32
    %add3A_570 = vector.broadcast %add3A_569 : i32 to vector<16xi32>
    %add3A_571 = arith.addi %get3A_554, %add3A_570 : vector<16xi32>
    %swap3A_572 = arith.constant 3 : i32
    %swap3A_573 = arith.index_cast %swap3A_572 : i32 to index
    %swap3A_574 = arith.constant 0 : index
    %swap3A_575 = tpu.vector_load %arg11[%swap3A_573, %swap3A_574] {strides = array<i32>} : memref<4x128xi32, #tpu.memory_space<vmem>>, vector<16xi32>,
    tpu.vector_store %arg11[%swap3A_573, %swap3A_574], %add3A_571 {strides = array<i32>} : memref<4x128xi32, #tpu.memory_space<vmem>>, vector<16xi32>,
    %get3A_576 = arith.constant 400 : index
    %get3A_577 = tpu.vector_load %arg8[%get3A_576] {strides = array<i32>} : memref<512xi32, #tpu.memory_space<vmem>>, vector<16xi32>,
    %swap3A_578 = arith.constant 3 : i32
    %swap3A_579 = arith.index_cast %swap3A_578 : i32 to index
    %swap3A_580 = arith.constant 16 : index
    %swap3A_581 = tpu.vector_load %arg9[%swap3A_579, %swap3A_580] {strides = array<i32>} : memref<4x128xi32, #tpu.memory_space<vmem>>, vector<16xi32>,
    tpu.vector_store %arg9[%swap3A_579, %swap3A_580], %get3A_577 {strides = array<i32>} : memref<4x128xi32, #tpu.memory_space<vmem>>, vector<16xi32>,
    %get3A_582 = arith.constant 400 : index
    %get3A_583 = tpu.vector_load %arg7[%get3A_582] {strides = array<i32>} : memref<512xi32, #tpu.memory_space<vmem>>, vector<16xi32>,
    %mul3A_584 = arith.constant 100 : i32
    %mul3A_585 = vector.broadcast %mul3A_584 : i32 to vector<16xi32>
    %mul3A_586 = arith.muli %get3A_583, %mul3A_585 : vector<16xi32>
    %add3A_587 = arith.addi %mul3A_586, %get3A_577 : vector<16xi32>
    %swap3A_588 = arith.constant 3 : i32
    %swap3A_589 = arith.index_cast %swap3A_588 : i32 to index
    %swap3A_590 = arith.constant 16 : index
    %swap3A_591 = tpu.vector_load %arg10[%swap3A_589, %swap3A_590] {strides = array<i32>} : memref<4x128xi32, #tpu.memory_space<vmem>>, vector<16xi32>,
    tpu.vector_store %arg10[%swap3A_589, %swap3A_590], %add3A_587 {strides = array<i32>} : memref<4x128xi32, #tpu.memory_space<vmem>>, vector<16xi32>,
    %add3A_592 = arith.constant 104 : i32
    %add3A_593 = vector.broadcast %add3A_592 : i32 to vector<16xi32>
    %add3A_594 = arith.addi %get3A_577, %add3A_593 : vector<16xi32>
    %swap3A_595 = arith.constant 3 : i32
    %swap3A_596 = arith.index_cast %swap3A_595 : i32 to index
    %swap3A_597 = arith.constant 16 : index
    %swap3A_598 = tpu.vector_load %arg11[%swap3A_596, %swap3A_597] {strides = array<i32>} : memref<4x128xi32, #tpu.memory_space<vmem>>, vector<16xi32>,
    tpu.vector_store %arg11[%swap3A_596, %swap3A_597], %add3A_594 {strides = array<i32>} : memref<4x128xi32, #tpu.memory_space<vmem>>, vector<16xi32>,
    %get3A_599 = arith.constant 416 : index
    %get3A_600 = tpu.vector_load %arg8[%get3A_599] {strides = array<i32>} : memref<512xi32, #tpu.memory_space<vmem>>, vector<16xi32>,
    %swap3A_601 = arith.constant 3 : i32
    %swap3A_602 = arith.index_cast %swap3A_601 : i32 to index
    %swap3A_603 = arith.constant 32 : index
    %swap3A_604 = tpu.vector_load %arg9[%swap3A_602, %swap3A_603] {strides = array<i32>} : memref<4x128xi32, #tpu.memory_space<vmem>>, vector<16xi32>,
    tpu.vector_store %arg9[%swap3A_602, %swap3A_603], %get3A_600 {strides = array<i32>} : memref<4x128xi32, #tpu.memory_space<vmem>>, vector<16xi32>,
    %get3A_605 = arith.constant 416 : index
    %get3A_606 = tpu.vector_load %arg7[%get3A_605] {strides = array<i32>} : memref<512xi32, #tpu.memory_space<vmem>>, vector<16xi32>,
    %mul3A_607 = arith.constant 100 : i32
    %mul3A_608 = vector.broadcast %mul3A_607 : i32 to vector<16xi32>
    %mul3A_609 = arith.muli %get3A_606, %mul3A_608 : vector<16xi32>
    %add3A_610 = arith.addi %mul3A_609, %get3A_600 : vector<16xi32>
    %swap3A_611 = arith.constant 3 : i32
    %swap3A_612 = arith.index_cast %swap3A_611 : i32 to index
    %swap3A_613 = arith.constant 32 : index
    %swap3A_614 = tpu.vector_load %arg10[%swap3A_612, %swap3A_613] {strides = array<i32>} : memref<4x128xi32, #tpu.memory_space<vmem>>, vector<16xi32>,
    tpu.vector_store %arg10[%swap3A_612, %swap3A_613], %add3A_610 {strides = array<i32>} : memref<4x128xi32, #tpu.memory_space<vmem>>, vector<16xi32>,
    %add3A_615 = arith.constant 104 : i32
    %add3A_616 = vector.broadcast %add3A_615 : i32 to vector<16xi32>
    %add3A_617 = arith.addi %get3A_600, %add3A_616 : vector<16xi32>
    %swap3A_618 = arith.constant 3 : i32
    %swap3A_619 = arith.index_cast %swap3A_618 : i32 to index
    %swap3A_620 = arith.constant 32 : index
    %swap3A_621 = tpu.vector_load %arg11[%swap3A_619, %swap3A_620] {strides = array<i32>} : memref<4x128xi32, #tpu.memory_space<vmem>>, vector<16xi32>,
    tpu.vector_store %arg11[%swap3A_619, %swap3A_620], %add3A_617 {strides = array<i32>} : memref<4x128xi32, #tpu.memory_space<vmem>>, vector<16xi32>,
    %get3A_622 = arith.constant 432 : index
    %get3A_623 = tpu.vector_load %arg8[%get3A_622] {strides = array<i32>} : memref<512xi32, #tpu.memory_space<vmem>>, vector<16xi32>,
    %swap3A_624 = arith.constant 3 : i32
    %swap3A_625 = arith.index_cast %swap3A_624 : i32 to index
    %swap3A_626 = arith.constant 48 : index
    %swap3A_627 = tpu.vector_load %arg9[%swap3A_625, %swap3A_626] {strides = array<i32>} : memref<4x128xi32, #tpu.memory_space<vmem>>, vector<16xi32>,
    tpu.vector_store %arg9[%swap3A_625, %swap3A_626], %get3A_623 {strides = array<i32>} : memref<4x128xi32, #tpu.memory_space<vmem>>, vector<16xi32>,
    %get3A_628 = arith.constant 432 : index
    %get3A_629 = tpu.vector_load %arg7[%get3A_628] {strides = array<i32>} : memref<512xi32, #tpu.memory_space<vmem>>, vector<16xi32>,
    %mul3A_630 = arith.constant 100 : i32
    %mul3A_631 = vector.broadcast %mul3A_630 : i32 to vector<16xi32>
    %mul3A_632 = arith.muli %get3A_629, %mul3A_631 : vector<16xi32>
    %add3A_633 = arith.addi %mul3A_632, %get3A_623 : vector<16xi32>
    %swap3A_634 = arith.constant 3 : i32
    %swap3A_635 = arith.index_cast %swap3A_634 : i32 to index
    %swap3A_636 = arith.constant 48 : index
    %swap3A_637 = tpu.vector_load %arg10[%swap3A_635, %swap3A_636] {strides = array<i32>} : memref<4x128xi32, #tpu.memory_space<vmem>>, vector<16xi32>,
    tpu.vector_store %arg10[%swap3A_635, %swap3A_636], %add3A_633 {strides = array<i32>} : memref<4x128xi32, #tpu.memory_space<vmem>>, vector<16xi32>,
    %add3A_638 = arith.constant 104 : i32
    %add3A_639 = vector.broadcast %add3A_638 : i32 to vector<16xi32>
    %add3A_640 = arith.addi %get3A_623, %add3A_639 : vector<16xi32>
    %swap3A_641 = arith.constant 3 : i32
    %swap3A_642 = arith.index_cast %swap3A_641 : i32 to index
    %swap3A_643 = arith.constant 48 : index
    %swap3A_644 = tpu.vector_load %arg11[%swap3A_642, %swap3A_643] {strides = array<i32>} : memref<4x128xi32, #tpu.memory_space<vmem>>, vector<16xi32>,
    tpu.vector_store %arg11[%swap3A_642, %swap3A_643], %add3A_640 {strides = array<i32>} : memref<4x128xi32, #tpu.memory_space<vmem>>, vector<16xi32>,
    %get3A_645 = arith.constant 448 : index
    %get3A_646 = tpu.vector_load %arg8[%get3A_645] {strides = array<i32>} : memref<512xi32, #tpu.memory_space<vmem>>, vector<16xi32>,
    %swap3A_647 = arith.constant 3 : i32
    %swap3A_648 = arith.index_cast %swap3A_647 : i32 to index
    %swap3A_649 = arith.constant 64 : index
    %swap3A_650 = tpu.vector_load %arg9[%swap3A_648, %swap3A_649] {strides = array<i32>} : memref<4x128xi32, #tpu.memory_space<vmem>>, vector<16xi32>,
    tpu.vector_store %arg9[%swap3A_648, %swap3A_649], %get3A_646 {strides = array<i32>} : memref<4x128xi32, #tpu.memory_space<vmem>>, vector<16xi32>,
    %get3A_651 = arith.constant 448 : index
    %get3A_652 = tpu.vector_load %arg7[%get3A_651] {strides = array<i32>} : memref<512xi32, #tpu.memory_space<vmem>>, vector<16xi32>,
    %mul3A_653 = arith.constant 100 : i32
    %mul3A_654 = vector.broadcast %mul3A_653 : i32 to vector<16xi32>
    %mul3A_655 = arith.muli %get3A_652, %mul3A_654 : vector<16xi32>
    %add3A_656 = arith.addi %mul3A_655, %get3A_646 : vector<16xi32>
    %swap3A_657 = arith.constant 3 : i32
    %swap3A_658 = arith.index_cast %swap3A_657 : i32 to index
    %swap3A_659 = arith.constant 64 : index
    %swap3A_660 = tpu.vector_load %arg10[%swap3A_658, %swap3A_659] {strides = array<i32>} : memref<4x128xi32, #tpu.memory_space<vmem>>, vector<16xi32>,
    tpu.vector_store %arg10[%swap3A_658, %swap3A_659], %add3A_656 {strides = array<i32>} : memref<4x128xi32, #tpu.memory_space<vmem>>, vector<16xi32>,
    %add3A_661 = arith.constant 104 : i32
    %add3A_662 = vector.broadcast %add3A_661 : i32 to vector<16xi32>
    %add3A_663 = arith.addi %get3A_646, %add3A_662 : vector<16xi32>
    %swap3A_664 = arith.constant 3 : i32
    %swap3A_665 = arith.index_cast %swap3A_664 : i32 to index
    %swap3A_666 = arith.constant 64 : index
    %swap3A_667 = tpu.vector_load %arg11[%swap3A_665, %swap3A_666] {strides = array<i32>} : memref<4x128xi32, #tpu.memory_space<vmem>>, vector<16xi32>,
    tpu.vector_store %arg11[%swap3A_665, %swap3A_666], %add3A_663 {strides = array<i32>} : memref<4x128xi32, #tpu.memory_space<vmem>>, vector<16xi32>,
    %get3A_668 = arith.constant 464 : index
    %get3A_669 = tpu.vector_load %arg8[%get3A_668] {strides = array<i32>} : memref<512xi32, #tpu.memory_space<vmem>>, vector<16xi32>,
    %swap3A_670 = arith.constant 3 : i32
    %swap3A_671 = arith.index_cast %swap3A_670 : i32 to index
    %swap3A_672 = arith.constant 80 : index
    %swap3A_673 = tpu.vector_load %arg9[%swap3A_671, %swap3A_672] {strides = array<i32>} : memref<4x128xi32, #tpu.memory_space<vmem>>, vector<16xi32>,
    tpu.vector_store %arg9[%swap3A_671, %swap3A_672], %get3A_669 {strides = array<i32>} : memref<4x128xi32, #tpu.memory_space<vmem>>, vector<16xi32>,
    %get3A_674 = arith.constant 464 : index
    %get3A_675 = tpu.vector_load %arg7[%get3A_674] {strides = array<i32>} : memref<512xi32, #tpu.memory_space<vmem>>, vector<16xi32>,
    %mul3A_676 = arith.constant 100 : i32
    %mul3A_677 = vector.broadcast %mul3A_676 : i32 to vector<16xi32>
    %mul3A_678 = arith.muli %get3A_675, %mul3A_677 : vector<16xi32>
    %add3A_679 = arith.addi %mul3A_678, %get3A_669 : vector<16xi32>
    %swap3A_680 = arith.constant 3 : i32
    %swap3A_681 = arith.index_cast %swap3A_680 : i32 to index
    %swap3A_682 = arith.constant 80 : index
    %swap3A_683 = tpu.vector_load %arg10[%swap3A_681, %swap3A_682] {strides = array<i32>} : memref<4x128xi32, #tpu.memory_space<vmem>>, vector<16xi32>,
    tpu.vector_store %arg10[%swap3A_681, %swap3A_682], %add3A_679 {strides = array<i32>} : memref<4x128xi32, #tpu.memory_space<vmem>>, vector<16xi32>,
    %add3A_684 = arith.constant 104 : i32
    %add3A_685 = vector.broadcast %add3A_684 : i32 to vector<16xi32>
    %add3A_686 = arith.addi %get3A_669, %add3A_685 : vector<16xi32>
    %swap3A_687 = arith.constant 3 : i32
    %swap3A_688 = arith.index_cast %swap3A_687 : i32 to index
    %swap3A_689 = arith.constant 80 : index
    %swap3A_690 = tpu.vector_load %arg11[%swap3A_688, %swap3A_689] {strides = array<i32>} : memref<4x128xi32, #tpu.memory_space<vmem>>, vector<16xi32>,
    tpu.vector_store %arg11[%swap3A_688, %swap3A_689], %add3A_686 {strides = array<i32>} : memref<4x128xi32, #tpu.memory_space<vmem>>, vector<16xi32>,
    %get3A_691 = arith.constant 480 : index
    %get3A_692 = tpu.vector_load %arg8[%get3A_691] {strides = array<i32>} : memref<512xi32, #tpu.memory_space<vmem>>, vector<16xi32>,
    %swap3A_693 = arith.constant 3 : i32
    %swap3A_694 = arith.index_cast %swap3A_693 : i32 to index
    %swap3A_695 = arith.constant 96 : index
    %swap3A_696 = tpu.vector_load %arg9[%swap3A_694, %swap3A_695] {strides = array<i32>} : memref<4x128xi32, #tpu.memory_space<vmem>>, vector<16xi32>,
    tpu.vector_store %arg9[%swap3A_694, %swap3A_695], %get3A_692 {strides = array<i32>} : memref<4x128xi32, #tpu.memory_space<vmem>>, vector<16xi32>,
    %get3A_697 = arith.constant 480 : index
    %get3A_698 = tpu.vector_load %arg7[%get3A_697] {strides = array<i32>} : memref<512xi32, #tpu.memory_space<vmem>>, vector<16xi32>,
    %mul3A_699 = arith.constant 100 : i32
    %mul3A_700 = vector.broadcast %mul3A_699 : i32 to vector<16xi32>
    %mul3A_701 = arith.muli %get3A_698, %mul3A_700 : vector<16xi32>
    %add3A_702 = arith.addi %mul3A_701, %get3A_692 : vector<16xi32>
    %swap3A_703 = arith.constant 3 : i32
    %swap3A_704 = arith.index_cast %swap3A_703 : i32 to index
    %swap3A_705 = arith.constant 96 : index
    %swap3A_706 = tpu.vector_load %arg10[%swap3A_704, %swap3A_705] {strides = array<i32>} : memref<4x128xi32, #tpu.memory_space<vmem>>, vector<16xi32>,
    tpu.vector_store %arg10[%swap3A_704, %swap3A_705], %add3A_702 {strides = array<i32>} : memref<4x128xi32, #tpu.memory_space<vmem>>, vector<16xi32>,
    %add3A_707 = arith.constant 104 : i32
    %add3A_708 = vector.broadcast %add3A_707 : i32 to vector<16xi32>
    %add3A_709 = arith.addi %get3A_692, %add3A_708 : vector<16xi32>
    %swap3A_710 = arith.constant 3 : i32
    %swap3A_711 = arith.index_cast %swap3A_710 : i32 to index
    %swap3A_712 = arith.constant 96 : index
    %swap3A_713 = tpu.vector_load %arg11[%swap3A_711, %swap3A_712] {strides = array<i32>} : memref<4x128xi32, #tpu.memory_space<vmem>>, vector<16xi32>,
    tpu.vector_store %arg11[%swap3A_711, %swap3A_712], %add3A_709 {strides = array<i32>} : memref<4x128xi32, #tpu.memory_space<vmem>>, vector<16xi32>,
    %get3A_714 = arith.constant 496 : index
    %get3A_715 = tpu.vector_load %arg8[%get3A_714] {strides = array<i32>} : memref<512xi32, #tpu.memory_space<vmem>>, vector<16xi32>,
    %swap3A_716 = arith.constant 3 : i32
    %swap3A_717 = arith.index_cast %swap3A_716 : i32 to index
    %swap3A_718 = arith.constant 112 : index
    %swap3A_719 = tpu.vector_load %arg9[%swap3A_717, %swap3A_718] {strides = array<i32>} : memref<4x128xi32, #tpu.memory_space<vmem>>, vector<16xi32>,
    tpu.vector_store %arg9[%swap3A_717, %swap3A_718], %get3A_715 {strides = array<i32>} : memref<4x128xi32, #tpu.memory_space<vmem>>, vector<16xi32>,
    %get3A_720 = arith.constant 496 : index
    %get3A_721 = tpu.vector_load %arg7[%get3A_720] {strides = array<i32>} : memref<512xi32, #tpu.memory_space<vmem>>, vector<16xi32>,
    %mul3A_722 = arith.constant 100 : i32
    %mul3A_723 = vector.broadcast %mul3A_722 : i32 to vector<16xi32>
    %mul3A_724 = arith.muli %get3A_721, %mul3A_723 : vector<16xi32>
    %add3A_725 = arith.addi %mul3A_724, %get3A_715 : vector<16xi32>
    %swap3A_726 = arith.constant 3 : i32
    %swap3A_727 = arith.index_cast %swap3A_726 : i32 to index
    %swap3A_728 = arith.constant 112 : index
    %swap3A_729 = tpu.vector_load %arg10[%swap3A_727, %swap3A_728] {strides = array<i32>} : memref<4x128xi32, #tpu.memory_space<vmem>>, vector<16xi32>,
    tpu.vector_store %arg10[%swap3A_727, %swap3A_728], %add3A_725 {strides = array<i32>} : memref<4x128xi32, #tpu.memory_space<vmem>>, vector<16xi32>,
    %add3A_730 = arith.constant 104 : i32
    %add3A_731 = vector.broadcast %add3A_730 : i32 to vector<16xi32>
    %add3A_732 = arith.addi %get3A_715, %add3A_731 : vector<16xi32>
    %swap3A_733 = arith.constant 3 : i32
    %swap3A_734 = arith.index_cast %swap3A_733 : i32 to index
    %swap3A_735 = arith.constant 112 : index
    %swap3A_736 = tpu.vector_load %arg11[%swap3A_734, %swap3A_735] {strides = array<i32>} : memref<4x128xi32, #tpu.memory_space<vmem>>, vector<16xi32>,
    tpu.vector_store %arg11[%swap3A_734, %swap3A_735], %add3A_732 {strides = array<i32>} : memref<4x128xi32, #tpu.memory_space<vmem>>, vector<16xi32>,
    %dma_start3A = arith.constant 0 : i32
    %dma_start3A_737 = arith.constant 0 : i32
    %dma_start3A_738 = tpu.memref_slice %arg10[%dma_start3A, %dma_start3A_737] : memref<4x128xi32, #tpu.memory_space<vmem>> -> memref<1x128xi32, #tpu.memory_space<vmem>>
    %dma_start3A_739 = tpu.memref_squeeze %dma_start3A_738 : memref<1x128xi32, #tpu.memory_space<vmem>> -> memref<128xi32, #tpu.memory_space<vmem>>
    %dma_start3A_740 = arith.constant 0 : i32
    %dma_start3A_741 = arith.constant 0 : i32
    %dma_start3A_742 = tpu.memref_slice %arg2[%dma_start3A_740, %dma_start3A_741] : memref<100000x128xf32, #tpu.memory_space<hbm>> -> memref<100000x128xf32, #tpu.memory_space<hbm>>
    tpu.enqueue_indirect_dma source(%dma_start3A_742 : memref<100000x128xf32, #tpu.memory_space<hbm>>) target(%arg12 : memref<128x128xf32, #tpu.memory_space<vmem>>) offsets(%dma_start3A_739 : memref<128xi32, #tpu.memory_space<vmem>>) semaphore(%arg18 : memref<!tpu.dma_semaphore, #tpu.memory_space<semaphore_mem>>)
    %dma_start3A_743 = arith.constant 1 : i32
    %dma_start3A_744 = arith.constant 0 : i32
    %dma_start3A_745 = tpu.memref_slice %arg10[%dma_start3A_743, %dma_start3A_744] : memref<4x128xi32, #tpu.memory_space<vmem>> -> memref<1x128xi32, #tpu.memory_space<vmem>>
    %dma_start3A_746 = tpu.memref_squeeze %dma_start3A_745 : memref<1x128xi32, #tpu.memory_space<vmem>> -> memref<128xi32, #tpu.memory_space<vmem>>
    %dma_start3A_747 = arith.constant 0 : i32
    %dma_start3A_748 = arith.constant 0 : i32
    %dma_start3A_749 = tpu.memref_slice %arg2[%dma_start3A_747, %dma_start3A_748] : memref<100000x128xf32, #tpu.memory_space<hbm>> -> memref<100000x128xf32, #tpu.memory_space<hbm>>
    tpu.enqueue_indirect_dma source(%dma_start3A_749 : memref<100000x128xf32, #tpu.memory_space<hbm>>) target(%arg13 : memref<128x128xf32, #tpu.memory_space<vmem>>) offsets(%dma_start3A_746 : memref<128xi32, #tpu.memory_space<vmem>>) semaphore(%arg19 : memref<!tpu.dma_semaphore, #tpu.memory_space<semaphore_mem>>)
    %dma_start3A_750 = arith.constant 0 : i32
    %dma_start3A_751 = arith.constant 0 : i32
    %dma_start3A_752 = tpu.memref_slice %arg9[%dma_start3A_750, %dma_start3A_751] : memref<4x128xi32, #tpu.memory_space<vmem>> -> memref<1x128xi32, #tpu.memory_space<vmem>>
    %dma_start3A_753 = tpu.memref_squeeze %dma_start3A_752 : memref<1x128xi32, #tpu.memory_space<vmem>> -> memref<128xi32, #tpu.memory_space<vmem>>
    %dma_start3A_754 = tpu.memref_reshape %arg5 : memref<2x104x128xf32, #tpu.memory_space<hbm>> -> memref<208x128xf32, #tpu.memory_space<hbm>>
    %dma_start3A_755 = arith.constant 0 : i32
    %dma_start3A_756 = arith.constant 0 : i32
    %dma_start3A_757 = tpu.memref_slice %dma_start3A_754[%dma_start3A_755, %dma_start3A_756] : memref<208x128xf32, #tpu.memory_space<hbm>> -> memref<208x128xf32, #tpu.memory_space<hbm>>
    tpu.enqueue_indirect_dma source(%dma_start3A_757 : memref<208x128xf32, #tpu.memory_space<hbm>>) target(%arg16 : memref<128x128xf32, #tpu.memory_space<vmem>>) offsets(%dma_start3A_753 : memref<128xi32, #tpu.memory_space<vmem>>) semaphore(%arg20 : memref<!tpu.dma_semaphore, #tpu.memory_space<semaphore_mem>>)
    %dma_start3A_758 = arith.constant 0 : i32
    %dma_start3A_759 = arith.constant 0 : i32
    %dma_start3A_760 = tpu.memref_slice %arg11[%dma_start3A_758, %dma_start3A_759] : memref<4x128xi32, #tpu.memory_space<vmem>> -> memref<1x128xi32, #tpu.memory_space<vmem>>
    %dma_start3A_761 = tpu.memref_squeeze %dma_start3A_760 : memref<1x128xi32, #tpu.memory_space<vmem>> -> memref<128xi32, #tpu.memory_space<vmem>>
    %dma_start3A_762 = tpu.memref_reshape %arg5 : memref<2x104x128xf32, #tpu.memory_space<hbm>> -> memref<208x128xf32, #tpu.memory_space<hbm>>
    %dma_start3A_763 = arith.constant 0 : i32
    %dma_start3A_764 = arith.constant 0 : i32
    %dma_start3A_765 = tpu.memref_slice %dma_start3A_762[%dma_start3A_763, %dma_start3A_764] : memref<208x128xf32, #tpu.memory_space<hbm>> -> memref<208x128xf32, #tpu.memory_space<hbm>>
    tpu.enqueue_indirect_dma source(%dma_start3A_765 : memref<208x128xf32, #tpu.memory_space<hbm>>) target(%arg17 : memref<128x128xf32, #tpu.memory_space<vmem>>) offsets(%dma_start3A_761 : memref<128xi32, #tpu.memory_space<vmem>>) semaphore(%arg21 : memref<!tpu.dma_semaphore, #tpu.memory_space<semaphore_mem>>)
    %dma_wait3A = arith.constant 0 : i32
    %dma_wait3A_766 = arith.constant 0 : i32
    %dma_wait3A_767 = tpu.memref_slice %arg10[%dma_wait3A, %dma_wait3A_766] : memref<4x128xi32, #tpu.memory_space<vmem>> -> memref<1x128xi32, #tpu.memory_space<vmem>>
    %dma_wait3A_768 = tpu.memref_squeeze %dma_wait3A_767 : memref<1x128xi32, #tpu.memory_space<vmem>> -> memref<128xi32, #tpu.memory_space<vmem>>
    %dma_wait3A_769 = arith.constant 0 : i32
    %dma_wait3A_770 = arith.constant 0 : i32
    %dma_wait3A_771 = tpu.memref_slice %arg2[%dma_wait3A_769, %dma_wait3A_770] : memref<100000x128xf32, #tpu.memory_space<hbm>> -> memref<100000x128xf32, #tpu.memory_space<hbm>>
    tpu.wait_indirect_dma semaphore(%arg18 : memref<!tpu.dma_semaphore, #tpu.memory_space<semaphore_mem>>) src(%dma_wait3A_771 : memref<100000x128xf32, #tpu.memory_space<hbm>>) dst(%arg12 : memref<128x128xf32, #tpu.memory_space<vmem>>)
    %dma_wait3A_772 = arith.constant 0 : i32
    %dma_wait3A_773 = arith.constant 0 : i32
    %dma_wait3A_774 = tpu.memref_slice %arg9[%dma_wait3A_772, %dma_wait3A_773] : memref<4x128xi32, #tpu.memory_space<vmem>> -> memref<1x128xi32, #tpu.memory_space<vmem>>
    %dma_wait3A_775 = tpu.memref_squeeze %dma_wait3A_774 : memref<1x128xi32, #tpu.memory_space<vmem>> -> memref<128xi32, #tpu.memory_space<vmem>>
    %dma_wait3A_776 = tpu.memref_reshape %arg5 : memref<2x104x128xf32, #tpu.memory_space<hbm>> -> memref<208x128xf32, #tpu.memory_space<hbm>>
    %dma_wait3A_777 = arith.constant 0 : i32
    %dma_wait3A_778 = arith.constant 0 : i32
    %dma_wait3A_779 = tpu.memref_slice %dma_wait3A_776[%dma_wait3A_777, %dma_wait3A_778] : memref<208x128xf32, #tpu.memory_space<hbm>> -> memref<208x128xf32, #tpu.memory_space<hbm>>
    tpu.wait_indirect_dma semaphore(%arg20 : memref<!tpu.dma_semaphore, #tpu.memory_space<semaphore_mem>>) src(%dma_wait3A_779 : memref<208x128xf32, #tpu.memory_space<hbm>>) dst(%arg16 : memref<128x128xf32, #tpu.memory_space<vmem>>)
    %dma_wait3A_780 = arith.constant 0 : i32
    %dma_wait3A_781 = arith.constant 0 : i32
    %dma_wait3A_782 = tpu.memref_slice %arg9[%dma_wait3A_780, %dma_wait3A_781] : memref<4x128xi32, #tpu.memory_space<vmem>> -> memref<1x128xi32, #tpu.memory_space<vmem>>
    %dma_wait3A_783 = tpu.memref_squeeze %dma_wait3A_782 : memref<1x128xi32, #tpu.memory_space<vmem>> -> memref<128xi32, #tpu.memory_space<vmem>>
    %dma_wait3A_784 = tpu.memref_reshape %arg5 : memref<2x104x128xf32, #tpu.memory_space<hbm>> -> memref<208x128xf32, #tpu.memory_space<hbm>>
    %dma_wait3A_785 = arith.constant 0 : i32
    %dma_wait3A_786 = arith.constant 0 : i32
    %dma_wait3A_787 = tpu.memref_slice %dma_wait3A_784[%dma_wait3A_785, %dma_wait3A_786] : memref<208x128xf32, #tpu.memory_space<hbm>> -> memref<208x128xf32, #tpu.memory_space<hbm>>
    tpu.wait_indirect_dma semaphore(%arg21 : memref<!tpu.dma_semaphore, #tpu.memory_space<semaphore_mem>>) src(%dma_wait3A_787 : memref<208x128xf32, #tpu.memory_space<hbm>>) dst(%arg17 : memref<128x128xf32, #tpu.memory_space<vmem>>)
    %scan3A = arith.constant 0 : i32
    %scan3A_788 = arith.constant 0 : i32
    %scan3A_789 = arith.constant 128 : i32
    %scan3A_790 = arith.addi %scan3A_788, %scan3A_789 : i32
    %scan3A_791 = arith.constant 1 : i32
    scf.for %scan3A_990 = %scan3A_788 to %scan3A_790 step %scan3A_791  : i32 {
      %get3A_991 = arith.index_cast %scan3A_990 : i32 to index
      %get3A_992 = arith.constant 0 : index
      %get3A_993 = tpu.vector_load %arg12[%get3A_991, %get3A_992] {strides = array<i32>} : memref<128x128xf32, #tpu.memory_space<vmem>>, vector<16xf32>,
      %get3A_994 = arith.index_cast %scan3A_990 : i32 to index
      %get3A_995 = arith.constant 0 : index
      %get3A_996 = tpu.vector_load %arg16[%get3A_994, %get3A_995] {strides = array<i32>} : memref<128x128xf32, #tpu.memory_space<vmem>>, vector<16xf32>,
      %get3A_997 = arith.index_cast %scan3A_990 : i32 to index
      %get3A_998 = arith.constant 0 : index
      %get3A_999 = tpu.vector_load %arg17[%get3A_997, %get3A_998] {strides = array<i32>} : memref<128x128xf32, #tpu.memory_space<vmem>>, vector<16xf32>,
      %add3A_1000 = arith.addf %get3A_996, %get3A_999 : vector<16xf32>
      %div3A = arith.constant 1.000000e+00 : f32
      %div3A_1001 = vector.broadcast %div3A : f32 to vector<16xf32>
      %div3A_1002 = arith.divf %div3A_1001, %add3A_1000 : vector<16xf32>
      %mul3A_1003 = arith.mulf %get3A_993, %div3A_1002 : vector<16xf32>
      %swap3A_1004 = arith.index_cast %scan3A_990 : i32 to index
      %swap3A_1005 = arith.constant 0 : index
      %swap3A_1006 = tpu.vector_load %arg14[%swap3A_1004, %swap3A_1005] {strides = array<i32>} : memref<128x128xf32, #tpu.memory_space<vmem>>, vector<16xf32>,
      tpu.vector_store %arg14[%swap3A_1004, %swap3A_1005], %mul3A_1003 {strides = array<i32>} : memref<128x128xf32, #tpu.memory_space<vmem>>, vector<16xf32>,
      %get3A_1007 = arith.index_cast %scan3A_990 : i32 to index
      %get3A_1008 = arith.constant 16 : index
      %get3A_1009 = tpu.vector_load %arg12[%get3A_1007, %get3A_1008] {strides = array<i32>} : memref<128x128xf32, #tpu.memory_space<vmem>>, vector<16xf32>,
      %get3A_1010 = arith.index_cast %scan3A_990 : i32 to index
      %get3A_1011 = arith.constant 16 : index
      %get3A_1012 = tpu.vector_load %arg16[%get3A_1010, %get3A_1011] {strides = array<i32>} : memref<128x128xf32, #tpu.memory_space<vmem>>, vector<16xf32>,
      %get3A_1013 = arith.index_cast %scan3A_990 : i32 to index
      %get3A_1014 = arith.constant 16 : index
      %get3A_1015 = tpu.vector_load %arg17[%get3A_1013, %get3A_1014] {strides = array<i32>} : memref<128x128xf32, #tpu.memory_space<vmem>>, vector<16xf32>,
      %add3A_1016 = arith.addf %get3A_1012, %get3A_1015 : vector<16xf32>
      %div3A_1017 = arith.constant 1.000000e+00 : f32
      %div3A_1018 = vector.broadcast %div3A_1017 : f32 to vector<16xf32>
      %div3A_1019 = arith.divf %div3A_1018, %add3A_1016 : vector<16xf32>
      %mul3A_1020 = arith.mulf %get3A_1009, %div3A_1019 : vector<16xf32>
      %swap3A_1021 = arith.index_cast %scan3A_990 : i32 to index
      %swap3A_1022 = arith.constant 16 : index
      %swap3A_1023 = tpu.vector_load %arg14[%swap3A_1021, %swap3A_1022] {strides = array<i32>} : memref<128x128xf32, #tpu.memory_space<vmem>>, vector<16xf32>,
      tpu.vector_store %arg14[%swap3A_1021, %swap3A_1022], %mul3A_1020 {strides = array<i32>} : memref<128x128xf32, #tpu.memory_space<vmem>>, vector<16xf32>,
      %get3A_1024 = arith.index_cast %scan3A_990 : i32 to index
      %get3A_1025 = arith.constant 32 : index
      %get3A_1026 = tpu.vector_load %arg12[%get3A_1024, %get3A_1025] {strides = array<i32>} : memref<128x128xf32, #tpu.memory_space<vmem>>, vector<16xf32>,
      %get3A_1027 = arith.index_cast %scan3A_990 : i32 to index
      %get3A_1028 = arith.constant 32 : index
      %get3A_1029 = tpu.vector_load %arg16[%get3A_1027, %get3A_1028] {strides = array<i32>} : memref<128x128xf32, #tpu.memory_space<vmem>>, vector<16xf32>,
      %get3A_1030 = arith.index_cast %scan3A_990 : i32 to index
      %get3A_1031 = arith.constant 32 : index
      %get3A_1032 = tpu.vector_load %arg17[%get3A_1030, %get3A_1031] {strides = array<i32>} : memref<128x128xf32, #tpu.memory_space<vmem>>, vector<16xf32>,
      %add3A_1033 = arith.addf %get3A_1029, %get3A_1032 : vector<16xf32>
      %div3A_1034 = arith.constant 1.000000e+00 : f32
      %div3A_1035 = vector.broadcast %div3A_1034 : f32 to vector<16xf32>
      %div3A_1036 = arith.divf %div3A_1035, %add3A_1033 : vector<16xf32>
      %mul3A_1037 = arith.mulf %get3A_1026, %div3A_1036 : vector<16xf32>
      %swap3A_1038 = arith.index_cast %scan3A_990 : i32 to index
      %swap3A_1039 = arith.constant 32 : index
      %swap3A_1040 = tpu.vector_load %arg14[%swap3A_1038, %swap3A_1039] {strides = array<i32>} : memref<128x128xf32, #tpu.memory_space<vmem>>, vector<16xf32>,
      tpu.vector_store %arg14[%swap3A_1038, %swap3A_1039], %mul3A_1037 {strides = array<i32>} : memref<128x128xf32, #tpu.memory_space<vmem>>, vector<16xf32>,
      %get3A_1041 = arith.index_cast %scan3A_990 : i32 to index
      %get3A_1042 = arith.constant 48 : index
      %get3A_1043 = tpu.vector_load %arg12[%get3A_1041, %get3A_1042] {strides = array<i32>} : memref<128x128xf32, #tpu.memory_space<vmem>>, vector<16xf32>,
      %get3A_1044 = arith.index_cast %scan3A_990 : i32 to index
      %get3A_1045 = arith.constant 48 : index
      %get3A_1046 = tpu.vector_load %arg16[%get3A_1044, %get3A_1045] {strides = array<i32>} : memref<128x128xf32, #tpu.memory_space<vmem>>, vector<16xf32>,
      %get3A_1047 = arith.index_cast %scan3A_990 : i32 to index
      %get3A_1048 = arith.constant 48 : index
      %get3A_1049 = tpu.vector_load %arg17[%get3A_1047, %get3A_1048] {strides = array<i32>} : memref<128x128xf32, #tpu.memory_space<vmem>>, vector<16xf32>,
      %add3A_1050 = arith.addf %get3A_1046, %get3A_1049 : vector<16xf32>
      %div3A_1051 = arith.constant 1.000000e+00 : f32
      %div3A_1052 = vector.broadcast %div3A_1051 : f32 to vector<16xf32>
      %div3A_1053 = arith.divf %div3A_1052, %add3A_1050 : vector<16xf32>
      %mul3A_1054 = arith.mulf %get3A_1043, %div3A_1053 : vector<16xf32>
      %swap3A_1055 = arith.index_cast %scan3A_990 : i32 to index
      %swap3A_1056 = arith.constant 48 : index
      %swap3A_1057 = tpu.vector_load %arg14[%swap3A_1055, %swap3A_1056] {strides = array<i32>} : memref<128x128xf32, #tpu.memory_space<vmem>>, vector<16xf32>,
      tpu.vector_store %arg14[%swap3A_1055, %swap3A_1056], %mul3A_1054 {strides = array<i32>} : memref<128x128xf32, #tpu.memory_space<vmem>>, vector<16xf32>,
      %get3A_1058 = arith.index_cast %scan3A_990 : i32 to index
      %get3A_1059 = arith.constant 64 : index
      %get3A_1060 = tpu.vector_load %arg12[%get3A_1058, %get3A_1059] {strides = array<i32>} : memref<128x128xf32, #tpu.memory_space<vmem>>, vector<16xf32>,
      %get3A_1061 = arith.index_cast %scan3A_990 : i32 to index
      %get3A_1062 = arith.constant 64 : index
      %get3A_1063 = tpu.vector_load %arg16[%get3A_1061, %get3A_1062] {strides = array<i32>} : memref<128x128xf32, #tpu.memory_space<vmem>>, vector<16xf32>,
      %get3A_1064 = arith.index_cast %scan3A_990 : i32 to index
      %get3A_1065 = arith.constant 64 : index
      %get3A_1066 = tpu.vector_load %arg17[%get3A_1064, %get3A_1065] {strides = array<i32>} : memref<128x128xf32, #tpu.memory_space<vmem>>, vector<16xf32>,
      %add3A_1067 = arith.addf %get3A_1063, %get3A_1066 : vector<16xf32>
      %div3A_1068 = arith.constant 1.000000e+00 : f32
      %div3A_1069 = vector.broadcast %div3A_1068 : f32 to vector<16xf32>
      %div3A_1070 = arith.divf %div3A_1069, %add3A_1067 : vector<16xf32>
      %mul3A_1071 = arith.mulf %get3A_1060, %div3A_1070 : vector<16xf32>
      %swap3A_1072 = arith.index_cast %scan3A_990 : i32 to index
      %swap3A_1073 = arith.constant 64 : index
      %swap3A_1074 = tpu.vector_load %arg14[%swap3A_1072, %swap3A_1073] {strides = array<i32>} : memref<128x128xf32, #tpu.memory_space<vmem>>, vector<16xf32>,
      tpu.vector_store %arg14[%swap3A_1072, %swap3A_1073], %mul3A_1071 {strides = array<i32>} : memref<128x128xf32, #tpu.memory_space<vmem>>, vector<16xf32>,
      %get3A_1075 = arith.index_cast %scan3A_990 : i32 to index
      %get3A_1076 = arith.constant 80 : index
      %get3A_1077 = tpu.vector_load %arg12[%get3A_1075, %get3A_1076] {strides = array<i32>} : memref<128x128xf32, #tpu.memory_space<vmem>>, vector<16xf32>,
      %get3A_1078 = arith.index_cast %scan3A_990 : i32 to index
      %get3A_1079 = arith.constant 80 : index
      %get3A_1080 = tpu.vector_load %arg16[%get3A_1078, %get3A_1079] {strides = array<i32>} : memref<128x128xf32, #tpu.memory_space<vmem>>, vector<16xf32>,
      %get3A_1081 = arith.index_cast %scan3A_990 : i32 to index
      %get3A_1082 = arith.constant 80 : index
      %get3A_1083 = tpu.vector_load %arg17[%get3A_1081, %get3A_1082] {strides = array<i32>} : memref<128x128xf32, #tpu.memory_space<vmem>>, vector<16xf32>,
      %add3A_1084 = arith.addf %get3A_1080, %get3A_1083 : vector<16xf32>
      %div3A_1085 = arith.constant 1.000000e+00 : f32
      %div3A_1086 = vector.broadcast %div3A_1085 : f32 to vector<16xf32>
      %div3A_1087 = arith.divf %div3A_1086, %add3A_1084 : vector<16xf32>
      %mul3A_1088 = arith.mulf %get3A_1077, %div3A_1087 : vector<16xf32>
      %swap3A_1089 = arith.index_cast %scan3A_990 : i32 to index
      %swap3A_1090 = arith.constant 80 : index
      %swap3A_1091 = tpu.vector_load %arg14[%swap3A_1089, %swap3A_1090] {strides = array<i32>} : memref<128x128xf32, #tpu.memory_space<vmem>>, vector<16xf32>,
      tpu.vector_store %arg14[%swap3A_1089, %swap3A_1090], %mul3A_1088 {strides = array<i32>} : memref<128x128xf32, #tpu.memory_space<vmem>>, vector<16xf32>,
      %get3A_1092 = arith.index_cast %scan3A_990 : i32 to index
      %get3A_1093 = arith.constant 96 : index
      %get3A_1094 = tpu.vector_load %arg12[%get3A_1092, %get3A_1093] {strides = array<i32>} : memref<128x128xf32, #tpu.memory_space<vmem>>, vector<16xf32>,
      %get3A_1095 = arith.index_cast %scan3A_990 : i32 to index
      %get3A_1096 = arith.constant 96 : index
      %get3A_1097 = tpu.vector_load %arg16[%get3A_1095, %get3A_1096] {strides = array<i32>} : memref<128x128xf32, #tpu.memory_space<vmem>>, vector<16xf32>,
      %get3A_1098 = arith.index_cast %scan3A_990 : i32 to index
      %get3A_1099 = arith.constant 96 : index
      %get3A_1100 = tpu.vector_load %arg17[%get3A_1098, %get3A_1099] {strides = array<i32>} : memref<128x128xf32, #tpu.memory_space<vmem>>, vector<16xf32>,
      %add3A_1101 = arith.addf %get3A_1097, %get3A_1100 : vector<16xf32>
      %div3A_1102 = arith.constant 1.000000e+00 : f32
      %div3A_1103 = vector.broadcast %div3A_1102 : f32 to vector<16xf32>
      %div3A_1104 = arith.divf %div3A_1103, %add3A_1101 : vector<16xf32>
      %mul3A_1105 = arith.mulf %get3A_1094, %div3A_1104 : vector<16xf32>
      %swap3A_1106 = arith.index_cast %scan3A_990 : i32 to index
      %swap3A_1107 = arith.constant 96 : index
      %swap3A_1108 = tpu.vector_load %arg14[%swap3A_1106, %swap3A_1107] {strides = array<i32>} : memref<128x128xf32, #tpu.memory_space<vmem>>, vector<16xf32>,
      tpu.vector_store %arg14[%swap3A_1106, %swap3A_1107], %mul3A_1105 {strides = array<i32>} : memref<128x128xf32, #tpu.memory_space<vmem>>, vector<16xf32>,
      %get3A_1109 = arith.index_cast %scan3A_990 : i32 to index
      %get3A_1110 = arith.constant 112 : index
      %get3A_1111 = tpu.vector_load %arg12[%get3A_1109, %get3A_1110] {strides = array<i32>} : memref<128x128xf32, #tpu.memory_space<vmem>>, vector<16xf32>,
      %get3A_1112 = arith.index_cast %scan3A_990 : i32 to index
      %get3A_1113 = arith.constant 112 : index
      %get3A_1114 = tpu.vector_load %arg16[%get3A_1112, %get3A_1113] {strides = array<i32>} : memref<128x128xf32, #tpu.memory_space<vmem>>, vector<16xf32>,
      %get3A_1115 = arith.index_cast %scan3A_990 : i32 to index
      %get3A_1116 = arith.constant 112 : index
      %get3A_1117 = tpu.vector_load %arg17[%get3A_1115, %get3A_1116] {strides = array<i32>} : memref<128x128xf32, #tpu.memory_space<vmem>>, vector<16xf32>,
      %add3A_1118 = arith.addf %get3A_1114, %get3A_1117 : vector<16xf32>
      %div3A_1119 = arith.constant 1.000000e+00 : f32
      %div3A_1120 = vector.broadcast %div3A_1119 : f32 to vector<16xf32>
      %div3A_1121 = arith.divf %div3A_1120, %add3A_1118 : vector<16xf32>
      %mul3A_1122 = arith.mulf %get3A_1111, %div3A_1121 : vector<16xf32>
      %swap3A_1123 = arith.index_cast %scan3A_990 : i32 to index
      %swap3A_1124 = arith.constant 112 : index
      %swap3A_1125 = tpu.vector_load %arg14[%swap3A_1123, %swap3A_1124] {strides = array<i32>} : memref<128x128xf32, #tpu.memory_space<vmem>>, vector<16xf32>,
      tpu.vector_store %arg14[%swap3A_1123, %swap3A_1124], %mul3A_1122 {strides = array<i32>} : memref<128x128xf32, #tpu.memory_space<vmem>>, vector<16xf32>,
    }
    %scan3A_792 = arith.constant 128 : i32
    %add3A_793 = arith.constant 0 : i32
    %add3A_794 = arith.addi %mul3A_2, %add3A_793 : i32
    %dma_start3A_795 = arith.constant 0 : i32
    %dma_start3A_796 = tpu.memref_slice %arg6[%add3A_794, %dma_start3A_795] : memref<16384x128xf32, #tpu.memory_space<hbm>> -> memref<128x128xf32, #tpu.memory_space<hbm>>
    %dma_start3A_797 = arith.constant 0 : i32
    %dma_start3A_798 = tpu.memref_slice %arg6[%add3A_794, %dma_start3A_797] : memref<16384x128xf32, #tpu.memory_space<hbm>> -> memref<128x128xf32, #tpu.memory_space<hbm>>
    tpu.enqueue_dma source(%arg14 : memref<128x128xf32, #tpu.memory_space<vmem>>) target(%dma_start3A_798 : memref<128x128xf32, #tpu.memory_space<hbm>>) target_semaphore(%arg22 : memref<!tpu.dma_semaphore, #tpu.memory_space<semaphore_mem>>)
    %dma_start3A_799 = arith.constant 2 : i32
    %dma_start3A_800 = arith.constant 0 : i32
    %dma_start3A_801 = tpu.memref_slice %arg10[%dma_start3A_799, %dma_start3A_800] : memref<4x128xi32, #tpu.memory_space<vmem>> -> memref<1x128xi32, #tpu.memory_space<vmem>>
    %dma_start3A_802 = tpu.memref_squeeze %dma_start3A_801 : memref<1x128xi32, #tpu.memory_space<vmem>> -> memref<128xi32, #tpu.memory_space<vmem>>
    %dma_start3A_803 = arith.constant 0 : i32
    %dma_start3A_804 = arith.constant 0 : i32
    %dma_start3A_805 = tpu.memref_slice %arg2[%dma_start3A_803, %dma_start3A_804] : memref<100000x128xf32, #tpu.memory_space<hbm>> -> memref<100000x128xf32, #tpu.memory_space<hbm>>
    tpu.enqueue_indirect_dma source(%dma_start3A_805 : memref<100000x128xf32, #tpu.memory_space<hbm>>) target(%arg12 : memref<128x128xf32, #tpu.memory_space<vmem>>) offsets(%dma_start3A_802 : memref<128xi32, #tpu.memory_space<vmem>>) semaphore(%arg18 : memref<!tpu.dma_semaphore, #tpu.memory_space<semaphore_mem>>)
    %dma_start3A_806 = arith.constant 1 : i32
    %dma_start3A_807 = arith.constant 0 : i32
    %dma_start3A_808 = tpu.memref_slice %arg9[%dma_start3A_806, %dma_start3A_807] : memref<4x128xi32, #tpu.memory_space<vmem>> -> memref<1x128xi32, #tpu.memory_space<vmem>>
    %dma_start3A_809 = tpu.memref_squeeze %dma_start3A_808 : memref<1x128xi32, #tpu.memory_space<vmem>> -> memref<128xi32, #tpu.memory_space<vmem>>
    %dma_start3A_810 = tpu.memref_reshape %arg5 : memref<2x104x128xf32, #tpu.memory_space<hbm>> -> memref<208x128xf32, #tpu.memory_space<hbm>>
    %dma_start3A_811 = arith.constant 0 : i32
    %dma_start3A_812 = arith.constant 0 : i32
    %dma_start3A_813 = tpu.memref_slice %dma_start3A_810[%dma_start3A_811, %dma_start3A_812] : memref<208x128xf32, #tpu.memory_space<hbm>> -> memref<208x128xf32, #tpu.memory_space<hbm>>
    tpu.enqueue_indirect_dma source(%dma_start3A_813 : memref<208x128xf32, #tpu.memory_space<hbm>>) target(%arg16 : memref<128x128xf32, #tpu.memory_space<vmem>>) offsets(%dma_start3A_809 : memref<128xi32, #tpu.memory_space<vmem>>) semaphore(%arg20 : memref<!tpu.dma_semaphore, #tpu.memory_space<semaphore_mem>>)
    %dma_start3A_814 = arith.constant 1 : i32
    %dma_start3A_815 = arith.constant 0 : i32
    %dma_start3A_816 = tpu.memref_slice %arg11[%dma_start3A_814, %dma_start3A_815] : memref<4x128xi32, #tpu.memory_space<vmem>> -> memref<1x128xi32, #tpu.memory_space<vmem>>
    %dma_start3A_817 = tpu.memref_squeeze %dma_start3A_816 : memref<1x128xi32, #tpu.memory_space<vmem>> -> memref<128xi32, #tpu.memory_space<vmem>>
    %dma_start3A_818 = tpu.memref_reshape %arg5 : memref<2x104x128xf32, #tpu.memory_space<hbm>> -> memref<208x128xf32, #tpu.memory_space<hbm>>
    %dma_start3A_819 = arith.constant 0 : i32
    %dma_start3A_820 = arith.constant 0 : i32
    %dma_start3A_821 = tpu.memref_slice %dma_start3A_818[%dma_start3A_819, %dma_start3A_820] : memref<208x128xf32, #tpu.memory_space<hbm>> -> memref<208x128xf32, #tpu.memory_space<hbm>>
    tpu.enqueue_indirect_dma source(%dma_start3A_821 : memref<208x128xf32, #tpu.memory_space<hbm>>) target(%arg17 : memref<128x128xf32, #tpu.memory_space<vmem>>) offsets(%dma_start3A_817 : memref<128xi32, #tpu.memory_space<vmem>>) semaphore(%arg21 : memref<!tpu.dma_semaphore, #tpu.memory_space<semaphore_mem>>)
    %dma_wait3A_822 = arith.constant 0 : i32
    %dma_wait3A_823 = arith.constant 0 : i32
    %dma_wait3A_824 = tpu.memref_slice %arg10[%dma_wait3A_822, %dma_wait3A_823] : memref<4x128xi32, #tpu.memory_space<vmem>> -> memref<1x128xi32, #tpu.memory_space<vmem>>
    %dma_wait3A_825 = tpu.memref_squeeze %dma_wait3A_824 : memref<1x128xi32, #tpu.memory_space<vmem>> -> memref<128xi32, #tpu.memory_space<vmem>>
    %dma_wait3A_826 = arith.constant 0 : i32
    %dma_wait3A_827 = arith.constant 0 : i32
    %dma_wait3A_828 = tpu.memref_slice %arg2[%dma_wait3A_826, %dma_wait3A_827] : memref<100000x128xf32, #tpu.memory_space<hbm>> -> memref<100000x128xf32, #tpu.memory_space<hbm>>
    tpu.wait_indirect_dma semaphore(%arg19 : memref<!tpu.dma_semaphore, #tpu.memory_space<semaphore_mem>>) src(%dma_wait3A_828 : memref<100000x128xf32, #tpu.memory_space<hbm>>) dst(%arg13 : memref<128x128xf32, #tpu.memory_space<vmem>>)
    %dma_wait3A_829 = arith.constant 0 : i32
    %dma_wait3A_830 = arith.constant 0 : i32
    %dma_wait3A_831 = tpu.memref_slice %arg9[%dma_wait3A_829, %dma_wait3A_830] : memref<4x128xi32, #tpu.memory_space<vmem>> -> memref<1x128xi32, #tpu.memory_space<vmem>>
    %dma_wait3A_832 = tpu.memref_squeeze %dma_wait3A_831 : memref<1x128xi32, #tpu.memory_space<vmem>> -> memref<128xi32, #tpu.memory_space<vmem>>
    %dma_wait3A_833 = tpu.memref_reshape %arg5 : memref<2x104x128xf32, #tpu.memory_space<hbm>> -> memref<208x128xf32, #tpu.memory_space<hbm>>
    %dma_wait3A_834 = arith.constant 0 : i32
    %dma_wait3A_835 = arith.constant 0 : i32
    %dma_wait3A_836 = tpu.memref_slice %dma_wait3A_833[%dma_wait3A_834, %dma_wait3A_835] : memref<208x128xf32, #tpu.memory_space<hbm>> -> memref<208x128xf32, #tpu.memory_space<hbm>>
    tpu.wait_indirect_dma semaphore(%arg20 : memref<!tpu.dma_semaphore, #tpu.memory_space<semaphore_mem>>) src(%dma_wait3A_836 : memref<208x128xf32, #tpu.memory_space<hbm>>) dst(%arg16 : memref<128x128xf32, #tpu.memory_space<vmem>>)
    %dma_wait3A_837 = arith.constant 0 : i32
    %dma_wait3A_838 = arith.constant 0 : i32
    %dma_wait3A_839 = tpu.memref_slice %arg9[%dma_wait3A_837, %dma_wait3A_838] : memref<4x128xi32, #tpu.memory_space<vmem>> -> memref<1x128xi32, #tpu.memory_space<vmem>>
    %dma_wait3A_840 = tpu.memref_squeeze %dma_wait3A_839 : memref<1x128xi32, #tpu.memory_space<vmem>> -> memref<128xi32, #tpu.memory_space<vmem>>
    %dma_wait3A_841 = tpu.memref_reshape %arg5 : memref<2x104x128xf32, #tpu.memory_space<hbm>> -> memref<208x128xf32, #tpu.memory_space<hbm>>
    %dma_wait3A_842 = arith.constant 0 : i32
    %dma_wait3A_843 = arith.constant 0 : i32
    %dma_wait3A_844 = tpu.memref_slice %dma_wait3A_841[%dma_wait3A_842, %dma_wait3A_843] : memref<208x128xf32, #tpu.memory_space<hbm>> -> memref<208x128xf32, #tpu.memory_space<hbm>>
    tpu.wait_indirect_dma semaphore(%arg21 : memref<!tpu.dma_semaphore, #tpu.memory_space<semaphore_mem>>) src(%dma_wait3A_844 : memref<208x128xf32, #tpu.memory_space<hbm>>) dst(%arg17 : memref<128x128xf32, #tpu.memory_space<vmem>>)
    %scan3A_845 = arith.constant 0 : i32
    %scan3A_846 = arith.constant 0 : i32
    %scan3A_847 = arith.constant 128 : i32
    %scan3A_848 = arith.addi %scan3A_846, %scan3A_847 : i32
    %scan3A_849 = arith.constant 1 : i32
    scf.for %scan3A_990 = %scan3A_846 to %scan3A_848 step %scan3A_849  : i32 {
      %get3A_991 = arith.index_cast %scan3A_990 : i32 to index
      %get3A_992 = arith.constant 0 : index
      %get3A_993 = tpu.vector_load %arg13[%get3A_991, %get3A_992] {strides = array<i32>} : memref<128x128xf32, #tpu.memory_space<vmem>>, vector<16xf32>,
      %get3A_994 = arith.index_cast %scan3A_990 : i32 to index
      %get3A_995 = arith.constant 0 : index
      %get3A_996 = tpu.vector_load %arg16[%get3A_994, %get3A_995] {strides = array<i32>} : memref<128x128xf32, #tpu.memory_space<vmem>>, vector<16xf32>,
      %get3A_997 = arith.index_cast %scan3A_990 : i32 to index
      %get3A_998 = arith.constant 0 : index
      %get3A_999 = tpu.vector_load %arg17[%get3A_997, %get3A_998] {strides = array<i32>} : memref<128x128xf32, #tpu.memory_space<vmem>>, vector<16xf32>,
      %add3A_1000 = arith.addf %get3A_996, %get3A_999 : vector<16xf32>
      %div3A = arith.constant 1.000000e+00 : f32
      %div3A_1001 = vector.broadcast %div3A : f32 to vector<16xf32>
      %div3A_1002 = arith.divf %div3A_1001, %add3A_1000 : vector<16xf32>
      %mul3A_1003 = arith.mulf %get3A_993, %div3A_1002 : vector<16xf32>
      %swap3A_1004 = arith.index_cast %scan3A_990 : i32 to index
      %swap3A_1005 = arith.constant 0 : index
      %swap3A_1006 = tpu.vector_load %arg15[%swap3A_1004, %swap3A_1005] {strides = array<i32>} : memref<128x128xf32, #tpu.memory_space<vmem>>, vector<16xf32>,
      tpu.vector_store %arg15[%swap3A_1004, %swap3A_1005], %mul3A_1003 {strides = array<i32>} : memref<128x128xf32, #tpu.memory_space<vmem>>, vector<16xf32>,
      %get3A_1007 = arith.index_cast %scan3A_990 : i32 to index
      %get3A_1008 = arith.constant 16 : index
      %get3A_1009 = tpu.vector_load %arg13[%get3A_1007, %get3A_1008] {strides = array<i32>} : memref<128x128xf32, #tpu.memory_space<vmem>>, vector<16xf32>,
      %get3A_1010 = arith.index_cast %scan3A_990 : i32 to index
      %get3A_1011 = arith.constant 16 : index
      %get3A_1012 = tpu.vector_load %arg16[%get3A_1010, %get3A_1011] {strides = array<i32>} : memref<128x128xf32, #tpu.memory_space<vmem>>, vector<16xf32>,
      %get3A_1013 = arith.index_cast %scan3A_990 : i32 to index
      %get3A_1014 = arith.constant 16 : index
      %get3A_1015 = tpu.vector_load %arg17[%get3A_1013, %get3A_1014] {strides = array<i32>} : memref<128x128xf32, #tpu.memory_space<vmem>>, vector<16xf32>,
      %add3A_1016 = arith.addf %get3A_1012, %get3A_1015 : vector<16xf32>
      %div3A_1017 = arith.constant 1.000000e+00 : f32
      %div3A_1018 = vector.broadcast %div3A_1017 : f32 to vector<16xf32>
      %div3A_1019 = arith.divf %div3A_1018, %add3A_1016 : vector<16xf32>
      %mul3A_1020 = arith.mulf %get3A_1009, %div3A_1019 : vector<16xf32>
      %swap3A_1021 = arith.index_cast %scan3A_990 : i32 to index
      %swap3A_1022 = arith.constant 16 : index
      %swap3A_1023 = tpu.vector_load %arg15[%swap3A_1021, %swap3A_1022] {strides = array<i32>} : memref<128x128xf32, #tpu.memory_space<vmem>>, vector<16xf32>,
      tpu.vector_store %arg15[%swap3A_1021, %swap3A_1022], %mul3A_1020 {strides = array<i32>} : memref<128x128xf32, #tpu.memory_space<vmem>>, vector<16xf32>,
      %get3A_1024 = arith.index_cast %scan3A_990 : i32 to index
      %get3A_1025 = arith.constant 32 : index
      %get3A_1026 = tpu.vector_load %arg13[%get3A_1024, %get3A_1025] {strides = array<i32>} : memref<128x128xf32, #tpu.memory_space<vmem>>, vector<16xf32>,
      %get3A_1027 = arith.index_cast %scan3A_990 : i32 to index
      %get3A_1028 = arith.constant 32 : index
      %get3A_1029 = tpu.vector_load %arg16[%get3A_1027, %get3A_1028] {strides = array<i32>} : memref<128x128xf32, #tpu.memory_space<vmem>>, vector<16xf32>,
      %get3A_1030 = arith.index_cast %scan3A_990 : i32 to index
      %get3A_1031 = arith.constant 32 : index
      %get3A_1032 = tpu.vector_load %arg17[%get3A_1030, %get3A_1031] {strides = array<i32>} : memref<128x128xf32, #tpu.memory_space<vmem>>, vector<16xf32>,
      %add3A_1033 = arith.addf %get3A_1029, %get3A_1032 : vector<16xf32>
      %div3A_1034 = arith.constant 1.000000e+00 : f32
      %div3A_1035 = vector.broadcast %div3A_1034 : f32 to vector<16xf32>
      %div3A_1036 = arith.divf %div3A_1035, %add3A_1033 : vector<16xf32>
      %mul3A_1037 = arith.mulf %get3A_1026, %div3A_1036 : vector<16xf32>
      %swap3A_1038 = arith.index_cast %scan3A_990 : i32 to index
      %swap3A_1039 = arith.constant 32 : index
      %swap3A_1040 = tpu.vector_load %arg15[%swap3A_1038, %swap3A_1039] {strides = array<i32>} : memref<128x128xf32, #tpu.memory_space<vmem>>, vector<16xf32>,
      tpu.vector_store %arg15[%swap3A_1038, %swap3A_1039], %mul3A_1037 {strides = array<i32>} : memref<128x128xf32, #tpu.memory_space<vmem>>, vector<16xf32>,
      %get3A_1041 = arith.index_cast %scan3A_990 : i32 to index
      %get3A_1042 = arith.constant 48 : index
      %get3A_1043 = tpu.vector_load %arg13[%get3A_1041, %get3A_1042] {strides = array<i32>} : memref<128x128xf32, #tpu.memory_space<vmem>>, vector<16xf32>,
      %get3A_1044 = arith.index_cast %scan3A_990 : i32 to index
      %get3A_1045 = arith.constant 48 : index
      %get3A_1046 = tpu.vector_load %arg16[%get3A_1044, %get3A_1045] {strides = array<i32>} : memref<128x128xf32, #tpu.memory_space<vmem>>, vector<16xf32>,
      %get3A_1047 = arith.index_cast %scan3A_990 : i32 to index
      %get3A_1048 = arith.constant 48 : index
      %get3A_1049 = tpu.vector_load %arg17[%get3A_1047, %get3A_1048] {strides = array<i32>} : memref<128x128xf32, #tpu.memory_space<vmem>>, vector<16xf32>,
      %add3A_1050 = arith.addf %get3A_1046, %get3A_1049 : vector<16xf32>
      %div3A_1051 = arith.constant 1.000000e+00 : f32
      %div3A_1052 = vector.broadcast %div3A_1051 : f32 to vector<16xf32>
      %div3A_1053 = arith.divf %div3A_1052, %add3A_1050 : vector<16xf32>
      %mul3A_1054 = arith.mulf %get3A_1043, %div3A_1053 : vector<16xf32>
      %swap3A_1055 = arith.index_cast %scan3A_990 : i32 to index
      %swap3A_1056 = arith.constant 48 : index
      %swap3A_1057 = tpu.vector_load %arg15[%swap3A_1055, %swap3A_1056] {strides = array<i32>} : memref<128x128xf32, #tpu.memory_space<vmem>>, vector<16xf32>,
      tpu.vector_store %arg15[%swap3A_1055, %swap3A_1056], %mul3A_1054 {strides = array<i32>} : memref<128x128xf32, #tpu.memory_space<vmem>>, vector<16xf32>,
      %get3A_1058 = arith.index_cast %scan3A_990 : i32 to index
      %get3A_1059 = arith.constant 64 : index
      %get3A_1060 = tpu.vector_load %arg13[%get3A_1058, %get3A_1059] {strides = array<i32>} : memref<128x128xf32, #tpu.memory_space<vmem>>, vector<16xf32>,
      %get3A_1061 = arith.index_cast %scan3A_990 : i32 to index
      %get3A_1062 = arith.constant 64 : index
      %get3A_1063 = tpu.vector_load %arg16[%get3A_1061, %get3A_1062] {strides = array<i32>} : memref<128x128xf32, #tpu.memory_space<vmem>>, vector<16xf32>,
      %get3A_1064 = arith.index_cast %scan3A_990 : i32 to index
      %get3A_1065 = arith.constant 64 : index
      %get3A_1066 = tpu.vector_load %arg17[%get3A_1064, %get3A_1065] {strides = array<i32>} : memref<128x128xf32, #tpu.memory_space<vmem>>, vector<16xf32>,
      %add3A_1067 = arith.addf %get3A_1063, %get3A_1066 : vector<16xf32>
      %div3A_1068 = arith.constant 1.000000e+00 : f32
      %div3A_1069 = vector.broadcast %div3A_1068 : f32 to vector<16xf32>
      %div3A_1070 = arith.divf %div3A_1069, %add3A_1067 : vector<16xf32>
      %mul3A_1071 = arith.mulf %get3A_1060, %div3A_1070 : vector<16xf32>
      %swap3A_1072 = arith.index_cast %scan3A_990 : i32 to index
      %swap3A_1073 = arith.constant 64 : index
      %swap3A_1074 = tpu.vector_load %arg15[%swap3A_1072, %swap3A_1073] {strides = array<i32>} : memref<128x128xf32, #tpu.memory_space<vmem>>, vector<16xf32>,
      tpu.vector_store %arg15[%swap3A_1072, %swap3A_1073], %mul3A_1071 {strides = array<i32>} : memref<128x128xf32, #tpu.memory_space<vmem>>, vector<16xf32>,
      %get3A_1075 = arith.index_cast %scan3A_990 : i32 to index
      %get3A_1076 = arith.constant 80 : index
      %get3A_1077 = tpu.vector_load %arg13[%get3A_1075, %get3A_1076] {strides = array<i32>} : memref<128x128xf32, #tpu.memory_space<vmem>>, vector<16xf32>,
      %get3A_1078 = arith.index_cast %scan3A_990 : i32 to index
      %get3A_1079 = arith.constant 80 : index
      %get3A_1080 = tpu.vector_load %arg16[%get3A_1078, %get3A_1079] {strides = array<i32>} : memref<128x128xf32, #tpu.memory_space<vmem>>, vector<16xf32>,
      %get3A_1081 = arith.index_cast %scan3A_990 : i32 to index
      %get3A_1082 = arith.constant 80 : index
      %get3A_1083 = tpu.vector_load %arg17[%get3A_1081, %get3A_1082] {strides = array<i32>} : memref<128x128xf32, #tpu.memory_space<vmem>>, vector<16xf32>,
      %add3A_1084 = arith.addf %get3A_1080, %get3A_1083 : vector<16xf32>
      %div3A_1085 = arith.constant 1.000000e+00 : f32
      %div3A_1086 = vector.broadcast %div3A_1085 : f32 to vector<16xf32>
      %div3A_1087 = arith.divf %div3A_1086, %add3A_1084 : vector<16xf32>
      %mul3A_1088 = arith.mulf %get3A_1077, %div3A_1087 : vector<16xf32>
      %swap3A_1089 = arith.index_cast %scan3A_990 : i32 to index
      %swap3A_1090 = arith.constant 80 : index
      %swap3A_1091 = tpu.vector_load %arg15[%swap3A_1089, %swap3A_1090] {strides = array<i32>} : memref<128x128xf32, #tpu.memory_space<vmem>>, vector<16xf32>,
      tpu.vector_store %arg15[%swap3A_1089, %swap3A_1090], %mul3A_1088 {strides = array<i32>} : memref<128x128xf32, #tpu.memory_space<vmem>>, vector<16xf32>,
      %get3A_1092 = arith.index_cast %scan3A_990 : i32 to index
      %get3A_1093 = arith.constant 96 : index
      %get3A_1094 = tpu.vector_load %arg13[%get3A_1092, %get3A_1093] {strides = array<i32>} : memref<128x128xf32, #tpu.memory_space<vmem>>, vector<16xf32>,
      %get3A_1095 = arith.index_cast %scan3A_990 : i32 to index
      %get3A_1096 = arith.constant 96 : index
      %get3A_1097 = tpu.vector_load %arg16[%get3A_1095, %get3A_1096] {strides = array<i32>} : memref<128x128xf32, #tpu.memory_space<vmem>>, vector<16xf32>,
      %get3A_1098 = arith.index_cast %scan3A_990 : i32 to index
      %get3A_1099 = arith.constant 96 : index
      %get3A_1100 = tpu.vector_load %arg17[%get3A_1098, %get3A_1099] {strides = array<i32>} : memref<128x128xf32, #tpu.memory_space<vmem>>, vector<16xf32>,
      %add3A_1101 = arith.addf %get3A_1097, %get3A_1100 : vector<16xf32>
      %div3A_1102 = arith.constant 1.000000e+00 : f32
      %div3A_1103 = vector.broadcast %div3A_1102 : f32 to vector<16xf32>
      %div3A_1104 = arith.divf %div3A_1103, %add3A_1101 : vector<16xf32>
      %mul3A_1105 = arith.mulf %get3A_1094, %div3A_1104 : vector<16xf32>
      %swap3A_1106 = arith.index_cast %scan3A_990 : i32 to index
      %swap3A_1107 = arith.constant 96 : index
      %swap3A_1108 = tpu.vector_load %arg15[%swap3A_1106, %swap3A_1107] {strides = array<i32>} : memref<128x128xf32, #tpu.memory_space<vmem>>, vector<16xf32>,
      tpu.vector_store %arg15[%swap3A_1106, %swap3A_1107], %mul3A_1105 {strides = array<i32>} : memref<128x128xf32, #tpu.memory_space<vmem>>, vector<16xf32>,
      %get3A_1109 = arith.index_cast %scan3A_990 : i32 to index
      %get3A_1110 = arith.constant 112 : index
      %get3A_1111 = tpu.vector_load %arg13[%get3A_1109, %get3A_1110] {strides = array<i32>} : memref<128x128xf32, #tpu.memory_space<vmem>>, vector<16xf32>,
      %get3A_1112 = arith.index_cast %scan3A_990 : i32 to index
      %get3A_1113 = arith.constant 112 : index
      %get3A_1114 = tpu.vector_load %arg16[%get3A_1112, %get3A_1113] {strides = array<i32>} : memref<128x128xf32, #tpu.memory_space<vmem>>, vector<16xf32>,
      %get3A_1115 = arith.index_cast %scan3A_990 : i32 to index
      %get3A_1116 = arith.constant 112 : index
      %get3A_1117 = tpu.vector_load %arg17[%get3A_1115, %get3A_1116] {strides = array<i32>} : memref<128x128xf32, #tpu.memory_space<vmem>>, vector<16xf32>,
      %add3A_1118 = arith.addf %get3A_1114, %get3A_1117 : vector<16xf32>
      %div3A_1119 = arith.constant 1.000000e+00 : f32
      %div3A_1120 = vector.broadcast %div3A_1119 : f32 to vector<16xf32>
      %div3A_1121 = arith.divf %div3A_1120, %add3A_1118 : vector<16xf32>
      %mul3A_1122 = arith.mulf %get3A_1111, %div3A_1121 : vector<16xf32>
      %swap3A_1123 = arith.index_cast %scan3A_990 : i32 to index
      %swap3A_1124 = arith.constant 112 : index
      %swap3A_1125 = tpu.vector_load %arg15[%swap3A_1123, %swap3A_1124] {strides = array<i32>} : memref<128x128xf32, #tpu.memory_space<vmem>>, vector<16xf32>,
      tpu.vector_store %arg15[%swap3A_1123, %swap3A_1124], %mul3A_1122 {strides = array<i32>} : memref<128x128xf32, #tpu.memory_space<vmem>>, vector<16xf32>,
    }
    %scan3A_850 = arith.constant 128 : i32
    %add3A_851 = arith.constant 128 : i32
    %add3A_852 = arith.addi %mul3A_2, %add3A_851 : i32
    %dma_start3A_853 = arith.constant 0 : i32
    %dma_start3A_854 = tpu.memref_slice %arg6[%add3A_852, %dma_start3A_853] : memref<16384x128xf32, #tpu.memory_space<hbm>> -> memref<128x128xf32, #tpu.memory_space<hbm>>
    %dma_start3A_855 = arith.constant 0 : i32
    %dma_start3A_856 = tpu.memref_slice %arg6[%add3A_852, %dma_start3A_855] : memref<16384x128xf32, #tpu.memory_space<hbm>> -> memref<128x128xf32, #tpu.memory_space<hbm>>
    tpu.enqueue_dma source(%arg15 : memref<128x128xf32, #tpu.memory_space<vmem>>) target(%dma_start3A_856 : memref<128x128xf32, #tpu.memory_space<hbm>>) target_semaphore(%arg23 : memref<!tpu.dma_semaphore, #tpu.memory_space<semaphore_mem>>)
    %dma_start3A_857 = arith.constant 3 : i32
    %dma_start3A_858 = arith.constant 0 : i32
    %dma_start3A_859 = tpu.memref_slice %arg10[%dma_start3A_857, %dma_start3A_858] : memref<4x128xi32, #tpu.memory_space<vmem>> -> memref<1x128xi32, #tpu.memory_space<vmem>>
    %dma_start3A_860 = tpu.memref_squeeze %dma_start3A_859 : memref<1x128xi32, #tpu.memory_space<vmem>> -> memref<128xi32, #tpu.memory_space<vmem>>
    %dma_start3A_861 = arith.constant 0 : i32
    %dma_start3A_862 = arith.constant 0 : i32
    %dma_start3A_863 = tpu.memref_slice %arg2[%dma_start3A_861, %dma_start3A_862] : memref<100000x128xf32, #tpu.memory_space<hbm>> -> memref<100000x128xf32, #tpu.memory_space<hbm>>
    tpu.enqueue_indirect_dma source(%dma_start3A_863 : memref<100000x128xf32, #tpu.memory_space<hbm>>) target(%arg13 : memref<128x128xf32, #tpu.memory_space<vmem>>) offsets(%dma_start3A_860 : memref<128xi32, #tpu.memory_space<vmem>>) semaphore(%arg19 : memref<!tpu.dma_semaphore, #tpu.memory_space<semaphore_mem>>)
    %dma_start3A_864 = arith.constant 2 : i32
    %dma_start3A_865 = arith.constant 0 : i32
    %dma_start3A_866 = tpu.memref_slice %arg9[%dma_start3A_864, %dma_start3A_865] : memref<4x128xi32, #tpu.memory_space<vmem>> -> memref<1x128xi32, #tpu.memory_space<vmem>>
    %dma_start3A_867 = tpu.memref_squeeze %dma_start3A_866 : memref<1x128xi32, #tpu.memory_space<vmem>> -> memref<128xi32, #tpu.memory_space<vmem>>
    %dma_start3A_868 = tpu.memref_reshape %arg5 : memref<2x104x128xf32, #tpu.memory_space<hbm>> -> memref<208x128xf32, #tpu.memory_space<hbm>>
    %dma_start3A_869 = arith.constant 0 : i32
    %dma_start3A_870 = arith.constant 0 : i32
    %dma_start3A_871 = tpu.memref_slice %dma_start3A_868[%dma_start3A_869, %dma_start3A_870] : memref<208x128xf32, #tpu.memory_space<hbm>> -> memref<208x128xf32, #tpu.memory_space<hbm>>
    tpu.enqueue_indirect_dma source(%dma_start3A_871 : memref<208x128xf32, #tpu.memory_space<hbm>>) target(%arg16 : memref<128x128xf32, #tpu.memory_space<vmem>>) offsets(%dma_start3A_867 : memref<128xi32, #tpu.memory_space<vmem>>) semaphore(%arg20 : memref<!tpu.dma_semaphore, #tpu.memory_space<semaphore_mem>>)
    %dma_start3A_872 = arith.constant 2 : i32
    %dma_start3A_873 = arith.constant 0 : i32
    %dma_start3A_874 = tpu.memref_slice %arg11[%dma_start3A_872, %dma_start3A_873] : memref<4x128xi32, #tpu.memory_space<vmem>> -> memref<1x128xi32, #tpu.memory_space<vmem>>
    %dma_start3A_875 = tpu.memref_squeeze %dma_start3A_874 : memref<1x128xi32, #tpu.memory_space<vmem>> -> memref<128xi32, #tpu.memory_space<vmem>>
    %dma_start3A_876 = tpu.memref_reshape %arg5 : memref<2x104x128xf32, #tpu.memory_space<hbm>> -> memref<208x128xf32, #tpu.memory_space<hbm>>
    %dma_start3A_877 = arith.constant 0 : i32
    %dma_start3A_878 = arith.constant 0 : i32
    %dma_start3A_879 = tpu.memref_slice %dma_start3A_876[%dma_start3A_877, %dma_start3A_878] : memref<208x128xf32, #tpu.memory_space<hbm>> -> memref<208x128xf32, #tpu.memory_space<hbm>>
    tpu.enqueue_indirect_dma source(%dma_start3A_879 : memref<208x128xf32, #tpu.memory_space<hbm>>) target(%arg17 : memref<128x128xf32, #tpu.memory_space<vmem>>) offsets(%dma_start3A_875 : memref<128xi32, #tpu.memory_space<vmem>>) semaphore(%arg21 : memref<!tpu.dma_semaphore, #tpu.memory_space<semaphore_mem>>)
    %dma_wait3A_880 = arith.constant 0 : i32
    %dma_wait3A_881 = arith.constant 0 : i32
    %dma_wait3A_882 = tpu.memref_slice %arg10[%dma_wait3A_880, %dma_wait3A_881] : memref<4x128xi32, #tpu.memory_space<vmem>> -> memref<1x128xi32, #tpu.memory_space<vmem>>
    %dma_wait3A_883 = tpu.memref_squeeze %dma_wait3A_882 : memref<1x128xi32, #tpu.memory_space<vmem>> -> memref<128xi32, #tpu.memory_space<vmem>>
    %dma_wait3A_884 = arith.constant 0 : i32
    %dma_wait3A_885 = arith.constant 0 : i32
    %dma_wait3A_886 = tpu.memref_slice %arg2[%dma_wait3A_884, %dma_wait3A_885] : memref<100000x128xf32, #tpu.memory_space<hbm>> -> memref<100000x128xf32, #tpu.memory_space<hbm>>
    tpu.wait_indirect_dma semaphore(%arg18 : memref<!tpu.dma_semaphore, #tpu.memory_space<semaphore_mem>>) src(%dma_wait3A_886 : memref<100000x128xf32, #tpu.memory_space<hbm>>) dst(%arg12 : memref<128x128xf32, #tpu.memory_space<vmem>>)
    %dma_wait3A_887 = arith.constant 0 : i32
    %dma_wait3A_888 = arith.constant 0 : i32
    %dma_wait3A_889 = tpu.memref_slice %arg9[%dma_wait3A_887, %dma_wait3A_888] : memref<4x128xi32, #tpu.memory_space<vmem>> -> memref<1x128xi32, #tpu.memory_space<vmem>>
    %dma_wait3A_890 = tpu.memref_squeeze %dma_wait3A_889 : memref<1x128xi32, #tpu.memory_space<vmem>> -> memref<128xi32, #tpu.memory_space<vmem>>
    %dma_wait3A_891 = tpu.memref_reshape %arg5 : memref<2x104x128xf32, #tpu.memory_space<hbm>> -> memref<208x128xf32, #tpu.memory_space<hbm>>
    %dma_wait3A_892 = arith.constant 0 : i32
    %dma_wait3A_893 = arith.constant 0 : i32
    %dma_wait3A_894 = tpu.memref_slice %dma_wait3A_891[%dma_wait3A_892, %dma_wait3A_893] : memref<208x128xf32, #tpu.memory_space<hbm>> -> memref<208x128xf32, #tpu.memory_space<hbm>>
    tpu.wait_indirect_dma semaphore(%arg20 : memref<!tpu.dma_semaphore, #tpu.memory_space<semaphore_mem>>) src(%dma_wait3A_894 : memref<208x128xf32, #tpu.memory_space<hbm>>) dst(%arg16 : memref<128x128xf32, #tpu.memory_space<vmem>>)
    %dma_wait3A_895 = arith.constant 0 : i32
    %dma_wait3A_896 = arith.constant 0 : i32
    %dma_wait3A_897 = tpu.memref_slice %arg9[%dma_wait3A_895, %dma_wait3A_896] : memref<4x128xi32, #tpu.memory_space<vmem>> -> memref<1x128xi32, #tpu.memory_space<vmem>>
    %dma_wait3A_898 = tpu.memref_squeeze %dma_wait3A_897 : memref<1x128xi32, #tpu.memory_space<vmem>> -> memref<128xi32, #tpu.memory_space<vmem>>
    %dma_wait3A_899 = tpu.memref_reshape %arg5 : memref<2x104x128xf32, #tpu.memory_space<hbm>> -> memref<208x128xf32, #tpu.memory_space<hbm>>
    %dma_wait3A_900 = arith.constant 0 : i32
    %dma_wait3A_901 = arith.constant 0 : i32
    %dma_wait3A_902 = tpu.memref_slice %dma_wait3A_899[%dma_wait3A_900, %dma_wait3A_901] : memref<208x128xf32, #tpu.memory_space<hbm>> -> memref<208x128xf32, #tpu.memory_space<hbm>>
    tpu.wait_indirect_dma semaphore(%arg21 : memref<!tpu.dma_semaphore, #tpu.memory_space<semaphore_mem>>) src(%dma_wait3A_902 : memref<208x128xf32, #tpu.memory_space<hbm>>) dst(%arg17 : memref<128x128xf32, #tpu.memory_space<vmem>>)
    %dma_wait3A_903 = arith.constant 0 : i32
    %dma_wait3A_904 = arith.constant 0 : i32
    %dma_wait3A_905 = tpu.memref_slice %arg6[%dma_wait3A_903, %dma_wait3A_904] : memref<16384x128xf32, #tpu.memory_space<hbm>> -> memref<128x128xf32, #tpu.memory_space<hbm>>
    %dma_wait3A_906 = arith.constant 0 : i32
    %dma_wait3A_907 = arith.constant 0 : i32
    %dma_wait3A_908 = tpu.memref_slice %arg6[%dma_wait3A_906, %dma_wait3A_907] : memref<16384x128xf32, #tpu.memory_space<hbm>> -> memref<128x128xf32, #tpu.memory_space<hbm>>
    tpu.wait_dma2 semaphore(%arg22 : memref<!tpu.dma_semaphore, #tpu.memory_space<semaphore_mem>>) src(%arg14 : memref<128x128xf32, #tpu.memory_space<vmem>>) dst(%dma_wait3A_908 : memref<128x128xf32, #tpu.memory_space<hbm>>)
    %scan3A_909 = arith.constant 0 : i32
    %scan3A_910 = arith.constant 0 : i32
    %scan3A_911 = arith.constant 128 : i32
    %scan3A_912 = arith.addi %scan3A_910, %scan3A_911 : i32
    %scan3A_913 = arith.constant 1 : i32
    scf.for %scan3A_990 = %scan3A_910 to %scan3A_912 step %scan3A_913  : i32 {
      %get3A_991 = arith.index_cast %scan3A_990 : i32 to index
      %get3A_992 = arith.constant 0 : index
      %get3A_993 = tpu.vector_load %arg12[%get3A_991, %get3A_992] {strides = array<i32>} : memref<128x128xf32, #tpu.memory_space<vmem>>, vector<16xf32>,
      %get3A_994 = arith.index_cast %scan3A_990 : i32 to index
      %get3A_995 = arith.constant 0 : index
      %get3A_996 = tpu.vector_load %arg16[%get3A_994, %get3A_995] {strides = array<i32>} : memref<128x128xf32, #tpu.memory_space<vmem>>, vector<16xf32>,
      %get3A_997 = arith.index_cast %scan3A_990 : i32 to index
      %get3A_998 = arith.constant 0 : index
      %get3A_999 = tpu.vector_load %arg17[%get3A_997, %get3A_998] {strides = array<i32>} : memref<128x128xf32, #tpu.memory_space<vmem>>, vector<16xf32>,
      %add3A_1000 = arith.addf %get3A_996, %get3A_999 : vector<16xf32>
      %div3A = arith.constant 1.000000e+00 : f32
      %div3A_1001 = vector.broadcast %div3A : f32 to vector<16xf32>
      %div3A_1002 = arith.divf %div3A_1001, %add3A_1000 : vector<16xf32>
      %mul3A_1003 = arith.mulf %get3A_993, %div3A_1002 : vector<16xf32>
      %swap3A_1004 = arith.index_cast %scan3A_990 : i32 to index
      %swap3A_1005 = arith.constant 0 : index
      %swap3A_1006 = tpu.vector_load %arg14[%swap3A_1004, %swap3A_1005] {strides = array<i32>} : memref<128x128xf32, #tpu.memory_space<vmem>>, vector<16xf32>,
      tpu.vector_store %arg14[%swap3A_1004, %swap3A_1005], %mul3A_1003 {strides = array<i32>} : memref<128x128xf32, #tpu.memory_space<vmem>>, vector<16xf32>,
      %get3A_1007 = arith.index_cast %scan3A_990 : i32 to index
      %get3A_1008 = arith.constant 16 : index
      %get3A_1009 = tpu.vector_load %arg12[%get3A_1007, %get3A_1008] {strides = array<i32>} : memref<128x128xf32, #tpu.memory_space<vmem>>, vector<16xf32>,
      %get3A_1010 = arith.index_cast %scan3A_990 : i32 to index
      %get3A_1011 = arith.constant 16 : index
      %get3A_1012 = tpu.vector_load %arg16[%get3A_1010, %get3A_1011] {strides = array<i32>} : memref<128x128xf32, #tpu.memory_space<vmem>>, vector<16xf32>,
      %get3A_1013 = arith.index_cast %scan3A_990 : i32 to index
      %get3A_1014 = arith.constant 16 : index
      %get3A_1015 = tpu.vector_load %arg17[%get3A_1013, %get3A_1014] {strides = array<i32>} : memref<128x128xf32, #tpu.memory_space<vmem>>, vector<16xf32>,
      %add3A_1016 = arith.addf %get3A_1012, %get3A_1015 : vector<16xf32>
      %div3A_1017 = arith.constant 1.000000e+00 : f32
      %div3A_1018 = vector.broadcast %div3A_1017 : f32 to vector<16xf32>
      %div3A_1019 = arith.divf %div3A_1018, %add3A_1016 : vector<16xf32>
      %mul3A_1020 = arith.mulf %get3A_1009, %div3A_1019 : vector<16xf32>
      %swap3A_1021 = arith.index_cast %scan3A_990 : i32 to index
      %swap3A_1022 = arith.constant 16 : index
      %swap3A_1023 = tpu.vector_load %arg14[%swap3A_1021, %swap3A_1022] {strides = array<i32>} : memref<128x128xf32, #tpu.memory_space<vmem>>, vector<16xf32>,
      tpu.vector_store %arg14[%swap3A_1021, %swap3A_1022], %mul3A_1020 {strides = array<i32>} : memref<128x128xf32, #tpu.memory_space<vmem>>, vector<16xf32>,
      %get3A_1024 = arith.index_cast %scan3A_990 : i32 to index
      %get3A_1025 = arith.constant 32 : index
      %get3A_1026 = tpu.vector_load %arg12[%get3A_1024, %get3A_1025] {strides = array<i32>} : memref<128x128xf32, #tpu.memory_space<vmem>>, vector<16xf32>,
      %get3A_1027 = arith.index_cast %scan3A_990 : i32 to index
      %get3A_1028 = arith.constant 32 : index
      %get3A_1029 = tpu.vector_load %arg16[%get3A_1027, %get3A_1028] {strides = array<i32>} : memref<128x128xf32, #tpu.memory_space<vmem>>, vector<16xf32>,
      %get3A_1030 = arith.index_cast %scan3A_990 : i32 to index
      %get3A_1031 = arith.constant 32 : index
      %get3A_1032 = tpu.vector_load %arg17[%get3A_1030, %get3A_1031] {strides = array<i32>} : memref<128x128xf32, #tpu.memory_space<vmem>>, vector<16xf32>,
      %add3A_1033 = arith.addf %get3A_1029, %get3A_1032 : vector<16xf32>
      %div3A_1034 = arith.constant 1.000000e+00 : f32
      %div3A_1035 = vector.broadcast %div3A_1034 : f32 to vector<16xf32>
      %div3A_1036 = arith.divf %div3A_1035, %add3A_1033 : vector<16xf32>
      %mul3A_1037 = arith.mulf %get3A_1026, %div3A_1036 : vector<16xf32>
      %swap3A_1038 = arith.index_cast %scan3A_990 : i32 to index
      %swap3A_1039 = arith.constant 32 : index
      %swap3A_1040 = tpu.vector_load %arg14[%swap3A_1038, %swap3A_1039] {strides = array<i32>} : memref<128x128xf32, #tpu.memory_space<vmem>>, vector<16xf32>,
      tpu.vector_store %arg14[%swap3A_1038, %swap3A_1039], %mul3A_1037 {strides = array<i32>} : memref<128x128xf32, #tpu.memory_space<vmem>>, vector<16xf32>,
      %get3A_1041 = arith.index_cast %scan3A_990 : i32 to index
      %get3A_1042 = arith.constant 48 : index
      %get3A_1043 = tpu.vector_load %arg12[%get3A_1041, %get3A_1042] {strides = array<i32>} : memref<128x128xf32, #tpu.memory_space<vmem>>, vector<16xf32>,
      %get3A_1044 = arith.index_cast %scan3A_990 : i32 to index
      %get3A_1045 = arith.constant 48 : index
      %get3A_1046 = tpu.vector_load %arg16[%get3A_1044, %get3A_1045] {strides = array<i32>} : memref<128x128xf32, #tpu.memory_space<vmem>>, vector<16xf32>,
      %get3A_1047 = arith.index_cast %scan3A_990 : i32 to index
      %get3A_1048 = arith.constant 48 : index
      %get3A_1049 = tpu.vector_load %arg17[%get3A_1047, %get3A_1048] {strides = array<i32>} : memref<128x128xf32, #tpu.memory_space<vmem>>, vector<16xf32>,
      %add3A_1050 = arith.addf %get3A_1046, %get3A_1049 : vector<16xf32>
      %div3A_1051 = arith.constant 1.000000e+00 : f32
      %div3A_1052 = vector.broadcast %div3A_1051 : f32 to vector<16xf32>
      %div3A_1053 = arith.divf %div3A_1052, %add3A_1050 : vector<16xf32>
      %mul3A_1054 = arith.mulf %get3A_1043, %div3A_1053 : vector<16xf32>
      %swap3A_1055 = arith.index_cast %scan3A_990 : i32 to index
      %swap3A_1056 = arith.constant 48 : index
      %swap3A_1057 = tpu.vector_load %arg14[%swap3A_1055, %swap3A_1056] {strides = array<i32>} : memref<128x128xf32, #tpu.memory_space<vmem>>, vector<16xf32>,
      tpu.vector_store %arg14[%swap3A_1055, %swap3A_1056], %mul3A_1054 {strides = array<i32>} : memref<128x128xf32, #tpu.memory_space<vmem>>, vector<16xf32>,
      %get3A_1058 = arith.index_cast %scan3A_990 : i32 to index
      %get3A_1059 = arith.constant 64 : index
      %get3A_1060 = tpu.vector_load %arg12[%get3A_1058, %get3A_1059] {strides = array<i32>} : memref<128x128xf32, #tpu.memory_space<vmem>>, vector<16xf32>,
      %get3A_1061 = arith.index_cast %scan3A_990 : i32 to index
      %get3A_1062 = arith.constant 64 : index
      %get3A_1063 = tpu.vector_load %arg16[%get3A_1061, %get3A_1062] {strides = array<i32>} : memref<128x128xf32, #tpu.memory_space<vmem>>, vector<16xf32>,
      %get3A_1064 = arith.index_cast %scan3A_990 : i32 to index
      %get3A_1065 = arith.constant 64 : index
      %get3A_1066 = tpu.vector_load %arg17[%get3A_1064, %get3A_1065] {strides = array<i32>} : memref<128x128xf32, #tpu.memory_space<vmem>>, vector<16xf32>,
      %add3A_1067 = arith.addf %get3A_1063, %get3A_1066 : vector<16xf32>
      %div3A_1068 = arith.constant 1.000000e+00 : f32
      %div3A_1069 = vector.broadcast %div3A_1068 : f32 to vector<16xf32>
      %div3A_1070 = arith.divf %div3A_1069, %add3A_1067 : vector<16xf32>
      %mul3A_1071 = arith.mulf %get3A_1060, %div3A_1070 : vector<16xf32>
      %swap3A_1072 = arith.index_cast %scan3A_990 : i32 to index
      %swap3A_1073 = arith.constant 64 : index
      %swap3A_1074 = tpu.vector_load %arg14[%swap3A_1072, %swap3A_1073] {strides = array<i32>} : memref<128x128xf32, #tpu.memory_space<vmem>>, vector<16xf32>,
      tpu.vector_store %arg14[%swap3A_1072, %swap3A_1073], %mul3A_1071 {strides = array<i32>} : memref<128x128xf32, #tpu.memory_space<vmem>>, vector<16xf32>,
      %get3A_1075 = arith.index_cast %scan3A_990 : i32 to index
      %get3A_1076 = arith.constant 80 : index
      %get3A_1077 = tpu.vector_load %arg12[%get3A_1075, %get3A_1076] {strides = array<i32>} : memref<128x128xf32, #tpu.memory_space<vmem>>, vector<16xf32>,
      %get3A_1078 = arith.index_cast %scan3A_990 : i32 to index
      %get3A_1079 = arith.constant 80 : index
      %get3A_1080 = tpu.vector_load %arg16[%get3A_1078, %get3A_1079] {strides = array<i32>} : memref<128x128xf32, #tpu.memory_space<vmem>>, vector<16xf32>,
      %get3A_1081 = arith.index_cast %scan3A_990 : i32 to index
      %get3A_1082 = arith.constant 80 : index
      %get3A_1083 = tpu.vector_load %arg17[%get3A_1081, %get3A_1082] {strides = array<i32>} : memref<128x128xf32, #tpu.memory_space<vmem>>, vector<16xf32>,
      %add3A_1084 = arith.addf %get3A_1080, %get3A_1083 : vector<16xf32>
      %div3A_1085 = arith.constant 1.000000e+00 : f32
      %div3A_1086 = vector.broadcast %div3A_1085 : f32 to vector<16xf32>
      %div3A_1087 = arith.divf %div3A_1086, %add3A_1084 : vector<16xf32>
      %mul3A_1088 = arith.mulf %get3A_1077, %div3A_1087 : vector<16xf32>
      %swap3A_1089 = arith.index_cast %scan3A_990 : i32 to index
      %swap3A_1090 = arith.constant 80 : index
      %swap3A_1091 = tpu.vector_load %arg14[%swap3A_1089, %swap3A_1090] {strides = array<i32>} : memref<128x128xf32, #tpu.memory_space<vmem>>, vector<16xf32>,
      tpu.vector_store %arg14[%swap3A_1089, %swap3A_1090], %mul3A_1088 {strides = array<i32>} : memref<128x128xf32, #tpu.memory_space<vmem>>, vector<16xf32>,
      %get3A_1092 = arith.index_cast %scan3A_990 : i32 to index
      %get3A_1093 = arith.constant 96 : index
      %get3A_1094 = tpu.vector_load %arg12[%get3A_1092, %get3A_1093] {strides = array<i32>} : memref<128x128xf32, #tpu.memory_space<vmem>>, vector<16xf32>,
      %get3A_1095 = arith.index_cast %scan3A_990 : i32 to index
      %get3A_1096 = arith.constant 96 : index
      %get3A_1097 = tpu.vector_load %arg16[%get3A_1095, %get3A_1096] {strides = array<i32>} : memref<128x128xf32, #tpu.memory_space<vmem>>, vector<16xf32>,
      %get3A_1098 = arith.index_cast %scan3A_990 : i32 to index
      %get3A_1099 = arith.constant 96 : index
      %get3A_1100 = tpu.vector_load %arg17[%get3A_1098, %get3A_1099] {strides = array<i32>} : memref<128x128xf32, #tpu.memory_space<vmem>>, vector<16xf32>,
      %add3A_1101 = arith.addf %get3A_1097, %get3A_1100 : vector<16xf32>
      %div3A_1102 = arith.constant 1.000000e+00 : f32
      %div3A_1103 = vector.broadcast %div3A_1102 : f32 to vector<16xf32>
      %div3A_1104 = arith.divf %div3A_1103, %add3A_1101 : vector<16xf32>
      %mul3A_1105 = arith.mulf %get3A_1094, %div3A_1104 : vector<16xf32>
      %swap3A_1106 = arith.index_cast %scan3A_990 : i32 to index
      %swap3A_1107 = arith.constant 96 : index
      %swap3A_1108 = tpu.vector_load %arg14[%swap3A_1106, %swap3A_1107] {strides = array<i32>} : memref<128x128xf32, #tpu.memory_space<vmem>>, vector<16xf32>,
      tpu.vector_store %arg14[%swap3A_1106, %swap3A_1107], %mul3A_1105 {strides = array<i32>} : memref<128x128xf32, #tpu.memory_space<vmem>>, vector<16xf32>,
      %get3A_1109 = arith.index_cast %scan3A_990 : i32 to index
      %get3A_1110 = arith.constant 112 : index
      %get3A_1111 = tpu.vector_load %arg12[%get3A_1109, %get3A_1110] {strides = array<i32>} : memref<128x128xf32, #tpu.memory_space<vmem>>, vector<16xf32>,
      %get3A_1112 = arith.index_cast %scan3A_990 : i32 to index
      %get3A_1113 = arith.constant 112 : index
      %get3A_1114 = tpu.vector_load %arg16[%get3A_1112, %get3A_1113] {strides = array<i32>} : memref<128x128xf32, #tpu.memory_space<vmem>>, vector<16xf32>,
      %get3A_1115 = arith.index_cast %scan3A_990 : i32 to index
      %get3A_1116 = arith.constant 112 : index
      %get3A_1117 = tpu.vector_load %arg17[%get3A_1115, %get3A_1116] {strides = array<i32>} : memref<128x128xf32, #tpu.memory_space<vmem>>, vector<16xf32>,
      %add3A_1118 = arith.addf %get3A_1114, %get3A_1117 : vector<16xf32>
      %div3A_1119 = arith.constant 1.000000e+00 : f32
      %div3A_1120 = vector.broadcast %div3A_1119 : f32 to vector<16xf32>
      %div3A_1121 = arith.divf %div3A_1120, %add3A_1118 : vector<16xf32>
      %mul3A_1122 = arith.mulf %get3A_1111, %div3A_1121 : vector<16xf32>
      %swap3A_1123 = arith.index_cast %scan3A_990 : i32 to index
      %swap3A_1124 = arith.constant 112 : index
      %swap3A_1125 = tpu.vector_load %arg14[%swap3A_1123, %swap3A_1124] {strides = array<i32>} : memref<128x128xf32, #tpu.memory_space<vmem>>, vector<16xf32>,
      tpu.vector_store %arg14[%swap3A_1123, %swap3A_1124], %mul3A_1122 {strides = array<i32>} : memref<128x128xf32, #tpu.memory_space<vmem>>, vector<16xf32>,
    }
    %scan3A_914 = arith.constant 128 : i32
    %add3A_915 = arith.constant 256 : i32
    %add3A_916 = arith.addi %mul3A_2, %add3A_915 : i32
    %dma_start3A_917 = arith.constant 0 : i32
    %dma_start3A_918 = tpu.memref_slice %arg6[%add3A_916, %dma_start3A_917] : memref<16384x128xf32, #tpu.memory_space<hbm>> -> memref<128x128xf32, #tpu.memory_space<hbm>>
    %dma_start3A_919 = arith.constant 0 : i32
    %dma_start3A_920 = tpu.memref_slice %arg6[%add3A_916, %dma_start3A_919] : memref<16384x128xf32, #tpu.memory_space<hbm>> -> memref<128x128xf32, #tpu.memory_space<hbm>>
    tpu.enqueue_dma source(%arg14 : memref<128x128xf32, #tpu.memory_space<vmem>>) target(%dma_start3A_920 : memref<128x128xf32, #tpu.memory_space<hbm>>) target_semaphore(%arg22 : memref<!tpu.dma_semaphore, #tpu.memory_space<semaphore_mem>>)
    %dma_start3A_921 = arith.constant 3 : i32
    %dma_start3A_922 = arith.constant 0 : i32
    %dma_start3A_923 = tpu.memref_slice %arg9[%dma_start3A_921, %dma_start3A_922] : memref<4x128xi32, #tpu.memory_space<vmem>> -> memref<1x128xi32, #tpu.memory_space<vmem>>
    %dma_start3A_924 = tpu.memref_squeeze %dma_start3A_923 : memref<1x128xi32, #tpu.memory_space<vmem>> -> memref<128xi32, #tpu.memory_space<vmem>>
    %dma_start3A_925 = tpu.memref_reshape %arg5 : memref<2x104x128xf32, #tpu.memory_space<hbm>> -> memref<208x128xf32, #tpu.memory_space<hbm>>
    %dma_start3A_926 = arith.constant 0 : i32
    %dma_start3A_927 = arith.constant 0 : i32
    %dma_start3A_928 = tpu.memref_slice %dma_start3A_925[%dma_start3A_926, %dma_start3A_927] : memref<208x128xf32, #tpu.memory_space<hbm>> -> memref<208x128xf32, #tpu.memory_space<hbm>>
    tpu.enqueue_indirect_dma source(%dma_start3A_928 : memref<208x128xf32, #tpu.memory_space<hbm>>) target(%arg16 : memref<128x128xf32, #tpu.memory_space<vmem>>) offsets(%dma_start3A_924 : memref<128xi32, #tpu.memory_space<vmem>>) semaphore(%arg20 : memref<!tpu.dma_semaphore, #tpu.memory_space<semaphore_mem>>)
    %dma_start3A_929 = arith.constant 3 : i32
    %dma_start3A_930 = arith.constant 0 : i32
    %dma_start3A_931 = tpu.memref_slice %arg11[%dma_start3A_929, %dma_start3A_930] : memref<4x128xi32, #tpu.memory_space<vmem>> -> memref<1x128xi32, #tpu.memory_space<vmem>>
    %dma_start3A_932 = tpu.memref_squeeze %dma_start3A_931 : memref<1x128xi32, #tpu.memory_space<vmem>> -> memref<128xi32, #tpu.memory_space<vmem>>
    %dma_start3A_933 = tpu.memref_reshape %arg5 : memref<2x104x128xf32, #tpu.memory_space<hbm>> -> memref<208x128xf32, #tpu.memory_space<hbm>>
    %dma_start3A_934 = arith.constant 0 : i32
    %dma_start3A_935 = arith.constant 0 : i32
    %dma_start3A_936 = tpu.memref_slice %dma_start3A_933[%dma_start3A_934, %dma_start3A_935] : memref<208x128xf32, #tpu.memory_space<hbm>> -> memref<208x128xf32, #tpu.memory_space<hbm>>
    tpu.enqueue_indirect_dma source(%dma_start3A_936 : memref<208x128xf32, #tpu.memory_space<hbm>>) target(%arg17 : memref<128x128xf32, #tpu.memory_space<vmem>>) offsets(%dma_start3A_932 : memref<128xi32, #tpu.memory_space<vmem>>) semaphore(%arg21 : memref<!tpu.dma_semaphore, #tpu.memory_space<semaphore_mem>>)
    %dma_wait3A_937 = arith.constant 0 : i32
    %dma_wait3A_938 = arith.constant 0 : i32
    %dma_wait3A_939 = tpu.memref_slice %arg10[%dma_wait3A_937, %dma_wait3A_938] : memref<4x128xi32, #tpu.memory_space<vmem>> -> memref<1x128xi32, #tpu.memory_space<vmem>>
    %dma_wait3A_940 = tpu.memref_squeeze %dma_wait3A_939 : memref<1x128xi32, #tpu.memory_space<vmem>> -> memref<128xi32, #tpu.memory_space<vmem>>
    %dma_wait3A_941 = arith.constant 0 : i32
    %dma_wait3A_942 = arith.constant 0 : i32
    %dma_wait3A_943 = tpu.memref_slice %arg2[%dma_wait3A_941, %dma_wait3A_942] : memref<100000x128xf32, #tpu.memory_space<hbm>> -> memref<100000x128xf32, #tpu.memory_space<hbm>>
    tpu.wait_indirect_dma semaphore(%arg19 : memref<!tpu.dma_semaphore, #tpu.memory_space<semaphore_mem>>) src(%dma_wait3A_943 : memref<100000x128xf32, #tpu.memory_space<hbm>>) dst(%arg13 : memref<128x128xf32, #tpu.memory_space<vmem>>)
    %dma_wait3A_944 = arith.constant 0 : i32
    %dma_wait3A_945 = arith.constant 0 : i32
    %dma_wait3A_946 = tpu.memref_slice %arg9[%dma_wait3A_944, %dma_wait3A_945] : memref<4x128xi32, #tpu.memory_space<vmem>> -> memref<1x128xi32, #tpu.memory_space<vmem>>
    %dma_wait3A_947 = tpu.memref_squeeze %dma_wait3A_946 : memref<1x128xi32, #tpu.memory_space<vmem>> -> memref<128xi32, #tpu.memory_space<vmem>>
    %dma_wait3A_948 = tpu.memref_reshape %arg5 : memref<2x104x128xf32, #tpu.memory_space<hbm>> -> memref<208x128xf32, #tpu.memory_space<hbm>>
    %dma_wait3A_949 = arith.constant 0 : i32
    %dma_wait3A_950 = arith.constant 0 : i32
    %dma_wait3A_951 = tpu.memref_slice %dma_wait3A_948[%dma_wait3A_949, %dma_wait3A_950] : memref<208x128xf32, #tpu.memory_space<hbm>> -> memref<208x128xf32, #tpu.memory_space<hbm>>
    tpu.wait_indirect_dma semaphore(%arg20 : memref<!tpu.dma_semaphore, #tpu.memory_space<semaphore_mem>>) src(%dma_wait3A_951 : memref<208x128xf32, #tpu.memory_space<hbm>>) dst(%arg16 : memref<128x128xf32, #tpu.memory_space<vmem>>)
    %dma_wait3A_952 = arith.constant 0 : i32
    %dma_wait3A_953 = arith.constant 0 : i32
    %dma_wait3A_954 = tpu.memref_slice %arg9[%dma_wait3A_952, %dma_wait3A_953] : memref<4x128xi32, #tpu.memory_space<vmem>> -> memref<1x128xi32, #tpu.memory_space<vmem>>
    %dma_wait3A_955 = tpu.memref_squeeze %dma_wait3A_954 : memref<1x128xi32, #tpu.memory_space<vmem>> -> memref<128xi32, #tpu.memory_space<vmem>>
    %dma_wait3A_956 = tpu.memref_reshape %arg5 : memref<2x104x128xf32, #tpu.memory_space<hbm>> -> memref<208x128xf32, #tpu.memory_space<hbm>>
    %dma_wait3A_957 = arith.constant 0 : i32
    %dma_wait3A_958 = arith.constant 0 : i32
    %dma_wait3A_959 = tpu.memref_slice %dma_wait3A_956[%dma_wait3A_957, %dma_wait3A_958] : memref<208x128xf32, #tpu.memory_space<hbm>> -> memref<208x128xf32, #tpu.memory_space<hbm>>
    tpu.wait_indirect_dma semaphore(%arg21 : memref<!tpu.dma_semaphore, #tpu.memory_space<semaphore_mem>>) src(%dma_wait3A_959 : memref<208x128xf32, #tpu.memory_space<hbm>>) dst(%arg17 : memref<128x128xf32, #tpu.memory_space<vmem>>)
    %dma_wait3A_960 = arith.constant 0 : i32
    %dma_wait3A_961 = arith.constant 0 : i32
    %dma_wait3A_962 = tpu.memref_slice %arg6[%dma_wait3A_960, %dma_wait3A_961] : memref<16384x128xf32, #tpu.memory_space<hbm>> -> memref<128x128xf32, #tpu.memory_space<hbm>>
    %dma_wait3A_963 = arith.constant 0 : i32
    %dma_wait3A_964 = arith.constant 0 : i32
    %dma_wait3A_965 = tpu.memref_slice %arg6[%dma_wait3A_963, %dma_wait3A_964] : memref<16384x128xf32, #tpu.memory_space<hbm>> -> memref<128x128xf32, #tpu.memory_space<hbm>>
    tpu.wait_dma2 semaphore(%arg23 : memref<!tpu.dma_semaphore, #tpu.memory_space<semaphore_mem>>) src(%arg15 : memref<128x128xf32, #tpu.memory_space<vmem>>) dst(%dma_wait3A_965 : memref<128x128xf32, #tpu.memory_space<hbm>>)
    %scan3A_966 = arith.constant 0 : i32
    %scan3A_967 = arith.constant 0 : i32
    %scan3A_968 = arith.constant 128 : i32
    %scan3A_969 = arith.addi %scan3A_967, %scan3A_968 : i32
    %scan3A_970 = arith.constant 1 : i32
    scf.for %scan3A_990 = %scan3A_967 to %scan3A_969 step %scan3A_970  : i32 {
      %get3A_991 = arith.index_cast %scan3A_990 : i32 to index
      %get3A_992 = arith.constant 0 : index
      %get3A_993 = tpu.vector_load %arg13[%get3A_991, %get3A_992] {strides = array<i32>} : memref<128x128xf32, #tpu.memory_space<vmem>>, vector<16xf32>,
      %get3A_994 = arith.index_cast %scan3A_990 : i32 to index
      %get3A_995 = arith.constant 0 : index
      %get3A_996 = tpu.vector_load %arg16[%get3A_994, %get3A_995] {strides = array<i32>} : memref<128x128xf32, #tpu.memory_space<vmem>>, vector<16xf32>,
      %get3A_997 = arith.index_cast %scan3A_990 : i32 to index
      %get3A_998 = arith.constant 0 : index
      %get3A_999 = tpu.vector_load %arg17[%get3A_997, %get3A_998] {strides = array<i32>} : memref<128x128xf32, #tpu.memory_space<vmem>>, vector<16xf32>,
      %add3A_1000 = arith.addf %get3A_996, %get3A_999 : vector<16xf32>
      %div3A = arith.constant 1.000000e+00 : f32
      %div3A_1001 = vector.broadcast %div3A : f32 to vector<16xf32>
      %div3A_1002 = arith.divf %div3A_1001, %add3A_1000 : vector<16xf32>
      %mul3A_1003 = arith.mulf %get3A_993, %div3A_1002 : vector<16xf32>
      %swap3A_1004 = arith.index_cast %scan3A_990 : i32 to index
      %swap3A_1005 = arith.constant 0 : index
      %swap3A_1006 = tpu.vector_load %arg15[%swap3A_1004, %swap3A_1005] {strides = array<i32>} : memref<128x128xf32, #tpu.memory_space<vmem>>, vector<16xf32>,
      tpu.vector_store %arg15[%swap3A_1004, %swap3A_1005], %mul3A_1003 {strides = array<i32>} : memref<128x128xf32, #tpu.memory_space<vmem>>, vector<16xf32>,
      %get3A_1007 = arith.index_cast %scan3A_990 : i32 to index
      %get3A_1008 = arith.constant 16 : index
      %get3A_1009 = tpu.vector_load %arg13[%get3A_1007, %get3A_1008] {strides = array<i32>} : memref<128x128xf32, #tpu.memory_space<vmem>>, vector<16xf32>,
      %get3A_1010 = arith.index_cast %scan3A_990 : i32 to index
      %get3A_1011 = arith.constant 16 : index
      %get3A_1012 = tpu.vector_load %arg16[%get3A_1010, %get3A_1011] {strides = array<i32>} : memref<128x128xf32, #tpu.memory_space<vmem>>, vector<16xf32>,
      %get3A_1013 = arith.index_cast %scan3A_990 : i32 to index
      %get3A_1014 = arith.constant 16 : index
      %get3A_1015 = tpu.vector_load %arg17[%get3A_1013, %get3A_1014] {strides = array<i32>} : memref<128x128xf32, #tpu.memory_space<vmem>>, vector<16xf32>,
      %add3A_1016 = arith.addf %get3A_1012, %get3A_1015 : vector<16xf32>
      %div3A_1017 = arith.constant 1.000000e+00 : f32
      %div3A_1018 = vector.broadcast %div3A_1017 : f32 to vector<16xf32>
      %div3A_1019 = arith.divf %div3A_1018, %add3A_1016 : vector<16xf32>
      %mul3A_1020 = arith.mulf %get3A_1009, %div3A_1019 : vector<16xf32>
      %swap3A_1021 = arith.index_cast %scan3A_990 : i32 to index
      %swap3A_1022 = arith.constant 16 : index
      %swap3A_1023 = tpu.vector_load %arg15[%swap3A_1021, %swap3A_1022] {strides = array<i32>} : memref<128x128xf32, #tpu.memory_space<vmem>>, vector<16xf32>,
      tpu.vector_store %arg15[%swap3A_1021, %swap3A_1022], %mul3A_1020 {strides = array<i32>} : memref<128x128xf32, #tpu.memory_space<vmem>>, vector<16xf32>,
      %get3A_1024 = arith.index_cast %scan3A_990 : i32 to index
      %get3A_1025 = arith.constant 32 : index
      %get3A_1026 = tpu.vector_load %arg13[%get3A_1024, %get3A_1025] {strides = array<i32>} : memref<128x128xf32, #tpu.memory_space<vmem>>, vector<16xf32>,
      %get3A_1027 = arith.index_cast %scan3A_990 : i32 to index
      %get3A_1028 = arith.constant 32 : index
      %get3A_1029 = tpu.vector_load %arg16[%get3A_1027, %get3A_1028] {strides = array<i32>} : memref<128x128xf32, #tpu.memory_space<vmem>>, vector<16xf32>,
      %get3A_1030 = arith.index_cast %scan3A_990 : i32 to index
      %get3A_1031 = arith.constant 32 : index
      %get3A_1032 = tpu.vector_load %arg17[%get3A_1030, %get3A_1031] {strides = array<i32>} : memref<128x128xf32, #tpu.memory_space<vmem>>, vector<16xf32>,
      %add3A_1033 = arith.addf %get3A_1029, %get3A_1032 : vector<16xf32>
      %div3A_1034 = arith.constant 1.000000e+00 : f32
      %div3A_1035 = vector.broadcast %div3A_1034 : f32 to vector<16xf32>
      %div3A_1036 = arith.divf %div3A_1035, %add3A_1033 : vector<16xf32>
      %mul3A_1037 = arith.mulf %get3A_1026, %div3A_1036 : vector<16xf32>
      %swap3A_1038 = arith.index_cast %scan3A_990 : i32 to index
      %swap3A_1039 = arith.constant 32 : index
      %swap3A_1040 = tpu.vector_load %arg15[%swap3A_1038, %swap3A_1039] {strides = array<i32>} : memref<128x128xf32, #tpu.memory_space<vmem>>, vector<16xf32>,
      tpu.vector_store %arg15[%swap3A_1038, %swap3A_1039], %mul3A_1037 {strides = array<i32>} : memref<128x128xf32, #tpu.memory_space<vmem>>, vector<16xf32>,
      %get3A_1041 = arith.index_cast %scan3A_990 : i32 to index
      %get3A_1042 = arith.constant 48 : index
      %get3A_1043 = tpu.vector_load %arg13[%get3A_1041, %get3A_1042] {strides = array<i32>} : memref<128x128xf32, #tpu.memory_space<vmem>>, vector<16xf32>,
      %get3A_1044 = arith.index_cast %scan3A_990 : i32 to index
      %get3A_1045 = arith.constant 48 : index
      %get3A_1046 = tpu.vector_load %arg16[%get3A_1044, %get3A_1045] {strides = array<i32>} : memref<128x128xf32, #tpu.memory_space<vmem>>, vector<16xf32>,
      %get3A_1047 = arith.index_cast %scan3A_990 : i32 to index
      %get3A_1048 = arith.constant 48 : index
      %get3A_1049 = tpu.vector_load %arg17[%get3A_1047, %get3A_1048] {strides = array<i32>} : memref<128x128xf32, #tpu.memory_space<vmem>>, vector<16xf32>,
      %add3A_1050 = arith.addf %get3A_1046, %get3A_1049 : vector<16xf32>
      %div3A_1051 = arith.constant 1.000000e+00 : f32
      %div3A_1052 = vector.broadcast %div3A_1051 : f32 to vector<16xf32>
      %div3A_1053 = arith.divf %div3A_1052, %add3A_1050 : vector<16xf32>
      %mul3A_1054 = arith.mulf %get3A_1043, %div3A_1053 : vector<16xf32>
      %swap3A_1055 = arith.index_cast %scan3A_990 : i32 to index
      %swap3A_1056 = arith.constant 48 : index
      %swap3A_1057 = tpu.vector_load %arg15[%swap3A_1055, %swap3A_1056] {strides = array<i32>} : memref<128x128xf32, #tpu.memory_space<vmem>>, vector<16xf32>,
      tpu.vector_store %arg15[%swap3A_1055, %swap3A_1056], %mul3A_1054 {strides = array<i32>} : memref<128x128xf32, #tpu.memory_space<vmem>>, vector<16xf32>,
      %get3A_1058 = arith.index_cast %scan3A_990 : i32 to index
      %get3A_1059 = arith.constant 64 : index
      %get3A_1060 = tpu.vector_load %arg13[%get3A_1058, %get3A_1059] {strides = array<i32>} : memref<128x128xf32, #tpu.memory_space<vmem>>, vector<16xf32>,
      %get3A_1061 = arith.index_cast %scan3A_990 : i32 to index
      %get3A_1062 = arith.constant 64 : index
      %get3A_1063 = tpu.vector_load %arg16[%get3A_1061, %get3A_1062] {strides = array<i32>} : memref<128x128xf32, #tpu.memory_space<vmem>>, vector<16xf32>,
      %get3A_1064 = arith.index_cast %scan3A_990 : i32 to index
      %get3A_1065 = arith.constant 64 : index
      %get3A_1066 = tpu.vector_load %arg17[%get3A_1064, %get3A_1065] {strides = array<i32>} : memref<128x128xf32, #tpu.memory_space<vmem>>, vector<16xf32>,
      %add3A_1067 = arith.addf %get3A_1063, %get3A_1066 : vector<16xf32>
      %div3A_1068 = arith.constant 1.000000e+00 : f32
      %div3A_1069 = vector.broadcast %div3A_1068 : f32 to vector<16xf32>
      %div3A_1070 = arith.divf %div3A_1069, %add3A_1067 : vector<16xf32>
      %mul3A_1071 = arith.mulf %get3A_1060, %div3A_1070 : vector<16xf32>
      %swap3A_1072 = arith.index_cast %scan3A_990 : i32 to index
      %swap3A_1073 = arith.constant 64 : index
      %swap3A_1074 = tpu.vector_load %arg15[%swap3A_1072, %swap3A_1073] {strides = array<i32>} : memref<128x128xf32, #tpu.memory_space<vmem>>, vector<16xf32>,
      tpu.vector_store %arg15[%swap3A_1072, %swap3A_1073], %mul3A_1071 {strides = array<i32>} : memref<128x128xf32, #tpu.memory_space<vmem>>, vector<16xf32>,
      %get3A_1075 = arith.index_cast %scan3A_990 : i32 to index
      %get3A_1076 = arith.constant 80 : index
      %get3A_1077 = tpu.vector_load %arg13[%get3A_1075, %get3A_1076] {strides = array<i32>} : memref<128x128xf32, #tpu.memory_space<vmem>>, vector<16xf32>,
      %get3A_1078 = arith.index_cast %scan3A_990 : i32 to index
      %get3A_1079 = arith.constant 80 : index
      %get3A_1080 = tpu.vector_load %arg16[%get3A_1078, %get3A_1079] {strides = array<i32>} : memref<128x128xf32, #tpu.memory_space<vmem>>, vector<16xf32>,
      %get3A_1081 = arith.index_cast %scan3A_990 : i32 to index
      %get3A_1082 = arith.constant 80 : index
      %get3A_1083 = tpu.vector_load %arg17[%get3A_1081, %get3A_1082] {strides = array<i32>} : memref<128x128xf32, #tpu.memory_space<vmem>>, vector<16xf32>,
      %add3A_1084 = arith.addf %get3A_1080, %get3A_1083 : vector<16xf32>
      %div3A_1085 = arith.constant 1.000000e+00 : f32
      %div3A_1086 = vector.broadcast %div3A_1085 : f32 to vector<16xf32>
      %div3A_1087 = arith.divf %div3A_1086, %add3A_1084 : vector<16xf32>
      %mul3A_1088 = arith.mulf %get3A_1077, %div3A_1087 : vector<16xf32>
      %swap3A_1089 = arith.index_cast %scan3A_990 : i32 to index
      %swap3A_1090 = arith.constant 80 : index
      %swap3A_1091 = tpu.vector_load %arg15[%swap3A_1089, %swap3A_1090] {strides = array<i32>} : memref<128x128xf32, #tpu.memory_space<vmem>>, vector<16xf32>,
      tpu.vector_store %arg15[%swap3A_1089, %swap3A_1090], %mul3A_1088 {strides = array<i32>} : memref<128x128xf32, #tpu.memory_space<vmem>>, vector<16xf32>,
      %get3A_1092 = arith.index_cast %scan3A_990 : i32 to index
      %get3A_1093 = arith.constant 96 : index
      %get3A_1094 = tpu.vector_load %arg13[%get3A_1092, %get3A_1093] {strides = array<i32>} : memref<128x128xf32, #tpu.memory_space<vmem>>, vector<16xf32>,
      %get3A_1095 = arith.index_cast %scan3A_990 : i32 to index
      %get3A_1096 = arith.constant 96 : index
      %get3A_1097 = tpu.vector_load %arg16[%get3A_1095, %get3A_1096] {strides = array<i32>} : memref<128x128xf32, #tpu.memory_space<vmem>>, vector<16xf32>,
      %get3A_1098 = arith.index_cast %scan3A_990 : i32 to index
      %get3A_1099 = arith.constant 96 : index
      %get3A_1100 = tpu.vector_load %arg17[%get3A_1098, %get3A_1099] {strides = array<i32>} : memref<128x128xf32, #tpu.memory_space<vmem>>, vector<16xf32>,
      %add3A_1101 = arith.addf %get3A_1097, %get3A_1100 : vector<16xf32>
      %div3A_1102 = arith.constant 1.000000e+00 : f32
      %div3A_1103 = vector.broadcast %div3A_1102 : f32 to vector<16xf32>
      %div3A_1104 = arith.divf %div3A_1103, %add3A_1101 : vector<16xf32>
      %mul3A_1105 = arith.mulf %get3A_1094, %div3A_1104 : vector<16xf32>
      %swap3A_1106 = arith.index_cast %scan3A_990 : i32 to index
      %swap3A_1107 = arith.constant 96 : index
      %swap3A_1108 = tpu.vector_load %arg15[%swap3A_1106, %swap3A_1107] {strides = array<i32>} : memref<128x128xf32, #tpu.memory_space<vmem>>, vector<16xf32>,
      tpu.vector_store %arg15[%swap3A_1106, %swap3A_1107], %mul3A_1105 {strides = array<i32>} : memref<128x128xf32, #tpu.memory_space<vmem>>, vector<16xf32>,
      %get3A_1109 = arith.index_cast %scan3A_990 : i32 to index
      %get3A_1110 = arith.constant 112 : index
      %get3A_1111 = tpu.vector_load %arg13[%get3A_1109, %get3A_1110] {strides = array<i32>} : memref<128x128xf32, #tpu.memory_space<vmem>>, vector<16xf32>,
      %get3A_1112 = arith.index_cast %scan3A_990 : i32 to index
      %get3A_1113 = arith.constant 112 : index
      %get3A_1114 = tpu.vector_load %arg16[%get3A_1112, %get3A_1113] {strides = array<i32>} : memref<128x128xf32, #tpu.memory_space<vmem>>, vector<16xf32>,
      %get3A_1115 = arith.index_cast %scan3A_990 : i32 to index
      %get3A_1116 = arith.constant 112 : index
      %get3A_1117 = tpu.vector_load %arg17[%get3A_1115, %get3A_1116] {strides = array<i32>} : memref<128x128xf32, #tpu.memory_space<vmem>>, vector<16xf32>,
      %add3A_1118 = arith.addf %get3A_1114, %get3A_1117 : vector<16xf32>
      %div3A_1119 = arith.constant 1.000000e+00 : f32
      %div3A_1120 = vector.broadcast %div3A_1119 : f32 to vector<16xf32>
      %div3A_1121 = arith.divf %div3A_1120, %add3A_1118 : vector<16xf32>
      %mul3A_1122 = arith.mulf %get3A_1111, %div3A_1121 : vector<16xf32>
      %swap3A_1123 = arith.index_cast %scan3A_990 : i32 to index
      %swap3A_1124 = arith.constant 112 : index
      %swap3A_1125 = tpu.vector_load %arg15[%swap3A_1123, %swap3A_1124] {strides = array<i32>} : memref<128x128xf32, #tpu.memory_space<vmem>>, vector<16xf32>,
      tpu.vector_store %arg15[%swap3A_1123, %swap3A_1124], %mul3A_1122 {strides = array<i32>} : memref<128x128xf32, #tpu.memory_space<vmem>>, vector<16xf32>,
    }
    %scan3A_971 = arith.constant 128 : i32
    %add3A_972 = arith.constant 384 : i32
    %add3A_973 = arith.addi %mul3A_2, %add3A_972 : i32
    %dma_start3A_974 = arith.constant 0 : i32
    %dma_start3A_975 = tpu.memref_slice %arg6[%add3A_973, %dma_start3A_974] : memref<16384x128xf32, #tpu.memory_space<hbm>> -> memref<128x128xf32, #tpu.memory_space<hbm>>
    %dma_start3A_976 = arith.constant 0 : i32
    %dma_start3A_977 = tpu.memref_slice %arg6[%add3A_973, %dma_start3A_976] : memref<16384x128xf32, #tpu.memory_space<hbm>> -> memref<128x128xf32, #tpu.memory_space<hbm>>
    tpu.enqueue_dma source(%arg15 : memref<128x128xf32, #tpu.memory_space<vmem>>) target(%dma_start3A_977 : memref<128x128xf32, #tpu.memory_space<hbm>>) target_semaphore(%arg23 : memref<!tpu.dma_semaphore, #tpu.memory_space<semaphore_mem>>)
    %dma_wait3A_978 = arith.constant 0 : i32
    %dma_wait3A_979 = arith.constant 0 : i32
    %dma_wait3A_980 = tpu.memref_slice %arg6[%dma_wait3A_978, %dma_wait3A_979] : memref<16384x128xf32, #tpu.memory_space<hbm>> -> memref<128x128xf32, #tpu.memory_space<hbm>>
    %dma_wait3A_981 = arith.constant 0 : i32
    %dma_wait3A_982 = arith.constant 0 : i32
    %dma_wait3A_983 = tpu.memref_slice %arg6[%dma_wait3A_981, %dma_wait3A_982] : memref<16384x128xf32, #tpu.memory_space<hbm>> -> memref<128x128xf32, #tpu.memory_space<hbm>>
    tpu.wait_dma2 semaphore(%arg22 : memref<!tpu.dma_semaphore, #tpu.memory_space<semaphore_mem>>) src(%arg14 : memref<128x128xf32, #tpu.memory_space<vmem>>) dst(%dma_wait3A_983 : memref<128x128xf32, #tpu.memory_space<hbm>>)
    %dma_wait3A_984 = arith.constant 0 : i32
    %dma_wait3A_985 = arith.constant 0 : i32
    %dma_wait3A_986 = tpu.memref_slice %arg6[%dma_wait3A_984, %dma_wait3A_985] : memref<16384x128xf32, #tpu.memory_space<hbm>> -> memref<128x128xf32, #tpu.memory_space<hbm>>
    %dma_wait3A_987 = arith.constant 0 : i32
    %dma_wait3A_988 = arith.constant 0 : i32
    %dma_wait3A_989 = tpu.memref_slice %arg6[%dma_wait3A_987, %dma_wait3A_988] : memref<16384x128xf32, #tpu.memory_space<hbm>> -> memref<128x128xf32, #tpu.memory_space<hbm>>
    tpu.wait_dma2 semaphore(%arg23 : memref<!tpu.dma_semaphore, #tpu.memory_space<semaphore_mem>>) src(%arg15 : memref<128x128xf32, #tpu.memory_space<vmem>>) dst(%dma_wait3A_989 : memref<128x128xf32, #tpu.memory_space<hbm>>)
    return
  }
}

</mosaic_0001>

<sc_bundles>
// kernel: kernel.4.cloned.1.call-start
scs
__scs_entry_jumppad:
0x0: {  	(pc) =	sbr.rel $0x88, $3  }
0x1: {  	(tag) =	ssettag $0x0;
	lr =	simm.s32 $0x1  }
0x2: {  	[smem:$0x3F9E] =	sst lr;
	_ =	strace $0xD0000000  }
0x3: {  	_ = 	snop  }
0x4: {  	_ = 	snop  }
0x5: {  	_ = 	snop  }
0x6: {  	_ = 	snop  }
0x7: {  	_ = 	snop  }
__scs_overlays_trampoline_lowered:
0x8: {  	[smem:$0x3FAD] =	sst s0  }
0x9: {  	[smem:$0x3FAE] =	sst s1  }
0xa: {  	[smem:$0x3FAF] =	sst s2  }
0xb: {  	[smem:$0x3FB0] =	sst s3  }
0xc: {  	[smem:$0x3FB1] =	sst s4  }
0xd: {  	[smem:$0x3FB2] =	sst s5  }
0xe: {  	[smem:$0x3FB3] =	sst s6  }
0xf: {  	[smem:$0x3FB4] =	sst s7  }
0x10: {  	[smem:$0x3FB5] =	sst s8  }
0x11: {  	[smem:$0x3FB6] =	sst s9;
	s0 =	simm.s32 @!p0 $0x0  }
0x12: {  	s1 =	sld [smem:$0x3F9C];
	s0 =	simm.s32 @p0 $0x1  }
0x13: {  	[smem:$0x3FB7] =	sst s0;
	s0 =	simm.s32 @!p1 $0x0  }
0x14: {  	s2 =	sld [smem:$0x3F9B];
	s0 =	simm.s32 @p1 $0x1  }
0x15: {  	[smem:$0x3FB8] =	sst s0;
	s0 =	simm.s32 @!p2 $0x0  }
0x16: {  	s3 =	sld [smem:$0x3FDB];
	s0 =	simm.s32 @p2 $0x1  }
0x17: {  	s4 =	simm.s32 $0x1BF5;
	[smem:$0x3FBA] =	sst s0  }
0x18: {  	s0 =	sld [smem:$0x3F9D];
	_ =	swait.ge [sflag:s4], $0x0  }
0x19: {  	s7 =	sld [smem:$0x3F9E]  }
0x1a: {  	s8 =	sadd.s32 $0xFFFFE003, lr  }
0x1b: {  	s9 =	sadd.s32 $0xFFFFFEF7, lr;
	s5 =	simm.s32 $0xFFFFFFFF;
	p2 =	slt.u32 s8, $0xFFFFF086  }
0x1c: {  	p1 =	slt.u32 s9, $0xF7A;
	s5 =	simm.s32 @!p2 $0x0  }
0x1d: {  	s5 =	simm.s32 @p1 $0x1;
	p0 =	seq.s32 s7, s2  }
0x1e: {  	s7 =	smul.u32 @!p0 $0xF7A, s2;
	p2 =	seq.s32 @!p0 s5, $0x0  }
0x1f: {  	s9 =	smul.u32 $0xF7A, s1;
	s8 =	simm.s32 @!p0 $0x1BF5;
	p2 =	por !p2, p0  }
0x20: {  	[sflag:s8] =	ssyncset.s32 @!p0 $0xFFFFF086;
	s6 =	sadd.s32 @!p0 s3, s7;
	s7 =	simm.s32 @!p0 $0x108  }
0x21: {  	s3 =	sadd.s32 s3, s9;
	s6 =	sadd.s32 @!p0 $0x88, s6;
	s7 =	simm.s32 @p2 $0x1082  }
0x22: {  	[simem:s7], [sflag:s8] =	dma.local @!p0 [hbm:s6], $0xF7A  }
0x23: {  	s9 =	sor.u32 $0xD0000000, s2;
	s6 =	simm.s32 $0x108;
	_ =	swait.ge @!p0 [sflag:s8], $0x0  }
0x24: {  	s3 =	sadd.s32 $0x88, s3;
	s6 =	simm.s32 @!p1 $0x1082;
	[sflag:s4] =	ssyncset.s32 $0xFFFFF086  }
0x25: {  	[simem:s6], [sflag:s4] =	dma.local [hbm:s3], $0xF7A  }
0x26: {  	[smem:$0x3F9E] =	sst s1;
	(tag) =	ssettag s2;
	_ =	strace s9  }
0x27: {  	s1 =	sld [smem:$0x3FAE]  }
0x28: {  	s2 =	sld [smem:$0x3FAF]  }
0x29: {  	s4 =	sld [smem:$0x3FB1]  }
0x2a: {  	p0 =	seq.s32 s5, $0x0;
	s5 =	sld [smem:$0x3FB2]  }
0x2b: {  	s6 =	sld [smem:$0x3FB3]  }
0x2c: {  	s7 =	sld [smem:$0x3FB4]  }
0x2d: {  	s3 =	simm.s32 $0x108;
	s8 =	sld [smem:$0x3FB5]  }
0x2e: {  	s3 =	simm.s32 @!p0 $0x1082;
	s9 =	sld [smem:$0x3FB6]  }
0x2f: {  	lr =	sadd.s32 s0, s3;
	s0 =	sld [smem:$0x3FAD]  }
0x30: {  	s3 =	sld [smem:$0x3FB0]  }
0x31: {  	[smem:$0x3FB9] =	sst s10  }
0x32: {  	s10 =	sld [smem:$0x3FB7];
	_ =	sdelay $0x3  }
0x33: {  	p0 =	seq.s32 s10, $0x1;
	s10 =	sld [smem:$0x3FB9];
	_ =	sdelay $0x3  }
0x34: {  	[smem:$0x3FB9] =	sst s10  }
0x35: {  	s10 =	sld [smem:$0x3FB8];
	_ =	sdelay $0x3  }
0x36: {  	p1 =	seq.s32 s10, $0x1;
	s10 =	sld [smem:$0x3FB9];
	_ =	sdelay $0x3  }
0x37: {  	[smem:$0x3FB9] =	sst s10  }
0x38: {  	s10 =	sld [smem:$0x3FBA]  }
0x39: {  	_ = 	snop;
	(pc) =	sbr.ind lr, $3  }
0x3a: {  	_ = 	snop  }
0x3b: {  	_ = 	snop  }
0x3c: {  	p2 =	seq.s32 s10, $0x1;
	s10 =	sld [smem:$0x3FB9]  }
0x3d: {  	_ =	shalt  }
0x3e: {  	_ =	shalt  }
0x3f: {  	_ =	shalt  }
0x40: {  	_ =	shalt  }
0x41: {  	_ =	shalt  }
0x42: {  	_ =	shalt  }
0x43: {  	_ =	shalt  }
0x44: {  	_ =	shalt  }
0x45: {  	_ =	shalt  }
0x46: {  	_ =	shalt  }
0x47: {  	_ =	shalt  }
0x48: {  	_ =	shalt  }
0x49: {  	_ =	shalt  }
0x4a: {  	_ =	shalt  }
0x4b: {  	_ =	shalt  }
0x4c: {  	_ =	shalt  }
0x4d: {  	_ =	shalt  }
0x4e: {  	_ =	shalt  }
0x4f: {  	_ =	shalt  }
0x50: {  	_ =	shalt  }
0x51: {  	_ =	shalt  }
0x52: {  	_ =	shalt  }
0x53: {  	_ =	shalt  }
0x54: {  	_ =	shalt  }
0x55: {  	_ =	shalt  }
0x56: {  	_ =	shalt  }
0x57: {  	_ =	shalt  }
0x58: {  	_ =	shalt  }
0x59: {  	_ =	shalt  }
0x5a: {  	_ =	shalt  }
0x5b: {  	_ =	shalt  }
0x5c: {  	_ =	shalt  }
0x5d: {  	_ =	shalt  }
0x5e: {  	_ =	shalt  }
0x5f: {  	_ =	shalt  }
0x60: {  	_ =	shalt  }
0x61: {  	_ =	shalt  }
0x62: {  	_ =	shalt  }
0x63: {  	_ =	shalt  }
0x64: {  	_ =	shalt  }
0x65: {  	_ =	shalt  }
0x66: {  	_ =	shalt  }
0x67: {  	_ =	shalt  }
0x68: {  	_ =	shalt  }
0x69: {  	_ =	shalt  }
0x6a: {  	_ =	shalt  }
0x6b: {  	_ =	shalt  }
0x6c: {  	_ =	shalt  }
0x6d: {  	_ =	shalt  }
0x6e: {  	_ =	shalt  }
0x6f: {  	_ =	shalt  }
0x70: {  	_ =	shalt  }
0x71: {  	_ =	shalt  }
0x72: {  	_ =	shalt  }
0x73: {  	_ =	shalt  }
0x74: {  	_ =	shalt  }
0x75: {  	_ =	shalt  }
0x76: {  	_ =	shalt  }
0x77: {  	_ =	shalt  }
0x78: {  	_ =	shalt  }
0x79: {  	_ =	shalt  }
0x7a: {  	_ =	shalt  }
0x7b: {  	_ =	shalt  }
0x7c: {  	_ =	shalt  }
0x7d: {  	_ =	shalt  }
0x7e: {  	_ =	shalt  }
0x7f: {  	_ =	shalt  }
0x80: {  	_ =	shalt  }
0x81: {  	_ =	shalt  }
0x82: {  	_ =	shalt  }
0x83: {  	_ =	shalt  }
0x84: {  	_ =	shalt  }
0x85: {  	_ =	shalt  }
0x86: {  	_ =	shalt  }
0x87: {  	_ =	shalt  }
.Lfunc_end0:
.L_simem_size_0:
called_computation_lowered:
.L_overlay_start_0:
0x88: {  	s2 =	sld [smem:$0x3FD9]  }
0x89: {  	s3 =	sld [smem:$0x3FFE];
	_ =	sdelay $0x1  }
0x8a: {  	s1 =	srdreg.scid  }
0x8b: {  	s0 =	sand.u32 $0x1, s1  }
0x8c: {  	s16 =	sshll.u32 s0, $0xA;
	s2 =	sadd.s32 s3, s2  }
0x8d: {  	s2 =	sadd.s32 s2, s16  }
0x8e: {  	[smem:$0x3FC5] =	sst s2  }
0x8f: {  	_ = 	snop  }
0x90: {  	(tm) =	ssettm $0x1  }
0x91: {  	s17 =	sld [smem:$0x3FFB];
	_ =	sdelay $0x3  }
0x92: {  	_ =	strace s17  }
0x93: {  	s2 =	sld [smem:$0x3FFC];
	_ =	sdelay $0x3  }
0x94: {  	_ =	strace s2  }
0x95: {  	s2 =	sld [smem:$0x3FFD];
	_ =	sdelay $0x3  }
0x96: {  	_ =	strace s2  }
0x97: {  	_ =	strace $0x8FFFFFFF  }
0x98: {  	s18 =	sld [smem:$0x3FDB];
	_ =	sdelay $0x1  }
0x99: {  	s19 =	simm.s32 $_scs_section_size  }
0x9a: {  	s4 =	simm.s32 $_size__tile_overlayer_lowered;
	s5 =	simm.s32 $_tile_overlayer_lowered  }
0x9b: {  	s22 =	simm.s32 $0x1BFF;
	s21 =	sshll.u32 s5, $0x1;
	s2 =	sadd.s32 s19, s18  }
0x9c: {  	s6 =	simm.s32 $0x0;
	s20 =	sshll.u32 s4, $0x1;
	s4 =	sadd.s32 s21, s2  }
0x9d: {  	[timem:s6], [sflag:s22] =	dma.local [hbm:s4], s20  }
0x9e: {  	_ =	swait.ge [sflag:s22], s20  }
0x9f: {  	s3 =	ssub.s32 $0x0, s20;
	[sflag:s22] =	ssyncset.done $0x0  }
0xa0: {  	[sflag:s22] =	ssyncadd.s32 s3;
	_ =	sdelay $0x1  }
0xa1: {  	s23 =	simm.s32 $0x1B8B  }
0xa2: {  	_ =	swait.ge [sflag:s23], $0x1  }
0xa3: {  	[sflag:s23] =	ssyncset.done $0x0  }
0xa4: {  	s25 =	simm.s32 $0x1B8E;
	s24 =	sld [smem:$0x3FFE];
	[sflag:s23] =	ssyncadd.s32 $0xFFFFFFFF  }
0xa5: {  	s26 =	simm.s32 $execute0_lowered;
	[smem:$0x3FD2] =	sst s25  }
0xa6: {  	s4 =	sshll.u32 s26, $0x1;
	_ =	strace $0x80000046;
	[dreg:$0x1] =	wrdreg $0xFFFFFFFF  }
0xa7: {  	s28 =	simm.s32 $_size_execute0_lowered;
	s2 =	sadd.s32 s2, s4;
	[dreg:$0x0] =	wrdreg $0x0  }
0xa8: {  	s4 =	sshll.u32 s28, $0x1;
	[dreg:$0x2] =	wrdreg s2  }
0xa9: {  	[dreg:$0x3] =	wrdreg s4  }
0xaa: {  	[dreg:$0x4] =	wrdreg $0xC0  }
0xab: {  	_ =	task [dreg:s6], $0x5FFFF  }
0xac: {  	[dreg:$0x1] =	wrdreg $0xFFFFFFFF  }
0xad: {  	[dreg:$0x0] =	wrdreg $0x60  }
0xae: {  	[dreg:$0x2] =	wrdreg s24  }
0xaf: {  	[dreg:$0x3] =	wrdreg $0x1C4000  }
0xb0: {  	[dreg:$0x4] =	wrdreg $0x9  }
0xb1: {  	_ =	task.clear_ibuf [dreg:s6], $0x5FFFF;
	_ =	strace $0x90000046  }
0xb2: {  	s29 =	simm.s32 $0x9;
	_ =	strace $0x80000048  }
0xb3: {  	_ =	swait.ge [sflag:s29], $0x1  }
0xb4: {  	[sflag:s29] =	ssyncadd.s32 $0xFFFFFFFF  }
0xb5: {  	_ =	strace $0x90000048  }
0xb6: {  	_ =	sfence  }
0xb7: {  	s30 =	sld [smem:$0x0];
	_ =	sdelay $0x2  }
0xb8: {  	s31 =	sshll.u32 s1, $0xD;
	s1 =	sshrl.u32 s1, $0x2  }
0xb9: {  	s3 =	sand.u32 $0x4000, s31;
	s1 =	sadd.s32 s1, s30  }
0xba: {  	s0 =	sor.u32 s3, s0;
	s1 =	sshll.u32 s1, $0x11  }
0xbb: {  	s0 =	sor.u32 s1, s0  }
0xbc: {  	s0 =	sadd.s32 $0x8F2B, s0  }
0xbd: {  	[sflag:s0] =	ssyncadd.remote.s32 $0x1  }
0xbe: {  	_ =	sfence.sel $0xFFFF  }
0xbf: {  	[dreg:$0x0] =	wrdreg $0xFFFFFFFF;
	(pc) =	sbr.abs _section_cstart, $3  }
0xc0: {  	[dreg:$0x1] =	wrdreg $0xFFFFFFFF  }
0xc1: {  	_ =	task.clear_ibuf [dreg:s6], $0x2FFFF;
	_ =	strace $0x9FFFFFFF  }
0xc2: {  	(tm) =	ssettm $0x7FFFFFFF  }
0xc3: {  	_ =	shalt  }
tec
execute0_lowered:
.L_overlay_start_1:
0x0: {  	(tag) =	ssettag $0x1  }
0x1: {  	s7 =	rddreg [dreg:$0x0]  }
0x2: {  	s1 =	rddreg [dreg:$0x1];
	s3 =	simm.s32 $0x0;
	s4 =	srdreg.scid  }
0x3: {  	s2 =	stileid.u32;
	s15 =	simm.s32 $0x3200;
	s16 =	simm.s32 $0x6400  }
0x4: {  	s17 =	simm.s32 $0x9600;
	s18 =	simm.s32 $0x1;
	s19 =	simm.s32 $0xC800  }
0x5: {  	s20 =	simm.s32 $0x2;
	s21 =	simm.s32 $0x12C00;
	s22 =	simm.s32 $0x3  }
0x6: {  	s23 =	simm.s32 $0x4;
	s24 =	simm.s32 $0x0;
	[smem:$0x7FF] =	sst s3  }
0x7: {  	s8 =	sand.u32 $0x1, s4;
	s5 =	sshll.u32 s2, $0x1;
	s4 =	sadd.s32 $0xC00, s7  }
0x8: {  	s6 =	sadd.s32 $0x197000, s7;
	s9 =	smul.u32 $0x680, s8;
	s5 =	sor.u32 s8, s5  }
0x9: {  	p0 =	slt.u32 s2, $0xA;
	s8 =	ssub.s32 $0x2, s8;
	s10 =	smul.u32 $0x6800, s5  }
0xa: {  	_ =	strace $0x80000047;
	s31 =	sshrl.u32 s8, $0x1;
	s11 =	smul.u32 $0xD00, s5  }
.Ltmp0:
0xb: {  	s13 =	sadd.s32 s9, s7;
	s7 =	simm.s32 $0x10;
	(pc) =	sbr.rel .LBB2_1-.Ltmp0, $4  }
0xc: {  	s14 =	ssub.s32 s8, s31;
	s10 =	sshrl.u32 s10, $0x3;
	s7 =	simm.s32 @!p0 $0xF  }
0xd: {  	v0 =	vlaneseq.u32;
	v7 =	vimm.f32 $0.0e+00;
	s8 =	sadd.s32 s4, s11;
	s13 =	sadd.s32 $0x31DA00, s13;
	s12 =	sadd.s32 s4, s10  }
0xe: {  	v1 =	vor.u32 $0x10, v0;
	v2 =	vor.u32 $0x20, v0;
	v3 =	vor.u32 $0x30, v0;
	s14 =	smax.u32 s14, $0x1;
	p0 =	seq.s32 s2, $0x0;
	s9 =	sadd.s32 $0x680, s12  }
0xf: {  	v4 =	vor.u32 $0x40, v0;
	v5 =	vor.u32 $0x50, v0;
	v6 =	vadd.s32 $0x58, v0;
	s10 =	sadd.s32 $0x1A000, s12;
	s11 =	sadd.s32 $0x1A680, s12;
	s12 =	sshll.u32 s5, $0x1  }
.LBB2_13:
0x10: {  	_ =	swait.ge [sflag:s22], $0x6400  }
0x11: {  	[sflag:s22] =	ssyncset.done $0x0  }
0x12: {  	[sflag:s22] =	ssyncadd.s32 $0xFFFF9C00  }
0x13: {  	_ =	swait.ge [sflag:s23], $0x6400  }
0x14: {  	[sflag:s23] =	ssyncset.done $0x0  }
0x15: {  	s0 =	simm.s32 @p0 $0x19000;
	[sflag:s23] =	ssyncadd.s32 $0xFFFF9C00  }
0x16: {  	[spmem:s1] =	stream.linear.scatter @p0 [tilespmem:s0], [sflag:$0x5], $0x3400, $0x38;
	[tilespmem:$0x1C7C0] =	vst v63  }
0x17: {  	s0 =	simm.s32 @p0 $0x5  }
0x18: {  	_ =	swait.ge @p0 [sflag:s0], $0x3400  }
0x19: {  	[sflag:s0] =	ssyncset.done @p0 $0x0  }
0x1a: {  	[sflag:s0] =	ssyncadd.s32 @p0 $0xFFFFCC00  }
0x1b: {  	[bflag:$0x0] =	sbarrier.arrive @p0 $0xFFFF  }
0x1c: {  	s25 =	sshrl.u32 @p0 s1, $0x3;
	s26 =	simm.s32 @p0 $0x1C05;
	[bflag:$0x0] =	sbarrier.arrive @p0 $0xFFFF  }
0x1d: {  	[hbm:s13], [sflag:s26] =	dma.local @p0 [spmem:s25], $0x680  }
0x1e: {  	_ =	swait.ge @p0 [sflag:s0], $0x680  }
0x1f: {  	[sflag:s0] =	ssyncset.done @p0 $0x0  }
0x20: {  	s24 =	sadd.s32 $0x1, s24;
	s25 =	simm.s32 @!p0 $0x1C740;
	[sflag:s0] =	ssyncadd.s32 @p0 $0xFFFFF980  }
0x21: {  	s26 =	simm.s32 @!p0 $0x19000;
	s0 =	simm.s32 @!p0 $0x68;
	[bflag:$0x0] =	sbarrier.arrive @!p0 $0xFFFF  }
0x22: {  	[spmem:s1] =	stream.indirect.scatter.add.f32 @!p0 [tilespmem:s26], [sflag:$0x5], $0x80, s25, s0, $0xb8;
	[tilespmem:$0x1C7C0] =	vst v63  }
0x23: {  	p1 =	sne.s32 s24, s14;
	s0 =	simm.s32 @!p0 $0x5  }
.Ltmp1:
0x24: {  	_ =	swait.ge @!p0 [sflag:s0], $0x3400;
	(pc) =	sbr.rel @!p1 .LBB2_14-.Ltmp1, $3  }
0x25: {  	[sflag:s0] =	ssyncset.done @!p0 $0x0  }
0x26: {  	[sflag:s0] =	ssyncadd.s32 @!p0 $0xFFFFCC00  }
0x27: {  	[bflag:$0x0] =	sbarrier.arrive @!p0 $0xFFFF;
	_ =	sdelay $0x1  }
.LBB2_1:
0x28: {  	[tilespmem:$0x1C740] =	vst v0  }
0x29: {  	[tilespmem:$0x1C750] =	vst v1  }
0x2a: {  	[tilespmem:$0x1C760] =	vst v2  }
0x2b: {  	[tilespmem:$0x1C770] =	vst v3  }
0x2c: {  	[tilespmem:$0x1C780] =	vst v4  }
0x2d: {  	[tilespmem:$0x1C790] =	vst v5  }
0x2e: {  	s25 =	simm.s32 $0x0;
	s26 =	simm.s32 $0x200;
	[tilespmem:$0x1C798] =	vst v6  }
.LBB2_2:
0x2f: {  	p1 =	sne.s32 s26, $0xCE00;
	[tilespmem:s25+$0x19070] =	vst v7  }
0x30: {  	[tilespmem:s25+$0x19000] =	vst v7  }
0x31: {  	[tilespmem:s25+$0x19010] =	vst v7  }
.Ltmp2:
0x32: {  	[tilespmem:s25+$0x19020] =	vst v7;
	(pc) =	sbr.rel @p1 .LBB2_2-.Ltmp2, $4  }
0x33: {  	[tilespmem:s25+$0x19030] =	vst v7  }
0x34: {  	[tilespmem:s25+$0x19040] =	vst v7  }
0x35: {  	[tilespmem:s25+$0x19050] =	vst v7  }
0x36: {  	[tilespmem:s25+$0x19060] =	vst v7;
	s25 =	sshra.s32 s26, $0x2;
	s26 =	sadd.s32 $0x200, s26  }
0x37: {  	[tilespmem:s25+$0x19070] =	vst v7  }
0x38: {  	[tilespmem:s25+$0x19000] =	vst v7  }
0x39: {  	[tilespmem:s25+$0x19010] =	vst v7  }
0x3a: {  	[tilespmem:s25+$0x19020] =	vst v7  }
0x3b: {  	[tilespmem:s25+$0x19030] =	vst v7  }
0x3c: {  	[tilespmem:s25+$0x19040] =	vst v7  }
0x3d: {  	[tilespmem:s25+$0x19050] =	vst v7  }
0x3e: {  	[tilespmem:s25+$0x19060] =	vst v7;
	s25 =	simm.s32 $0x0  }
0x3f: {  	[tilespmem:s25], [sflag:$0x1] =	stream.linear.gather [hbm4b:s8+s25], $0x3200, $0x38;
	[tilespmem:$0x1C7C0] =	vst v63  }
0x40: {  	_ = 	snop  }
0x41: {  	[tilespmem:s15], [sflag:$0x1] =	stream.linear.gather [hbm4b:s9+s25], $0x3200, $0x38;
	[tilespmem:$0x1C7C0] =	vst v63  }
.Ltmp3:
0x42: {  	_ = 	snop;
	(pc) =	sbr.rel .LBB2_4-.Ltmp3, $4  }
0x43: {  	_ = 	snop  }
0x44: {  	[tilespmem:s16], [sflag:$0x2] =	stream.linear.gather [hbm4b:s10+s25], $0x3200, $0x38;
	[tilespmem:$0x1C7C0] =	vst v63  }
0x45: {  	_ = 	snop  }
0x46: {  	[tilespmem:s17], [sflag:$0x2] =	stream.linear.gather [hbm4b:s11+s25], $0x3200, $0x38;
	[tilespmem:$0x1C7C0] =	vst v63  }
.LBB2_12:
0x47: {  	s25 =	sadd.s32 $0x1, s25  }
0x48: {  	p1 =	sne.s32 s25, $0x8  }
.Ltmp4:
0x49: {  	_ = 	snop;
	(pc) =	sbr.rel @!p1 .LBB2_13-.Ltmp4, $1  }
0x4a: {  	_ =	sdelay $0x3  }
.LBB2_4:
0x4b: {  	s26 =	sshll.u32 s25, $0x1  }
0x4c: {  	p1 =	sge.u32 s26, s7  }
.Ltmp5:
0x4d: {  	_ = 	snop;
	(pc) =	sbr.rel @p1 .LBB2_8-.Ltmp5, $1  }
0x4e: {  	_ =	sdelay $0x3  }
0x4f: {  	_ =	swait.ge [sflag:s18], $0x3200  }
0x50: {  	[sflag:s18] =	ssyncset.done $0x0  }
0x51: {  	[sflag:s18] =	ssyncadd.s32 $0xFFFFCE00  }
0x52: {  	_ =	swait.ge [sflag:s18], $0x3200  }
0x53: {  	p1 =	seq.s32 s25, $0x0;
	[sflag:s18] =	ssyncset.done $0x0  }
0x54: {  	s28 =	simm.s32 @!p1 $0x3;
	[sflag:s18] =	ssyncadd.s32 $0xFFFFCE00  }
0x55: {  	_ =	swait.ge @!p1 [sflag:s28], $0x6400  }
0x56: {  	[sflag:s28] =	ssyncset.done @!p1 $0x0  }
0x57: {  	s29 =	simm.s32 $0x0;
	[sflag:s28] =	ssyncadd.s32 @!p1 $0xFFFF9C00  }
0x58: {  	v8 =	vld [tilespmem:s29+$0x0]  }
0x59: {  	v9 =	vld [tilespmem:s29+$0x3200]  }
0x5a: {  	v10 =	vld [tilespmem:s29+$0x10]  }
0x5b: {  	v11 =	vld [tilespmem:s29+$0x3210];
	_ =	sdelay $0x1  }
0x5c: {  	v12 =	vld [tilespmem:s29+$0x20];
	v8 =	vmul.f32 $1.442695020e+00, v8  }
0x5d: {  	v13 =	vld [tilespmem:s29+$0x3220];
	v9 =	vmul.f32 $1.442695020e+00, v9  }
0x5e: {  	v10 =	vmul.f32 $1.442695020e+00, v10;
	(erf) = vpow2.f32 v8  }
0x5f: {  	v11 =	vmul.f32 $1.442695020e+00, v11;
	(erf) = vpow2.f32 v9  }
0x60: {  	v14 =	vld [tilespmem:s29+$0x30];
	(erf) = vpow2.f32 v10  }
0x61: {  	v15 =	vld [tilespmem:s29+$0x3230];
	v12 =	vmul.f32 $1.442695020e+00, v12;
	(erf) = vpow2.f32 v11  }
0x62: {  	v13 =	vmul.f32 $1.442695020e+00, v13  }
0x63: {  	v8 =	vld [tilespmem:s29+$0x40];
	(erf) = vpow2.f32 v12  }
0x64: {  	v16 =	vld [tilespmem:s29+$0x3240];
	(erf) = vpow2.f32 v13  }
0x65: {  	v14 =	vmul.f32 $1.442695020e+00, v14;
	v9 =	vld [tilespmem:s29+$0x50]  }
0x66: {  	v17 =	vld [tilespmem:s29+$0x3250];
	v15 =	vmul.f32 $1.442695020e+00, v15  }
0x67: {  	v20 =	vpop (erf)  }
0x68: {  	v8 =	vmul.f32 $1.442695020e+00, v8;
	v13 =	vpop (erf);
	(erf) = vpow2.f32 v14  }
0x69: {  	v18 =	vld [tilespmem:s29+$0x3260];
	v16 =	vmul.f32 $1.442695020e+00, v16;
	v14 =	vpop (erf);
	(erf) = vpow2.f32 v15  }
0x6a: {  	s28 =	simm.s32 $0x80;
	v19 =	vld [tilespmem:s29+$0x3270];
	v9 =	vmul.f32 $1.442695020e+00, v9;
	v15 =	vpop (erf);
	(erf) = vpow2.f32 v8  }
0x6b: {  	v21 =	vld [tilespmem:s28+$0x3200];
	(erf) = vpow2.f32 v16;
	v16 =	vmul.f32 $1.442695020e+00, v17  }
0x6c: {  	v10 =	vld [tilespmem:s29+$0x60];
	v8 =	vpop (erf);
	(erf) = vpow2.f32 v9  }
0x6d: {  	v26 =	vld [tilespmem:s29+$0x19000];
	v17 =	vpop (erf);
	(erf) = vpow2.f32 v16  }
0x6e: {  	v11 =	vld [tilespmem:s29+$0x70]  }
0x6f: {  	v12 =	vld [tilespmem:s28+$0x0];
	[tilespmem:s29+$0xC800] =	vst v20  }
0x70: {  	v22 =	vld [tilespmem:s28+$0x10];
	[tilespmem:s29+$0xFA00] =	vst v13  }
0x71: {  	v10 =	vmul.f32 $1.442695020e+00, v10;
	v13 =	vadd.f32 v13, v20;
	v23 =	vld [tilespmem:s28+$0x3210];
	[tilespmem:s29+$0xC810] =	vst v14;
	v9 =	vpop (erf)  }
0x72: {  	v24 =	vld [tilespmem:s28+$0x20];
	[tilespmem:s29+$0xFA10] =	vst v15;
	v27 =	vpop (erf)  }
0x73: {  	v25 =	vld [tilespmem:s28+$0x3220];
	[tilespmem:s29+$0xC820] =	vst v8;
	(erf) = vpow2.f32 v10;
	v10 =	vadd.f32 v13, v26;
	v29 =	vpop (erf)  }
0x74: {  	v18 =	vmul.f32 $1.442695020e+00, v18;
	[tilespmem:s29+$0xFA20] =	vst v17;
	v31 =	vpop (erf)  }
0x75: {  	v11 =	vmul.f32 $1.442695020e+00, v11;
	v16 =	vld [tilespmem:s29+$0x19010];
	[tilespmem:s29+$0x19000] =	vst v10;
	v58 =	vpop (erf)  }
0x76: {  	v13 =	vmul.f32 $1.442695020e+00, v19;
	[tilespmem:s29+$0xC830] =	vst v9;
	v34 =	vpop (erf);
	(erf) = vpow2.f32 v18  }
0x77: {  	v28 =	vld [tilespmem:s29+$0x19020];
	[tilespmem:s29+$0xFA30] =	vst v27;
	(erf) = vpow2.f32 v11  }
0x78: {  	v30 =	vld [tilespmem:s29+$0x19030];
	v14 =	vadd.f32 v15, v14;
	[tilespmem:s29+$0xC840] =	vst v29;
	(erf) = vpow2.f32 v13  }
0x79: {  	v32 =	vld [tilespmem:s29+$0x19040];
	[tilespmem:s29+$0xFA40] =	vst v31  }
0x7a: {  	v33 =	vld [tilespmem:s29+$0x19050];
	v8 =	vadd.f32 v17, v8;
	v10 =	vadd.f32 v14, v16;
	[tilespmem:s29+$0xC850] =	vst v58  }
0x7b: {  	v15 =	vld [tilespmem:s29+$0x19060];
	v9 =	vadd.f32 v27, v9;
	[tilespmem:s29+$0xFA50] =	vst v34  }
0x7c: {  	v8 =	vadd.f32 v8, v28;
	v16 =	vld [tilespmem:s28+$0x30];
	[tilespmem:s29+$0x19010] =	vst v10;
	v10 =	vadd.f32 v31, v29  }
0x7d: {  	v14 =	vld [tilespmem:s29+$0x19070];
	v9 =	vadd.f32 v9, v30  }
0x7e: {  	v19 =	vpop (erf);
	v17 =	vld [tilespmem:s28+$0x3230];
	[tilespmem:s29+$0x19020] =	vst v8;
	v10 =	vadd.f32 v10, v32  }
0x7f: {  	v18 =	vld [tilespmem:s28+$0x40];
	[tilespmem:s29+$0x19030] =	vst v9;
	v59 =	vpop (erf)  }
0x80: {  	v11 =	vadd.f32 v34, v58;
	v60 =	vld [tilespmem:s28+$0x3240];
	[tilespmem:s29+$0x19040] =	vst v10;
	v10 =	vmul.f32 $1.442695020e+00, v12;
	v8 =	vpop (erf)  }
0x81: {  	v22 =	vmul.f32 $1.442695020e+00, v22;
	v12 =	vmul.f32 $1.442695020e+00, v21;
	v13 =	vadd.f32 v59, v19;
	v9 =	vpop (erf)  }
0x82: {  	v61 =	vadd.f32 v11, v33;
	(erf) = vpow2.f32 v10;
	v62 =	vadd.f32 v9, v8  }
0x83: {  	v23 =	vmul.f32 $1.442695020e+00, v23;
	(erf) = vpow2.f32 v12;
	v15 =	vadd.f32 v13, v15  }
0x84: {  	v11 =	vld [tilespmem:s28+$0x50];
	[tilespmem:s29+$0x19050] =	vst v61;
	(erf) = vpow2.f32 v22;
	v12 =	vadd.f32 v62, v14;
	v14 =	vmul.f32 $1.442695020e+00, v24  }
0x85: {  	(erf) = vpow2.f32 v23;
	v13 =	vld [tilespmem:s28+$0x3250];
	[tilespmem:s29+$0x19060] =	vst v15;
	v15 =	vmul.f32 $1.442695020e+00, v25  }
0x86: {  	v63 =	vmul.f32 $1.442695020e+00, v16;
	(erf) = vpow2.f32 v14  }
0x87: {  	v17 =	vmul.f32 $1.442695020e+00, v17;
	v10 =	vld [tilespmem:s28+$0x60];
	[tilespmem:s29+$0x19070] =	vst v12;
	(erf) = vpow2.f32 v15  }
0x88: {  	s30 =	sshll.u32 s25, $0x6;
	v16 =	vmul.f32 $1.442695020e+00, v18;
	v12 =	vld [tilespmem:s28+$0x3260];
	[tilespmem:s29+$0xC860] =	vst v19;
	(erf) = vpow2.f32 v63  }
0x89: {  	s31 =	simm.s32 $0x400;
	s30 =	sor.u32 s5, s30;
	v15 =	vmul.f32 $1.442695020e+00, v60;
	v14 =	vld [tilespmem:s28+$0x70];
	[tilespmem:s29+$0xFA60] =	vst v59;
	(erf) = vpow2.f32 v17  }
.LBB2_6:
0x8a: {  	s0 =	sshra.s32 s31, $0x2;
	p1 =	sne.s32 s31, $0xC600;
	v11 =	vmul.f32 $1.442695020e+00, v11;
	v17 =	vld [tilespmem:s28+$0x3270];
	(erf) = vpow2.f32 v16;
	[tilespmem:s29+$0xC870] =	vst v8  }
0x8b: {  	v8 =	vld [tilespmem:s0+$0x0];
	v13 =	vmul.f32 $1.442695020e+00, v13;
	v16 =	vpop (erf);
	(erf) = vpow2.f32 v15;
	[tilespmem:s29+$0xFA70] =	vst v9;
	s29 =	smov.u32 s28;
	s28 =	smov.u32 s0  }
0x8c: {  	v9 =	vld [tilespmem:s28+$0x3200];
	[tilespmem:s29+$0xC800] =	vst v16;
	v10 =	vmul.f32 $1.442695020e+00, v10;
	v15 =	vpop (erf);
	(erf) = vpow2.f32 v11  }
0x8d: {  	v11 =	vld [tilespmem:s28+$0x10];
	[tilespmem:s29+$0xFA00] =	vst v15;
	v12 =	vmul.f32 $1.442695020e+00, v12;
	v18 =	vpop (erf);
	(erf) = vpow2.f32 v13  }
0x8e: {  	v13 =	vld [tilespmem:s28+$0x3210];
	[tilespmem:s29+$0xC810] =	vst v18;
	v14 =	vmul.f32 $1.442695020e+00, v14;
	v19 =	vpop (erf);
	(erf) = vpow2.f32 v10  }
0x8f: {  	v10 =	vld [tilespmem:s28+$0x20];
	[tilespmem:s29+$0xFA10] =	vst v19;
	v17 =	vmul.f32 $1.442695020e+00, v17;
	v20 =	vpop (erf);
	(erf) = vpow2.f32 v12  }
0x90: {  	v12 =	vld [tilespmem:s28+$0x3220];
	[tilespmem:s29+$0xC820] =	vst v20;
	v21 =	vpop (erf);
	(erf) = vpow2.f32 v14  }
0x91: {  	v14 =	vld [tilespmem:s29+$0x19000];
	[tilespmem:s29+$0xFA20] =	vst v21;
	v22 =	vpop (erf);
	(erf) = vpow2.f32 v17  }
0x92: {  	v17 =	vld [tilespmem:s29+$0x19010];
	[tilespmem:s29+$0xC830] =	vst v22;
	v23 =	vpop (erf)  }
0x93: {  	v24 =	vld [tilespmem:s29+$0x19020];
	[tilespmem:s29+$0xFA30] =	vst v23;
	v25 =	vpop (erf)  }
0x94: {  	v15 =	vadd.f32 v15, v16;
	v16 =	vld [tilespmem:s29+$0x19030];
	[tilespmem:s29+$0xC840] =	vst v25;
	v26 =	vpop (erf)  }
0x95: {  	v18 =	vadd.f32 v19, v18;
	v19 =	vld [tilespmem:s29+$0x19040];
	[tilespmem:s29+$0xFA40] =	vst v26;
	v27 =	vpop (erf)  }
0x96: {  	v28 =	vmul.f32 $1.442695020e+00, v8;
	v29 =	vadd.f32 v15, v14;
	v14 =	vadd.f32 v21, v20;
	v15 =	vld [tilespmem:s29+$0x19050];
	[tilespmem:s29+$0xC850] =	vst v27;
	v20 =	vpop (erf)  }
0x97: {  	v21 =	vmul.f32 $1.442695020e+00, v9;
	v30 =	vadd.f32 v18, v17;
	v17 =	vadd.f32 v23, v22;
	[tilespmem:s29+$0xFA50] =	vst v20;
	v18 =	vld [tilespmem:s29+$0x19060];
	v22 =	vpop (erf)  }
0x98: {  	v11 =	vmul.f32 $1.442695020e+00, v11;
	v23 =	vadd.f32 v26, v25;
	[tilespmem:s29+$0x19000] =	vst v29;
	v14 =	vadd.f32 v14, v24;
	v24 =	vld [tilespmem:s29+$0x19070];
	v25 =	vpop (erf)  }
0x99: {  	v13 =	vmul.f32 $1.442695020e+00, v13;
	v26 =	vld [tilespmem:s28+$0x30];
	[tilespmem:s29+$0x19010] =	vst v30;
	v16 =	vadd.f32 v17, v16;
	v17 =	vadd.f32 v20, v27;
	v8 =	vpop (erf)  }
0x9a: {  	v20 =	vld [tilespmem:s28+$0x3230];
	(erf) = vpow2.f32 v28;
	[tilespmem:s29+$0x19020] =	vst v14;
	v14 =	vadd.f32 v23, v19;
	v19 =	vadd.f32 v25, v22;
	v9 =	vpop (erf)  }
0x9b: {  	v23 =	vld [tilespmem:s28+$0x40];
	(erf) = vpow2.f32 v21;
	[tilespmem:s29+$0x19030] =	vst v16;
	v15 =	vadd.f32 v17, v15;
	v16 =	vadd.f32 v9, v8  }
0x9c: {  	v10 =	vmul.f32 $1.442695020e+00, v10;
	v17 =	vld [tilespmem:s28+$0x3240];
	(erf) = vpow2.f32 v11;
	[tilespmem:s29+$0x19040] =	vst v14;
	v14 =	vadd.f32 v19, v18  }
.Ltmp6:
0x9d: {  	v12 =	vmul.f32 $1.442695020e+00, v12;
	v11 =	vld [tilespmem:s28+$0x50];
	(erf) = vpow2.f32 v13;
	[tilespmem:s29+$0x19050] =	vst v15;
	v15 =	vadd.f32 v16, v24;
	(pc) =	sbr.rel @p1 .LBB2_6-.Ltmp6, $4  }
0x9e: {  	v18 =	vmul.f32 $1.442695020e+00, v26;
	v13 =	vld [tilespmem:s28+$0x3250];
	(erf) = vpow2.f32 v10;
	[tilespmem:s29+$0x19060] =	vst v14  }
0x9f: {  	v19 =	vmul.f32 $1.442695020e+00, v20;
	v10 =	vld [tilespmem:s28+$0x60];
	(erf) = vpow2.f32 v12;
	[tilespmem:s29+$0x19070] =	vst v15  }
0xa0: {  	v16 =	vmul.f32 $1.442695020e+00, v23;
	v12 =	vld [tilespmem:s28+$0x3260];
	(erf) = vpow2.f32 v18;
	[tilespmem:s29+$0xC860] =	vst v22  }
0xa1: {  	s31 =	sadd.s32 $0x200, s31;
	v15 =	vmul.f32 $1.442695020e+00, v17;
	v14 =	vld [tilespmem:s28+$0x70];
	(erf) = vpow2.f32 v19;
	[tilespmem:s29+$0xFA60] =	vst v25  }
0xa2: {  	_ = 	snop  }
0xa3: {  	v17 =	vld [tilespmem:s28+$0x3270];
	[tilespmem:s29+$0xC870] =	vst v8;
	v8 =	vpop (erf)  }
0xa4: {  	[tilespmem:s29+$0xFA70] =	vst v9;
	v44 =	vpop (erf);
	(erf) = vpow2.f32 v16  }
0xa5: {  	v20 =	vld [tilespmem:s28+$0x19000];
	[tilespmem:s28+$0xC800] =	vst v8  }
0xa6: {  	[tilespmem:s28+$0xFA00] =	vst v44;
	v18 =	vpop (erf)  }
0xa7: {  	v11 =	vmul.f32 $1.442695020e+00, v11;
	v48 =	vld [tilespmem:s28+$0x19010];
	(erf) = vpow2.f32 v15;
	[tilespmem:s28+$0xC810] =	vst v18;
	v45 =	vpop (erf)  }
0xa8: {  	v13 =	vmul.f32 $1.442695020e+00, v13;
	v22 =	vld [tilespmem:s28+$0x19020];
	v10 =	vmul.f32 $1.442695020e+00, v10;
	v8 =	vadd.f32 v44, v8;
	[tilespmem:s28+$0xFA10] =	vst v45;
	v19 =	vpop (erf)  }
0xa9: {  	v12 =	vmul.f32 $1.442695020e+00, v12;
	[tilespmem:s28+$0xC820] =	vst v19;
	v46 =	vpop (erf);
	(erf) = vpow2.f32 v11  }
0xaa: {  	v16 =	vadd.f32 v45, v18;
	v8 =	vadd.f32 v8, v20;
	[tilespmem:s28+$0xFA20] =	vst v46;
	(erf) = vpow2.f32 v13;
	v47 =	vpop (erf)  }
0xab: {  	v51 =	vld [tilespmem:s28+$0x19030];
	v14 =	vmul.f32 $1.442695020e+00, v14;
	v15 =	vadd.f32 v46, v19;
	[tilespmem:s28+$0xC830] =	vst v47;
	(erf) = vpow2.f32 v10  }
0xac: {  	v49 =	vmul.f32 $1.442695020e+00, v17;
	v13 =	vadd.f32 v16, v48;
	v21 =	vpop (erf);
	[tilespmem:s28+$0x19000] =	vst v8;
	(erf) = vpow2.f32 v12  }
0xad: {  	[tilespmem:s28+$0xFA30] =	vst v21;
	v8 =	vadd.f32 v15, v22;
	v50 =	vpop (erf);
	(erf) = vpow2.f32 v14  }
0xae: {  	v53 =	vld [tilespmem:s28+$0x19040];
	v11 =	vadd.f32 v21, v47;
	[tilespmem:s28+$0x19010] =	vst v13;
	(erf) = vpow2.f32 v49  }
0xaf: {  	[tilespmem:s28+$0x19020] =	vst v8  }
0xb0: {  	v11 =	vadd.f32 v11, v51;
	[tilespmem:s28+$0xC840] =	vst v50;
	v52 =	vpop (erf)  }
0xb1: {  	v23 =	vld [tilespmem:s28+$0x19050];
	[tilespmem:s28+$0xFA40] =	vst v52;
	v10 =	vadd.f32 v52, v50  }
0xb2: {  	[tilespmem:s28+$0x19030] =	vst v11;
	v54 =	vpop (erf)  }
0xb3: {  	v8 =	vadd.f32 v10, v53;
	[tilespmem:s28+$0xC850] =	vst v54;
	v24 =	vpop (erf)  }
0xb4: {  	s0 =	sadd.s32 $0x2, s26;
	v55 =	vld [tilespmem:s28+$0x19060];
	[tilespmem:s28+$0xFA50] =	vst v24;
	v56 =	vpop (erf);
	v9 =	vadd.f32 v24, v54  }
0xb5: {  	v57 =	vld [tilespmem:s28+$0x19070];
	p1 =	sge.u32 s0, s7;
	[tilespmem:s28+$0x19040] =	vst v8;
	v58 =	vpop (erf)  }
0xb6: {  	s0 =	sshll.u32 @!p1 s0, $0x6;
	[tilespmem:s28+$0xC860] =	vst v56;
	v9 =	vadd.f32 v9, v23;
	v59 =	vpop (erf)  }
0xb7: {  	s0 =	sor.u32 @!p1 s12, s0;
	v60 =	vadd.f32 v58, v56;
	[tilespmem:s28+$0xFA60] =	vst v58;
	v61 =	vpop (erf)  }
0xb8: {  	s29 =	smul.u32 @!p1 $0x680, s0;
	[tilespmem:s28+$0x19050] =	vst v9;
	v62 =	vadd.f32 v61, v59  }
0xb9: {  	s0 =	smul.u32 @!p1 $0x3400, s0;
	v8 =	vadd.f32 v60, v55;
	[tilespmem:s28+$0xC870] =	vst v59  }
0xba: {  	[tilespmem:s28+$0xFA70] =	vst v61;
	v63 =	vadd.f32 v62, v57  }
0xbb: {  	s0 =	sshrl.u32 @!p1 s0, $0x3;
	[tilespmem:s28+$0x19060] =	vst v8  }
0xbc: {  	s0 =	sadd.s32 @!p1 s4, s0;
	[tilespmem:s28+$0x19070] =	vst v63;
	s28 =	sadd.s32 @!p1 s4, s29;
	s29 =	simm.s32 @!p1 $0x0  }
0xbd: {  	[tilespmem:s29], [sflag:$0x1] =	stream.linear.gather @!p1 [hbm4b:s28+s29], $0x3200, $0x38;
	[tilespmem:$0x1C7C0] =	vst v63  }
0xbe: {  	s30 =	smul.u32 $0xC80, s30;
	s0 =	sadd.s32 @!p1 $0x680, s0;
	s28 =	simm.s32 @!p1 $0x3200  }
0xbf: {  	[tilespmem:s28], [sflag:$0x1] =	stream.linear.gather @!p1 [hbm4b:s0+s29], $0x3200, $0x38;
	[tilespmem:$0x1C7C0] =	vst v63  }
0xc0: {  	s31 =	sadd.s32 s6, s30  }
0xc1: {  	[hbm4b:s31+s3] =	stream.linear.scatter [tilespmem:s19], [sflag:$0x3], $0x6400, $0x38;
	[tilespmem:$0x1C7C0] =	vst v63  }
.LBB2_8:
0xc2: {  	s30 =	sor.u32 $0x1, s26  }
0xc3: {  	p1 =	sge.u32 s30, s7  }
.Ltmp7:
0xc4: {  	_ = 	snop;
	(pc) =	sbr.rel @p1 .LBB2_12-.Ltmp7, $1  }
0xc5: {  	_ =	sdelay $0x3  }
0xc6: {  	_ =	swait.ge [sflag:s20], $0x3200  }
0xc7: {  	[sflag:s20] =	ssyncset.done $0x0  }
0xc8: {  	[sflag:s20] =	ssyncadd.s32 $0xFFFFCE00  }
0xc9: {  	_ =	swait.ge [sflag:s20], $0x3200  }
0xca: {  	p1 =	seq.s32 s25, $0x0;
	[sflag:s20] =	ssyncset.done $0x0  }
0xcb: {  	s0 =	simm.s32 @!p1 $0x4;
	[sflag:s20] =	ssyncadd.s32 $0xFFFFCE00  }
0xcc: {  	_ =	swait.ge @!p1 [sflag:s0], $0x6400  }
0xcd: {  	[sflag:s0] =	ssyncset.done @!p1 $0x0  }
0xce: {  	s29 =	simm.s32 $0x0;
	[sflag:s0] =	ssyncadd.s32 @!p1 $0xFFFF9C00  }
0xcf: {  	v8 =	vld [tilespmem:s29+$0x6400]  }
0xd0: {  	v9 =	vld [tilespmem:s29+$0x9600]  }
0xd1: {  	v10 =	vld [tilespmem:s29+$0x6410]  }
0xd2: {  	v11 =	vld [tilespmem:s29+$0x9610];
	_ =	sdelay $0x1  }
0xd3: {  	v12 =	vld [tilespmem:s29+$0x6420];
	v8 =	vmul.f32 $1.442695020e+00, v8  }
0xd4: {  	v13 =	vld [tilespmem:s29+$0x9620];
	v9 =	vmul.f32 $1.442695020e+00, v9  }
0xd5: {  	v10 =	vmul.f32 $1.442695020e+00, v10;
	(erf) = vpow2.f32 v8  }
0xd6: {  	v11 =	vmul.f32 $1.442695020e+00, v11;
	(erf) = vpow2.f32 v9  }
0xd7: {  	v14 =	vld [tilespmem:s29+$0x6430];
	(erf) = vpow2.f32 v10  }
0xd8: {  	v15 =	vld [tilespmem:s29+$0x9630];
	v12 =	vmul.f32 $1.442695020e+00, v12;
	(erf) = vpow2.f32 v11  }
0xd9: {  	v13 =	vmul.f32 $1.442695020e+00, v13  }
0xda: {  	v8 =	vld [tilespmem:s29+$0x6440];
	(erf) = vpow2.f32 v12  }
0xdb: {  	v16 =	vld [tilespmem:s29+$0x9640];
	(erf) = vpow2.f32 v13  }
0xdc: {  	v14 =	vmul.f32 $1.442695020e+00, v14;
	v9 =	vld [tilespmem:s29+$0x6450]  }
0xdd: {  	v17 =	vld [tilespmem:s29+$0x9650];
	v15 =	vmul.f32 $1.442695020e+00, v15  }
0xde: {  	v20 =	vpop (erf)  }
0xdf: {  	v8 =	vmul.f32 $1.442695020e+00, v8;
	v13 =	vpop (erf);
	(erf) = vpow2.f32 v14  }
0xe0: {  	v18 =	vld [tilespmem:s29+$0x9660];
	v16 =	vmul.f32 $1.442695020e+00, v16;
	v14 =	vpop (erf);
	(erf) = vpow2.f32 v15  }
0xe1: {  	s28 =	simm.s32 $0x80;
	v19 =	vld [tilespmem:s29+$0x9670];
	v9 =	vmul.f32 $1.442695020e+00, v9;
	v15 =	vpop (erf);
	(erf) = vpow2.f32 v8  }
0xe2: {  	v21 =	vld [tilespmem:s28+$0x9600];
	(erf) = vpow2.f32 v16;
	v16 =	vmul.f32 $1.442695020e+00, v17  }
0xe3: {  	v10 =	vld [tilespmem:s29+$0x6460];
	v8 =	vpop (erf);
	(erf) = vpow2.f32 v9  }
0xe4: {  	v26 =	vld [tilespmem:s29+$0x19000];
	v17 =	vpop (erf);
	(erf) = vpow2.f32 v16  }
0xe5: {  	v11 =	vld [tilespmem:s29+$0x6470]  }
0xe6: {  	v12 =	vld [tilespmem:s28+$0x6400];
	[tilespmem:s29+$0x12C00] =	vst v20  }
0xe7: {  	v22 =	vld [tilespmem:s28+$0x6410];
	[tilespmem:s29+$0x15E00] =	vst v13  }
0xe8: {  	v10 =	vmul.f32 $1.442695020e+00, v10;
	v13 =	vadd.f32 v13, v20;
	v23 =	vld [tilespmem:s28+$0x9610];
	[tilespmem:s29+$0x12C10] =	vst v14;
	v9 =	vpop (erf)  }
0xe9: {  	v24 =	vld [tilespmem:s28+$0x6420];
	[tilespmem:s29+$0x15E10] =	vst v15;
	v27 =	vpop (erf)  }
0xea: {  	v25 =	vld [tilespmem:s28+$0x9620];
	[tilespmem:s29+$0x12C20] =	vst v8;
	(erf) = vpow2.f32 v10;
	v10 =	vadd.f32 v13, v26;
	v29 =	vpop (erf)  }
0xeb: {  	v18 =	vmul.f32 $1.442695020e+00, v18;
	[tilespmem:s29+$0x15E20] =	vst v17;
	v31 =	vpop (erf)  }
0xec: {  	v11 =	vmul.f32 $1.442695020e+00, v11;
	v16 =	vld [tilespmem:s29+$0x19010];
	[tilespmem:s29+$0x19000] =	vst v10;
	v58 =	vpop (erf)  }
0xed: {  	v13 =	vmul.f32 $1.442695020e+00, v19;
	[tilespmem:s29+$0x12C30] =	vst v9;
	v34 =	vpop (erf);
	(erf) = vpow2.f32 v18  }
0xee: {  	v28 =	vld [tilespmem:s29+$0x19020];
	[tilespmem:s29+$0x15E30] =	vst v27;
	(erf) = vpow2.f32 v11  }
0xef: {  	v30 =	vld [tilespmem:s29+$0x19030];
	v14 =	vadd.f32 v15, v14;
	[tilespmem:s29+$0x12C40] =	vst v29;
	(erf) = vpow2.f32 v13  }
0xf0: {  	v32 =	vld [tilespmem:s29+$0x19040];
	[tilespmem:s29+$0x15E40] =	vst v31  }
0xf1: {  	v33 =	vld [tilespmem:s29+$0x19050];
	v8 =	vadd.f32 v17, v8;
	v10 =	vadd.f32 v14, v16;
	[tilespmem:s29+$0x12C50] =	vst v58  }
0xf2: {  	v15 =	vld [tilespmem:s29+$0x19060];
	v9 =	vadd.f32 v27, v9;
	[tilespmem:s29+$0x15E50] =	vst v34  }
0xf3: {  	v8 =	vadd.f32 v8, v28;
	v16 =	vld [tilespmem:s28+$0x6430];
	[tilespmem:s29+$0x19010] =	vst v10;
	v10 =	vadd.f32 v31, v29  }
0xf4: {  	v14 =	vld [tilespmem:s29+$0x19070];
	v9 =	vadd.f32 v9, v30  }
0xf5: {  	v19 =	vpop (erf);
	v17 =	vld [tilespmem:s28+$0x9630];
	[tilespmem:s29+$0x19020] =	vst v8;
	v10 =	vadd.f32 v10, v32  }
0xf6: {  	v18 =	vld [tilespmem:s28+$0x6440];
	[tilespmem:s29+$0x19030] =	vst v9;
	v59 =	vpop (erf)  }
0xf7: {  	v11 =	vadd.f32 v34, v58;
	v60 =	vld [tilespmem:s28+$0x9640];
	[tilespmem:s29+$0x19040] =	vst v10;
	v10 =	vmul.f32 $1.442695020e+00, v12;
	v8 =	vpop (erf)  }
0xf8: {  	v22 =	vmul.f32 $1.442695020e+00, v22;
	v12 =	vmul.f32 $1.442695020e+00, v21;
	v13 =	vadd.f32 v59, v19;
	v9 =	vpop (erf)  }
0xf9: {  	v61 =	vadd.f32 v11, v33;
	(erf) = vpow2.f32 v10;
	v62 =	vadd.f32 v9, v8  }
0xfa: {  	v23 =	vmul.f32 $1.442695020e+00, v23;
	(erf) = vpow2.f32 v12;
	v15 =	vadd.f32 v13, v15  }
0xfb: {  	v11 =	vld [tilespmem:s28+$0x6450];
	[tilespmem:s29+$0x19050] =	vst v61;
	(erf) = vpow2.f32 v22;
	v12 =	vadd.f32 v62, v14;
	v14 =	vmul.f32 $1.442695020e+00, v24  }
0xfc: {  	(erf) = vpow2.f32 v23;
	v13 =	vld [tilespmem:s28+$0x9650];
	[tilespmem:s29+$0x19060] =	vst v15;
	v15 =	vmul.f32 $1.442695020e+00, v25  }
0xfd: {  	v63 =	vmul.f32 $1.442695020e+00, v16;
	(erf) = vpow2.f32 v14  }
0xfe: {  	v17 =	vmul.f32 $1.442695020e+00, v17;
	v10 =	vld [tilespmem:s28+$0x6460];
	[tilespmem:s29+$0x19070] =	vst v12;
	(erf) = vpow2.f32 v15  }
0xff: {  	s0 =	sshll.u32 s30, $0x5;
	v16 =	vmul.f32 $1.442695020e+00, v18;
	v12 =	vld [tilespmem:s28+$0x9660];
	[tilespmem:s29+$0x12C60] =	vst v19;
	(erf) = vpow2.f32 v63  }
0x100: {  	s31 =	simm.s32 $0x400;
	s30 =	sor.u32 s5, s0;
	v15 =	vmul.f32 $1.442695020e+00, v60;
	v14 =	vld [tilespmem:s28+$0x6470];
	[tilespmem:s29+$0x15E60] =	vst v59;
	(erf) = vpow2.f32 v17  }
.LBB2_10:
0x101: {  	s0 =	sshra.s32 s31, $0x2;
	p1 =	sne.s32 s31, $0xC600;
	v11 =	vmul.f32 $1.442695020e+00, v11;
	v17 =	vld [tilespmem:s28+$0x9670];
	(erf) = vpow2.f32 v16;
	[tilespmem:s29+$0x12C70] =	vst v8  }
0x102: {  	v8 =	vld [tilespmem:s0+$0x6400];
	v13 =	vmul.f32 $1.442695020e+00, v13;
	v16 =	vpop (erf);
	(erf) = vpow2.f32 v15;
	[tilespmem:s29+$0x15E70] =	vst v9;
	s29 =	smov.u32 s28;
	s28 =	smov.u32 s0  }
0x103: {  	v9 =	vld [tilespmem:s28+$0x9600];
	[tilespmem:s29+$0x12C00] =	vst v16;
	v10 =	vmul.f32 $1.442695020e+00, v10;
	v15 =	vpop (erf);
	(erf) = vpow2.f32 v11  }
0x104: {  	v11 =	vld [tilespmem:s28+$0x6410];
	[tilespmem:s29+$0x15E00] =	vst v15;
	v12 =	vmul.f32 $1.442695020e+00, v12;
	v18 =	vpop (erf);
	(erf) = vpow2.f32 v13  }
0x105: {  	v13 =	vld [tilespmem:s28+$0x9610];
	[tilespmem:s29+$0x12C10] =	vst v18;
	v14 =	vmul.f32 $1.442695020e+00, v14;
	v19 =	vpop (erf);
	(erf) = vpow2.f32 v10  }
0x106: {  	v10 =	vld [tilespmem:s28+$0x6420];
	[tilespmem:s29+$0x15E10] =	vst v19;
	v17 =	vmul.f32 $1.442695020e+00, v17;
	v20 =	vpop (erf);
	(erf) = vpow2.f32 v12  }
0x107: {  	v12 =	vld [tilespmem:s28+$0x9620];
	[tilespmem:s29+$0x12C20] =	vst v20;
	v21 =	vpop (erf);
	(erf) = vpow2.f32 v14  }
0x108: {  	v14 =	vld [tilespmem:s29+$0x19000];
	[tilespmem:s29+$0x15E20] =	vst v21;
	v22 =	vpop (erf);
	(erf) = vpow2.f32 v17  }
0x109: {  	v17 =	vld [tilespmem:s29+$0x19010];
	[tilespmem:s29+$0x12C30] =	vst v22;
	v23 =	vpop (erf)  }
0x10a: {  	v24 =	vld [tilespmem:s29+$0x19020];
	[tilespmem:s29+$0x15E30] =	vst v23;
	v25 =	vpop (erf)  }
0x10b: {  	v15 =	vadd.f32 v15, v16;
	v16 =	vld [tilespmem:s29+$0x19030];
	[tilespmem:s29+$0x12C40] =	vst v25;
	v26 =	vpop (erf)  }
0x10c: {  	v18 =	vadd.f32 v19, v18;
	v19 =	vld [tilespmem:s29+$0x19040];
	[tilespmem:s29+$0x15E40] =	vst v26;
	v27 =	vpop (erf)  }
0x10d: {  	v28 =	vmul.f32 $1.442695020e+00, v8;
	v29 =	vadd.f32 v15, v14;
	v14 =	vadd.f32 v21, v20;
	v15 =	vld [tilespmem:s29+$0x19050];
	[tilespmem:s29+$0x12C50] =	vst v27;
	v20 =	vpop (erf)  }
0x10e: {  	v21 =	vmul.f32 $1.442695020e+00, v9;
	v30 =	vadd.f32 v18, v17;
	v17 =	vadd.f32 v23, v22;
	[tilespmem:s29+$0x15E50] =	vst v20;
	v18 =	vld [tilespmem:s29+$0x19060];
	v22 =	vpop (erf)  }
0x10f: {  	v11 =	vmul.f32 $1.442695020e+00, v11;
	v23 =	vadd.f32 v26, v25;
	[tilespmem:s29+$0x19000] =	vst v29;
	v14 =	vadd.f32 v14, v24;
	v24 =	vld [tilespmem:s29+$0x19070];
	v25 =	vpop (erf)  }
0x110: {  	v13 =	vmul.f32 $1.442695020e+00, v13;
	v26 =	vld [tilespmem:s28+$0x6430];
	[tilespmem:s29+$0x19010] =	vst v30;
	v16 =	vadd.f32 v17, v16;
	v17 =	vadd.f32 v20, v27;
	v8 =	vpop (erf)  }
0x111: {  	v20 =	vld [tilespmem:s28+$0x9630];
	(erf) = vpow2.f32 v28;
	[tilespmem:s29+$0x19020] =	vst v14;
	v14 =	vadd.f32 v23, v19;
	v19 =	vadd.f32 v25, v22;
	v9 =	vpop (erf)  }
0x112: {  	v23 =	vld [tilespmem:s28+$0x6440];
	(erf) = vpow2.f32 v21;
	[tilespmem:s29+$0x19030] =	vst v16;
	v15 =	vadd.f32 v17, v15;
	v16 =	vadd.f32 v9, v8  }
0x113: {  	v10 =	vmul.f32 $1.442695020e+00, v10;
	v17 =	vld [tilespmem:s28+$0x9640];
	(erf) = vpow2.f32 v11;
	[tilespmem:s29+$0x19040] =	vst v14;
	v14 =	vadd.f32 v19, v18  }
.Ltmp8:
0x114: {  	v12 =	vmul.f32 $1.442695020e+00, v12;
	v11 =	vld [tilespmem:s28+$0x6450];
	(erf) = vpow2.f32 v13;
	[tilespmem:s29+$0x19050] =	vst v15;
	v15 =	vadd.f32 v16, v24;
	(pc) =	sbr.rel @p1 .LBB2_10-.Ltmp8, $4  }
0x115: {  	v18 =	vmul.f32 $1.442695020e+00, v26;
	v13 =	vld [tilespmem:s28+$0x9650];
	(erf) = vpow2.f32 v10;
	[tilespmem:s29+$0x19060] =	vst v14  }
0x116: {  	v19 =	vmul.f32 $1.442695020e+00, v20;
	v10 =	vld [tilespmem:s28+$0x6460];
	(erf) = vpow2.f32 v12;
	[tilespmem:s29+$0x19070] =	vst v15  }
0x117: {  	v16 =	vmul.f32 $1.442695020e+00, v23;
	v12 =	vld [tilespmem:s28+$0x9660];
	(erf) = vpow2.f32 v18;
	[tilespmem:s29+$0x12C60] =	vst v22  }
0x118: {  	s31 =	sadd.s32 $0x200, s31;
	v15 =	vmul.f32 $1.442695020e+00, v17;
	v14 =	vld [tilespmem:s28+$0x6470];
	(erf) = vpow2.f32 v19;
	[tilespmem:s29+$0x15E60] =	vst v25  }
0x119: {  	_ = 	snop  }
0x11a: {  	v17 =	vld [tilespmem:s28+$0x9670];
	[tilespmem:s29+$0x12C70] =	vst v8;
	v8 =	vpop (erf)  }
0x11b: {  	[tilespmem:s29+$0x15E70] =	vst v9;
	v44 =	vpop (erf);
	(erf) = vpow2.f32 v16  }
0x11c: {  	v20 =	vld [tilespmem:s28+$0x19000];
	[tilespmem:s28+$0x12C00] =	vst v8  }
0x11d: {  	[tilespmem:s28+$0x15E00] =	vst v44;
	v18 =	vpop (erf)  }
0x11e: {  	v11 =	vmul.f32 $1.442695020e+00, v11;
	v48 =	vld [tilespmem:s28+$0x19010];
	(erf) = vpow2.f32 v15;
	[tilespmem:s28+$0x12C10] =	vst v18;
	v45 =	vpop (erf)  }
0x11f: {  	v13 =	vmul.f32 $1.442695020e+00, v13;
	v22 =	vld [tilespmem:s28+$0x19020];
	v10 =	vmul.f32 $1.442695020e+00, v10;
	v8 =	vadd.f32 v44, v8;
	[tilespmem:s28+$0x15E10] =	vst v45;
	v19 =	vpop (erf)  }
0x120: {  	v12 =	vmul.f32 $1.442695020e+00, v12;
	[tilespmem:s28+$0x12C20] =	vst v19;
	v46 =	vpop (erf);
	(erf) = vpow2.f32 v11  }
0x121: {  	v16 =	vadd.f32 v45, v18;
	v8 =	vadd.f32 v8, v20;
	[tilespmem:s28+$0x15E20] =	vst v46;
	(erf) = vpow2.f32 v13;
	v47 =	vpop (erf)  }
0x122: {  	v51 =	vld [tilespmem:s28+$0x19030];
	v14 =	vmul.f32 $1.442695020e+00, v14;
	v15 =	vadd.f32 v46, v19;
	[tilespmem:s28+$0x12C30] =	vst v47;
	(erf) = vpow2.f32 v10  }
0x123: {  	v49 =	vmul.f32 $1.442695020e+00, v17;
	v13 =	vadd.f32 v16, v48;
	v21 =	vpop (erf);
	[tilespmem:s28+$0x19000] =	vst v8;
	(erf) = vpow2.f32 v12  }
0x124: {  	[tilespmem:s28+$0x15E30] =	vst v21;
	v8 =	vadd.f32 v15, v22;
	v50 =	vpop (erf);
	(erf) = vpow2.f32 v14  }
0x125: {  	v53 =	vld [tilespmem:s28+$0x19040];
	v11 =	vadd.f32 v21, v47;
	[tilespmem:s28+$0x19010] =	vst v13;
	(erf) = vpow2.f32 v49  }
0x126: {  	[tilespmem:s28+$0x19020] =	vst v8  }
0x127: {  	v11 =	vadd.f32 v11, v51;
	[tilespmem:s28+$0x12C40] =	vst v50;
	v52 =	vpop (erf)  }
0x128: {  	v23 =	vld [tilespmem:s28+$0x19050];
	[tilespmem:s28+$0x15E40] =	vst v52;
	v10 =	vadd.f32 v52, v50  }
0x129: {  	[tilespmem:s28+$0x19030] =	vst v11;
	v54 =	vpop (erf)  }
0x12a: {  	v8 =	vadd.f32 v10, v53;
	[tilespmem:s28+$0x12C50] =	vst v54;
	v24 =	vpop (erf)  }
0x12b: {  	v55 =	vld [tilespmem:s28+$0x19060];
	[tilespmem:s28+$0x15E50] =	vst v24;
	v56 =	vpop (erf);
	v9 =	vadd.f32 v24, v54  }
0x12c: {  	s0 =	sadd.s32 $0x3, s26;
	v57 =	vld [tilespmem:s28+$0x19070];
	[tilespmem:s28+$0x19040] =	vst v8;
	v58 =	vpop (erf)  }
0x12d: {  	p1 =	sge.u32 s0, s7;
	[tilespmem:s28+$0x12C60] =	vst v56;
	v9 =	vadd.f32 v9, v23;
	v59 =	vpop (erf)  }
0x12e: {  	s0 =	sshll.u32 @!p1 s0, $0x6;
	v60 =	vadd.f32 v58, v56;
	[tilespmem:s28+$0x15E60] =	vst v58;
	v61 =	vpop (erf)  }
0x12f: {  	s0 =	sor.u32 @!p1 s12, s0;
	[tilespmem:s28+$0x19050] =	vst v9;
	v62 =	vadd.f32 v61, v59  }
0x130: {  	s26 =	smul.u32 @!p1 $0x680, s0;
	v8 =	vadd.f32 v60, v55;
	[tilespmem:s28+$0x12C70] =	vst v59  }
0x131: {  	s0 =	smul.u32 @!p1 $0x3400, s0;
	[tilespmem:s28+$0x15E70] =	vst v61;
	v63 =	vadd.f32 v62, v57  }
0x132: {  	s29 =	simm.s32 @!p1 $0x6400;
	[tilespmem:s28+$0x19060] =	vst v8  }
0x133: {  	s26 =	sadd.s32 @!p1 s4, s26;
	s0 =	sshrl.u32 @!p1 s0, $0x3;
	[tilespmem:s28+$0x19070] =	vst v63;
	s28 =	simm.s32 @!p1 $0x0  }
0x134: {  	[tilespmem:s29], [sflag:$0x2] =	stream.linear.gather @!p1 [hbm4b:s26+s28], $0x3200, $0x38;
	[tilespmem:$0x1C7C0] =	vst v63  }
.Ltmp9:
0x135: {  	s0 =	sadd.s32 @!p1 s4, s0;
	(pc) =	sbr.rel .LBB2_12-.Ltmp9, $4  }
0x136: {  	s30 =	smul.u32 $0xC80, s30;
	s0 =	sadd.s32 @!p1 $0x680, s0;
	s26 =	simm.s32 @!p1 $0x9600  }
0x137: {  	[tilespmem:s26], [sflag:$0x2] =	stream.linear.gather @!p1 [hbm4b:s0+s28], $0x3200, $0x38;
	[tilespmem:$0x1C7C0] =	vst v63  }
0x138: {  	s31 =	sadd.s32 s6, s30  }
0x139: {  	[hbm4b:s31+s3] =	stream.linear.scatter [tilespmem:s21], [sflag:$0x4], $0x6400, $0x38;
	[tilespmem:$0x1C7C0] =	vst v63  }
.LBB2_14:
0x13a: {  	_ =	sfence.sel $0x180000  }
0x13b: {  	[bflag:$0x0] =	sbarrier.arrive $0xFFFF  }
0x13c: {  	_ =	strace $0x90000047  }
0x13d: {  	[bflag:$0x2] =	sbarrier.arrive $0xFFFF  }
0x13e: {  	p0 =	sne.s32 s2, $0x0;
	s0 =	rddreg [dreg:$0x2]  }
0x13f: {  	s0 =	sadd.s32 @!p0 $0x100000, s0  }
0x140: {  	[sflag:s0] =	ssyncadd.tile.s32 @!p0 $0x1;
	_ =	shalt  }
.Lfunc_end2:
_tile_overlayer_lowered:
.L_overlay_start_2:
0x141: {  	(tag) =	ssettag $0x2  }
0x142: {  	s0 =	rddreg [dreg:$0x0];
	s2 =	stileid.u32  }
0x143: {  	s1 =	rddreg [dreg:$0x1];
	p0 =	sne.s32 s2, $0x0  }
0x144: {  	s3 =	rddreg [dreg:$0x2];
	[bflag:$0x3] =	sbarrier.arrive $0xFFFF;
	s2 =	simm.s32 @!p0 $0x1C05  }
0x145: {  	[timem:s3], [sflag:s2] =	dma.local @!p0 [hbm:s0], s1  }
0x146: {  	s0 =	simm.s32 @!p0 $0x5  }
0x147: {  	_ =	swait.ge @!p0 [sflag:s0], s1  }
0x148: {  	s1 =	ssub.s32 @!p0 $0x0, s1;
	[sflag:s0] =	ssyncset.done @!p0 $0x0  }
0x149: {  	[sflag:s0] =	ssyncadd.s32 @!p0 s1  }
0x14a: {  	[bflag:$0x3] =	sbarrier.arrive $0xFFFF  }
0x14b: {  	_ =	shalt  }

// kernel: kernel.7.cloned.1.call-start
scs
__scs_entry_jumppad:
0x0: {  	(pc) =	sbr.rel $0x88, $3  }
0x1: {  	(tag) =	ssettag $0x0;
	lr =	simm.s32 $0x1  }
0x2: {  	[smem:$0x3F9E] =	sst lr;
	_ =	strace $0xD0000000  }
0x3: {  	_ = 	snop  }
0x4: {  	_ = 	snop  }
0x5: {  	_ = 	snop  }
0x6: {  	_ = 	snop  }
0x7: {  	_ = 	snop  }
__scs_overlays_trampoline_lowered:
0x8: {  	[smem:$0x3FAD] =	sst s0  }
0x9: {  	[smem:$0x3FAE] =	sst s1  }
0xa: {  	[smem:$0x3FAF] =	sst s2  }
0xb: {  	[smem:$0x3FB0] =	sst s3  }
0xc: {  	[smem:$0x3FB1] =	sst s4  }
0xd: {  	[smem:$0x3FB2] =	sst s5  }
0xe: {  	[smem:$0x3FB3] =	sst s6  }
0xf: {  	[smem:$0x3FB4] =	sst s7  }
0x10: {  	[smem:$0x3FB5] =	sst s8  }
0x11: {  	[smem:$0x3FB6] =	sst s9;
	s0 =	simm.s32 @!p0 $0x0  }
0x12: {  	s1 =	sld [smem:$0x3F9C];
	s0 =	simm.s32 @p0 $0x1  }
0x13: {  	[smem:$0x3FB7] =	sst s0;
	s0 =	simm.s32 @!p1 $0x0  }
0x14: {  	s2 =	sld [smem:$0x3F9B];
	s0 =	simm.s32 @p1 $0x1  }
0x15: {  	[smem:$0x3FB8] =	sst s0;
	s0 =	simm.s32 @!p2 $0x0  }
0x16: {  	s3 =	sld [smem:$0x3FDB];
	s0 =	simm.s32 @p2 $0x1  }
0x17: {  	s4 =	simm.s32 $0x1BF5;
	[smem:$0x3FBA] =	sst s0  }
0x18: {  	s0 =	sld [smem:$0x3F9D];
	_ =	swait.ge [sflag:s4], $0x0  }
0x19: {  	s7 =	sld [smem:$0x3F9E]  }
0x1a: {  	s8 =	sadd.s32 $0xFFFFE003, lr  }
0x1b: {  	s9 =	sadd.s32 $0xFFFFFEF7, lr;
	s5 =	simm.s32 $0xFFFFFFFF;
	p2 =	slt.u32 s8, $0xFFFFF086  }
0x1c: {  	p1 =	slt.u32 s9, $0xF7A;
	s5 =	simm.s32 @!p2 $0x0  }
0x1d: {  	s5 =	simm.s32 @p1 $0x1;
	p0 =	seq.s32 s7, s2  }
0x1e: {  	s7 =	smul.u32 @!p0 $0xF7A, s2;
	p2 =	seq.s32 @!p0 s5, $0x0  }
0x1f: {  	s9 =	smul.u32 $0xF7A, s1;
	s8 =	simm.s32 @!p0 $0x1BF5;
	p2 =	por !p2, p0  }
0x20: {  	[sflag:s8] =	ssyncset.s32 @!p0 $0xFFFFF086;
	s6 =	sadd.s32 @!p0 s3, s7;
	s7 =	simm.s32 @!p0 $0x108  }
0x21: {  	s3 =	sadd.s32 s3, s9;
	s6 =	sadd.s32 @!p0 $0x88, s6;
	s7 =	simm.s32 @p2 $0x1082  }
0x22: {  	[simem:s7], [sflag:s8] =	dma.local @!p0 [hbm:s6], $0xF7A  }
0x23: {  	s9 =	sor.u32 $0xD0000000, s2;
	s6 =	simm.s32 $0x108;
	_ =	swait.ge @!p0 [sflag:s8], $0x0  }
0x24: {  	s3 =	sadd.s32 $0x88, s3;
	s6 =	simm.s32 @!p1 $0x1082;
	[sflag:s4] =	ssyncset.s32 $0xFFFFF086  }
0x25: {  	[simem:s6], [sflag:s4] =	dma.local [hbm:s3], $0xF7A  }
0x26: {  	[smem:$0x3F9E] =	sst s1;
	(tag) =	ssettag s2;
	_ =	strace s9  }
0x27: {  	s1 =	sld [smem:$0x3FAE]  }
0x28: {  	s2 =	sld [smem:$0x3FAF]  }
0x29: {  	s4 =	sld [smem:$0x3FB1]  }
0x2a: {  	p0 =	seq.s32 s5, $0x0;
	s5 =	sld [smem:$0x3FB2]  }
0x2b: {  	s6 =	sld [smem:$0x3FB3]  }
0x2c: {  	s7 =	sld [smem:$0x3FB4]  }
0x2d: {  	s3 =	simm.s32 $0x108;
	s8 =	sld [smem:$0x3FB5]  }
0x2e: {  	s3 =	simm.s32 @!p0 $0x1082;
	s9 =	sld [smem:$0x3FB6]  }
0x2f: {  	lr =	sadd.s32 s0, s3;
	s0 =	sld [smem:$0x3FAD]  }
0x30: {  	s3 =	sld [smem:$0x3FB0]  }
0x31: {  	[smem:$0x3FB9] =	sst s10  }
0x32: {  	s10 =	sld [smem:$0x3FB7];
	_ =	sdelay $0x3  }
0x33: {  	p0 =	seq.s32 s10, $0x1;
	s10 =	sld [smem:$0x3FB9];
	_ =	sdelay $0x3  }
0x34: {  	[smem:$0x3FB9] =	sst s10  }
0x35: {  	s10 =	sld [smem:$0x3FB8];
	_ =	sdelay $0x3  }
0x36: {  	p1 =	seq.s32 s10, $0x1;
	s10 =	sld [smem:$0x3FB9];
	_ =	sdelay $0x3  }
0x37: {  	[smem:$0x3FB9] =	sst s10  }
0x38: {  	s10 =	sld [smem:$0x3FBA]  }
0x39: {  	_ = 	snop;
	(pc) =	sbr.ind lr, $3  }
0x3a: {  	_ = 	snop  }
0x3b: {  	_ = 	snop  }
0x3c: {  	p2 =	seq.s32 s10, $0x1;
	s10 =	sld [smem:$0x3FB9]  }
0x3d: {  	_ =	shalt  }
0x3e: {  	_ =	shalt  }
0x3f: {  	_ =	shalt  }
0x40: {  	_ =	shalt  }
0x41: {  	_ =	shalt  }
0x42: {  	_ =	shalt  }
0x43: {  	_ =	shalt  }
0x44: {  	_ =	shalt  }
0x45: {  	_ =	shalt  }
0x46: {  	_ =	shalt  }
0x47: {  	_ =	shalt  }
0x48: {  	_ =	shalt  }
0x49: {  	_ =	shalt  }
0x4a: {  	_ =	shalt  }
0x4b: {  	_ =	shalt  }
0x4c: {  	_ =	shalt  }
0x4d: {  	_ =	shalt  }
0x4e: {  	_ =	shalt  }
0x4f: {  	_ =	shalt  }
0x50: {  	_ =	shalt  }
0x51: {  	_ =	shalt  }
0x52: {  	_ =	shalt  }
0x53: {  	_ =	shalt  }
0x54: {  	_ =	shalt  }
0x55: {  	_ =	shalt  }
0x56: {  	_ =	shalt  }
0x57: {  	_ =	shalt  }
0x58: {  	_ =	shalt  }
0x59: {  	_ =	shalt  }
0x5a: {  	_ =	shalt  }
0x5b: {  	_ =	shalt  }
0x5c: {  	_ =	shalt  }
0x5d: {  	_ =	shalt  }
0x5e: {  	_ =	shalt  }
0x5f: {  	_ =	shalt  }
0x60: {  	_ =	shalt  }
0x61: {  	_ =	shalt  }
0x62: {  	_ =	shalt  }
0x63: {  	_ =	shalt  }
0x64: {  	_ =	shalt  }
0x65: {  	_ =	shalt  }
0x66: {  	_ =	shalt  }
0x67: {  	_ =	shalt  }
0x68: {  	_ =	shalt  }
0x69: {  	_ =	shalt  }
0x6a: {  	_ =	shalt  }
0x6b: {  	_ =	shalt  }
0x6c: {  	_ =	shalt  }
0x6d: {  	_ =	shalt  }
0x6e: {  	_ =	shalt  }
0x6f: {  	_ =	shalt  }
0x70: {  	_ =	shalt  }
0x71: {  	_ =	shalt  }
0x72: {  	_ =	shalt  }
0x73: {  	_ =	shalt  }
0x74: {  	_ =	shalt  }
0x75: {  	_ =	shalt  }
0x76: {  	_ =	shalt  }
0x77: {  	_ =	shalt  }
0x78: {  	_ =	shalt  }
0x79: {  	_ =	shalt  }
0x7a: {  	_ =	shalt  }
0x7b: {  	_ =	shalt  }
0x7c: {  	_ =	shalt  }
0x7d: {  	_ =	shalt  }
0x7e: {  	_ =	shalt  }
0x7f: {  	_ =	shalt  }
0x80: {  	_ =	shalt  }
0x81: {  	_ =	shalt  }
0x82: {  	_ =	shalt  }
0x83: {  	_ =	shalt  }
0x84: {  	_ =	shalt  }
0x85: {  	_ =	shalt  }
0x86: {  	_ =	shalt  }
0x87: {  	_ =	shalt  }
.Lfunc_end0:
.L_simem_size_0:
called_computation.1_lowered:
.L_overlay_start_0:
0x88: {  	s2 =	sld [smem:$0x3FD9]  }
0x89: {  	s3 =	sld [smem:$0x3FFE];
	_ =	sdelay $0x1  }
0x8a: {  	s1 =	srdreg.scid  }
0x8b: {  	s0 =	sand.u32 $0x1, s1  }
0x8c: {  	s17 =	sshll.u32 s0, $0xA;
	s2 =	sadd.s32 s3, s2  }
0x8d: {  	s2 =	sadd.s32 s2, s17  }
0x8e: {  	[smem:$0x3FC5] =	sst s2  }
0x8f: {  	_ = 	snop  }
0x90: {  	s2 =	sld [smem:$0x3FC9]  }
0x91: {  	s18 =	sld [smem:$0x3FC8]  }
0x92: {  	s4 =	sld [smem:$0x3FD0];
	(tm) =	ssettm $0x1  }
0x93: {  	s5 =	sld [smem:$0x3FFB];
	_ =	sdelay $0x3  }
0x94: {  	_ =	strace s5  }
0x95: {  	s5 =	sld [smem:$0x3FFC];
	_ =	sdelay $0x3  }
0x96: {  	_ =	strace s5  }
0x97: {  	s5 =	sld [smem:$0x3FFD];
	_ =	sdelay $0x3  }
0x98: {  	_ =	strace s5  }
0x99: {  	_ =	strace $0x8FFFFFFF  }
0x9a: {  	s19 =	sld [smem:$0x3FDB];
	_ =	sdelay $0x1  }
0x9b: {  	s6 =	simm.s32 $_scs_section_size  }
0x9c: {  	s7 =	simm.s32 $_size__tile_overlayer_lowered;
	s8 =	simm.s32 $_tile_overlayer_lowered  }
0x9d: {  	s22 =	simm.s32 $0x1BFF;
	s21 =	sshll.u32 s8, $0x1;
	s5 =	sadd.s32 s6, s19  }
0x9e: {  	s9 =	simm.s32 $0x0;
	s20 =	sshll.u32 s7, $0x1;
	s7 =	sadd.s32 s21, s5  }
0x9f: {  	[timem:s9], [sflag:s22] =	dma.local [hbm:s7], s20  }
0xa0: {  	_ =	swait.ge [sflag:s22], s20  }
0xa1: {  	s6 =	ssub.s32 $0x0, s20;
	[sflag:s22] =	ssyncset.done $0x0  }
0xa2: {  	[sflag:s22] =	ssyncadd.s32 s6;
	_ =	sdelay $0x1  }
0xa3: {  	s23 =	simm.s32 $0x1B8B  }
0xa4: {  	_ =	swait.ge [sflag:s23], $0x1  }
0xa5: {  	[sflag:s23] =	ssyncset.done $0x0  }
0xa6: {  	s25 =	simm.s32 $0x1B8E;
	s24 =	sld [smem:$0x3FFE];
	[sflag:s23] =	ssyncadd.s32 $0xFFFFFFFF  }
0xa7: {  	s26 =	simm.s32 $execute0_lowered;
	[smem:$0x3FD2] =	sst s25  }
0xa8: {  	s7 =	sshll.u32 s26, $0x1;
	_ =	strace $0x80000049;
	[dreg:$0x1] =	wrdreg $0xFFFFFFFF  }
0xa9: {  	s28 =	simm.s32 $_size_execute0_lowered;
	s5 =	sadd.s32 s5, s7;
	[dreg:$0x0] =	wrdreg $0x0  }
0xaa: {  	s7 =	sshll.u32 s28, $0x1;
	[dreg:$0x2] =	wrdreg s5  }
0xab: {  	[dreg:$0x3] =	wrdreg s7  }
0xac: {  	[dreg:$0x4] =	wrdreg $0xC0  }
0xad: {  	_ =	task [dreg:s9], $0x5FFFF  }
0xae: {  	[dreg:$0x1] =	wrdreg $0xFFFFFFFF  }
0xaf: {  	[dreg:$0x0] =	wrdreg $0x60  }
0xb0: {  	[dreg:$0x2] =	wrdreg s24  }
0xb1: {  	[dreg:$0x3] =	wrdreg s2  }
0xb2: {  	[dreg:$0x4] =	wrdreg s18  }
0xb3: {  	[dreg:$0x5] =	wrdreg s4  }
0xb4: {  	[dreg:$0x6] =	wrdreg $0x9  }
0xb5: {  	_ =	task.clear_ibuf [dreg:s9], $0x7FFFF;
	_ =	strace $0x90000049  }
0xb6: {  	s29 =	simm.s32 $0x9;
	_ =	strace $0x8000004B  }
0xb7: {  	_ =	swait.ge [sflag:s29], $0x1  }
0xb8: {  	[sflag:s29] =	ssyncadd.s32 $0xFFFFFFFF  }
0xb9: {  	_ =	strace $0x9000004B  }
0xba: {  	_ =	sfence  }
0xbb: {  	s30 =	sld [smem:$0x0];
	_ =	sdelay $0x2  }
0xbc: {  	s31 =	sshll.u32 s1, $0xD;
	s1 =	sshrl.u32 s1, $0x2  }
0xbd: {  	s3 =	sand.u32 $0x4000, s31;
	s1 =	sadd.s32 s1, s30  }
0xbe: {  	s0 =	sor.u32 s3, s0;
	s1 =	sshll.u32 s1, $0x11  }
0xbf: {  	s0 =	sor.u32 s1, s0  }
0xc0: {  	s0 =	sadd.s32 $0x8F2B, s0  }
0xc1: {  	[sflag:s0] =	ssyncadd.remote.s32 $0x1  }
0xc2: {  	_ =	sfence.sel $0xFFFF  }
0xc3: {  	[dreg:$0x0] =	wrdreg $0xFFFFFFFF;
	(pc) =	sbr.abs _section_cstart, $3  }
0xc4: {  	[dreg:$0x1] =	wrdreg $0xFFFFFFFF  }
0xc5: {  	_ =	task.clear_ibuf [dreg:s9], $0x2FFFF;
	_ =	strace $0x9FFFFFFF  }
0xc6: {  	(tm) =	ssettm $0x7FFFFFFF  }
0xc7: {  	_ =	shalt  }
tec
execute0_lowered:
.L_overlay_start_1:
0x0: {  	(tag) =	ssettag $0x1  }
0x1: {  	s0 =	rddreg [dreg:$0x0]  }
0x2: {  	s1 =	rddreg [dreg:$0x1]  }
0x3: {  	s7 =	rddreg [dreg:$0x2]  }
0x4: {  	s6 =	rddreg [dreg:$0x3];
	s2 =	simm.s32 $0x0;
	s3 =	srdreg.scid  }
0x5: {  	s4 =	stileid.u32;
	s12 =	simm.s32 $0x7;
	s14 =	simm.s32 $0x80  }
0x6: {  	s16 =	simm.s32 $0xA00;
	s18 =	simm.s32 $0x4A00;
	s20 =	simm.s32 $0x10A00  }
0x7: {  	s22 =	simm.s32 $0x14A00;
	s23 =	simm.s32 $0x1;
	s24 =	simm.s32 $0x3  }
0x8: {  	s31 =	simm.s32 $0x2;
	s15 =	simm.s32 $0x900;
	s17 =	simm.s32 $0x5  }
0x9: {  	s19 =	simm.s32 $0x580;
	s21 =	simm.s32 $0x980;
	s28 =	simm.s32 $0x6  }
0xa: {  	s29 =	simm.s32 $0x0;
	[smem:$0x7FF] =	sst s2;
	s5 =	sand.u32 $0x1, s3  }
0xb: {  	s3 =	sadd.s32 $0x197000, s0;
	s8 =	sshll.u32 s4, $0xA;
	s9 =	sshll.u32 s5, $0x9  }
0xc: {  	s4 =	sadd.s32 $0x31DA00, s0;
	s25 =	ssub.s32 $0x2, s5;
	s26 =	sor.u32 s9, s8  }
0xd: {  	_ =	strace $0x8000004A;
	s30 =	sshrl.u32 s25, $0x1;
	s9 =	sshrl.u32 s26, $0x3  }
0xe: {  	s10 =	sshll.u32 s26, $0x4;
	s0 =	ssub.s32 s25, s30;
	s25 =	simm.s32 $0x4  }
0xf: {  	s26 =	simm.s32 $0x8A00;
	s5 =	sadd.s32 s1, s9;
	s6 =	sadd.s32 s6, s10  }
0x10: {  	s7 =	sadd.s32 s7, s9;
	s11 =	smax.u32 s0, $0x1;
	s0 =	simm.s32 $0xCA00  }
0x11: {  	s8 =	sadd.s32 $0x800, s6;
	s9 =	sadd.s32 $0x1000, s6;
	s10 =	sadd.s32 $0x1800, s6  }
.LBB2_1:
0x12: {  	[tilespmem:s2], [sflag:$0x7] =	stream.linear.gather [hbm4b:s5+s2], $0x200, $0x38;
	[tilespmem:$0x18A00] =	vst v63  }
0x13: {  	_ =	swait.ge [sflag:s12], $0x200  }
0x14: {  	[sflag:s12] =	ssyncset.done $0x0  }
0x15: {  	s1 =	simm.s32 $0x200;
	[sflag:s12] =	ssyncadd.s32 $0xFFFFFE00  }
0x16: {  	[tilespmem:s1], [sflag:$0x7] =	stream.linear.gather [hbm4b:s7+s2], $0x200, $0x38;
	[tilespmem:$0x18A00] =	vst v63  }
0x17: {  	_ =	swait.ge [sflag:s12], $0x200  }
0x18: {  	[sflag:s12] =	ssyncset.done $0x0  }
0x19: {  	[sflag:s12] =	ssyncadd.s32 $0xFFFFFE00  }
0x1a: {  	v0 =	vld [tilespmem:$0x0];
	_ =	sdelay $0x1  }
0x1b: {  	v1 =	vld [tilespmem:$0x200]  }
0x1c: {  	v2 =	vld [tilespmem:$0x10];
	_ =	sdelay $0x1  }
0x1d: {  	v3 =	vld [tilespmem:$0x210];
	v0 =	vmul.u32 $0x64, v0  }
0x1e: {  	v4 =	vld [tilespmem:$0x20]  }
0x1f: {  	[tilespmem:$0x400] =	vst v1;
	v0 =	vadd.s32 v1, v0  }
0x20: {  	[tilespmem:$0x600] =	vst v0;
	v0 =	vadd.s32 $0x68, v1;
	v1 =	vmul.u32 $0x64, v2;
	v2 =	vld [tilespmem:$0x220]  }
0x21: {  	[tilespmem:$0x800] =	vst v0;
	v0 =	vld [tilespmem:$0x30]  }
0x22: {  	[tilespmem:$0x410] =	vst v3;
	v1 =	vadd.s32 v3, v1  }
0x23: {  	[tilespmem:$0x610] =	vst v1;
	v1 =	vadd.s32 $0x68, v3;
	v3 =	vmul.u32 $0x64, v4;
	v4 =	vld [tilespmem:$0x230]  }
0x24: {  	[tilespmem:$0x810] =	vst v1;
	v1 =	vld [tilespmem:$0x40]  }
0x25: {  	[tilespmem:$0x420] =	vst v2;
	v3 =	vadd.s32 v2, v3  }
0x26: {  	v2 =	vadd.s32 $0x68, v2;
	[tilespmem:$0x620] =	vst v3;
	v0 =	vmul.u32 $0x64, v0;
	v3 =	vld [tilespmem:$0x240]  }
0x27: {  	[tilespmem:$0x820] =	vst v2;
	v2 =	vld [tilespmem:$0x50]  }
0x28: {  	[tilespmem:$0x430] =	vst v4;
	v0 =	vadd.s32 v4, v0  }
0x29: {  	[tilespmem:$0x630] =	vst v0;
	v0 =	vadd.s32 $0x68, v4;
	v1 =	vmul.u32 $0x64, v1;
	v4 =	vld [tilespmem:$0x250]  }
0x2a: {  	[tilespmem:$0x830] =	vst v0;
	v0 =	vld [tilespmem:$0x60]  }
0x2b: {  	[tilespmem:$0x440] =	vst v3;
	v1 =	vadd.s32 v3, v1  }
0x2c: {  	v2 =	vmul.u32 $0x64, v2;
	[tilespmem:$0x640] =	vst v1;
	v1 =	vadd.s32 $0x68, v3;
	v3 =	vld [tilespmem:$0x260]  }
0x2d: {  	[tilespmem:$0x840] =	vst v1;
	v1 =	vld [tilespmem:$0x70]  }
0x2e: {  	[tilespmem:$0x450] =	vst v4;
	v2 =	vadd.s32 v4, v2  }
0x2f: {  	[tilespmem:$0x650] =	vst v2;
	v2 =	vadd.s32 $0x68, v4;
	v0 =	vmul.u32 $0x64, v0;
	v4 =	vld [tilespmem:$0x270]  }
0x30: {  	[tilespmem:$0x850] =	vst v2;
	v2 =	vld [tilespmem:$0x80]  }
0x31: {  	[tilespmem:$0x460] =	vst v3;
	v0 =	vadd.s32 v3, v0  }
0x32: {  	[tilespmem:$0x660] =	vst v0;
	v0 =	vadd.s32 $0x68, v3;
	v1 =	vmul.u32 $0x64, v1;
	v3 =	vld [tilespmem:$0x280]  }
0x33: {  	[tilespmem:$0x860] =	vst v0;
	v0 =	vld [tilespmem:$0x90]  }
0x34: {  	[tilespmem:$0x470] =	vst v4;
	v1 =	vadd.s32 v4, v1  }
0x35: {  	[tilespmem:$0x670] =	vst v1;
	v1 =	vadd.s32 $0x68, v4;
	v2 =	vmul.u32 $0x64, v2;
	v4 =	vld [tilespmem:$0x290]  }
0x36: {  	[tilespmem:$0x870] =	vst v1;
	v1 =	vld [tilespmem:$0xA0]  }
0x37: {  	[tilespmem:$0x480] =	vst v3;
	v2 =	vadd.s32 v3, v2  }
0x38: {  	[tilespmem:$0x680] =	vst v2;
	v2 =	vadd.s32 $0x68, v3;
	v0 =	vmul.u32 $0x64, v0;
	v3 =	vld [tilespmem:$0x2A0]  }
0x39: {  	[tilespmem:$0x880] =	vst v2;
	v2 =	vld [tilespmem:$0xB0]  }
0x3a: {  	[tilespmem:$0x490] =	vst v4;
	v0 =	vadd.s32 v4, v0  }
0x3b: {  	[tilespmem:$0x690] =	vst v0;
	v0 =	vadd.s32 $0x68, v4;
	v1 =	vmul.u32 $0x64, v1;
	v4 =	vld [tilespmem:$0x2B0]  }
0x3c: {  	[tilespmem:$0x890] =	vst v0;
	v0 =	vld [tilespmem:$0xC0]  }
0x3d: {  	[tilespmem:$0x4A0] =	vst v3;
	v1 =	vadd.s32 v3, v1  }
0x3e: {  	[tilespmem:$0x6A0] =	vst v1;
	v1 =	vadd.s32 $0x68, v3;
	v2 =	vmul.u32 $0x64, v2;
	v3 =	vld [tilespmem:$0x2C0]  }
0x3f: {  	[tilespmem:$0x8A0] =	vst v1;
	v1 =	vld [tilespmem:$0xD0]  }
0x40: {  	[tilespmem:$0x4B0] =	vst v4;
	v2 =	vadd.s32 v4, v2  }
0x41: {  	[tilespmem:$0x6B0] =	vst v2;
	v2 =	vadd.s32 $0x68, v4;
	v0 =	vmul.u32 $0x64, v0;
	v4 =	vld [tilespmem:$0x2D0]  }
0x42: {  	[tilespmem:$0x8B0] =	vst v2;
	v2 =	vld [tilespmem:$0xE0]  }
0x43: {  	[tilespmem:$0x4C0] =	vst v3;
	v0 =	vadd.s32 v3, v0  }
0x44: {  	[tilespmem:$0x6C0] =	vst v0;
	v0 =	vadd.s32 $0x68, v3;
	v1 =	vmul.u32 $0x64, v1;
	v3 =	vld [tilespmem:$0x2E0]  }
0x45: {  	[tilespmem:$0x8C0] =	vst v0;
	v0 =	vld [tilespmem:$0xF0]  }
0x46: {  	[tilespmem:$0x4D0] =	vst v4;
	v1 =	vadd.s32 v4, v1  }
0x47: {  	[tilespmem:$0x6D0] =	vst v1;
	v1 =	vadd.s32 $0x68, v4;
	v2 =	vmul.u32 $0x64, v2;
	v4 =	vld [tilespmem:$0x2F0]  }
0x48: {  	[tilespmem:$0x8D0] =	vst v1;
	v1 =	vld [tilespmem:$0x100]  }
0x49: {  	[tilespmem:$0x4E0] =	vst v3;
	v2 =	vadd.s32 v3, v2  }
0x4a: {  	[tilespmem:$0x6E0] =	vst v2;
	v2 =	vadd.s32 $0x68, v3;
	v0 =	vmul.u32 $0x64, v0;
	v3 =	vld [tilespmem:$0x300]  }
0x4b: {  	[tilespmem:$0x8E0] =	vst v2;
	v2 =	vld [tilespmem:$0x110]  }
0x4c: {  	[tilespmem:$0x4F0] =	vst v4;
	v0 =	vadd.s32 v4, v0  }
0x4d: {  	[tilespmem:$0x6F0] =	vst v0;
	v0 =	vadd.s32 $0x68, v4;
	v1 =	vmul.u32 $0x64, v1;
	v4 =	vld [tilespmem:$0x310]  }
0x4e: {  	[tilespmem:$0x8F0] =	vst v0;
	v0 =	vld [tilespmem:$0x120]  }
0x4f: {  	[tilespmem:$0x500] =	vst v3;
	v1 =	vadd.s32 v3, v1  }
0x50: {  	[tilespmem:$0x700] =	vst v1;
	v1 =	vadd.s32 $0x68, v3;
	v2 =	vmul.u32 $0x64, v2;
	v3 =	vld [tilespmem:$0x320]  }
0x51: {  	[tilespmem:$0x900] =	vst v1;
	v1 =	vld [tilespmem:$0x130]  }
0x52: {  	[tilespmem:$0x510] =	vst v4;
	v2 =	vadd.s32 v4, v2  }
0x53: {  	[tilespmem:$0x710] =	vst v2;
	v2 =	vadd.s32 $0x68, v4;
	v0 =	vmul.u32 $0x64, v0;
	v4 =	vld [tilespmem:$0x330]  }
0x54: {  	[tilespmem:$0x910] =	vst v2;
	v2 =	vld [tilespmem:$0x140]  }
0x55: {  	[tilespmem:$0x520] =	vst v3;
	v0 =	vadd.s32 v3, v0  }
0x56: {  	[tilespmem:$0x720] =	vst v0;
	v0 =	vadd.s32 $0x68, v3;
	v1 =	vmul.u32 $0x64, v1;
	v3 =	vld [tilespmem:$0x340]  }
0x57: {  	[tilespmem:$0x920] =	vst v0;
	v0 =	vld [tilespmem:$0x150]  }
0x58: {  	[tilespmem:$0x530] =	vst v4;
	v1 =	vadd.s32 v4, v1  }
0x59: {  	[tilespmem:$0x730] =	vst v1;
	v1 =	vadd.s32 $0x68, v4;
	v2 =	vmul.u32 $0x64, v2;
	v4 =	vld [tilespmem:$0x350]  }
0x5a: {  	[tilespmem:$0x930] =	vst v1;
	v1 =	vld [tilespmem:$0x160]  }
0x5b: {  	[tilespmem:$0x540] =	vst v3;
	v2 =	vadd.s32 v3, v2  }
0x5c: {  	[tilespmem:$0x740] =	vst v2;
	v2 =	vadd.s32 $0x68, v3;
	v0 =	vmul.u32 $0x64, v0;
	v3 =	vld [tilespmem:$0x360]  }
0x5d: {  	[tilespmem:$0x940] =	vst v2;
	v2 =	vld [tilespmem:$0x170]  }
0x5e: {  	[tilespmem:$0x550] =	vst v4;
	v0 =	vadd.s32 v4, v0  }
0x5f: {  	[tilespmem:$0x750] =	vst v0;
	v0 =	vadd.s32 $0x68, v4;
	v1 =	vmul.u32 $0x64, v1;
	v4 =	vld [tilespmem:$0x370]  }
0x60: {  	[tilespmem:$0x950] =	vst v0;
	v0 =	vld [tilespmem:$0x180]  }
0x61: {  	[tilespmem:$0x560] =	vst v3;
	v1 =	vadd.s32 v3, v1  }
0x62: {  	[tilespmem:$0x760] =	vst v1;
	v1 =	vadd.s32 $0x68, v3;
	v2 =	vmul.u32 $0x64, v2;
	v3 =	vld [tilespmem:$0x380]  }
0x63: {  	[tilespmem:$0x960] =	vst v1;
	v1 =	vld [tilespmem:$0x190]  }
0x64: {  	[tilespmem:$0x570] =	vst v4;
	v2 =	vadd.s32 v4, v2  }
0x65: {  	[tilespmem:$0x770] =	vst v2;
	v2 =	vadd.s32 $0x68, v4;
	v0 =	vmul.u32 $0x64, v0;
	v4 =	vld [tilespmem:$0x390]  }
0x66: {  	[tilespmem:$0x970] =	vst v2;
	v2 =	vld [tilespmem:$0x1A0]  }
0x67: {  	[tilespmem:$0x580] =	vst v3;
	v0 =	vadd.s32 v3, v0  }
0x68: {  	[tilespmem:$0x780] =	vst v0;
	v0 =	vadd.s32 $0x68, v3;
	v1 =	vmul.u32 $0x64, v1;
	v3 =	vld [tilespmem:$0x3A0]  }
0x69: {  	[tilespmem:$0x980] =	vst v0;
	v0 =	vld [tilespmem:$0x1B0]  }
0x6a: {  	[tilespmem:$0x590] =	vst v4;
	v1 =	vadd.s32 v4, v1  }
0x6b: {  	[tilespmem:$0x790] =	vst v1;
	v1 =	vadd.s32 $0x68, v4;
	v2 =	vmul.u32 $0x64, v2;
	v4 =	vld [tilespmem:$0x3B0]  }
0x6c: {  	[tilespmem:$0x990] =	vst v1;
	v1 =	vld [tilespmem:$0x1C0]  }
0x6d: {  	[tilespmem:$0x5A0] =	vst v3;
	v2 =	vadd.s32 v3, v2  }
0x6e: {  	[tilespmem:$0x7A0] =	vst v2;
	v2 =	vadd.s32 $0x68, v3;
	v0 =	vmul.u32 $0x64, v0;
	v3 =	vld [tilespmem:$0x3C0]  }
0x6f: {  	[tilespmem:$0x9A0] =	vst v2;
	v2 =	vld [tilespmem:$0x1D0]  }
0x70: {  	[tilespmem:$0x5B0] =	vst v4;
	v0 =	vadd.s32 v4, v0  }
0x71: {  	[tilespmem:$0x7B0] =	vst v0;
	v0 =	vadd.s32 $0x68, v4;
	v1 =	vmul.u32 $0x64, v1;
	v4 =	vld [tilespmem:$0x3D0]  }
0x72: {  	[tilespmem:$0x9B0] =	vst v0;
	v0 =	vld [tilespmem:$0x1E0]  }
0x73: {  	[tilespmem:$0x5C0] =	vst v3;
	v1 =	vadd.s32 v3, v1  }
0x74: {  	[tilespmem:$0x7C0] =	vst v1;
	v1 =	vadd.s32 $0x68, v3;
	v2 =	vmul.u32 $0x64, v2;
	v3 =	vld [tilespmem:$0x3E0]  }
0x75: {  	[tilespmem:$0x9C0] =	vst v1;
	v1 =	vld [tilespmem:$0x1F0]  }
0x76: {  	[tilespmem:$0x5D0] =	vst v4;
	v2 =	vadd.s32 v4, v2  }
0x77: {  	[tilespmem:$0x7D0] =	vst v2;
	v2 =	vadd.s32 $0x68, v4;
	v0 =	vmul.u32 $0x64, v0;
	v4 =	vld [tilespmem:$0x3F0]  }
0x78: {  	[tilespmem:$0x9D0] =	vst v2  }
0x79: {  	[tilespmem:$0x5E0] =	vst v3;
	v0 =	vadd.s32 v3, v0  }
0x7a: {  	[tilespmem:$0x7E0] =	vst v0;
	v0 =	vadd.s32 $0x68, v3;
	v1 =	vmul.u32 $0x64, v1  }
0x7b: {  	[tilespmem:$0x9E0] =	vst v0  }
0x7c: {  	[tilespmem:$0x5F0] =	vst v4;
	v0 =	vadd.s32 v4, v1  }
0x7d: {  	[tilespmem:$0x7F0] =	vst v0;
	v0 =	vadd.s32 $0x68, v4  }
0x7e: {  	s13 =	simm.s32 $0x600;
	[tilespmem:$0x9F0] =	vst v0  }
0x7f: {  	[tilespmem:s16], [sflag:$0x1] =	stream.indirect.gather [hbm4b:s3+s14], $0x80, s13, s14, $0xb8;
	[tilespmem:$0x18A00] =	vst v63  }
0x80: {  	s13 =	simm.s32 $0x680  }
0x81: {  	[tilespmem:s18], [sflag:$0x2] =	stream.indirect.gather [hbm4b:s3+s14], $0x80, s13, s14, $0xb8;
	[tilespmem:$0x18A00] =	vst v63  }
0x82: {  	s13 =	simm.s32 $0x400  }
0x83: {  	[tilespmem:s20], [sflag:$0x3] =	stream.indirect.gather [hbm4b:s4+s14], $0x80, s13, s14, $0xb8;
	[tilespmem:$0x18A00] =	vst v63  }
0x84: {  	s13 =	simm.s32 $0x800  }
0x85: {  	[tilespmem:s22], [sflag:$0x4] =	stream.indirect.gather [hbm4b:s4+s14], $0x80, s13, s14, $0xb8;
	[tilespmem:$0x18A00] =	vst v63  }
0x86: {  	_ =	swait.ge [sflag:s23], $0x4000  }
0x87: {  	[sflag:s23] =	ssyncset.done $0x0  }
0x88: {  	[sflag:s23] =	ssyncadd.s32 $0xFFFFC000  }
0x89: {  	_ =	swait.ge [sflag:s24], $0x4000  }
0x8a: {  	[sflag:s24] =	ssyncset.done $0x0  }
0x8b: {  	[sflag:s24] =	ssyncadd.s32 $0xFFFFC000  }
0x8c: {  	_ =	swait.ge [sflag:s25], $0x4000  }
0x8d: {  	[sflag:s25] =	ssyncset.done $0x0  }
0x8e: {  	s30 =	simm.s32 $0x0;
	[sflag:s25] =	ssyncadd.s32 $0xFFFFC000  }
0x8f: {  	v0 =	vld [tilespmem:s30+$0x10A70]  }
0x90: {  	v1 =	vld [tilespmem:s30+$0x14A70];
	_ =	sdelay $0x1  }
0x91: {  	v2 =	vld [tilespmem:s30+$0x10A00]  }
0x92: {  	v3 =	vld [tilespmem:s30+$0x14A00]  }
0x93: {  	v4 =	vld [tilespmem:s30+$0x10A10]  }
0x94: {  	v5 =	vld [tilespmem:s30+$0x14A10];
	v0 =	vadd.f32 v1, v0  }
0x95: {  	v6 =	vld [tilespmem:s30+$0x10A20]  }
0x96: {  	v1 =	vld [tilespmem:s30+$0x14A20];
	(erf) = vrcp.f32 v0  }
0x97: {  	v7 =	vld [tilespmem:s30+$0x10A30]  }
0x98: {  	v8 =	vld [tilespmem:s30+$0x10A40]  }
0x99: {  	v0 =	vld [tilespmem:s30+$0x14A30]  }
0x9a: {  	v9 =	vld [tilespmem:s30+$0x14A40];
	v2 =	vadd.f32 v3, v2  }
0x9b: {  	v3 =	vadd.f32 v5, v4;
	v4 =	vld [tilespmem:s30+$0xA70];
	v1 =	vadd.f32 v1, v6  }
0x9c: {  	(erf) = vrcp.f32 v2  }
0x9d: {  	v10 =	vld [tilespmem:s30+$0x10A50];
	(erf) = vrcp.f32 v3  }
0x9e: {  	v5 =	vld [tilespmem:s30+$0x14A50];
	(erf) = vrcp.f32 v1;
	v0 =	vadd.f32 v0, v7  }
0x9f: {  	v11 =	vld [tilespmem:s30+$0x14A60];
	v1 =	vpop (erf)  }
0xa0: {  	v6 =	vld [tilespmem:s30+$0x10A60];
	(erf) = vrcp.f32 v0;
	v1 =	vmul.f32 v1, v4;
	v4 =	vadd.f32 v9, v8  }
0xa1: {  	v12 =	vld [tilespmem:s30+$0xA00]  }
0xa2: {  	v13 =	vld [tilespmem:s30+$0xA10];
	(erf) = vrcp.f32 v4  }
0xa3: {  	v14 =	vld [tilespmem:s30+$0xA20];
	v5 =	vadd.f32 v5, v10  }
0xa4: {  	v2 =	vld [tilespmem:s30+$0xA40]  }
0xa5: {  	v3 =	vld [tilespmem:s30+$0xA30];
	v6 =	vadd.f32 v11, v6;
	v0 =	vpop (erf);
	(erf) = vrcp.f32 v5  }
0xa6: {  	v7 =	vmul.f32 v0, v12;
	v0 =	vld [tilespmem:s30+$0xA60];
	v4 =	vpop (erf)  }
0xa7: {  	s1 =	simm.s32 $0x80;
	[tilespmem:s30+$0x8A70] =	vst v1;
	v1 =	vld [tilespmem:s30+$0xA50];
	(erf) = vrcp.f32 v6;
	v5 =	vmul.f32 v4, v13;
	v8 =	vpop (erf)  }
0xa8: {  	s13 =	simm.s32 $0x400;
	v4 =	vld [tilespmem:s1+$0x10A70];
	[tilespmem:s30+$0x8A00] =	vst v7;
	v6 =	vmul.f32 v8, v14  }
.LBB2_2:
0xa9: {  	p0 =	sne.s32 s13, $0xFE00;
	v7 =	vld [tilespmem:s1+$0x14A70];
	[tilespmem:s30+$0x8A10] =	vst v5;
	v5 =	vpop (erf)  }
0xaa: {  	v8 =	vld [tilespmem:s1+$0x10A00];
	[tilespmem:s30+$0x8A20] =	vst v6;
	v3 =	vmul.f32 v5, v3  }
0xab: {  	v5 =	vld [tilespmem:s1+$0x14A00];
	v6 =	vpop (erf)  }
0xac: {  	v9 =	vld [tilespmem:s1+$0x10A10];
	[tilespmem:s30+$0x8A30] =	vst v3;
	v10 =	vmul.f32 v6, v2  }
0xad: {  	v3 =	vld [tilespmem:s1+$0x14A10]  }
0xae: {  	v6 =	vld [tilespmem:s1+$0x10A20];
	v11 =	vadd.f32 v7, v4;
	[tilespmem:s30+$0x8A40] =	vst v10;
	v2 =	vpop (erf)  }
0xaf: {  	v7 =	vld [tilespmem:s1+$0x14A20];
	v1 =	vmul.f32 v2, v1  }
0xb0: {  	v2 =	vadd.f32 v5, v8;
	v5 =	vld [tilespmem:s1+$0x10A30];
	(erf) = vrcp.f32 v11;
	v4 =	vpop (erf)  }
0xb1: {  	v8 =	vld [tilespmem:s1+$0x14A30];
	[tilespmem:s30+$0x8A50] =	vst v1;
	v0 =	vmul.f32 v4, v0  }
0xb2: {  	v1 =	vadd.f32 v3, v9;
	v3 =	vld [tilespmem:s1+$0x10A40];
	(erf) = vrcp.f32 v2  }
0xb3: {  	v2 =	vld [tilespmem:s1+$0x14A40];
	[tilespmem:s30+$0x8A60] =	vst v0;
	s30 =	smov.u32 s1  }
0xb4: {  	v0 =	vadd.f32 v7, v6;
	v4 =	vld [tilespmem:s30+$0x10A50];
	(erf) = vrcp.f32 v1  }
0xb5: {  	v1 =	vld [tilespmem:s30+$0xA70]  }
0xb6: {  	v5 =	vadd.f32 v8, v5;
	v6 =	vld [tilespmem:s30+$0x14A50];
	(erf) = vrcp.f32 v0  }
0xb7: {  	v0 =	vld [tilespmem:s30+$0x10A60]  }
0xb8: {  	v2 =	vadd.f32 v2, v3;
	v7 =	vld [tilespmem:s30+$0x14A60];
	(erf) = vrcp.f32 v5  }
0xb9: {  	v5 =	vld [tilespmem:s30+$0xA00];
	v3 =	vpop (erf)  }
0xba: {  	v8 =	vld [tilespmem:s30+$0xA10];
	v1 =	vmul.f32 v3, v1;
	(erf) = vrcp.f32 v2  }
0xbb: {  	v9 =	vld [tilespmem:s30+$0xA20];
	v4 =	vadd.f32 v6, v4;
	v6 =	vpop (erf)  }
.Ltmp0:
0xbc: {  	v3 =	vld [tilespmem:s30+$0xA30];
	[tilespmem:s30+$0x8A70] =	vst v1;
	(pc) =	sbr.rel @p0 .LBB2_2-.Ltmp0, $4  }
0xbd: {  	v2 =	vld [tilespmem:s30+$0xA40];
	v7 =	vadd.f32 v7, v0;
	v0 =	vpop (erf);
	(erf) = vrcp.f32 v4  }
0xbe: {  	v6 =	vmul.f32 v6, v5;
	v1 =	vld [tilespmem:s30+$0xA50]  }
0xbf: {  	s1 =	sshra.s32 s13, $0x2;
	v5 =	vmul.f32 v0, v8;
	v0 =	vld [tilespmem:s30+$0xA60];
	v8 =	vpop (erf);
	(erf) = vrcp.f32 v7  }
0xc0: {  	s13 =	sadd.s32 $0x200, s13;
	v4 =	vld [tilespmem:s1+$0x10A70];
	[tilespmem:s30+$0x8A00] =	vst v6;
	v6 =	vmul.f32 v8, v9  }
0xc1: {  	_ = 	snop  }
0xc2: {  	v8 =	vpop (erf)  }
0xc3: {  	v7 =	vld [tilespmem:s1+$0x14A70];
	[tilespmem:s30+$0x8A10] =	vst v5;
	v9 =	vpop (erf)  }
0xc4: {  	v5 =	vld [tilespmem:s1+$0x10A00];
	[tilespmem:s30+$0x8A20] =	vst v6;
	v3 =	vmul.f32 v8, v3;
	v2 =	vmul.f32 v9, v2  }
0xc5: {  	v6 =	vld [tilespmem:s1+$0x14A00]  }
0xc6: {  	v8 =	vld [tilespmem:s1+$0x10A10];
	[tilespmem:s30+$0x8A30] =	vst v3  }
0xc7: {  	v3 =	vld [tilespmem:s1+$0x14A10]  }
0xc8: {  	v59 =	vld [tilespmem:s1+$0x10A20];
	[tilespmem:s30+$0x8A40] =	vst v2;
	v2 =	vpop (erf)  }
0xc9: {  	v10 =	vld [tilespmem:s1+$0x14A20];
	v1 =	vmul.f32 v2, v1  }
0xca: {  	v11 =	vld [tilespmem:s1+$0x14A30];
	v12 =	vpop (erf)  }
0xcb: {  	v4 =	vadd.f32 v7, v4;
	v2 =	vld [tilespmem:s1+$0x10A30];
	v0 =	vmul.f32 v12, v0;
	[tilespmem:s30+$0x8A50] =	vst v1  }
0xcc: {  	v1 =	vld [tilespmem:s1+$0x10A40]  }
0xcd: {  	(erf) = vrcp.f32 v4;
	v7 =	vld [tilespmem:s1+$0x14A40];
	[tilespmem:s30+$0x8A60] =	vst v0  }
0xce: {  	v0 =	vld [tilespmem:s1+$0x10A50]  }
0xcf: {  	v5 =	vadd.f32 v6, v5;
	v4 =	vld [tilespmem:s1+$0x14A50]  }
0xd0: {  	v3 =	vadd.f32 v3, v8;
	v6 =	vld [tilespmem:s1+$0x10A60]  }
0xd1: {  	(erf) = vrcp.f32 v5;
	v8 =	vld [tilespmem:s1+$0x14A60]  }
0xd2: {  	v5 =	vadd.f32 v10, v59;
	(erf) = vrcp.f32 v3;
	v3 =	vld [tilespmem:s1+$0xA70]  }
0xd3: {  	v2 =	vadd.f32 v11, v2  }
0xd4: {  	(erf) = vrcp.f32 v5;
	v1 =	vadd.f32 v7, v1  }
0xd5: {  	(erf) = vrcp.f32 v2;
	v0 =	vadd.f32 v4, v0  }
0xd6: {  	v4 =	vpop (erf);
	(erf) = vrcp.f32 v1;
	v1 =	vadd.f32 v8, v6  }
0xd7: {  	v2 =	vld [tilespmem:s1+$0xA00];
	(erf) = vrcp.f32 v0;
	v0 =	vmul.f32 v4, v3  }
0xd8: {  	v5 =	vld [tilespmem:s1+$0xA10];
	(erf) = vrcp.f32 v1  }
0xd9: {  	v3 =	vld [tilespmem:s1+$0xA20]  }
0xda: {  	v1 =	vld [tilespmem:s1+$0xA30]  }
0xdb: {  	v4 =	vld [tilespmem:s1+$0xA40];
	[tilespmem:s1+$0x8A70] =	vst v0;
	v0 =	vpop (erf)  }
0xdc: {  	v6 =	vpop (erf);
	v0 =	vmul.f32 v0, v2;
	v2 =	vld [tilespmem:s1+$0xA50]  }
0xdd: {  	v5 =	vmul.f32 v6, v5;
	v6 =	vld [tilespmem:s1+$0xA60];
	v7 =	vpop (erf)  }
0xde: {  	[tilespmem:s1+$0x8A00] =	vst v0;
	v0 =	vmul.f32 v7, v3;
	v3 =	vpop (erf)  }
0xdf: {  	[tilespmem:s1+$0x8A10] =	vst v5;
	v1 =	vmul.f32 v3, v1;
	v3 =	vpop (erf)  }
0xe0: {  	[tilespmem:s1+$0x8A20] =	vst v0;
	v0 =	vmul.f32 v3, v4;
	v3 =	vpop (erf)  }
0xe1: {  	[tilespmem:s1+$0x8A30] =	vst v1;
	v1 =	vmul.f32 v3, v2;
	v2 =	vpop (erf)  }
0xe2: {  	[tilespmem:s1+$0x8A40] =	vst v0;
	v0 =	vmul.f32 v2, v6  }
0xe3: {  	[tilespmem:s1+$0x8A50] =	vst v1  }
0xe4: {  	s13 =	simm.s32 $0x0;
	[tilespmem:s1+$0x8A60] =	vst v0  }
0xe5: {  	[hbm4b:s6+s13] =	stream.linear.scatter [tilespmem:s26], [sflag:$0x5], $0x4000, $0x38;
	[tilespmem:$0x18A00] =	vst v63  }
0xe6: {  	s13 =	simm.s32 $0x700  }
0xe7: {  	[tilespmem:s16], [sflag:$0x1] =	stream.indirect.gather [hbm4b:s3+s14], $0x80, s13, s14, $0xb8;
	[tilespmem:$0x18A00] =	vst v63  }
0xe8: {  	s13 =	simm.s32 $0x480  }
0xe9: {  	[tilespmem:s20], [sflag:$0x3] =	stream.indirect.gather [hbm4b:s4+s14], $0x80, s13, s14, $0xb8;
	[tilespmem:$0x18A00] =	vst v63  }
0xea: {  	s13 =	simm.s32 $0x880  }
0xeb: {  	[tilespmem:s22], [sflag:$0x4] =	stream.indirect.gather [hbm4b:s4+s14], $0x80, s13, s14, $0xb8;
	[tilespmem:$0x18A00] =	vst v63  }
0xec: {  	_ =	swait.ge [sflag:s31], $0x4000  }
0xed: {  	[sflag:s31] =	ssyncset.done $0x0  }
0xee: {  	[sflag:s31] =	ssyncadd.s32 $0xFFFFC000  }
0xef: {  	_ =	swait.ge [sflag:s24], $0x4000  }
0xf0: {  	[sflag:s24] =	ssyncset.done $0x0  }
0xf1: {  	[sflag:s24] =	ssyncadd.s32 $0xFFFFC000  }
0xf2: {  	_ =	swait.ge [sflag:s25], $0x4000  }
0xf3: {  	[sflag:s25] =	ssyncset.done $0x0  }
0xf4: {  	s30 =	simm.s32 $0x0;
	[sflag:s25] =	ssyncadd.s32 $0xFFFFC000  }
0xf5: {  	v0 =	vld [tilespmem:s30+$0x10A70]  }
0xf6: {  	v1 =	vld [tilespmem:s30+$0x14A70];
	_ =	sdelay $0x1  }
0xf7: {  	v2 =	vld [tilespmem:s30+$0x10A00]  }
0xf8: {  	v3 =	vld [tilespmem:s30+$0x14A00]  }
0xf9: {  	v4 =	vld [tilespmem:s30+$0x10A10]  }
0xfa: {  	v5 =	vld [tilespmem:s30+$0x14A10];
	v0 =	vadd.f32 v1, v0  }
0xfb: {  	v6 =	vld [tilespmem:s30+$0x10A20]  }
0xfc: {  	v1 =	vld [tilespmem:s30+$0x14A20];
	(erf) = vrcp.f32 v0  }
0xfd: {  	v7 =	vld [tilespmem:s30+$0x10A30]  }
0xfe: {  	v8 =	vld [tilespmem:s30+$0x10A40]  }
0xff: {  	v0 =	vld [tilespmem:s30+$0x14A30]  }
0x100: {  	v60 =	vld [tilespmem:s30+$0x14A40];
	v2 =	vadd.f32 v3, v2  }
0x101: {  	v3 =	vadd.f32 v5, v4;
	v4 =	vld [tilespmem:s30+$0x4A70];
	v1 =	vadd.f32 v1, v6  }
0x102: {  	(erf) = vrcp.f32 v2  }
0x103: {  	v61 =	vld [tilespmem:s30+$0x10A50];
	(erf) = vrcp.f32 v3  }
0x104: {  	v5 =	vld [tilespmem:s30+$0x14A50];
	(erf) = vrcp.f32 v1;
	v0 =	vadd.f32 v0, v7  }
0x105: {  	v62 =	vld [tilespmem:s30+$0x14A60];
	v1 =	vpop (erf)  }
0x106: {  	v6 =	vld [tilespmem:s30+$0x10A60];
	(erf) = vrcp.f32 v0;
	v1 =	vmul.f32 v1, v4;
	v4 =	vadd.f32 v60, v8  }
0x107: {  	v63 =	vld [tilespmem:s30+$0x4A00]  }
0x108: {  	v13 =	vld [tilespmem:s30+$0x4A10];
	(erf) = vrcp.f32 v4  }
0x109: {  	v14 =	vld [tilespmem:s30+$0x4A20];
	v5 =	vadd.f32 v5, v61  }
0x10a: {  	v2 =	vld [tilespmem:s30+$0x4A40]  }
0x10b: {  	v3 =	vld [tilespmem:s30+$0x4A30];
	v6 =	vadd.f32 v62, v6;
	v0 =	vpop (erf);
	(erf) = vrcp.f32 v5  }
0x10c: {  	v7 =	vmul.f32 v0, v63;
	v0 =	vld [tilespmem:s30+$0x4A60];
	v4 =	vpop (erf)  }
0x10d: {  	s1 =	simm.s32 $0x80;
	[tilespmem:s30+$0xCA70] =	vst v1;
	v1 =	vld [tilespmem:s30+$0x4A50];
	(erf) = vrcp.f32 v6;
	v5 =	vmul.f32 v4, v13;
	v8 =	vpop (erf)  }
0x10e: {  	s13 =	simm.s32 $0x400;
	v4 =	vld [tilespmem:s1+$0x10A70];
	[tilespmem:s30+$0xCA00] =	vst v7;
	v6 =	vmul.f32 v8, v14  }
.LBB2_4:
0x10f: {  	p0 =	sne.s32 s13, $0xFE00;
	v7 =	vld [tilespmem:s1+$0x14A70];
	[tilespmem:s30+$0xCA10] =	vst v5;
	v5 =	vpop (erf)  }
0x110: {  	v8 =	vld [tilespmem:s1+$0x10A00];
	[tilespmem:s30+$0xCA20] =	vst v6;
	v3 =	vmul.f32 v5, v3  }
0x111: {  	v5 =	vld [tilespmem:s1+$0x14A00];
	v6 =	vpop (erf)  }
0x112: {  	v9 =	vld [tilespmem:s1+$0x10A10];
	[tilespmem:s30+$0xCA30] =	vst v3;
	v10 =	vmul.f32 v6, v2  }
0x113: {  	v3 =	vld [tilespmem:s1+$0x14A10]  }
0x114: {  	v6 =	vld [tilespmem:s1+$0x10A20];
	v11 =	vadd.f32 v7, v4;
	[tilespmem:s30+$0xCA40] =	vst v10;
	v2 =	vpop (erf)  }
0x115: {  	v7 =	vld [tilespmem:s1+$0x14A20];
	v1 =	vmul.f32 v2, v1  }
0x116: {  	v2 =	vadd.f32 v5, v8;
	v5 =	vld [tilespmem:s1+$0x10A30];
	(erf) = vrcp.f32 v11;
	v4 =	vpop (erf)  }
0x117: {  	v8 =	vld [tilespmem:s1+$0x14A30];
	[tilespmem:s30+$0xCA50] =	vst v1;
	v0 =	vmul.f32 v4, v0  }
0x118: {  	v1 =	vadd.f32 v3, v9;
	v3 =	vld [tilespmem:s1+$0x10A40];
	(erf) = vrcp.f32 v2  }
0x119: {  	v2 =	vld [tilespmem:s1+$0x14A40];
	[tilespmem:s30+$0xCA60] =	vst v0;
	s30 =	smov.u32 s1  }
0x11a: {  	v0 =	vadd.f32 v7, v6;
	v4 =	vld [tilespmem:s30+$0x10A50];
	(erf) = vrcp.f32 v1  }
0x11b: {  	v1 =	vld [tilespmem:s30+$0x4A70]  }
0x11c: {  	v5 =	vadd.f32 v8, v5;
	v6 =	vld [tilespmem:s30+$0x14A50];
	(erf) = vrcp.f32 v0  }
0x11d: {  	v0 =	vld [tilespmem:s30+$0x10A60]  }
0x11e: {  	v2 =	vadd.f32 v2, v3;
	v7 =	vld [tilespmem:s30+$0x14A60];
	(erf) = vrcp.f32 v5  }
0x11f: {  	v5 =	vld [tilespmem:s30+$0x4A00];
	v3 =	vpop (erf)  }
0x120: {  	v8 =	vld [tilespmem:s30+$0x4A10];
	v1 =	vmul.f32 v3, v1;
	(erf) = vrcp.f32 v2  }
0x121: {  	v9 =	vld [tilespmem:s30+$0x4A20];
	v4 =	vadd.f32 v6, v4;
	v6 =	vpop (erf)  }
.Ltmp1:
0x122: {  	v3 =	vld [tilespmem:s30+$0x4A30];
	[tilespmem:s30+$0xCA70] =	vst v1;
	(pc) =	sbr.rel @p0 .LBB2_4-.Ltmp1, $4  }
0x123: {  	v2 =	vld [tilespmem:s30+$0x4A40];
	v7 =	vadd.f32 v7, v0;
	v0 =	vpop (erf);
	(erf) = vrcp.f32 v4  }
0x124: {  	v6 =	vmul.f32 v6, v5;
	v1 =	vld [tilespmem:s30+$0x4A50]  }
0x125: {  	s1 =	sshra.s32 s13, $0x2;
	v5 =	vmul.f32 v0, v8;
	v0 =	vld [tilespmem:s30+$0x4A60];
	v8 =	vpop (erf);
	(erf) = vrcp.f32 v7  }
0x126: {  	s13 =	sadd.s32 $0x200, s13;
	v4 =	vld [tilespmem:s1+$0x10A70];
	[tilespmem:s30+$0xCA00] =	vst v6;
	v6 =	vmul.f32 v8, v9  }
0x127: {  	_ = 	snop  }
0x128: {  	v8 =	vpop (erf)  }
0x129: {  	v7 =	vld [tilespmem:s1+$0x14A70];
	[tilespmem:s30+$0xCA10] =	vst v5;
	v9 =	vpop (erf)  }
0x12a: {  	v5 =	vld [tilespmem:s1+$0x10A00];
	[tilespmem:s30+$0xCA20] =	vst v6;
	v3 =	vmul.f32 v8, v3;
	v2 =	vmul.f32 v9, v2  }
0x12b: {  	v6 =	vld [tilespmem:s1+$0x14A00]  }
0x12c: {  	v8 =	vld [tilespmem:s1+$0x10A10];
	[tilespmem:s30+$0xCA30] =	vst v3  }
0x12d: {  	v3 =	vld [tilespmem:s1+$0x14A10]  }
0x12e: {  	v59 =	vld [tilespmem:s1+$0x10A20];
	[tilespmem:s30+$0xCA40] =	vst v2;
	v2 =	vpop (erf)  }
0x12f: {  	v10 =	vld [tilespmem:s1+$0x14A20];
	v1 =	vmul.f32 v2, v1  }
0x130: {  	v11 =	vld [tilespmem:s1+$0x14A30];
	v12 =	vpop (erf)  }
0x131: {  	v4 =	vadd.f32 v7, v4;
	v2 =	vld [tilespmem:s1+$0x10A30];
	v0 =	vmul.f32 v12, v0;
	[tilespmem:s30+$0xCA50] =	vst v1  }
0x132: {  	v1 =	vld [tilespmem:s1+$0x10A40]  }
0x133: {  	(erf) = vrcp.f32 v4;
	v7 =	vld [tilespmem:s1+$0x14A40];
	[tilespmem:s30+$0xCA60] =	vst v0  }
0x134: {  	v0 =	vld [tilespmem:s1+$0x10A50]  }
0x135: {  	v5 =	vadd.f32 v6, v5;
	v4 =	vld [tilespmem:s1+$0x14A50]  }
0x136: {  	v3 =	vadd.f32 v3, v8;
	v6 =	vld [tilespmem:s1+$0x10A60]  }
0x137: {  	(erf) = vrcp.f32 v5;
	v8 =	vld [tilespmem:s1+$0x14A60]  }
0x138: {  	v5 =	vadd.f32 v10, v59;
	(erf) = vrcp.f32 v3;
	v3 =	vld [tilespmem:s1+$0x4A70]  }
0x139: {  	v2 =	vadd.f32 v11, v2  }
0x13a: {  	(erf) = vrcp.f32 v5;
	v1 =	vadd.f32 v7, v1  }
0x13b: {  	(erf) = vrcp.f32 v2;
	v0 =	vadd.f32 v4, v0  }
0x13c: {  	v4 =	vpop (erf);
	(erf) = vrcp.f32 v1;
	v1 =	vadd.f32 v8, v6  }
0x13d: {  	v2 =	vld [tilespmem:s1+$0x4A00];
	(erf) = vrcp.f32 v0;
	v0 =	vmul.f32 v4, v3  }
0x13e: {  	v5 =	vld [tilespmem:s1+$0x4A10];
	(erf) = vrcp.f32 v1  }
0x13f: {  	v3 =	vld [tilespmem:s1+$0x4A20]  }
0x140: {  	v1 =	vld [tilespmem:s1+$0x4A30]  }
0x141: {  	v4 =	vld [tilespmem:s1+$0x4A40];
	[tilespmem:s1+$0xCA70] =	vst v0;
	v0 =	vpop (erf)  }
0x142: {  	v6 =	vpop (erf);
	v0 =	vmul.f32 v0, v2;
	v2 =	vld [tilespmem:s1+$0x4A50]  }
0x143: {  	v5 =	vmul.f32 v6, v5;
	v6 =	vld [tilespmem:s1+$0x4A60];
	v7 =	vpop (erf)  }
0x144: {  	[tilespmem:s1+$0xCA00] =	vst v0;
	v0 =	vmul.f32 v7, v3;
	v3 =	vpop (erf)  }
0x145: {  	[tilespmem:s1+$0xCA10] =	vst v5;
	v1 =	vmul.f32 v3, v1;
	v3 =	vpop (erf)  }
0x146: {  	[tilespmem:s1+$0xCA20] =	vst v0;
	v0 =	vmul.f32 v3, v4;
	v3 =	vpop (erf)  }
0x147: {  	[tilespmem:s1+$0xCA30] =	vst v1;
	v1 =	vmul.f32 v3, v2;
	v2 =	vpop (erf)  }
0x148: {  	[tilespmem:s1+$0xCA40] =	vst v0;
	v0 =	vmul.f32 v2, v6  }
0x149: {  	[tilespmem:s1+$0xCA50] =	vst v1  }
0x14a: {  	s13 =	simm.s32 $0x0;
	[tilespmem:s1+$0xCA60] =	vst v0  }
0x14b: {  	[hbm4b:s8+s13] =	stream.linear.scatter [tilespmem:s0], [sflag:$0x6], $0x4000, $0x38;
	[tilespmem:$0x18A00] =	vst v63  }
0x14c: {  	s13 =	simm.s32 $0x780  }
0x14d: {  	[tilespmem:s18], [sflag:$0x2] =	stream.indirect.gather [hbm4b:s3+s14], $0x80, s13, s14, $0xb8;
	[tilespmem:$0x18A00] =	vst v63  }
0x14e: {  	s13 =	simm.s32 $0x500  }
0x14f: {  	[tilespmem:s20], [sflag:$0x3] =	stream.indirect.gather [hbm4b:s4+s14], $0x80, s13, s14, $0xb8;
	[tilespmem:$0x18A00] =	vst v63  }
0x150: {  	_ = 	snop  }
0x151: {  	[tilespmem:s22], [sflag:$0x4] =	stream.indirect.gather [hbm4b:s4+s14], $0x80, s15, s14, $0xb8;
	[tilespmem:$0x18A00] =	vst v63  }
0x152: {  	_ =	swait.ge [sflag:s23], $0x4000  }
0x153: {  	[sflag:s23] =	ssyncset.done $0x0  }
0x154: {  	[sflag:s23] =	ssyncadd.s32 $0xFFFFC000  }
0x155: {  	_ =	swait.ge [sflag:s24], $0x4000  }
0x156: {  	[sflag:s24] =	ssyncset.done $0x0  }
0x157: {  	[sflag:s24] =	ssyncadd.s32 $0xFFFFC000  }
0x158: {  	_ =	swait.ge [sflag:s25], $0x4000  }
0x159: {  	[sflag:s25] =	ssyncset.done $0x0  }
0x15a: {  	[sflag:s25] =	ssyncadd.s32 $0xFFFFC000  }
0x15b: {  	_ =	swait.ge [sflag:s17], $0x4000  }
0x15c: {  	[sflag:s17] =	ssyncset.done $0x0  }
0x15d: {  	s30 =	simm.s32 $0x0;
	[sflag:s17] =	ssyncadd.s32 $0xFFFFC000  }
0x15e: {  	v0 =	vld [tilespmem:s30+$0x10A70]  }
0x15f: {  	v1 =	vld [tilespmem:s30+$0x14A70];
	_ =	sdelay $0x1  }
0x160: {  	v2 =	vld [tilespmem:s30+$0x10A00]  }
0x161: {  	v3 =	vld [tilespmem:s30+$0x14A00]  }
0x162: {  	v4 =	vld [tilespmem:s30+$0x10A10]  }
0x163: {  	v5 =	vld [tilespmem:s30+$0x14A10];
	v0 =	vadd.f32 v1, v0  }
0x164: {  	v6 =	vld [tilespmem:s30+$0x10A20]  }
0x165: {  	v1 =	vld [tilespmem:s30+$0x14A20];
	(erf) = vrcp.f32 v0  }
0x166: {  	v7 =	vld [tilespmem:s30+$0x10A30]  }
0x167: {  	v8 =	vld [tilespmem:s30+$0x10A40]  }
0x168: {  	v0 =	vld [tilespmem:s30+$0x14A30]  }
0x169: {  	v60 =	vld [tilespmem:s30+$0x14A40];
	v2 =	vadd.f32 v3, v2  }
0x16a: {  	v3 =	vadd.f32 v5, v4;
	v4 =	vld [tilespmem:s30+$0xA70];
	v1 =	vadd.f32 v1, v6  }
0x16b: {  	(erf) = vrcp.f32 v2  }
0x16c: {  	v61 =	vld [tilespmem:s30+$0x10A50];
	(erf) = vrcp.f32 v3  }
0x16d: {  	v5 =	vld [tilespmem:s30+$0x14A50];
	(erf) = vrcp.f32 v1;
	v0 =	vadd.f32 v0, v7  }
0x16e: {  	v62 =	vld [tilespmem:s30+$0x14A60];
	v1 =	vpop (erf)  }
0x16f: {  	v6 =	vld [tilespmem:s30+$0x10A60];
	(erf) = vrcp.f32 v0;
	v1 =	vmul.f32 v1, v4;
	v4 =	vadd.f32 v60, v8  }
0x170: {  	v63 =	vld [tilespmem:s30+$0xA00]  }
0x171: {  	v13 =	vld [tilespmem:s30+$0xA10];
	(erf) = vrcp.f32 v4  }
0x172: {  	v14 =	vld [tilespmem:s30+$0xA20];
	v5 =	vadd.f32 v5, v61  }
0x173: {  	v2 =	vld [tilespmem:s30+$0xA40]  }
0x174: {  	v3 =	vld [tilespmem:s30+$0xA30];
	v6 =	vadd.f32 v62, v6;
	v0 =	vpop (erf);
	(erf) = vrcp.f32 v5  }
0x175: {  	v7 =	vmul.f32 v0, v63;
	v0 =	vld [tilespmem:s30+$0xA60];
	v4 =	vpop (erf)  }
0x176: {  	s1 =	simm.s32 $0x80;
	[tilespmem:s30+$0x8A70] =	vst v1;
	v1 =	vld [tilespmem:s30+$0xA50];
	(erf) = vrcp.f32 v6;
	v5 =	vmul.f32 v4, v13;
	v8 =	vpop (erf)  }
0x177: {  	s13 =	simm.s32 $0x400;
	v4 =	vld [tilespmem:s1+$0x10A70];
	[tilespmem:s30+$0x8A00] =	vst v7;
	v6 =	vmul.f32 v8, v14  }
.LBB2_6:
0x178: {  	p0 =	sne.s32 s13, $0xFE00;
	v7 =	vld [tilespmem:s1+$0x14A70];
	[tilespmem:s30+$0x8A10] =	vst v5;
	v5 =	vpop (erf)  }
0x179: {  	v8 =	vld [tilespmem:s1+$0x10A00];
	[tilespmem:s30+$0x8A20] =	vst v6;
	v3 =	vmul.f32 v5, v3  }
0x17a: {  	v5 =	vld [tilespmem:s1+$0x14A00];
	v6 =	vpop (erf)  }
0x17b: {  	v9 =	vld [tilespmem:s1+$0x10A10];
	[tilespmem:s30+$0x8A30] =	vst v3;
	v10 =	vmul.f32 v6, v2  }
0x17c: {  	v3 =	vld [tilespmem:s1+$0x14A10]  }
0x17d: {  	v6 =	vld [tilespmem:s1+$0x10A20];
	v11 =	vadd.f32 v7, v4;
	[tilespmem:s30+$0x8A40] =	vst v10;
	v2 =	vpop (erf)  }
0x17e: {  	v7 =	vld [tilespmem:s1+$0x14A20];
	v1 =	vmul.f32 v2, v1  }
0x17f: {  	v2 =	vadd.f32 v5, v8;
	v5 =	vld [tilespmem:s1+$0x10A30];
	(erf) = vrcp.f32 v11;
	v4 =	vpop (erf)  }
0x180: {  	v8 =	vld [tilespmem:s1+$0x14A30];
	[tilespmem:s30+$0x8A50] =	vst v1;
	v0 =	vmul.f32 v4, v0  }
0x181: {  	v1 =	vadd.f32 v3, v9;
	v3 =	vld [tilespmem:s1+$0x10A40];
	(erf) = vrcp.f32 v2  }
0x182: {  	v2 =	vld [tilespmem:s1+$0x14A40];
	[tilespmem:s30+$0x8A60] =	vst v0;
	s30 =	smov.u32 s1  }
0x183: {  	v0 =	vadd.f32 v7, v6;
	v4 =	vld [tilespmem:s30+$0x10A50];
	(erf) = vrcp.f32 v1  }
0x184: {  	v1 =	vld [tilespmem:s30+$0xA70]  }
0x185: {  	v5 =	vadd.f32 v8, v5;
	v6 =	vld [tilespmem:s30+$0x14A50];
	(erf) = vrcp.f32 v0  }
0x186: {  	v0 =	vld [tilespmem:s30+$0x10A60]  }
0x187: {  	v2 =	vadd.f32 v2, v3;
	v7 =	vld [tilespmem:s30+$0x14A60];
	(erf) = vrcp.f32 v5  }
0x188: {  	v5 =	vld [tilespmem:s30+$0xA00];
	v3 =	vpop (erf)  }
0x189: {  	v8 =	vld [tilespmem:s30+$0xA10];
	v1 =	vmul.f32 v3, v1;
	(erf) = vrcp.f32 v2  }
0x18a: {  	v9 =	vld [tilespmem:s30+$0xA20];
	v4 =	vadd.f32 v6, v4;
	v6 =	vpop (erf)  }
.Ltmp2:
0x18b: {  	v3 =	vld [tilespmem:s30+$0xA30];
	[tilespmem:s30+$0x8A70] =	vst v1;
	(pc) =	sbr.rel @p0 .LBB2_6-.Ltmp2, $4  }
0x18c: {  	v2 =	vld [tilespmem:s30+$0xA40];
	v7 =	vadd.f32 v7, v0;
	v0 =	vpop (erf);
	(erf) = vrcp.f32 v4  }
0x18d: {  	v6 =	vmul.f32 v6, v5;
	v1 =	vld [tilespmem:s30+$0xA50]  }
0x18e: {  	s1 =	sshra.s32 s13, $0x2;
	v5 =	vmul.f32 v0, v8;
	v0 =	vld [tilespmem:s30+$0xA60];
	v8 =	vpop (erf);
	(erf) = vrcp.f32 v7  }
0x18f: {  	s13 =	sadd.s32 $0x200, s13;
	v4 =	vld [tilespmem:s1+$0x10A70];
	[tilespmem:s30+$0x8A00] =	vst v6;
	v6 =	vmul.f32 v8, v9  }
0x190: {  	_ = 	snop  }
0x191: {  	v8 =	vpop (erf)  }
0x192: {  	v7 =	vld [tilespmem:s1+$0x14A70];
	[tilespmem:s30+$0x8A10] =	vst v5;
	v9 =	vpop (erf)  }
0x193: {  	v5 =	vld [tilespmem:s1+$0x10A00];
	[tilespmem:s30+$0x8A20] =	vst v6;
	v3 =	vmul.f32 v8, v3;
	v2 =	vmul.f32 v9, v2  }
0x194: {  	v6 =	vld [tilespmem:s1+$0x14A00]  }
0x195: {  	v8 =	vld [tilespmem:s1+$0x10A10];
	[tilespmem:s30+$0x8A30] =	vst v3  }
0x196: {  	v3 =	vld [tilespmem:s1+$0x14A10]  }
0x197: {  	v59 =	vld [tilespmem:s1+$0x10A20];
	[tilespmem:s30+$0x8A40] =	vst v2;
	v2 =	vpop (erf)  }
0x198: {  	v10 =	vld [tilespmem:s1+$0x14A20];
	v1 =	vmul.f32 v2, v1  }
0x199: {  	v11 =	vld [tilespmem:s1+$0x14A30];
	v12 =	vpop (erf)  }
0x19a: {  	v4 =	vadd.f32 v7, v4;
	v2 =	vld [tilespmem:s1+$0x10A30];
	v0 =	vmul.f32 v12, v0;
	[tilespmem:s30+$0x8A50] =	vst v1  }
0x19b: {  	v1 =	vld [tilespmem:s1+$0x10A40]  }
0x19c: {  	(erf) = vrcp.f32 v4;
	v7 =	vld [tilespmem:s1+$0x14A40];
	[tilespmem:s30+$0x8A60] =	vst v0  }
0x19d: {  	v0 =	vld [tilespmem:s1+$0x10A50]  }
0x19e: {  	v5 =	vadd.f32 v6, v5;
	v4 =	vld [tilespmem:s1+$0x14A50]  }
0x19f: {  	v3 =	vadd.f32 v3, v8;
	v6 =	vld [tilespmem:s1+$0x10A60]  }
0x1a0: {  	(erf) = vrcp.f32 v5;
	v8 =	vld [tilespmem:s1+$0x14A60]  }
0x1a1: {  	v5 =	vadd.f32 v10, v59;
	(erf) = vrcp.f32 v3;
	v3 =	vld [tilespmem:s1+$0xA70]  }
0x1a2: {  	v2 =	vadd.f32 v11, v2  }
0x1a3: {  	(erf) = vrcp.f32 v5;
	v1 =	vadd.f32 v7, v1  }
0x1a4: {  	(erf) = vrcp.f32 v2;
	v0 =	vadd.f32 v4, v0  }
0x1a5: {  	v4 =	vpop (erf);
	(erf) = vrcp.f32 v1;
	v1 =	vadd.f32 v8, v6  }
0x1a6: {  	v2 =	vld [tilespmem:s1+$0xA00];
	(erf) = vrcp.f32 v0;
	v0 =	vmul.f32 v4, v3  }
0x1a7: {  	v5 =	vld [tilespmem:s1+$0xA10];
	(erf) = vrcp.f32 v1  }
0x1a8: {  	v3 =	vld [tilespmem:s1+$0xA20]  }
0x1a9: {  	v1 =	vld [tilespmem:s1+$0xA30]  }
0x1aa: {  	v4 =	vld [tilespmem:s1+$0xA40];
	[tilespmem:s1+$0x8A70] =	vst v0;
	v0 =	vpop (erf)  }
0x1ab: {  	v6 =	vpop (erf);
	v0 =	vmul.f32 v0, v2;
	v2 =	vld [tilespmem:s1+$0xA50]  }
0x1ac: {  	v5 =	vmul.f32 v6, v5;
	v6 =	vld [tilespmem:s1+$0xA60];
	v7 =	vpop (erf)  }
0x1ad: {  	[tilespmem:s1+$0x8A00] =	vst v0;
	v0 =	vmul.f32 v7, v3;
	v3 =	vpop (erf)  }
0x1ae: {  	[tilespmem:s1+$0x8A10] =	vst v5;
	v1 =	vmul.f32 v3, v1;
	v3 =	vpop (erf)  }
0x1af: {  	[tilespmem:s1+$0x8A20] =	vst v0;
	v0 =	vmul.f32 v3, v4;
	v3 =	vpop (erf)  }
0x1b0: {  	[tilespmem:s1+$0x8A30] =	vst v1;
	v1 =	vmul.f32 v3, v2;
	v2 =	vpop (erf)  }
0x1b1: {  	[tilespmem:s1+$0x8A40] =	vst v0;
	v0 =	vmul.f32 v2, v6  }
0x1b2: {  	[tilespmem:s1+$0x8A50] =	vst v1  }
0x1b3: {  	s13 =	simm.s32 $0x0;
	[tilespmem:s1+$0x8A60] =	vst v0  }
0x1b4: {  	[hbm4b:s9+s13] =	stream.linear.scatter [tilespmem:s26], [sflag:$0x5], $0x4000, $0x38;
	[tilespmem:$0x18A00] =	vst v63  }
0x1b5: {  	_ = 	snop  }
0x1b6: {  	[tilespmem:s20], [sflag:$0x3] =	stream.indirect.gather [hbm4b:s4+s14], $0x80, s19, s14, $0xb8;
	[tilespmem:$0x18A00] =	vst v63  }
0x1b7: {  	_ = 	snop  }
0x1b8: {  	[tilespmem:s22], [sflag:$0x4] =	stream.indirect.gather [hbm4b:s4+s14], $0x80, s21, s14, $0xb8;
	[tilespmem:$0x18A00] =	vst v63  }
0x1b9: {  	_ =	swait.ge [sflag:s31], $0x4000  }
0x1ba: {  	[sflag:s31] =	ssyncset.done $0x0  }
0x1bb: {  	[sflag:s31] =	ssyncadd.s32 $0xFFFFC000  }
0x1bc: {  	_ =	swait.ge [sflag:s24], $0x4000  }
0x1bd: {  	[sflag:s24] =	ssyncset.done $0x0  }
0x1be: {  	[sflag:s24] =	ssyncadd.s32 $0xFFFFC000  }
0x1bf: {  	_ =	swait.ge [sflag:s25], $0x4000  }
0x1c0: {  	[sflag:s25] =	ssyncset.done $0x0  }
0x1c1: {  	[sflag:s25] =	ssyncadd.s32 $0xFFFFC000  }
0x1c2: {  	_ =	swait.ge [sflag:s28], $0x4000  }
0x1c3: {  	[sflag:s28] =	ssyncset.done $0x0  }
0x1c4: {  	s30 =	simm.s32 $0x0;
	[sflag:s28] =	ssyncadd.s32 $0xFFFFC000  }
0x1c5: {  	v0 =	vld [tilespmem:s30+$0x10A70]  }
0x1c6: {  	v1 =	vld [tilespmem:s30+$0x14A70];
	_ =	sdelay $0x1  }
0x1c7: {  	v2 =	vld [tilespmem:s30+$0x10A00]  }
0x1c8: {  	v3 =	vld [tilespmem:s30+$0x14A00]  }
0x1c9: {  	v4 =	vld [tilespmem:s30+$0x10A10]  }
0x1ca: {  	v5 =	vld [tilespmem:s30+$0x14A10];
	v0 =	vadd.f32 v1, v0  }
0x1cb: {  	v6 =	vld [tilespmem:s30+$0x10A20]  }
0x1cc: {  	v1 =	vld [tilespmem:s30+$0x14A20];
	(erf) = vrcp.f32 v0  }
0x1cd: {  	v7 =	vld [tilespmem:s30+$0x10A30]  }
0x1ce: {  	v8 =	vld [tilespmem:s30+$0x10A40]  }
0x1cf: {  	v2 =	vadd.f32 v3, v2;
	v0 =	vld [tilespmem:s30+$0x14A30]  }
0x1d0: {  	v60 =	vld [tilespmem:s30+$0x14A40];
	v3 =	vadd.f32 v5, v4  }
0x1d1: {  	v4 =	vld [tilespmem:s30+$0x4A70];
	(erf) = vrcp.f32 v2;
	v1 =	vadd.f32 v1, v6  }
0x1d2: {  	(erf) = vrcp.f32 v3  }
0x1d3: {  	v61 =	vld [tilespmem:s30+$0x10A50]  }
0x1d4: {  	v5 =	vld [tilespmem:s30+$0x14A50];
	(erf) = vrcp.f32 v1;
	v0 =	vadd.f32 v0, v7  }
0x1d5: {  	v62 =	vld [tilespmem:s30+$0x14A60];
	v1 =	vpop (erf)  }
0x1d6: {  	v6 =	vld [tilespmem:s30+$0x10A60];
	(erf) = vrcp.f32 v0;
	v1 =	vmul.f32 v1, v4;
	v4 =	vadd.f32 v60, v8  }
0x1d7: {  	v63 =	vld [tilespmem:s30+$0x4A00]  }
0x1d8: {  	v13 =	vld [tilespmem:s30+$0x4A10];
	(erf) = vrcp.f32 v4  }
0x1d9: {  	v14 =	vld [tilespmem:s30+$0x4A20];
	v5 =	vadd.f32 v5, v61  }
0x1da: {  	v2 =	vld [tilespmem:s30+$0x4A40];
	v0 =	vpop (erf)  }
0x1db: {  	v3 =	vld [tilespmem:s30+$0x4A30];
	v6 =	vadd.f32 v62, v6;
	v4 =	vpop (erf);
	(erf) = vrcp.f32 v5  }
0x1dc: {  	v7 =	vmul.f32 v0, v63;
	v0 =	vld [tilespmem:s30+$0x4A60]  }
0x1dd: {  	s1 =	simm.s32 $0x80;
	[tilespmem:s30+$0xCA70] =	vst v1;
	v1 =	vld [tilespmem:s30+$0x4A50];
	v5 =	vmul.f32 v4, v13;
	v8 =	vpop (erf);
	(erf) = vrcp.f32 v6  }
0x1de: {  	s13 =	simm.s32 $0x400;
	v4 =	vld [tilespmem:s1+$0x10A70];
	[tilespmem:s30+$0xCA00] =	vst v7;
	v6 =	vmul.f32 v8, v14  }
.LBB2_8:
0x1df: {  	p0 =	sne.s32 s13, $0xFE00;
	v7 =	vld [tilespmem:s1+$0x14A70];
	[tilespmem:s30+$0xCA10] =	vst v5;
	v5 =	vpop (erf)  }
0x1e0: {  	v8 =	vld [tilespmem:s1+$0x10A00];
	[tilespmem:s30+$0xCA20] =	vst v6;
	v3 =	vmul.f32 v5, v3  }
0x1e1: {  	v5 =	vld [tilespmem:s1+$0x14A00];
	v6 =	vpop (erf)  }
0x1e2: {  	v9 =	vld [tilespmem:s1+$0x10A10];
	[tilespmem:s30+$0xCA30] =	vst v3;
	v10 =	vmul.f32 v6, v2  }
0x1e3: {  	v3 =	vld [tilespmem:s1+$0x14A10]  }
0x1e4: {  	v6 =	vld [tilespmem:s1+$0x10A20];
	v11 =	vadd.f32 v7, v4;
	[tilespmem:s30+$0xCA40] =	vst v10;
	v2 =	vpop (erf)  }
0x1e5: {  	v7 =	vld [tilespmem:s1+$0x14A20];
	v1 =	vmul.f32 v2, v1  }
0x1e6: {  	v2 =	vadd.f32 v5, v8;
	v5 =	vld [tilespmem:s1+$0x10A30];
	(erf) = vrcp.f32 v11;
	v4 =	vpop (erf)  }
0x1e7: {  	v8 =	vld [tilespmem:s1+$0x14A30];
	[tilespmem:s30+$0xCA50] =	vst v1;
	v0 =	vmul.f32 v4, v0  }
0x1e8: {  	v1 =	vadd.f32 v3, v9;
	v3 =	vld [tilespmem:s1+$0x10A40];
	(erf) = vrcp.f32 v2  }
0x1e9: {  	v2 =	vld [tilespmem:s1+$0x14A40];
	[tilespmem:s30+$0xCA60] =	vst v0;
	s30 =	smov.u32 s1  }
0x1ea: {  	v0 =	vadd.f32 v7, v6;
	v4 =	vld [tilespmem:s30+$0x10A50];
	(erf) = vrcp.f32 v1  }
0x1eb: {  	v1 =	vld [tilespmem:s30+$0x4A70]  }
0x1ec: {  	v5 =	vadd.f32 v8, v5;
	v6 =	vld [tilespmem:s30+$0x14A50];
	(erf) = vrcp.f32 v0  }
0x1ed: {  	v0 =	vld [tilespmem:s30+$0x10A60]  }
0x1ee: {  	v2 =	vadd.f32 v2, v3;
	v7 =	vld [tilespmem:s30+$0x14A60];
	(erf) = vrcp.f32 v5  }
0x1ef: {  	v5 =	vld [tilespmem:s30+$0x4A00];
	v3 =	vpop (erf)  }
0x1f0: {  	v8 =	vld [tilespmem:s30+$0x4A10];
	v1 =	vmul.f32 v3, v1;
	(erf) = vrcp.f32 v2  }
0x1f1: {  	v9 =	vld [tilespmem:s30+$0x4A20];
	v4 =	vadd.f32 v6, v4;
	v6 =	vpop (erf)  }
.Ltmp3:
0x1f2: {  	v3 =	vld [tilespmem:s30+$0x4A30];
	[tilespmem:s30+$0xCA70] =	vst v1;
	(pc) =	sbr.rel @p0 .LBB2_8-.Ltmp3, $4  }
0x1f3: {  	v2 =	vld [tilespmem:s30+$0x4A40];
	v7 =	vadd.f32 v7, v0;
	v0 =	vpop (erf);
	(erf) = vrcp.f32 v4  }
0x1f4: {  	v6 =	vmul.f32 v6, v5;
	v1 =	vld [tilespmem:s30+$0x4A50]  }
0x1f5: {  	s1 =	sshra.s32 s13, $0x2;
	v5 =	vmul.f32 v0, v8;
	v0 =	vld [tilespmem:s30+$0x4A60];
	v8 =	vpop (erf);
	(erf) = vrcp.f32 v7  }
0x1f6: {  	s13 =	sadd.s32 $0x200, s13;
	v4 =	vld [tilespmem:s1+$0x10A70];
	[tilespmem:s30+$0xCA00] =	vst v6;
	v6 =	vmul.f32 v8, v9  }
0x1f7: {  	v7 =	vld [tilespmem:s1+$0x14A70];
	[tilespmem:s30+$0xCA10] =	vst v5;
	v8 =	vpop (erf)  }
0x1f8: {  	v5 =	vld [tilespmem:s1+$0x10A00];
	[tilespmem:s30+$0xCA20] =	vst v6;
	v3 =	vmul.f32 v8, v3  }
0x1f9: {  	v6 =	vld [tilespmem:s1+$0x14A00];
	v9 =	vpop (erf)  }
0x1fa: {  	v31 =	vld [tilespmem:s1+$0x10A10];
	[tilespmem:s30+$0xCA30] =	vst v3;
	v2 =	vmul.f32 v9, v2  }
0x1fb: {  	v3 =	vld [tilespmem:s1+$0x14A10]  }
0x1fc: {  	v32 =	vld [tilespmem:s1+$0x10A20];
	[tilespmem:s30+$0xCA40] =	vst v2;
	v33 =	vpop (erf)  }
0x1fd: {  	v10 =	vld [tilespmem:s1+$0x14A20];
	v1 =	vmul.f32 v33, v1  }
0x1fe: {  	v34 =	vld [tilespmem:s1+$0x10A30];
	v35 =	vpop (erf)  }
0x1ff: {  	v11 =	vld [tilespmem:s1+$0x14A30];
	[tilespmem:s30+$0xCA50] =	vst v1;
	v0 =	vmul.f32 v35, v0  }
0x200: {  	v36 =	vld [tilespmem:s1+$0x10A40]  }
0x201: {  	v4 =	vadd.f32 v7, v4;
	v37 =	vld [tilespmem:s1+$0x14A40];
	[tilespmem:s30+$0xCA60] =	vst v0  }
0x202: {  	v0 =	vld [tilespmem:s1+$0x10A50]  }
0x203: {  	(erf) = vrcp.f32 v4;
	v38 =	vld [tilespmem:s1+$0x14A50]  }
0x204: {  	v5 =	vadd.f32 v6, v5;
	v39 =	vld [tilespmem:s1+$0x10A60]  }
0x205: {  	v3 =	vadd.f32 v3, v31;
	v40 =	vld [tilespmem:s1+$0x14A60]  }
0x206: {  	(erf) = vrcp.f32 v5;
	v41 =	vadd.f32 v10, v32  }
0x207: {  	(erf) = vrcp.f32 v3;
	v2 =	vadd.f32 v11, v34  }
0x208: {  	(erf) = vrcp.f32 v41;
	v1 =	vadd.f32 v37, v36  }
0x209: {  	(erf) = vrcp.f32 v2;
	v0 =	vadd.f32 v38, v0  }
0x20a: {  	v42 =	vld [tilespmem:s1+$0x4A70];
	(erf) = vrcp.f32 v1;
	v44 =	vadd.f32 v40, v39  }
0x20b: {  	v43 =	vld [tilespmem:s1+$0x4A00];
	(erf) = vrcp.f32 v0  }
0x20c: {  	v46 =	vld [tilespmem:s1+$0x4A10];
	v45 =	vpop (erf);
	(erf) = vrcp.f32 v44  }
0x20d: {  	v48 =	vld [tilespmem:s1+$0x4A20]  }
0x20e: {  	v49 =	vld [tilespmem:s1+$0x4A30]  }
0x20f: {  	v51 =	vld [tilespmem:s1+$0x4A40];
	v47 =	vmul.f32 v45, v42;
	v50 =	vpop (erf)  }
0x210: {  	v53 =	vld [tilespmem:s1+$0x4A50];
	v0 =	vmul.f32 v50, v43;
	v52 =	vpop (erf)  }
0x211: {  	v54 =	vld [tilespmem:s1+$0x4A60];
	[tilespmem:s1+$0xCA70] =	vst v47;
	v5 =	vmul.f32 v52, v46;
	v55 =	vpop (erf)  }
0x212: {  	[tilespmem:s1+$0xCA00] =	vst v0;
	v56 =	vmul.f32 v55, v48;
	v57 =	vpop (erf)  }
0x213: {  	[tilespmem:s1+$0xCA10] =	vst v5;
	v1 =	vmul.f32 v57, v49;
	v58 =	vpop (erf)  }
0x214: {  	[tilespmem:s1+$0xCA20] =	vst v56;
	v59 =	vmul.f32 v58, v51;
	v60 =	vpop (erf)  }
0x215: {  	[tilespmem:s1+$0xCA30] =	vst v1;
	v61 =	vmul.f32 v60, v53;
	v62 =	vpop (erf)  }
0x216: {  	[tilespmem:s1+$0xCA40] =	vst v59;
	v63 =	vmul.f32 v62, v54  }
0x217: {  	[tilespmem:s1+$0xCA50] =	vst v61  }
0x218: {  	s29 =	sadd.s32 $0x1, s29;
	[tilespmem:s1+$0xCA60] =	vst v63  }
0x219: {  	[hbm4b:s10+s2] =	stream.linear.scatter [tilespmem:s0], [sflag:$0x6], $0x4000, $0x38;
	[tilespmem:$0x18A00] =	vst v63  }
0x21a: {  	p0 =	sne.s32 s29, s11;
	_ =	swait.ge [sflag:s17], $0x4000  }
.Ltmp4:
0x21b: {  	[sflag:s17] =	ssyncset.done $0x0;
	(pc) =	sbr.rel @p0 .LBB2_1-.Ltmp4, $4  }
0x21c: {  	[sflag:s17] =	ssyncadd.s32 $0xFFFFC000  }
0x21d: {  	_ =	swait.ge [sflag:s28], $0x4000  }
0x21e: {  	[sflag:s28] =	ssyncset.done $0x0  }
0x21f: {  	[sflag:s28] =	ssyncadd.s32 $0xFFFFC000  }
0x220: {  	_ =	sfence.sel $0x180000  }
0x221: {  	[bflag:$0x0] =	sbarrier.arrive $0xFFFF  }
0x222: {  	_ =	strace $0x9000004A  }
0x223: {  	s0 =	stileid.u32;
	[bflag:$0x2] =	sbarrier.arrive $0xFFFF  }
0x224: {  	p0 =	sne.s32 s0, $0x0;
	s0 =	rddreg [dreg:$0x4]  }
0x225: {  	s0 =	sadd.s32 @!p0 $0x100000, s0  }
0x226: {  	[sflag:s0] =	ssyncadd.tile.s32 @!p0 $0x1;
	_ =	shalt  }
.Lfunc_end2:
_tile_overlayer_lowered:
.L_overlay_start_2:
0x227: {  	(tag) =	ssettag $0x2  }
0x228: {  	s0 =	rddreg [dreg:$0x0];
	s2 =	stileid.u32  }
0x229: {  	s1 =	rddreg [dreg:$0x1];
	p0 =	sne.s32 s2, $0x0  }
0x22a: {  	s3 =	rddreg [dreg:$0x2];
	[bflag:$0x3] =	sbarrier.arrive $0xFFFF;
	s2 =	simm.s32 @!p0 $0x1C07  }
0x22b: {  	[timem:s3], [sflag:s2] =	dma.local @!p0 [hbm:s0], s1  }
0x22c: {  	s0 =	simm.s32 @!p0 $0x7  }
0x22d: {  	_ =	swait.ge @!p0 [sflag:s0], s1  }
0x22e: {  	s1 =	ssub.s32 @!p0 $0x0, s1;
	[sflag:s0] =	ssyncset.done @!p0 $0x0  }
0x22f: {  	[sflag:s0] =	ssyncadd.s32 @!p0 s1  }
0x230: {  	[bflag:$0x3] =	sbarrier.arrive $0xFFFF  }
0x231: {  	_ =	shalt  }

</sc_bundles>
